<compile_context>
chip_gen: v7x
topology: tpu7x:2x2x1
jax: 0.10.2.dev20260603
libtpu: 0.0.44.dev20260713+nightly
codegen_flags: <defaults>
</compile_context>

<pallas_src>
import functools

import jax
import jax.numpy as jnp
import numpy as np
from jax import lax
from jax.experimental import pallas as pl
from jax.experimental.pallas import tpu as pltpu
from jax.experimental.pallas import tpu_sc as plsc

_SPATIAL = [(128, 128), (64, 64), (32, 32), (16, 16)]
_NLVL = 4
_NHEAD = 8
_NPTS = 4
_C = 256
_DFFN = 1024
_TOPK = 300
_NTOK = sum(h * w for h, w in _SPATIAL)
_DH = _C // _NHEAD
_NPAIR = _NTOK * _NHEAD
_PADQ = 384
_TILE = 256
_NTILE = _NTOK // _TILE

_LMAP = np.repeat(np.tile(np.arange(_NLVL), _NHEAD), _NPTS)
_HMAP = np.repeat(np.arange(_NHEAD), _NLVL * _NPTS)
_WCOL = np.array([_SPATIAL[l][1] for l in _LMAP], np.float32)
_HCOL = np.array([_SPATIAL[l][0] for l in _LMAP], np.float32)
_LSTART = np.cumsum([0] + [h * w for h, w in _SPATIAL])[:-1]
_LSCOL = np.array([_LSTART[l] for l in _LMAP], np.int32)
_GROUP = np.kron(np.eye(_NHEAD, dtype=np.float32),
                 np.ones((_NLVL * _NPTS, _NLVL * _NPTS), np.float32))


def _layer_norm(x, w, b):
    m = x.mean(-1, keepdims=True)
    v = ((x - m) ** 2).mean(-1, keepdims=True)
    return (x - m) * lax.rsqrt(v + 1e-5) * w + b


def _mha_body(st_ref, sp_ref, wqT_ref, wkT_ref, wvT_ref, bq_ref, bk_ref,
              bv_ref, owT_ref, ob_ref, pnw_ref, pnb_ref, o_ref):
    st = st_ref[...]
    qk = st + sp_ref[...]
    q_all = jnp.dot(qk, wqT_ref[...], preferred_element_type=jnp.float32) + bq_ref[...]
    k_all = jnp.dot(qk, wkT_ref[...], preferred_element_type=jnp.float32) + bk_ref[...]
    v_all = jnp.dot(st, wvT_ref[...], preferred_element_type=jnp.float32) + bv_ref[...]
    col = lax.broadcasted_iota(jnp.int32, (_PADQ, _PADQ), 1)
    scale = 1.0 / np.sqrt(_DH)
    outs = []
    for h in range(_NHEAD):
        sl = slice(h * _DH, (h + 1) * _DH)
        qh, kh, vh = q_all[:, sl], k_all[:, sl], v_all[:, sl]
        s = lax.dot_general(qh, kh, (((1,), (1,)), ((), ())),
                            preferred_element_type=jnp.float32) * scale
        s = jnp.where(col < _TOPK, s, -1e30)
        m = s.max(-1, keepdims=True)
        e = jnp.exp(s - m)
        p = e / e.sum(-1, keepdims=True)
        outs.append(jnp.dot(p, vh, preferred_element_type=jnp.float32))
    o = jnp.concatenate(outs, axis=1)
    tgt2 = jnp.dot(o, owT_ref[...], preferred_element_type=jnp.float32) + ob_ref[...]
    o_ref[...] = _layer_norm(st + tgt2, pnw_ref[...], pnb_ref[...])


def _proj_body(qu_ref, qp_ref, val_ref, rpx_ref, rpy_ref, vpT_ref, vpb_ref,
               soxT_ref, soxb_ref, soyT_ref, soyb_ref, awT_ref, awb_ref,
               grp_ref, wc_ref, hc_ref, lsc_ref, hmap_ref,
               v_ref, i0_ref, i1_ref, i2_ref, i3_ref,
               w0_ref, w1_ref, w2_ref, w3_ref):
    q = qu_ref[...] + qp_ref[...]
    v_ref[...] = jnp.dot(val_ref[...], vpT_ref[...],
                         preferred_element_type=jnp.float32) + vpb_ref[...]
    offx = jnp.dot(q, soxT_ref[...], preferred_element_type=jnp.float32) + soxb_ref[...]
    offy = jnp.dot(q, soyT_ref[...], preferred_element_type=jnp.float32) + soyb_ref[...]
    awl = jnp.dot(q, awT_ref[...], preferred_element_type=jnp.float32) + awb_ref[...]
    awl = awl - awl.max(-1, keepdims=True)
    e = jnp.exp(awl)
    ssum = jnp.dot(e, grp_ref[...], preferred_element_type=jnp.float32)
    aw = e / ssum

    wc = wc_ref[...]
    hc = hc_ref[...]
    wci = wc.astype(jnp.int32)
    hci = hc.astype(jnp.int32)
    lsc = lsc_ref[...]
    hmap = hmap_ref[...]

    x = rpx_ref[...] * wc + offx - 0.5
    y = rpy_ref[...] * hc + offy - 0.5
    x0f = jnp.floor(x)
    y0f = jnp.floor(y)
    lx = x - x0f
    ly = y - y0f
    x0 = x0f.astype(jnp.int32)
    y0 = y0f.astype(jnp.int32)

    taps = [(0, 0, (1 - lx) * (1 - ly)), (1, 0, lx * (1 - ly)),
            (0, 1, (1 - lx) * ly), (1, 1, lx * ly)]
    irefs = [i0_ref, i1_ref, i2_ref, i3_ref]
    wrefs = [w0_ref, w1_ref, w2_ref, w3_ref]
    for (dx, dy, wbil), iref, wref in zip(taps, irefs, wrefs):
        xi = x0 + dx
        yi = y0 + dy
        valid = ((xi >= 0) & (xi < wci) & (yi >= 0) & (yi < hci))
        xcl = jnp.clip(xi, 0, wci - 1)
        ycl = jnp.clip(yi, 0, hci - 1)
        row = (lsc + ycl * wci + xcl) * _NHEAD + hmap
        iref[...] = row
        wref[...] = wbil * aw * valid.astype(jnp.float32)


def _post_body(s_ref, qu_ref, opT_ref, opb_ref, n1w_ref, n1b_ref,
               l1T_ref, l1b_ref, l2T_ref, l2b_ref, n2w_ref, n2b_ref, o_ref):
    src2 = jnp.dot(s_ref[...], opT_ref[...],
                   preferred_element_type=jnp.float32) + opb_ref[...]
    q1 = _layer_norm(qu_ref[...] + src2, n1w_ref[...], n1b_ref[...])
    hdn = jnp.maximum(
        jnp.dot(q1, l1T_ref[...], preferred_element_type=jnp.float32) + l1b_ref[...],
        0.0)
    y = jnp.dot(hdn, l2T_ref[...], preferred_element_type=jnp.float32) + l2b_ref[...]
    o_ref[...] = _layer_norm(q1 + y, n2w_ref[...], n2b_ref[...])


_CP = 16


def _sc_sample(v2, idxs, wgts):
    info = plsc.get_sparse_core_info()
    nw = info.num_cores * info.num_subcores
    pairs_per_w = _NPAIR // nw
    nchunk = pairs_per_w // _CP
    mesh = plsc.VectorSubcoreMesh(core_axis_name="c", subcore_axis_name="s")

    vbuf = (
        [pltpu.VMEM((_CP * 16,), jnp.int32) for _ in range(4)]
        + [pltpu.VMEM((_CP * 16,), jnp.float32) for _ in range(4)]
        + [pltpu.VMEM((_CP * 16, _DH), jnp.float32) for _ in range(4)]
        + [pltpu.SemaphoreType.DMA])

    @functools.partial(
        pl.kernel, mesh=mesh,
        compiler_params=pltpu.CompilerParams(use_tc_tiling_on_sc=False),
        out_type=jax.ShapeDtypeStruct((_NPAIR, _DH), jnp.float32),
        scratch_types=(vbuf + vbuf + [pltpu.VMEM((_CP, _DH), jnp.float32)]),
    )
    def k(v_hbm, i0, i1, i2, i3, w0, w1, w2, w3, out_hbm, *scr):
        wid = lax.axis_index("s") * info.num_cores + lax.axis_index("c")
        wbase = wid * pairs_per_w
        ihbm = [i0, i1, i2, i3]
        whbm = [w0, w1, w2, w3]
        bufs = []
        for b in range(2):
            sc = scr[b * 13:(b + 1) * 13]
            bufs.append((sc[0:4], sc[4:8], sc[8:12], sc[12]))
        ov = scr[26]

        def issue(c, buf):
            ivs, wvs, rvs, sem = buf
            t0 = (wbase + c * _CP) * 16
            for kk in range(4):
                pltpu.sync_copy(ihbm[kk].at[pl.ds(t0, _CP * 16)], ivs[kk])
                pltpu.sync_copy(whbm[kk].at[pl.ds(t0, _CP * 16)], wvs[kk])
            for kk in range(4):
                pltpu.async_copy(v_hbm.at[ivs[kk]], rvs[kk], sem)

        def drain(buf):
            ivs, _, rvs, sem = buf
            for kk in range(4):
                pltpu.make_async_copy(v_hbm.at[ivs[kk]], rvs[kk], sem).wait()

        dnums = lax.GatherDimensionNumbers(
            offset_dims=(), collapsed_slice_dims=(0,), start_index_map=(0,))

        def compute(c, buf):
            _, wvs, rvs, _ = buf

            def pair(p, carry2):
                acc0 = jnp.zeros((16,), jnp.float32)
                acc1 = jnp.zeros((16,), jnp.float32)
                for kk in range(4):
                    wvec = wvs[kk][pl.ds(p * 16, 16)]
                    for j in range(16):
                        ws = lax.gather(
                            wvec, jnp.full((16, 1), j, jnp.int32), dnums,
                            (1,),
                            mode=lax.GatherScatterMode.PROMISE_IN_BOUNDS)
                        r0 = rvs[kk][p * 16 + j, pl.ds(0, 16)]
                        r1 = rvs[kk][p * 16 + j, pl.ds(16, 16)]
                        acc0 = acc0 + ws * r0
                        acc1 = acc1 + ws * r1
                ov[p, pl.ds(0, 16)] = acc0
                ov[p, pl.ds(16, 16)] = acc1
                return carry2

            lax.fori_loop(0, _CP, pair, 0)
            pltpu.sync_copy(ov, out_hbm.at[pl.ds(wbase + c * _CP, _CP)])

        issue(0, bufs[0])

        def outer(i, carry):
            c0 = i * 2
            for b in range(2):
                c = c0 + b
                drain(bufs[b])

                @pl.when(c + 1 < nchunk)
                def _():
                    issue(c + 1, bufs[1 - b])

                compute(c, bufs[b])
            return carry

        lax.fori_loop(0, nchunk // 2, outer, 0)

    return k(v2, *idxs, *wgts)


def _row(x):
    return x.reshape(1, -1)


def kernel(query, query_pos, value, reference_points, score_tgt,
           foreground_pre_layer, spatial_shapes, level_start_index,
           in_proj_w, in_proj_b, out_proj_w, out_proj_b,
           pre_norm_w, pre_norm_b, vp_w, vp_b, so_w, so_b,
           aw_w, aw_b, op_w, op_b, norm1_w, norm1_b,
           l1_w, l1_b, l2_w, l2_b, norm2_w, norm2_b):
    f32 = jnp.float32
    mc = score_tgt.max(-1) * foreground_pre_layer
    _, idx = lax.top_k(mc, _TOPK)
    idx3 = jnp.broadcast_to(idx[..., None], (1, _TOPK, _C))
    sel_t = jnp.take_along_axis(query, idx3, axis=1)[0]
    sel_p = jnp.take_along_axis(query_pos, idx3, axis=1)[0]
    pad = ((0, _PADQ - _TOPK), (0, 0))
    sel_t_p = jnp.pad(sel_t, pad)
    sel_p_p = jnp.pad(sel_p, pad)

    wq, wk, wv = jnp.split(in_proj_w, 3, axis=0)
    bq, bk, bv = jnp.split(in_proj_b, 3)
    spec = pl.BlockSpec((_PADQ, _C), lambda: (0, 0))
    wspec = pl.BlockSpec((_C, _C), lambda: (0, 0))
    bspec = pl.BlockSpec((1, _C), lambda: (0, 0))
    sel_out = pl.pallas_call(
        _mha_body,
        out_shape=jax.ShapeDtypeStruct((_PADQ, _C), f32),
        in_specs=[spec, spec, wspec, wspec, wspec, bspec, bspec, bspec,
                  wspec, bspec, bspec, bspec],
        out_specs=spec,
    )(sel_t_p, sel_p_p, wq.T, wk.T, wv.T, _row(bq), _row(bk), _row(bv),
      out_proj_w.T, _row(out_proj_b), _row(pre_norm_w), _row(pre_norm_b))

    query_upd = query.at[0, idx[0]].set(sel_out[:_TOPK])[0]

    rp = reference_points[0]
    rpx = rp[:, _LMAP, 0]
    rpy = rp[:, _LMAP, 1]
    base = (np.arange(_NHEAD * _NLVL * _NPTS) * 2)
    sox_w = so_w[base]
    soy_w = so_w[base + 1]
    sox_b = so_b[base]
    soy_b = so_b[base + 1]

    tspec = pl.BlockSpec((_TILE, _C), lambda i: (i, 0))
    hspec = pl.BlockSpec((_TILE, 128), lambda i: (i, 0))
    wspec2 = pl.BlockSpec((_C, _C), lambda i: (0, 0))
    w128 = pl.BlockSpec((_C, 128), lambda i: (0, 0))
    b256 = pl.BlockSpec((1, _C), lambda i: (0, 0))
    b128 = pl.BlockSpec((1, 128), lambda i: (0, 0))
    i128 = jax.ShapeDtypeStruct((_NTOK, 128), jnp.int32)
    f128 = jax.ShapeDtypeStruct((_NTOK, 128), f32)
    v_proj, i0, i1, i2, i3, w0, w1, w2, w3 = pl.pallas_call(
        _proj_body,
        grid=(_NTILE,),
        out_shape=[jax.ShapeDtypeStruct((_NTOK, _C), f32),
                   i128, i128, i128, i128, f128, f128, f128, f128],
        in_specs=[tspec, tspec, tspec, hspec, hspec, wspec2, b256,
                  w128, b128, w128, b128, w128, b128,
                  pl.BlockSpec((128, 128), lambda i: (0, 0)),
                  b128, b128, b128, b128],
        out_specs=[tspec, hspec, hspec, hspec, hspec,
                   hspec, hspec, hspec, hspec],
    )(query_upd, query_pos[0], value[0], rpx, rpy, vp_w.T, _row(vp_b),
      sox_w.T, _row(sox_b), soy_w.T, _row(soy_b), aw_w.T, _row(aw_b),
      jnp.asarray(_GROUP), jnp.asarray(_WCOL)[None, :],
      jnp.asarray(_HCOL)[None, :], jnp.asarray(_LSCOL)[None, :],
      jnp.asarray(_HMAP.astype(np.int32))[None, :])

    sampled = _sc_sample(
        v_proj.reshape(_NPAIR, _DH),
        [i0.reshape(-1), i1.reshape(-1), i2.reshape(-1), i3.reshape(-1)],
        [w0.reshape(-1), w1.reshape(-1), w2.reshape(-1), w3.reshape(-1)])

    wffn1 = pl.BlockSpec((_C, _DFFN), lambda i: (0, 0))
    wffn2 = pl.BlockSpec((_DFFN, _C), lambda i: (0, 0))
    bffn = pl.BlockSpec((1, _DFFN), lambda i: (0, 0))
    out = pl.pallas_call(
        _post_body,
        grid=(_NTILE,),
        out_shape=jax.ShapeDtypeStruct((_NTOK, _C), f32),
        in_specs=[tspec, tspec, wspec2, b256, b256, b256,
                  wffn1, bffn, wffn2, b256, b256, b256],
        out_specs=tspec,
    )(sampled.reshape(_NTOK, _C), query_upd, op_w.T, _row(op_b),
      _row(norm1_w), _row(norm1_b), l1_w.T, _row(l1_b), l2_w.T, _row(l2_b),
      _row(norm2_w), _row(norm2_b))
    return out[None]

# --- scband reference (transcript-rebuilt; emitter-appended) ---
"""Pipeline reference for scband-hough-transformer-encoder-layer-9320079032802 (READ-ONLY COPY).

The authoritative reference and input builder live on the scoring server;
editing this copy changes nothing except your own understanding.
"""

import jax, jax.numpy as jnp
import numpy as np

SPATIAL_SHAPES = [(128, 128), (64, 64), (32, 32), (16, 16)]
N_LEVELS = 4
N_HEADS = 8
N_POINTS = 4
EMBED = 256
D_FFN = 1024
TOPK = 300
NUM_CLASSES = 91
B = 1
N_TOK = sum(h * w for h, w in SPATIAL_SHAPES)
LEVEL_START = np.cumsum([0] + [h * w for h, w in SPATIAL_SHAPES])[:-1]


def layer_norm(x, w, b):
    m = x.mean(-1, keepdims=True)
    v = ((x - m) ** 2).mean(-1, keepdims=True)
    return (x - m) / jnp.sqrt(v + 1e-5) * w + b


def mha(q, k, v, in_w, in_b, out_w, out_b):
    C = q.shape[-1]
    dh = C // N_HEADS
    wq, wk, wv = jnp.split(in_w, 3, axis=0)
    bq, bk, bv = jnp.split(in_b, 3)

    def proj(x, w, b):
        y = x @ w.T + b
        return y.reshape(y.shape[0], y.shape[1], N_HEADS, dh).transpose(0, 2, 1, 3)

    qh, kh, vh = proj(q, wq, bq), proj(k, wk, bk), proj(v, wv, bv)
    a = jax.nn.softmax(qh @ kh.transpose(0, 1, 3, 2) / jnp.sqrt(jnp.float32(dh)), axis=-1)
    o = (a @ vh).transpose(0, 2, 1, 3).reshape(q.shape)
    return o @ out_w.T + out_b


def msda(query, reference_points, value, f):
    Bq, Nq, C = query.shape
    dh = C // N_HEADS
    v = value @ f['vp_w'].T + f['vp_b']
    v = v.reshape(Bq, -1, N_HEADS, dh).transpose(0, 2, 1, 3)
    off = (query @ f['so_w'].T + f['so_b']).reshape(Bq, Nq, N_HEADS, N_LEVELS, N_POINTS, 2)
    aw = (query @ f['aw_w'].T + f['aw_b']).reshape(Bq, Nq, N_HEADS, N_LEVELS * N_POINTS)
    aw = jax.nn.softmax(aw, axis=-1).reshape(Bq, Nq, N_HEADS, N_LEVELS, N_POINTS)
    normalizer = f['spatial_shapes'][:, ::-1].astype(query.dtype)
    loc = reference_points[:, :, None, :, None, :] + off / normalizer[None, None, None, :, None, :]
    out = jnp.zeros((Bq, N_HEADS, Nq, dh), query.dtype)
    for l, (H_, W_) in enumerate(SPATIAL_SHAPES):
        v_l = jax.lax.dynamic_slice_in_dim(v, f['level_start_index'][l], H_ * W_, axis=2)
        xy = loc[:, :, :, l]
        x = xy[..., 0] * W_ - 0.5
        y = xy[..., 1] * H_ - 0.5
        x0 = jnp.floor(x)
        y0 = jnp.floor(y)
        lx = x - x0
        ly = y - y0
        x0i = x0.astype(jnp.int32)
        y0i = y0.astype(jnp.int32)

        def samp(xi, yi):
            valid = ((xi >= 0) & (xi < W_) & (yi >= 0) & (yi < H_)).astype(query.dtype)
            idx = jnp.clip(yi, 0, H_ - 1) * W_ + jnp.clip(xi, 0, W_ - 1)
            idx_t = idx.transpose(0, 2, 1, 3).reshape(Bq, N_HEADS, Nq * N_POINTS, 1)
            g = jnp.take_along_axis(v_l, idx_t, axis=2).reshape(Bq, N_HEADS, Nq, N_POINTS, dh)
            return g * valid.transpose(0, 2, 1, 3)[..., None]

        w00 = ((1 - lx) * (1 - ly)).transpose(0, 2, 1, 3)[..., None]
        w10 = (lx * (1 - ly)).transpose(0, 2, 1, 3)[..., None]
        w01 = ((1 - lx) * ly).transpose(0, 2, 1, 3)[..., None]
        w11 = (lx * ly).transpose(0, 2, 1, 3)[..., None]
        sampled = samp(x0i, y0i) * w00 + samp(x0i + 1, y0i) * w10 + samp(x0i, y0i + 1) * w01 + samp(x0i + 1, y0i + 1) * w11
        out = out + (sampled * aw[:, :, :, l].transpose(0, 2, 1, 3)[..., None]).sum(axis=3)
    out = out.transpose(0, 2, 1, 3).reshape(Bq, Nq, C)
    return out @ f['op_w'].T + f['op_b']


def forward(f):
    query = f['query']
    mc = f['score_tgt'].max(-1) * f['foreground_pre_layer']
    _, idx = jax.lax.top_k(mc, TOPK)
    idx3 = jnp.broadcast_to(idx[..., None], (query.shape[0], TOPK, EMBED))
    sel_t = jnp.take_along_axis(query, idx3, axis=1)
    sel_p = jnp.take_along_axis(f['query_pos'], idx3, axis=1)
    qk = sel_t + sel_p
    tgt2 = mha(qk, qk, sel_t, f['in_proj_w'], f['in_proj_b'], f['out_proj_w'], f['out_proj_b'])
    sel_t = layer_norm(sel_t + tgt2, f['pre_norm_w'], f['pre_norm_b'])
    bidx = jnp.arange(query.shape[0])[:, None]
    query = query.at[bidx, idx].set(sel_t)
    src2 = msda(query + f['query_pos'], f['reference_points'], f['value'], f)
    query = layer_norm(query + src2, f['norm1_w'], f['norm1_b'])
    h = jax.nn.relu(query @ f['l1_w'].T + f['l1_b']) @ f['l2_w'].T + f['l2_b']
    query = layer_norm(query + h, f['norm2_w'], f['norm2_b'])
    return query


def setup_inputs(seed: int = 0):
    key = jax.random.key(seed)
    ks = jax.random.split(key, 24)
    C = EMBED
    d = {}
    d['query'] = jax.random.normal(ks[0], (B, N_TOK, C), jnp.float32)
    d['query_pos'] = jax.random.normal(ks[1], (B, N_TOK, C), jnp.float32)
    d['value'] = jax.random.normal(ks[2], (B, N_TOK, C), jnp.float32)
    d['reference_points'] = jax.random.uniform(ks[3], (B, N_TOK, N_LEVELS, 2), jnp.float32)
    d['score_tgt'] = jax.random.uniform(ks[4], (B, N_TOK, NUM_CLASSES), jnp.float32)
    d['foreground_pre_layer'] = jax.random.uniform(ks[5], (B, N_TOK), jnp.float32)
    d['spatial_shapes'] = jnp.array(SPATIAL_SHAPES, jnp.int32)
    d['level_start_index'] = jnp.array(LEVEL_START, jnp.int32)
    d['in_proj_w'] = jax.random.normal(ks[6], (3 * C, C), jnp.float32) * 0.02
    d['in_proj_b'] = jnp.zeros((3 * C,), jnp.float32)
    d['out_proj_w'] = jax.random.normal(ks[7], (C, C), jnp.float32) * 0.02
    d['out_proj_b'] = jnp.zeros((C,), jnp.float32)
    d['pre_norm_w'] = jnp.ones((C,), jnp.float32)
    d['pre_norm_b'] = jnp.zeros((C,), jnp.float32)
    d['vp_w'] = jax.random.normal(ks[8], (C, C), jnp.float32) * 0.02
    d['vp_b'] = jnp.zeros((C,), jnp.float32)
    d['so_w'] = jax.random.normal(ks[9], (N_HEADS * N_LEVELS * N_POINTS * 2, C), jnp.float32) * 0.01
    d['so_b'] = jax.random.normal(ks[10], (N_HEADS * N_LEVELS * N_POINTS * 2,), jnp.float32) * 0.5
    d['aw_w'] = jax.random.normal(ks[11], (N_HEADS * N_LEVELS * N_POINTS, C), jnp.float32) * 0.01
    d['aw_b'] = jnp.zeros((N_HEADS * N_LEVELS * N_POINTS,), jnp.float32)
    d['op_w'] = jax.random.normal(ks[12], (C, C), jnp.float32) * 0.02
    d['op_b'] = jnp.zeros((C,), jnp.float32)
    d['norm1_w'] = jnp.ones((C,), jnp.float32)
    d['norm1_b'] = jnp.zeros((C,), jnp.float32)
    d['l1_w'] = jax.random.normal(ks[13], (D_FFN, C), jnp.float32) * 0.02
    d['l1_b'] = jnp.zeros((D_FFN,), jnp.float32)
    d['l2_w'] = jax.random.normal(ks[14], (C, D_FFN), jnp.float32) * 0.02
    d['l2_b'] = jnp.zeros((C,), jnp.float32)
    d['norm2_w'] = jnp.ones((C,), jnp.float32)
    d['norm2_b'] = jnp.zeros((C,), jnp.float32)
    return d


def reference(query, query_pos, value, reference_points, score_tgt,
              foreground_pre_layer, spatial_shapes, level_start_index,
              in_proj_w, in_proj_b, out_proj_w, out_proj_b,
              pre_norm_w, pre_norm_b, vp_w, vp_b, so_w, so_b,
              aw_w, aw_b, op_w, op_b, norm1_w, norm1_b,
              l1_w, l1_b, l2_w, l2_b, norm2_w, norm2_b):
    inp = {
        'query': query,
        'query_pos': query_pos,
        'value': value,
        'reference_points': reference_points,
        'score_tgt': score_tgt,
        'foreground_pre_layer': foreground_pre_layer,
        'spatial_shapes': spatial_shapes,
        'level_start_index': level_start_index,
        'in_proj_w': in_proj_w,
        'in_proj_b': in_proj_b,
        'out_proj_w': out_proj_w,
        'out_proj_b': out_proj_b,
        'pre_norm_w': pre_norm_w,
        'pre_norm_b': pre_norm_b,
        'vp_w': vp_w,
        'vp_b': vp_b,
        'so_w': so_w,
        'so_b': so_b,
        'aw_w': aw_w,
        'aw_b': aw_b,
        'op_w': op_w,
        'op_b': op_b,
        'norm1_w': norm1_w,
        'norm1_b': norm1_b,
        'l1_w': l1_w,
        'l1_b': l1_b,
        'l2_w': l2_w,
        'l2_b': l2_b,
        'norm2_w': norm2_w,
        'norm2_b': norm2_b,
    }
    return forward(inp)

if __name__ == "__main__":
    import jax
    _d = setup_inputs()
    print(jax.jit(kernel)(*tuple(_d.values())))

</pallas_src>

<mosaic_0001>
#map = affine_map<(d0, d1) -> (0, 0)>
#map1 = affine_map<(d0, d1) -> (0)>
module attributes {stable_mosaic.version = 14 : i64} {
  func.func @k(%arg0: i32, %arg1: i32, %arg2: memref<174080x32xf32, #tpu.memory_space<hbm>>, %arg3: memref<2785280xi32, #tpu.memory_space<hbm>>, %arg4: memref<2785280xi32, #tpu.memory_space<hbm>>, %arg5: memref<2785280xi32, #tpu.memory_space<hbm>>, %arg6: memref<2785280xi32, #tpu.memory_space<hbm>>, %arg7: memref<2785280xf32, #tpu.memory_space<hbm>>, %arg8: memref<2785280xf32, #tpu.memory_space<hbm>>, %arg9: memref<2785280xf32, #tpu.memory_space<hbm>>, %arg10: memref<2785280xf32, #tpu.memory_space<hbm>>, %arg11: memref<174080x32xf32, #tpu.memory_space<hbm>>, %arg12: memref<256xi32, #tpu.memory_space<vmem>>, %arg13: memref<256xi32, #tpu.memory_space<vmem>>, %arg14: memref<256xi32, #tpu.memory_space<vmem>>, %arg15: memref<256xi32, #tpu.memory_space<vmem>>, %arg16: memref<256xf32, #tpu.memory_space<vmem>>, %arg17: memref<256xf32, #tpu.memory_space<vmem>>, %arg18: memref<256xf32, #tpu.memory_space<vmem>>, %arg19: memref<256xf32, #tpu.memory_space<vmem>>, %arg20: memref<256x32xf32, #tpu.memory_space<vmem>>, %arg21: memref<256x32xf32, #tpu.memory_space<vmem>>, %arg22: memref<256x32xf32, #tpu.memory_space<vmem>>, %arg23: memref<256x32xf32, #tpu.memory_space<vmem>>, %arg24: memref<!tpu.dma_semaphore, #tpu.memory_space<semaphore_mem>>, %arg25: memref<256xi32, #tpu.memory_space<vmem>>, %arg26: memref<256xi32, #tpu.memory_space<vmem>>, %arg27: memref<256xi32, #tpu.memory_space<vmem>>, %arg28: memref<256xi32, #tpu.memory_space<vmem>>, %arg29: memref<256xf32, #tpu.memory_space<vmem>>, %arg30: memref<256xf32, #tpu.memory_space<vmem>>, %arg31: memref<256xf32, #tpu.memory_space<vmem>>, %arg32: memref<256xf32, #tpu.memory_space<vmem>>, %arg33: memref<256x32xf32, #tpu.memory_space<vmem>>, %arg34: memref<256x32xf32, #tpu.memory_space<vmem>>, %arg35: memref<256x32xf32, #tpu.memory_space<vmem>>, %arg36: memref<256x32xf32, #tpu.memory_space<vmem>>, %arg37: memref<!tpu.dma_semaphore, #tpu.memory_space<semaphore_mem>>, %arg38: memref<16x32xf32, #tpu.memory_space<vmem>>) attributes {dimension_semantics = [#tpu.dimension_semantics<core_parallel>, #tpu.dimension_semantics<subcore_parallel>], iteration_bounds = array<i64: 2, 16>, scalar_prefetch = 0 : i64, scratch_operands = 27 : i64, tpu.core_type = #tpu.core_type<sc_vector_subcore>, window_params = [{transform_indices = #map}, {transform_indices = #map1}, {transform_indices = #map1}, {transform_indices = #map1}, {transform_indices = #map1}, {transform_indices = #map1}, {transform_indices = #map1}, {transform_indices = #map1}, {transform_indices = #map1}, {transform_indices = #map}]} {
    %mul3A = arith.constant 2 : i32
    %mul3A_0 = arith.muli %arg1, %mul3A : i32
    %add3A = arith.addi %mul3A_0, %arg0 : i32
    %mul3A_1 = arith.constant 5440 : i32
    %mul3A_2 = arith.muli %add3A, %mul3A_1 : i32
    %add3A_3 = arith.constant 0 : i32
    %add3A_4 = arith.addi %mul3A_2, %add3A_3 : i32
    %mul3A_5 = arith.constant 16 : i32
    %mul3A_6 = arith.muli %add3A_4, %mul3A_5 : i32
    "tpu.region"() ({
      %run_scoped3A = tpu.sem_alloc : memref<!tpu.dma_semaphore, #tpu.memory_space<semaphore_mem>>
      %dma_start3A_23 = tpu.memref_slice %arg3[%mul3A_6] : memref<2785280xi32, #tpu.memory_space<hbm>> -> memref<256xi32, #tpu.memory_space<hbm>>
      %dma_start3A_24 = tpu.memref_slice %arg3[%mul3A_6] : memref<2785280xi32, #tpu.memory_space<hbm>> -> memref<256xi32, #tpu.memory_space<hbm>>
      tpu.enqueue_dma source(%dma_start3A_24 : memref<256xi32, #tpu.memory_space<hbm>>) target(%arg12 : memref<256xi32, #tpu.memory_space<vmem>>) target_semaphore(%run_scoped3A : memref<!tpu.dma_semaphore, #tpu.memory_space<semaphore_mem>>)
      %dma_wait3A = tpu.memref_slice %arg3[%mul3A_6] : memref<2785280xi32, #tpu.memory_space<hbm>> -> memref<256xi32, #tpu.memory_space<hbm>>
      %dma_wait3A_25 = tpu.memref_slice %arg3[%mul3A_6] : memref<2785280xi32, #tpu.memory_space<hbm>> -> memref<256xi32, #tpu.memory_space<hbm>>
      tpu.wait_dma2 semaphore(%run_scoped3A : memref<!tpu.dma_semaphore, #tpu.memory_space<semaphore_mem>>) src(%dma_wait3A_25 : memref<256xi32, #tpu.memory_space<hbm>>) dst(%arg12 : memref<256xi32, #tpu.memory_space<vmem>>)
      tpu.yield
    }) : () -> ()
    "tpu.region"() ({
      %run_scoped3A = tpu.sem_alloc : memref<!tpu.dma_semaphore, #tpu.memory_space<semaphore_mem>>
      %dma_start3A_23 = tpu.memref_slice %arg7[%mul3A_6] : memref<2785280xf32, #tpu.memory_space<hbm>> -> memref<256xf32, #tpu.memory_space<hbm>>
      %dma_start3A_24 = tpu.memref_slice %arg7[%mul3A_6] : memref<2785280xf32, #tpu.memory_space<hbm>> -> memref<256xf32, #tpu.memory_space<hbm>>
      tpu.enqueue_dma source(%dma_start3A_24 : memref<256xf32, #tpu.memory_space<hbm>>) target(%arg16 : memref<256xf32, #tpu.memory_space<vmem>>) target_semaphore(%run_scoped3A : memref<!tpu.dma_semaphore, #tpu.memory_space<semaphore_mem>>)
      %dma_wait3A = tpu.memref_slice %arg7[%mul3A_6] : memref<2785280xf32, #tpu.memory_space<hbm>> -> memref<256xf32, #tpu.memory_space<hbm>>
      %dma_wait3A_25 = tpu.memref_slice %arg7[%mul3A_6] : memref<2785280xf32, #tpu.memory_space<hbm>> -> memref<256xf32, #tpu.memory_space<hbm>>
      tpu.wait_dma2 semaphore(%run_scoped3A : memref<!tpu.dma_semaphore, #tpu.memory_space<semaphore_mem>>) src(%dma_wait3A_25 : memref<256xf32, #tpu.memory_space<hbm>>) dst(%arg16 : memref<256xf32, #tpu.memory_space<vmem>>)
      tpu.yield
    }) : () -> ()
    "tpu.region"() ({
      %run_scoped3A = tpu.sem_alloc : memref<!tpu.dma_semaphore, #tpu.memory_space<semaphore_mem>>
      %dma_start3A_23 = tpu.memref_slice %arg4[%mul3A_6] : memref<2785280xi32, #tpu.memory_space<hbm>> -> memref<256xi32, #tpu.memory_space<hbm>>
      %dma_start3A_24 = tpu.memref_slice %arg4[%mul3A_6] : memref<2785280xi32, #tpu.memory_space<hbm>> -> memref<256xi32, #tpu.memory_space<hbm>>
      tpu.enqueue_dma source(%dma_start3A_24 : memref<256xi32, #tpu.memory_space<hbm>>) target(%arg13 : memref<256xi32, #tpu.memory_space<vmem>>) target_semaphore(%run_scoped3A : memref<!tpu.dma_semaphore, #tpu.memory_space<semaphore_mem>>)
      %dma_wait3A = tpu.memref_slice %arg4[%mul3A_6] : memref<2785280xi32, #tpu.memory_space<hbm>> -> memref<256xi32, #tpu.memory_space<hbm>>
      %dma_wait3A_25 = tpu.memref_slice %arg4[%mul3A_6] : memref<2785280xi32, #tpu.memory_space<hbm>> -> memref<256xi32, #tpu.memory_space<hbm>>
      tpu.wait_dma2 semaphore(%run_scoped3A : memref<!tpu.dma_semaphore, #tpu.memory_space<semaphore_mem>>) src(%dma_wait3A_25 : memref<256xi32, #tpu.memory_space<hbm>>) dst(%arg13 : memref<256xi32, #tpu.memory_space<vmem>>)
      tpu.yield
    }) : () -> ()
    "tpu.region"() ({
      %run_scoped3A = tpu.sem_alloc : memref<!tpu.dma_semaphore, #tpu.memory_space<semaphore_mem>>
      %dma_start3A_23 = tpu.memref_slice %arg8[%mul3A_6] : memref<2785280xf32, #tpu.memory_space<hbm>> -> memref<256xf32, #tpu.memory_space<hbm>>
      %dma_start3A_24 = tpu.memref_slice %arg8[%mul3A_6] : memref<2785280xf32, #tpu.memory_space<hbm>> -> memref<256xf32, #tpu.memory_space<hbm>>
      tpu.enqueue_dma source(%dma_start3A_24 : memref<256xf32, #tpu.memory_space<hbm>>) target(%arg17 : memref<256xf32, #tpu.memory_space<vmem>>) target_semaphore(%run_scoped3A : memref<!tpu.dma_semaphore, #tpu.memory_space<semaphore_mem>>)
      %dma_wait3A = tpu.memref_slice %arg8[%mul3A_6] : memref<2785280xf32, #tpu.memory_space<hbm>> -> memref<256xf32, #tpu.memory_space<hbm>>
      %dma_wait3A_25 = tpu.memref_slice %arg8[%mul3A_6] : memref<2785280xf32, #tpu.memory_space<hbm>> -> memref<256xf32, #tpu.memory_space<hbm>>
      tpu.wait_dma2 semaphore(%run_scoped3A : memref<!tpu.dma_semaphore, #tpu.memory_space<semaphore_mem>>) src(%dma_wait3A_25 : memref<256xf32, #tpu.memory_space<hbm>>) dst(%arg17 : memref<256xf32, #tpu.memory_space<vmem>>)
      tpu.yield
    }) : () -> ()
    "tpu.region"() ({
      %run_scoped3A = tpu.sem_alloc : memref<!tpu.dma_semaphore, #tpu.memory_space<semaphore_mem>>
      %dma_start3A_23 = tpu.memref_slice %arg5[%mul3A_6] : memref<2785280xi32, #tpu.memory_space<hbm>> -> memref<256xi32, #tpu.memory_space<hbm>>
      %dma_start3A_24 = tpu.memref_slice %arg5[%mul3A_6] : memref<2785280xi32, #tpu.memory_space<hbm>> -> memref<256xi32, #tpu.memory_space<hbm>>
      tpu.enqueue_dma source(%dma_start3A_24 : memref<256xi32, #tpu.memory_space<hbm>>) target(%arg14 : memref<256xi32, #tpu.memory_space<vmem>>) target_semaphore(%run_scoped3A : memref<!tpu.dma_semaphore, #tpu.memory_space<semaphore_mem>>)
      %dma_wait3A = tpu.memref_slice %arg5[%mul3A_6] : memref<2785280xi32, #tpu.memory_space<hbm>> -> memref<256xi32, #tpu.memory_space<hbm>>
      %dma_wait3A_25 = tpu.memref_slice %arg5[%mul3A_6] : memref<2785280xi32, #tpu.memory_space<hbm>> -> memref<256xi32, #tpu.memory_space<hbm>>
      tpu.wait_dma2 semaphore(%run_scoped3A : memref<!tpu.dma_semaphore, #tpu.memory_space<semaphore_mem>>) src(%dma_wait3A_25 : memref<256xi32, #tpu.memory_space<hbm>>) dst(%arg14 : memref<256xi32, #tpu.memory_space<vmem>>)
      tpu.yield
    }) : () -> ()
    "tpu.region"() ({
      %run_scoped3A = tpu.sem_alloc : memref<!tpu.dma_semaphore, #tpu.memory_space<semaphore_mem>>
      %dma_start3A_23 = tpu.memref_slice %arg9[%mul3A_6] : memref<2785280xf32, #tpu.memory_space<hbm>> -> memref<256xf32, #tpu.memory_space<hbm>>
      %dma_start3A_24 = tpu.memref_slice %arg9[%mul3A_6] : memref<2785280xf32, #tpu.memory_space<hbm>> -> memref<256xf32, #tpu.memory_space<hbm>>
      tpu.enqueue_dma source(%dma_start3A_24 : memref<256xf32, #tpu.memory_space<hbm>>) target(%arg18 : memref<256xf32, #tpu.memory_space<vmem>>) target_semaphore(%run_scoped3A : memref<!tpu.dma_semaphore, #tpu.memory_space<semaphore_mem>>)
      %dma_wait3A = tpu.memref_slice %arg9[%mul3A_6] : memref<2785280xf32, #tpu.memory_space<hbm>> -> memref<256xf32, #tpu.memory_space<hbm>>
      %dma_wait3A_25 = tpu.memref_slice %arg9[%mul3A_6] : memref<2785280xf32, #tpu.memory_space<hbm>> -> memref<256xf32, #tpu.memory_space<hbm>>
      tpu.wait_dma2 semaphore(%run_scoped3A : memref<!tpu.dma_semaphore, #tpu.memory_space<semaphore_mem>>) src(%dma_wait3A_25 : memref<256xf32, #tpu.memory_space<hbm>>) dst(%arg18 : memref<256xf32, #tpu.memory_space<vmem>>)
      tpu.yield
    }) : () -> ()
    "tpu.region"() ({
      %run_scoped3A = tpu.sem_alloc : memref<!tpu.dma_semaphore, #tpu.memory_space<semaphore_mem>>
      %dma_start3A_23 = tpu.memref_slice %arg6[%mul3A_6] : memref<2785280xi32, #tpu.memory_space<hbm>> -> memref<256xi32, #tpu.memory_space<hbm>>
      %dma_start3A_24 = tpu.memref_slice %arg6[%mul3A_6] : memref<2785280xi32, #tpu.memory_space<hbm>> -> memref<256xi32, #tpu.memory_space<hbm>>
      tpu.enqueue_dma source(%dma_start3A_24 : memref<256xi32, #tpu.memory_space<hbm>>) target(%arg15 : memref<256xi32, #tpu.memory_space<vmem>>) target_semaphore(%run_scoped3A : memref<!tpu.dma_semaphore, #tpu.memory_space<semaphore_mem>>)
      %dma_wait3A = tpu.memref_slice %arg6[%mul3A_6] : memref<2785280xi32, #tpu.memory_space<hbm>> -> memref<256xi32, #tpu.memory_space<hbm>>
      %dma_wait3A_25 = tpu.memref_slice %arg6[%mul3A_6] : memref<2785280xi32, #tpu.memory_space<hbm>> -> memref<256xi32, #tpu.memory_space<hbm>>
      tpu.wait_dma2 semaphore(%run_scoped3A : memref<!tpu.dma_semaphore, #tpu.memory_space<semaphore_mem>>) src(%dma_wait3A_25 : memref<256xi32, #tpu.memory_space<hbm>>) dst(%arg15 : memref<256xi32, #tpu.memory_space<vmem>>)
      tpu.yield
    }) : () -> ()
    "tpu.region"() ({
      %run_scoped3A = tpu.sem_alloc : memref<!tpu.dma_semaphore, #tpu.memory_space<semaphore_mem>>
      %dma_start3A_23 = tpu.memref_slice %arg10[%mul3A_6] : memref<2785280xf32, #tpu.memory_space<hbm>> -> memref<256xf32, #tpu.memory_space<hbm>>
      %dma_start3A_24 = tpu.memref_slice %arg10[%mul3A_6] : memref<2785280xf32, #tpu.memory_space<hbm>> -> memref<256xf32, #tpu.memory_space<hbm>>
      tpu.enqueue_dma source(%dma_start3A_24 : memref<256xf32, #tpu.memory_space<hbm>>) target(%arg19 : memref<256xf32, #tpu.memory_space<vmem>>) target_semaphore(%run_scoped3A : memref<!tpu.dma_semaphore, #tpu.memory_space<semaphore_mem>>)
      %dma_wait3A = tpu.memref_slice %arg10[%mul3A_6] : memref<2785280xf32, #tpu.memory_space<hbm>> -> memref<256xf32, #tpu.memory_space<hbm>>
      %dma_wait3A_25 = tpu.memref_slice %arg10[%mul3A_6] : memref<2785280xf32, #tpu.memory_space<hbm>> -> memref<256xf32, #tpu.memory_space<hbm>>
      tpu.wait_dma2 semaphore(%run_scoped3A : memref<!tpu.dma_semaphore, #tpu.memory_space<semaphore_mem>>) src(%dma_wait3A_25 : memref<256xf32, #tpu.memory_space<hbm>>) dst(%arg19 : memref<256xf32, #tpu.memory_space<vmem>>)
      tpu.yield
    }) : () -> ()
    %dma_start3A = arith.constant 0 : i32
    %dma_start3A_7 = arith.constant 0 : i32
    %dma_start3A_8 = tpu.memref_slice %arg2[%dma_start3A, %dma_start3A_7] : memref<174080x32xf32, #tpu.memory_space<hbm>> -> memref<174080x32xf32, #tpu.memory_space<hbm>>
    tpu.enqueue_indirect_dma source(%dma_start3A_8 : memref<174080x32xf32, #tpu.memory_space<hbm>>) target(%arg20 : memref<256x32xf32, #tpu.memory_space<vmem>>) offsets(%arg12 : memref<256xi32, #tpu.memory_space<vmem>>) semaphore(%arg24 : memref<!tpu.dma_semaphore, #tpu.memory_space<semaphore_mem>>)
    %dma_start3A_9 = arith.constant 0 : i32
    %dma_start3A_10 = arith.constant 0 : i32
    %dma_start3A_11 = tpu.memref_slice %arg2[%dma_start3A_9, %dma_start3A_10] : memref<174080x32xf32, #tpu.memory_space<hbm>> -> memref<174080x32xf32, #tpu.memory_space<hbm>>
    tpu.enqueue_indirect_dma source(%dma_start3A_11 : memref<174080x32xf32, #tpu.memory_space<hbm>>) target(%arg21 : memref<256x32xf32, #tpu.memory_space<vmem>>) offsets(%arg13 : memref<256xi32, #tpu.memory_space<vmem>>) semaphore(%arg24 : memref<!tpu.dma_semaphore, #tpu.memory_space<semaphore_mem>>)
    %dma_start3A_12 = arith.constant 0 : i32
    %dma_start3A_13 = arith.constant 0 : i32
    %dma_start3A_14 = tpu.memref_slice %arg2[%dma_start3A_12, %dma_start3A_13] : memref<174080x32xf32, #tpu.memory_space<hbm>> -> memref<174080x32xf32, #tpu.memory_space<hbm>>
    tpu.enqueue_indirect_dma source(%dma_start3A_14 : memref<174080x32xf32, #tpu.memory_space<hbm>>) target(%arg22 : memref<256x32xf32, #tpu.memory_space<vmem>>) offsets(%arg14 : memref<256xi32, #tpu.memory_space<vmem>>) semaphore(%arg24 : memref<!tpu.dma_semaphore, #tpu.memory_space<semaphore_mem>>)
    %dma_start3A_15 = arith.constant 0 : i32
    %dma_start3A_16 = arith.constant 0 : i32
    %dma_start3A_17 = tpu.memref_slice %arg2[%dma_start3A_15, %dma_start3A_16] : memref<174080x32xf32, #tpu.memory_space<hbm>> -> memref<174080x32xf32, #tpu.memory_space<hbm>>
    tpu.enqueue_indirect_dma source(%dma_start3A_17 : memref<174080x32xf32, #tpu.memory_space<hbm>>) target(%arg23 : memref<256x32xf32, #tpu.memory_space<vmem>>) offsets(%arg15 : memref<256xi32, #tpu.memory_space<vmem>>) semaphore(%arg24 : memref<!tpu.dma_semaphore, #tpu.memory_space<semaphore_mem>>)
    %scan3A = arith.constant 0 : i32
    %scan3A_18 = arith.constant 0 : i32
    %scan3A_19 = arith.constant 170 : i32
    %scan3A_20 = arith.addi %scan3A_18, %scan3A_19 : i32
    %scan3A_21 = arith.constant 1 : i32
    scf.for %scan3A_23 = %scan3A_18 to %scan3A_20 step %scan3A_21  : i32 {
      %mul3A_24 = arith.constant 2 : i32
      %mul3A_25 = arith.muli %scan3A_23, %mul3A_24 : i32
      %add3A_26 = arith.constant 0 : i32
      %add3A_27 = arith.addi %mul3A_25, %add3A_26 : i32
      %dma_wait3A = arith.constant 0 : i32
      %dma_wait3A_28 = arith.constant 0 : i32
      %dma_wait3A_29 = tpu.memref_slice %arg2[%dma_wait3A, %dma_wait3A_28] : memref<174080x32xf32, #tpu.memory_space<hbm>> -> memref<174080x32xf32, #tpu.memory_space<hbm>>
      tpu.wait_indirect_dma semaphore(%arg24 : memref<!tpu.dma_semaphore, #tpu.memory_space<semaphore_mem>>) src(%dma_wait3A_29 : memref<174080x32xf32, #tpu.memory_space<hbm>>) dst(%arg20 : memref<256x32xf32, #tpu.memory_space<vmem>>)
      %dma_wait3A_30 = arith.constant 0 : i32
      %dma_wait3A_31 = arith.constant 0 : i32
      %dma_wait3A_32 = tpu.memref_slice %arg2[%dma_wait3A_30, %dma_wait3A_31] : memref<174080x32xf32, #tpu.memory_space<hbm>> -> memref<174080x32xf32, #tpu.memory_space<hbm>>
      tpu.wait_indirect_dma semaphore(%arg24 : memref<!tpu.dma_semaphore, #tpu.memory_space<semaphore_mem>>) src(%dma_wait3A_32 : memref<174080x32xf32, #tpu.memory_space<hbm>>) dst(%arg21 : memref<256x32xf32, #tpu.memory_space<vmem>>)
      %dma_wait3A_33 = arith.constant 0 : i32
      %dma_wait3A_34 = arith.constant 0 : i32
      %dma_wait3A_35 = tpu.memref_slice %arg2[%dma_wait3A_33, %dma_wait3A_34] : memref<174080x32xf32, #tpu.memory_space<hbm>> -> memref<174080x32xf32, #tpu.memory_space<hbm>>
      tpu.wait_indirect_dma semaphore(%arg24 : memref<!tpu.dma_semaphore, #tpu.memory_space<semaphore_mem>>) src(%dma_wait3A_35 : memref<174080x32xf32, #tpu.memory_space<hbm>>) dst(%arg22 : memref<256x32xf32, #tpu.memory_space<vmem>>)
      %dma_wait3A_36 = arith.constant 0 : i32
      %dma_wait3A_37 = arith.constant 0 : i32
      %dma_wait3A_38 = tpu.memref_slice %arg2[%dma_wait3A_36, %dma_wait3A_37] : memref<174080x32xf32, #tpu.memory_space<hbm>> -> memref<174080x32xf32, #tpu.memory_space<hbm>>
      tpu.wait_indirect_dma semaphore(%arg24 : memref<!tpu.dma_semaphore, #tpu.memory_space<semaphore_mem>>) src(%dma_wait3A_38 : memref<174080x32xf32, #tpu.memory_space<hbm>>) dst(%arg23 : memref<256x32xf32, #tpu.memory_space<vmem>>)
      %add3A_39 = arith.constant 1 : i32
      %add3A_40 = arith.addi %add3A_27, %add3A_39 : i32
      %lt3A = arith.constant 340 : i32
      %lt3A_41 = arith.cmpi slt, %add3A_40, %lt3A : i32
      %convert_element_type3A = arith.extui %lt3A_41 : i1 to i32
      %cond3A = arith.constant 0 : i32
      %cond3A_42 = arith.cmpi ne, %convert_element_type3A, %cond3A : i32
      scf.if %cond3A_42 {
        %add3A_82 = arith.constant 1 : i32
        %add3A_83 = arith.addi %add3A_27, %add3A_82 : i32
        %mul3A_84 = arith.constant 16 : i32
        %mul3A_85 = arith.muli %add3A_83, %mul3A_84 : i32
        %add3A_86 = arith.addi %mul3A_2, %mul3A_85 : i32
        %mul3A_87 = arith.constant 16 : i32
        %mul3A_88 = arith.muli %add3A_86, %mul3A_87 : i32
        "tpu.region"() ({
          %run_scoped3A = tpu.sem_alloc : memref<!tpu.dma_semaphore, #tpu.memory_space<semaphore_mem>>
          %dma_start3A_101 = tpu.memref_slice %arg3[%mul3A_88] : memref<2785280xi32, #tpu.memory_space<hbm>> -> memref<256xi32, #tpu.memory_space<hbm>>
          %dma_start3A_102 = tpu.memref_slice %arg3[%mul3A_88] : memref<2785280xi32, #tpu.memory_space<hbm>> -> memref<256xi32, #tpu.memory_space<hbm>>
          tpu.enqueue_dma source(%dma_start3A_102 : memref<256xi32, #tpu.memory_space<hbm>>) target(%arg25 : memref<256xi32, #tpu.memory_space<vmem>>) target_semaphore(%run_scoped3A : memref<!tpu.dma_semaphore, #tpu.memory_space<semaphore_mem>>)
          %dma_wait3A_103 = tpu.memref_slice %arg3[%mul3A_88] : memref<2785280xi32, #tpu.memory_space<hbm>> -> memref<256xi32, #tpu.memory_space<hbm>>
          %dma_wait3A_104 = tpu.memref_slice %arg3[%mul3A_88] : memref<2785280xi32, #tpu.memory_space<hbm>> -> memref<256xi32, #tpu.memory_space<hbm>>
          tpu.wait_dma2 semaphore(%run_scoped3A : memref<!tpu.dma_semaphore, #tpu.memory_space<semaphore_mem>>) src(%dma_wait3A_104 : memref<256xi32, #tpu.memory_space<hbm>>) dst(%arg25 : memref<256xi32, #tpu.memory_space<vmem>>)
          tpu.yield
        }) : () -> ()
        "tpu.region"() ({
          %run_scoped3A = tpu.sem_alloc : memref<!tpu.dma_semaphore, #tpu.memory_space<semaphore_mem>>
          %dma_start3A_101 = tpu.memref_slice %arg7[%mul3A_88] : memref<2785280xf32, #tpu.memory_space<hbm>> -> memref<256xf32, #tpu.memory_space<hbm>>
          %dma_start3A_102 = tpu.memref_slice %arg7[%mul3A_88] : memref<2785280xf32, #tpu.memory_space<hbm>> -> memref<256xf32, #tpu.memory_space<hbm>>
          tpu.enqueue_dma source(%dma_start3A_102 : memref<256xf32, #tpu.memory_space<hbm>>) target(%arg29 : memref<256xf32, #tpu.memory_space<vmem>>) target_semaphore(%run_scoped3A : memref<!tpu.dma_semaphore, #tpu.memory_space<semaphore_mem>>)
          %dma_wait3A_103 = tpu.memref_slice %arg7[%mul3A_88] : memref<2785280xf32, #tpu.memory_space<hbm>> -> memref<256xf32, #tpu.memory_space<hbm>>
          %dma_wait3A_104 = tpu.memref_slice %arg7[%mul3A_88] : memref<2785280xf32, #tpu.memory_space<hbm>> -> memref<256xf32, #tpu.memory_space<hbm>>
          tpu.wait_dma2 semaphore(%run_scoped3A : memref<!tpu.dma_semaphore, #tpu.memory_space<semaphore_mem>>) src(%dma_wait3A_104 : memref<256xf32, #tpu.memory_space<hbm>>) dst(%arg29 : memref<256xf32, #tpu.memory_space<vmem>>)
          tpu.yield
        }) : () -> ()
        "tpu.region"() ({
          %run_scoped3A = tpu.sem_alloc : memref<!tpu.dma_semaphore, #tpu.memory_space<semaphore_mem>>
          %dma_start3A_101 = tpu.memref_slice %arg4[%mul3A_88] : memref<2785280xi32, #tpu.memory_space<hbm>> -> memref<256xi32, #tpu.memory_space<hbm>>
          %dma_start3A_102 = tpu.memref_slice %arg4[%mul3A_88] : memref<2785280xi32, #tpu.memory_space<hbm>> -> memref<256xi32, #tpu.memory_space<hbm>>
          tpu.enqueue_dma source(%dma_start3A_102 : memref<256xi32, #tpu.memory_space<hbm>>) target(%arg26 : memref<256xi32, #tpu.memory_space<vmem>>) target_semaphore(%run_scoped3A : memref<!tpu.dma_semaphore, #tpu.memory_space<semaphore_mem>>)
          %dma_wait3A_103 = tpu.memref_slice %arg4[%mul3A_88] : memref<2785280xi32, #tpu.memory_space<hbm>> -> memref<256xi32, #tpu.memory_space<hbm>>
          %dma_wait3A_104 = tpu.memref_slice %arg4[%mul3A_88] : memref<2785280xi32, #tpu.memory_space<hbm>> -> memref<256xi32, #tpu.memory_space<hbm>>
          tpu.wait_dma2 semaphore(%run_scoped3A : memref<!tpu.dma_semaphore, #tpu.memory_space<semaphore_mem>>) src(%dma_wait3A_104 : memref<256xi32, #tpu.memory_space<hbm>>) dst(%arg26 : memref<256xi32, #tpu.memory_space<vmem>>)
          tpu.yield
        }) : () -> ()
        "tpu.region"() ({
          %run_scoped3A = tpu.sem_alloc : memref<!tpu.dma_semaphore, #tpu.memory_space<semaphore_mem>>
          %dma_start3A_101 = tpu.memref_slice %arg8[%mul3A_88] : memref<2785280xf32, #tpu.memory_space<hbm>> -> memref<256xf32, #tpu.memory_space<hbm>>
          %dma_start3A_102 = tpu.memref_slice %arg8[%mul3A_88] : memref<2785280xf32, #tpu.memory_space<hbm>> -> memref<256xf32, #tpu.memory_space<hbm>>
          tpu.enqueue_dma source(%dma_start3A_102 : memref<256xf32, #tpu.memory_space<hbm>>) target(%arg30 : memref<256xf32, #tpu.memory_space<vmem>>) target_semaphore(%run_scoped3A : memref<!tpu.dma_semaphore, #tpu.memory_space<semaphore_mem>>)
          %dma_wait3A_103 = tpu.memref_slice %arg8[%mul3A_88] : memref<2785280xf32, #tpu.memory_space<hbm>> -> memref<256xf32, #tpu.memory_space<hbm>>
          %dma_wait3A_104 = tpu.memref_slice %arg8[%mul3A_88] : memref<2785280xf32, #tpu.memory_space<hbm>> -> memref<256xf32, #tpu.memory_space<hbm>>
          tpu.wait_dma2 semaphore(%run_scoped3A : memref<!tpu.dma_semaphore, #tpu.memory_space<semaphore_mem>>) src(%dma_wait3A_104 : memref<256xf32, #tpu.memory_space<hbm>>) dst(%arg30 : memref<256xf32, #tpu.memory_space<vmem>>)
          tpu.yield
        }) : () -> ()
        "tpu.region"() ({
          %run_scoped3A = tpu.sem_alloc : memref<!tpu.dma_semaphore, #tpu.memory_space<semaphore_mem>>
          %dma_start3A_101 = tpu.memref_slice %arg5[%mul3A_88] : memref<2785280xi32, #tpu.memory_space<hbm>> -> memref<256xi32, #tpu.memory_space<hbm>>
          %dma_start3A_102 = tpu.memref_slice %arg5[%mul3A_88] : memref<2785280xi32, #tpu.memory_space<hbm>> -> memref<256xi32, #tpu.memory_space<hbm>>
          tpu.enqueue_dma source(%dma_start3A_102 : memref<256xi32, #tpu.memory_space<hbm>>) target(%arg27 : memref<256xi32, #tpu.memory_space<vmem>>) target_semaphore(%run_scoped3A : memref<!tpu.dma_semaphore, #tpu.memory_space<semaphore_mem>>)
          %dma_wait3A_103 = tpu.memref_slice %arg5[%mul3A_88] : memref<2785280xi32, #tpu.memory_space<hbm>> -> memref<256xi32, #tpu.memory_space<hbm>>
          %dma_wait3A_104 = tpu.memref_slice %arg5[%mul3A_88] : memref<2785280xi32, #tpu.memory_space<hbm>> -> memref<256xi32, #tpu.memory_space<hbm>>
          tpu.wait_dma2 semaphore(%run_scoped3A : memref<!tpu.dma_semaphore, #tpu.memory_space<semaphore_mem>>) src(%dma_wait3A_104 : memref<256xi32, #tpu.memory_space<hbm>>) dst(%arg27 : memref<256xi32, #tpu.memory_space<vmem>>)
          tpu.yield
        }) : () -> ()
        "tpu.region"() ({
          %run_scoped3A = tpu.sem_alloc : memref<!tpu.dma_semaphore, #tpu.memory_space<semaphore_mem>>
          %dma_start3A_101 = tpu.memref_slice %arg9[%mul3A_88] : memref<2785280xf32, #tpu.memory_space<hbm>> -> memref<256xf32, #tpu.memory_space<hbm>>
          %dma_start3A_102 = tpu.memref_slice %arg9[%mul3A_88] : memref<2785280xf32, #tpu.memory_space<hbm>> -> memref<256xf32, #tpu.memory_space<hbm>>
          tpu.enqueue_dma source(%dma_start3A_102 : memref<256xf32, #tpu.memory_space<hbm>>) target(%arg31 : memref<256xf32, #tpu.memory_space<vmem>>) target_semaphore(%run_scoped3A : memref<!tpu.dma_semaphore, #tpu.memory_space<semaphore_mem>>)
          %dma_wait3A_103 = tpu.memref_slice %arg9[%mul3A_88] : memref<2785280xf32, #tpu.memory_space<hbm>> -> memref<256xf32, #tpu.memory_space<hbm>>
          %dma_wait3A_104 = tpu.memref_slice %arg9[%mul3A_88] : memref<2785280xf32, #tpu.memory_space<hbm>> -> memref<256xf32, #tpu.memory_space<hbm>>
          tpu.wait_dma2 semaphore(%run_scoped3A : memref<!tpu.dma_semaphore, #tpu.memory_space<semaphore_mem>>) src(%dma_wait3A_104 : memref<256xf32, #tpu.memory_space<hbm>>) dst(%arg31 : memref<256xf32, #tpu.memory_space<vmem>>)
          tpu.yield
        }) : () -> ()
        "tpu.region"() ({
          %run_scoped3A = tpu.sem_alloc : memref<!tpu.dma_semaphore, #tpu.memory_space<semaphore_mem>>
          %dma_start3A_101 = tpu.memref_slice %arg6[%mul3A_88] : memref<2785280xi32, #tpu.memory_space<hbm>> -> memref<256xi32, #tpu.memory_space<hbm>>
          %dma_start3A_102 = tpu.memref_slice %arg6[%mul3A_88] : memref<2785280xi32, #tpu.memory_space<hbm>> -> memref<256xi32, #tpu.memory_space<hbm>>
          tpu.enqueue_dma source(%dma_start3A_102 : memref<256xi32, #tpu.memory_space<hbm>>) target(%arg28 : memref<256xi32, #tpu.memory_space<vmem>>) target_semaphore(%run_scoped3A : memref<!tpu.dma_semaphore, #tpu.memory_space<semaphore_mem>>)
          %dma_wait3A_103 = tpu.memref_slice %arg6[%mul3A_88] : memref<2785280xi32, #tpu.memory_space<hbm>> -> memref<256xi32, #tpu.memory_space<hbm>>
          %dma_wait3A_104 = tpu.memref_slice %arg6[%mul3A_88] : memref<2785280xi32, #tpu.memory_space<hbm>> -> memref<256xi32, #tpu.memory_space<hbm>>
          tpu.wait_dma2 semaphore(%run_scoped3A : memref<!tpu.dma_semaphore, #tpu.memory_space<semaphore_mem>>) src(%dma_wait3A_104 : memref<256xi32, #tpu.memory_space<hbm>>) dst(%arg28 : memref<256xi32, #tpu.memory_space<vmem>>)
          tpu.yield
        }) : () -> ()
        "tpu.region"() ({
          %run_scoped3A = tpu.sem_alloc : memref<!tpu.dma_semaphore, #tpu.memory_space<semaphore_mem>>
          %dma_start3A_101 = tpu.memref_slice %arg10[%mul3A_88] : memref<2785280xf32, #tpu.memory_space<hbm>> -> memref<256xf32, #tpu.memory_space<hbm>>
          %dma_start3A_102 = tpu.memref_slice %arg10[%mul3A_88] : memref<2785280xf32, #tpu.memory_space<hbm>> -> memref<256xf32, #tpu.memory_space<hbm>>
          tpu.enqueue_dma source(%dma_start3A_102 : memref<256xf32, #tpu.memory_space<hbm>>) target(%arg32 : memref<256xf32, #tpu.memory_space<vmem>>) target_semaphore(%run_scoped3A : memref<!tpu.dma_semaphore, #tpu.memory_space<semaphore_mem>>)
          %dma_wait3A_103 = tpu.memref_slice %arg10[%mul3A_88] : memref<2785280xf32, #tpu.memory_space<hbm>> -> memref<256xf32, #tpu.memory_space<hbm>>
          %dma_wait3A_104 = tpu.memref_slice %arg10[%mul3A_88] : memref<2785280xf32, #tpu.memory_space<hbm>> -> memref<256xf32, #tpu.memory_space<hbm>>
          tpu.wait_dma2 semaphore(%run_scoped3A : memref<!tpu.dma_semaphore, #tpu.memory_space<semaphore_mem>>) src(%dma_wait3A_104 : memref<256xf32, #tpu.memory_space<hbm>>) dst(%arg32 : memref<256xf32, #tpu.memory_space<vmem>>)
          tpu.yield
        }) : () -> ()
        %dma_start3A_89 = arith.constant 0 : i32
        %dma_start3A_90 = arith.constant 0 : i32
        %dma_start3A_91 = tpu.memref_slice %arg2[%dma_start3A_89, %dma_start3A_90] : memref<174080x32xf32, #tpu.memory_space<hbm>> -> memref<174080x32xf32, #tpu.memory_space<hbm>>
        tpu.enqueue_indirect_dma source(%dma_start3A_91 : memref<174080x32xf32, #tpu.memory_space<hbm>>) target(%arg33 : memref<256x32xf32, #tpu.memory_space<vmem>>) offsets(%arg25 : memref<256xi32, #tpu.memory_space<vmem>>) semaphore(%arg37 : memref<!tpu.dma_semaphore, #tpu.memory_space<semaphore_mem>>)
        %dma_start3A_92 = arith.constant 0 : i32
        %dma_start3A_93 = arith.constant 0 : i32
        %dma_start3A_94 = tpu.memref_slice %arg2[%dma_start3A_92, %dma_start3A_93] : memref<174080x32xf32, #tpu.memory_space<hbm>> -> memref<174080x32xf32, #tpu.memory_space<hbm>>
        tpu.enqueue_indirect_dma source(%dma_start3A_94 : memref<174080x32xf32, #tpu.memory_space<hbm>>) target(%arg34 : memref<256x32xf32, #tpu.memory_space<vmem>>) offsets(%arg26 : memref<256xi32, #tpu.memory_space<vmem>>) semaphore(%arg37 : memref<!tpu.dma_semaphore, #tpu.memory_space<semaphore_mem>>)
        %dma_start3A_95 = arith.constant 0 : i32
        %dma_start3A_96 = arith.constant 0 : i32
        %dma_start3A_97 = tpu.memref_slice %arg2[%dma_start3A_95, %dma_start3A_96] : memref<174080x32xf32, #tpu.memory_space<hbm>> -> memref<174080x32xf32, #tpu.memory_space<hbm>>
        tpu.enqueue_indirect_dma source(%dma_start3A_97 : memref<174080x32xf32, #tpu.memory_space<hbm>>) target(%arg35 : memref<256x32xf32, #tpu.memory_space<vmem>>) offsets(%arg27 : memref<256xi32, #tpu.memory_space<vmem>>) semaphore(%arg37 : memref<!tpu.dma_semaphore, #tpu.memory_space<semaphore_mem>>)
        %dma_start3A_98 = arith.constant 0 : i32
        %dma_start3A_99 = arith.constant 0 : i32
        %dma_start3A_100 = tpu.memref_slice %arg2[%dma_start3A_98, %dma_start3A_99] : memref<174080x32xf32, #tpu.memory_space<hbm>> -> memref<174080x32xf32, #tpu.memory_space<hbm>>
        tpu.enqueue_indirect_dma source(%dma_start3A_100 : memref<174080x32xf32, #tpu.memory_space<hbm>>) target(%arg36 : memref<256x32xf32, #tpu.memory_space<vmem>>) offsets(%arg28 : memref<256xi32, #tpu.memory_space<vmem>>) semaphore(%arg37 : memref<!tpu.dma_semaphore, #tpu.memory_space<semaphore_mem>>)
      } else {
      }
      %scan3A_43 = arith.constant 0 : i32
      %scan3A_44 = arith.constant 0 : i32
      %scan3A_45 = arith.constant 16 : i32
      %scan3A_46 = arith.addi %scan3A_44, %scan3A_45 : i32
      %scan3A_47 = arith.constant 1 : i32
      scf.for %scan3A_82 = %scan3A_44 to %scan3A_46 step %scan3A_47  : i32 {
        %broadcast_in_dim3A = arith.constant 0.000000e+00 : f32
        %broadcast_in_dim3A_83 = vector.broadcast %broadcast_in_dim3A : f32 to vector<16xf32>
        %broadcast_in_dim3A_84 = arith.constant 0.000000e+00 : f32
        %broadcast_in_dim3A_85 = vector.broadcast %broadcast_in_dim3A_84 : f32 to vector<16xf32>
        %mul3A_86 = arith.constant 16 : i32
        %mul3A_87 = arith.muli %scan3A_82, %mul3A_86 : i32
        %get3A = arith.index_cast %mul3A_87 : i32 to index
        %get3A_88 = tpu.vector_load %arg16[%get3A] {strides = array<i32>} : memref<256xf32, #tpu.memory_space<vmem>>, vector<16xf32>,
        %get3A_89 = vector.shape_cast %get3A_88 : vector<16xf32> to vector<16xf32>
        %broadcast_in_dim3A_90 = arith.constant 0 : i32
        %broadcast_in_dim3A_91 = vector.broadcast %broadcast_in_dim3A_90 : i32 to vector<16x1xi32>
        %gather3A = vector.shape_cast %broadcast_in_dim3A_91 : vector<16x1xi32> to vector<16xi32>
        %gather3A_92 = tpu.dynamic_gather %get3A_89[%gather3A] in [0] : vector<16xf32>, vector<16xi32> -> vector<16xf32>
        %mul3A_93 = arith.constant 16 : i32
        %mul3A_94 = arith.muli %scan3A_82, %mul3A_93 : i32
        %add3A_95 = arith.constant 0 : i32
        %add3A_96 = arith.addi %mul3A_94, %add3A_95 : i32
        %get3A_97 = arith.index_cast %add3A_96 : i32 to index
        %get3A_98 = arith.constant 0 : index
        %get3A_99 = tpu.vector_load %arg20[%get3A_97, %get3A_98] {strides = array<i32>} : memref<256x32xf32, #tpu.memory_space<vmem>>, vector<1x16xf32>,
        %get3A_100 = vector.shape_cast %get3A_99 : vector<1x16xf32> to vector<16xf32>
        %mul3A_101 = arith.constant 16 : i32
        %mul3A_102 = arith.muli %scan3A_82, %mul3A_101 : i32
        %add3A_103 = arith.constant 0 : i32
        %add3A_104 = arith.addi %mul3A_102, %add3A_103 : i32
        %get3A_105 = arith.index_cast %add3A_104 : i32 to index
        %get3A_106 = arith.constant 16 : index
        %get3A_107 = tpu.vector_load %arg20[%get3A_105, %get3A_106] {strides = array<i32>} : memref<256x32xf32, #tpu.memory_space<vmem>>, vector<1x16xf32>,
        %get3A_108 = vector.shape_cast %get3A_107 : vector<1x16xf32> to vector<16xf32>
        %mul3A_109 = arith.mulf %gather3A_92, %get3A_100 : vector<16xf32>
        %add3A_110 = arith.addf %broadcast_in_dim3A_83, %mul3A_109 : vector<16xf32>
        %mul3A_111 = arith.mulf %gather3A_92, %get3A_108 : vector<16xf32>
        %add3A_112 = arith.addf %broadcast_in_dim3A_85, %mul3A_111 : vector<16xf32>
        %broadcast_in_dim3A_113 = arith.constant 1 : i32
        %broadcast_in_dim3A_114 = vector.broadcast %broadcast_in_dim3A_113 : i32 to vector<16x1xi32>
        %gather3A_115 = vector.shape_cast %broadcast_in_dim3A_114 : vector<16x1xi32> to vector<16xi32>
        %gather3A_116 = tpu.dynamic_gather %get3A_89[%gather3A_115] in [0] : vector<16xf32>, vector<16xi32> -> vector<16xf32>
        %mul3A_117 = arith.constant 16 : i32
        %mul3A_118 = arith.muli %scan3A_82, %mul3A_117 : i32
        %add3A_119 = arith.constant 1 : i32
        %add3A_120 = arith.addi %mul3A_118, %add3A_119 : i32
        %get3A_121 = arith.index_cast %add3A_120 : i32 to index
        %get3A_122 = arith.constant 0 : index
        %get3A_123 = tpu.vector_load %arg20[%get3A_121, %get3A_122] {strides = array<i32>} : memref<256x32xf32, #tpu.memory_space<vmem>>, vector<1x16xf32>,
        %get3A_124 = vector.shape_cast %get3A_123 : vector<1x16xf32> to vector<16xf32>
        %mul3A_125 = arith.constant 16 : i32
        %mul3A_126 = arith.muli %scan3A_82, %mul3A_125 : i32
        %add3A_127 = arith.constant 1 : i32
        %add3A_128 = arith.addi %mul3A_126, %add3A_127 : i32
        %get3A_129 = arith.index_cast %add3A_128 : i32 to index
        %get3A_130 = arith.constant 16 : index
        %get3A_131 = tpu.vector_load %arg20[%get3A_129, %get3A_130] {strides = array<i32>} : memref<256x32xf32, #tpu.memory_space<vmem>>, vector<1x16xf32>,
        %get3A_132 = vector.shape_cast %get3A_131 : vector<1x16xf32> to vector<16xf32>
        %mul3A_133 = arith.mulf %gather3A_116, %get3A_124 : vector<16xf32>
        %add3A_134 = arith.addf %add3A_110, %mul3A_133 : vector<16xf32>
        %mul3A_135 = arith.mulf %gather3A_116, %get3A_132 : vector<16xf32>
        %add3A_136 = arith.addf %add3A_112, %mul3A_135 : vector<16xf32>
        %broadcast_in_dim3A_137 = arith.constant 2 : i32
        %broadcast_in_dim3A_138 = vector.broadcast %broadcast_in_dim3A_137 : i32 to vector<16x1xi32>
        %gather3A_139 = vector.shape_cast %broadcast_in_dim3A_138 : vector<16x1xi32> to vector<16xi32>
        %gather3A_140 = tpu.dynamic_gather %get3A_89[%gather3A_139] in [0] : vector<16xf32>, vector<16xi32> -> vector<16xf32>
        %mul3A_141 = arith.constant 16 : i32
        %mul3A_142 = arith.muli %scan3A_82, %mul3A_141 : i32
        %add3A_143 = arith.constant 2 : i32
        %add3A_144 = arith.addi %mul3A_142, %add3A_143 : i32
        %get3A_145 = arith.index_cast %add3A_144 : i32 to index
        %get3A_146 = arith.constant 0 : index
        %get3A_147 = tpu.vector_load %arg20[%get3A_145, %get3A_146] {strides = array<i32>} : memref<256x32xf32, #tpu.memory_space<vmem>>, vector<1x16xf32>,
        %get3A_148 = vector.shape_cast %get3A_147 : vector<1x16xf32> to vector<16xf32>
        %mul3A_149 = arith.constant 16 : i32
        %mul3A_150 = arith.muli %scan3A_82, %mul3A_149 : i32
        %add3A_151 = arith.constant 2 : i32
        %add3A_152 = arith.addi %mul3A_150, %add3A_151 : i32
        %get3A_153 = arith.index_cast %add3A_152 : i32 to index
        %get3A_154 = arith.constant 16 : index
        %get3A_155 = tpu.vector_load %arg20[%get3A_153, %get3A_154] {strides = array<i32>} : memref<256x32xf32, #tpu.memory_space<vmem>>, vector<1x16xf32>,
        %get3A_156 = vector.shape_cast %get3A_155 : vector<1x16xf32> to vector<16xf32>
        %mul3A_157 = arith.mulf %gather3A_140, %get3A_148 : vector<16xf32>
        %add3A_158 = arith.addf %add3A_134, %mul3A_157 : vector<16xf32>
        %mul3A_159 = arith.mulf %gather3A_140, %get3A_156 : vector<16xf32>
        %add3A_160 = arith.addf %add3A_136, %mul3A_159 : vector<16xf32>
        %broadcast_in_dim3A_161 = arith.constant 3 : i32
        %broadcast_in_dim3A_162 = vector.broadcast %broadcast_in_dim3A_161 : i32 to vector<16x1xi32>
        %gather3A_163 = vector.shape_cast %broadcast_in_dim3A_162 : vector<16x1xi32> to vector<16xi32>
        %gather3A_164 = tpu.dynamic_gather %get3A_89[%gather3A_163] in [0] : vector<16xf32>, vector<16xi32> -> vector<16xf32>
        %mul3A_165 = arith.constant 16 : i32
        %mul3A_166 = arith.muli %scan3A_82, %mul3A_165 : i32
        %add3A_167 = arith.constant 3 : i32
        %add3A_168 = arith.addi %mul3A_166, %add3A_167 : i32
        %get3A_169 = arith.index_cast %add3A_168 : i32 to index
        %get3A_170 = arith.constant 0 : index
        %get3A_171 = tpu.vector_load %arg20[%get3A_169, %get3A_170] {strides = array<i32>} : memref<256x32xf32, #tpu.memory_space<vmem>>, vector<1x16xf32>,
        %get3A_172 = vector.shape_cast %get3A_171 : vector<1x16xf32> to vector<16xf32>
        %mul3A_173 = arith.constant 16 : i32
        %mul3A_174 = arith.muli %scan3A_82, %mul3A_173 : i32
        %add3A_175 = arith.constant 3 : i32
        %add3A_176 = arith.addi %mul3A_174, %add3A_175 : i32
        %get3A_177 = arith.index_cast %add3A_176 : i32 to index
        %get3A_178 = arith.constant 16 : index
        %get3A_179 = tpu.vector_load %arg20[%get3A_177, %get3A_178] {strides = array<i32>} : memref<256x32xf32, #tpu.memory_space<vmem>>, vector<1x16xf32>,
        %get3A_180 = vector.shape_cast %get3A_179 : vector<1x16xf32> to vector<16xf32>
        %mul3A_181 = arith.mulf %gather3A_164, %get3A_172 : vector<16xf32>
        %add3A_182 = arith.addf %add3A_158, %mul3A_181 : vector<16xf32>
        %mul3A_183 = arith.mulf %gather3A_164, %get3A_180 : vector<16xf32>
        %add3A_184 = arith.addf %add3A_160, %mul3A_183 : vector<16xf32>
        %broadcast_in_dim3A_185 = arith.constant 4 : i32
        %broadcast_in_dim3A_186 = vector.broadcast %broadcast_in_dim3A_185 : i32 to vector<16x1xi32>
        %gather3A_187 = vector.shape_cast %broadcast_in_dim3A_186 : vector<16x1xi32> to vector<16xi32>
        %gather3A_188 = tpu.dynamic_gather %get3A_89[%gather3A_187] in [0] : vector<16xf32>, vector<16xi32> -> vector<16xf32>
        %mul3A_189 = arith.constant 16 : i32
        %mul3A_190 = arith.muli %scan3A_82, %mul3A_189 : i32
        %add3A_191 = arith.constant 4 : i32
        %add3A_192 = arith.addi %mul3A_190, %add3A_191 : i32
        %get3A_193 = arith.index_cast %add3A_192 : i32 to index
        %get3A_194 = arith.constant 0 : index
        %get3A_195 = tpu.vector_load %arg20[%get3A_193, %get3A_194] {strides = array<i32>} : memref<256x32xf32, #tpu.memory_space<vmem>>, vector<1x16xf32>,
        %get3A_196 = vector.shape_cast %get3A_195 : vector<1x16xf32> to vector<16xf32>
        %mul3A_197 = arith.constant 16 : i32
        %mul3A_198 = arith.muli %scan3A_82, %mul3A_197 : i32
        %add3A_199 = arith.constant 4 : i32
        %add3A_200 = arith.addi %mul3A_198, %add3A_199 : i32
        %get3A_201 = arith.index_cast %add3A_200 : i32 to index
        %get3A_202 = arith.constant 16 : index
        %get3A_203 = tpu.vector_load %arg20[%get3A_201, %get3A_202] {strides = array<i32>} : memref<256x32xf32, #tpu.memory_space<vmem>>, vector<1x16xf32>,
        %get3A_204 = vector.shape_cast %get3A_203 : vector<1x16xf32> to vector<16xf32>
        %mul3A_205 = arith.mulf %gather3A_188, %get3A_196 : vector<16xf32>
        %add3A_206 = arith.addf %add3A_182, %mul3A_205 : vector<16xf32>
        %mul3A_207 = arith.mulf %gather3A_188, %get3A_204 : vector<16xf32>
        %add3A_208 = arith.addf %add3A_184, %mul3A_207 : vector<16xf32>
        %broadcast_in_dim3A_209 = arith.constant 5 : i32
        %broadcast_in_dim3A_210 = vector.broadcast %broadcast_in_dim3A_209 : i32 to vector<16x1xi32>
        %gather3A_211 = vector.shape_cast %broadcast_in_dim3A_210 : vector<16x1xi32> to vector<16xi32>
        %gather3A_212 = tpu.dynamic_gather %get3A_89[%gather3A_211] in [0] : vector<16xf32>, vector<16xi32> -> vector<16xf32>
        %mul3A_213 = arith.constant 16 : i32
        %mul3A_214 = arith.muli %scan3A_82, %mul3A_213 : i32
        %add3A_215 = arith.constant 5 : i32
        %add3A_216 = arith.addi %mul3A_214, %add3A_215 : i32
        %get3A_217 = arith.index_cast %add3A_216 : i32 to index
        %get3A_218 = arith.constant 0 : index
        %get3A_219 = tpu.vector_load %arg20[%get3A_217, %get3A_218] {strides = array<i32>} : memref<256x32xf32, #tpu.memory_space<vmem>>, vector<1x16xf32>,
        %get3A_220 = vector.shape_cast %get3A_219 : vector<1x16xf32> to vector<16xf32>
        %mul3A_221 = arith.constant 16 : i32
        %mul3A_222 = arith.muli %scan3A_82, %mul3A_221 : i32
        %add3A_223 = arith.constant 5 : i32
        %add3A_224 = arith.addi %mul3A_222, %add3A_223 : i32
        %get3A_225 = arith.index_cast %add3A_224 : i32 to index
        %get3A_226 = arith.constant 16 : index
        %get3A_227 = tpu.vector_load %arg20[%get3A_225, %get3A_226] {strides = array<i32>} : memref<256x32xf32, #tpu.memory_space<vmem>>, vector<1x16xf32>,
        %get3A_228 = vector.shape_cast %get3A_227 : vector<1x16xf32> to vector<16xf32>
        %mul3A_229 = arith.mulf %gather3A_212, %get3A_220 : vector<16xf32>
        %add3A_230 = arith.addf %add3A_206, %mul3A_229 : vector<16xf32>
        %mul3A_231 = arith.mulf %gather3A_212, %get3A_228 : vector<16xf32>
        %add3A_232 = arith.addf %add3A_208, %mul3A_231 : vector<16xf32>
        %broadcast_in_dim3A_233 = arith.constant 6 : i32
        %broadcast_in_dim3A_234 = vector.broadcast %broadcast_in_dim3A_233 : i32 to vector<16x1xi32>
        %gather3A_235 = vector.shape_cast %broadcast_in_dim3A_234 : vector<16x1xi32> to vector<16xi32>
        %gather3A_236 = tpu.dynamic_gather %get3A_89[%gather3A_235] in [0] : vector<16xf32>, vector<16xi32> -> vector<16xf32>
        %mul3A_237 = arith.constant 16 : i32
        %mul3A_238 = arith.muli %scan3A_82, %mul3A_237 : i32
        %add3A_239 = arith.constant 6 : i32
        %add3A_240 = arith.addi %mul3A_238, %add3A_239 : i32
        %get3A_241 = arith.index_cast %add3A_240 : i32 to index
        %get3A_242 = arith.constant 0 : index
        %get3A_243 = tpu.vector_load %arg20[%get3A_241, %get3A_242] {strides = array<i32>} : memref<256x32xf32, #tpu.memory_space<vmem>>, vector<1x16xf32>,
        %get3A_244 = vector.shape_cast %get3A_243 : vector<1x16xf32> to vector<16xf32>
        %mul3A_245 = arith.constant 16 : i32
        %mul3A_246 = arith.muli %scan3A_82, %mul3A_245 : i32
        %add3A_247 = arith.constant 6 : i32
        %add3A_248 = arith.addi %mul3A_246, %add3A_247 : i32
        %get3A_249 = arith.index_cast %add3A_248 : i32 to index
        %get3A_250 = arith.constant 16 : index
        %get3A_251 = tpu.vector_load %arg20[%get3A_249, %get3A_250] {strides = array<i32>} : memref<256x32xf32, #tpu.memory_space<vmem>>, vector<1x16xf32>,
        %get3A_252 = vector.shape_cast %get3A_251 : vector<1x16xf32> to vector<16xf32>
        %mul3A_253 = arith.mulf %gather3A_236, %get3A_244 : vector<16xf32>
        %add3A_254 = arith.addf %add3A_230, %mul3A_253 : vector<16xf32>
        %mul3A_255 = arith.mulf %gather3A_236, %get3A_252 : vector<16xf32>
        %add3A_256 = arith.addf %add3A_232, %mul3A_255 : vector<16xf32>
        %broadcast_in_dim3A_257 = arith.constant 7 : i32
        %broadcast_in_dim3A_258 = vector.broadcast %broadcast_in_dim3A_257 : i32 to vector<16x1xi32>
        %gather3A_259 = vector.shape_cast %broadcast_in_dim3A_258 : vector<16x1xi32> to vector<16xi32>
        %gather3A_260 = tpu.dynamic_gather %get3A_89[%gather3A_259] in [0] : vector<16xf32>, vector<16xi32> -> vector<16xf32>
        %mul3A_261 = arith.constant 16 : i32
        %mul3A_262 = arith.muli %scan3A_82, %mul3A_261 : i32
        %add3A_263 = arith.constant 7 : i32
        %add3A_264 = arith.addi %mul3A_262, %add3A_263 : i32
        %get3A_265 = arith.index_cast %add3A_264 : i32 to index
        %get3A_266 = arith.constant 0 : index
        %get3A_267 = tpu.vector_load %arg20[%get3A_265, %get3A_266] {strides = array<i32>} : memref<256x32xf32, #tpu.memory_space<vmem>>, vector<1x16xf32>,
        %get3A_268 = vector.shape_cast %get3A_267 : vector<1x16xf32> to vector<16xf32>
        %mul3A_269 = arith.constant 16 : i32
        %mul3A_270 = arith.muli %scan3A_82, %mul3A_269 : i32
        %add3A_271 = arith.constant 7 : i32
        %add3A_272 = arith.addi %mul3A_270, %add3A_271 : i32
        %get3A_273 = arith.index_cast %add3A_272 : i32 to index
        %get3A_274 = arith.constant 16 : index
        %get3A_275 = tpu.vector_load %arg20[%get3A_273, %get3A_274] {strides = array<i32>} : memref<256x32xf32, #tpu.memory_space<vmem>>, vector<1x16xf32>,
        %get3A_276 = vector.shape_cast %get3A_275 : vector<1x16xf32> to vector<16xf32>
        %mul3A_277 = arith.mulf %gather3A_260, %get3A_268 : vector<16xf32>
        %add3A_278 = arith.addf %add3A_254, %mul3A_277 : vector<16xf32>
        %mul3A_279 = arith.mulf %gather3A_260, %get3A_276 : vector<16xf32>
        %add3A_280 = arith.addf %add3A_256, %mul3A_279 : vector<16xf32>
        %broadcast_in_dim3A_281 = arith.constant 8 : i32
        %broadcast_in_dim3A_282 = vector.broadcast %broadcast_in_dim3A_281 : i32 to vector<16x1xi32>
        %gather3A_283 = vector.shape_cast %broadcast_in_dim3A_282 : vector<16x1xi32> to vector<16xi32>
        %gather3A_284 = tpu.dynamic_gather %get3A_89[%gather3A_283] in [0] : vector<16xf32>, vector<16xi32> -> vector<16xf32>
        %mul3A_285 = arith.constant 16 : i32
        %mul3A_286 = arith.muli %scan3A_82, %mul3A_285 : i32
        %add3A_287 = arith.constant 8 : i32
        %add3A_288 = arith.addi %mul3A_286, %add3A_287 : i32
        %get3A_289 = arith.index_cast %add3A_288 : i32 to index
        %get3A_290 = arith.constant 0 : index
        %get3A_291 = tpu.vector_load %arg20[%get3A_289, %get3A_290] {strides = array<i32>} : memref<256x32xf32, #tpu.memory_space<vmem>>, vector<1x16xf32>,
        %get3A_292 = vector.shape_cast %get3A_291 : vector<1x16xf32> to vector<16xf32>
        %mul3A_293 = arith.constant 16 : i32
        %mul3A_294 = arith.muli %scan3A_82, %mul3A_293 : i32
        %add3A_295 = arith.constant 8 : i32
        %add3A_296 = arith.addi %mul3A_294, %add3A_295 : i32
        %get3A_297 = arith.index_cast %add3A_296 : i32 to index
        %get3A_298 = arith.constant 16 : index
        %get3A_299 = tpu.vector_load %arg20[%get3A_297, %get3A_298] {strides = array<i32>} : memref<256x32xf32, #tpu.memory_space<vmem>>, vector<1x16xf32>,
        %get3A_300 = vector.shape_cast %get3A_299 : vector<1x16xf32> to vector<16xf32>
        %mul3A_301 = arith.mulf %gather3A_284, %get3A_292 : vector<16xf32>
        %add3A_302 = arith.addf %add3A_278, %mul3A_301 : vector<16xf32>
        %mul3A_303 = arith.mulf %gather3A_284, %get3A_300 : vector<16xf32>
        %add3A_304 = arith.addf %add3A_280, %mul3A_303 : vector<16xf32>
        %broadcast_in_dim3A_305 = arith.constant 9 : i32
        %broadcast_in_dim3A_306 = vector.broadcast %broadcast_in_dim3A_305 : i32 to vector<16x1xi32>
        %gather3A_307 = vector.shape_cast %broadcast_in_dim3A_306 : vector<16x1xi32> to vector<16xi32>
        %gather3A_308 = tpu.dynamic_gather %get3A_89[%gather3A_307] in [0] : vector<16xf32>, vector<16xi32> -> vector<16xf32>
        %mul3A_309 = arith.constant 16 : i32
        %mul3A_310 = arith.muli %scan3A_82, %mul3A_309 : i32
        %add3A_311 = arith.constant 9 : i32
        %add3A_312 = arith.addi %mul3A_310, %add3A_311 : i32
        %get3A_313 = arith.index_cast %add3A_312 : i32 to index
        %get3A_314 = arith.constant 0 : index
        %get3A_315 = tpu.vector_load %arg20[%get3A_313, %get3A_314] {strides = array<i32>} : memref<256x32xf32, #tpu.memory_space<vmem>>, vector<1x16xf32>,
        %get3A_316 = vector.shape_cast %get3A_315 : vector<1x16xf32> to vector<16xf32>
        %mul3A_317 = arith.constant 16 : i32
        %mul3A_318 = arith.muli %scan3A_82, %mul3A_317 : i32
        %add3A_319 = arith.constant 9 : i32
        %add3A_320 = arith.addi %mul3A_318, %add3A_319 : i32
        %get3A_321 = arith.index_cast %add3A_320 : i32 to index
        %get3A_322 = arith.constant 16 : index
        %get3A_323 = tpu.vector_load %arg20[%get3A_321, %get3A_322] {strides = array<i32>} : memref<256x32xf32, #tpu.memory_space<vmem>>, vector<1x16xf32>,
        %get3A_324 = vector.shape_cast %get3A_323 : vector<1x16xf32> to vector<16xf32>
        %mul3A_325 = arith.mulf %gather3A_308, %get3A_316 : vector<16xf32>
        %add3A_326 = arith.addf %add3A_302, %mul3A_325 : vector<16xf32>
        %mul3A_327 = arith.mulf %gather3A_308, %get3A_324 : vector<16xf32>
        %add3A_328 = arith.addf %add3A_304, %mul3A_327 : vector<16xf32>
        %broadcast_in_dim3A_329 = arith.constant 10 : i32
        %broadcast_in_dim3A_330 = vector.broadcast %broadcast_in_dim3A_329 : i32 to vector<16x1xi32>
        %gather3A_331 = vector.shape_cast %broadcast_in_dim3A_330 : vector<16x1xi32> to vector<16xi32>
        %gather3A_332 = tpu.dynamic_gather %get3A_89[%gather3A_331] in [0] : vector<16xf32>, vector<16xi32> -> vector<16xf32>
        %mul3A_333 = arith.constant 16 : i32
        %mul3A_334 = arith.muli %scan3A_82, %mul3A_333 : i32
        %add3A_335 = arith.constant 10 : i32
        %add3A_336 = arith.addi %mul3A_334, %add3A_335 : i32
        %get3A_337 = arith.index_cast %add3A_336 : i32 to index
        %get3A_338 = arith.constant 0 : index
        %get3A_339 = tpu.vector_load %arg20[%get3A_337, %get3A_338] {strides = array<i32>} : memref<256x32xf32, #tpu.memory_space<vmem>>, vector<1x16xf32>,
        %get3A_340 = vector.shape_cast %get3A_339 : vector<1x16xf32> to vector<16xf32>
        %mul3A_341 = arith.constant 16 : i32
        %mul3A_342 = arith.muli %scan3A_82, %mul3A_341 : i32
        %add3A_343 = arith.constant 10 : i32
        %add3A_344 = arith.addi %mul3A_342, %add3A_343 : i32
        %get3A_345 = arith.index_cast %add3A_344 : i32 to index
        %get3A_346 = arith.constant 16 : index
        %get3A_347 = tpu.vector_load %arg20[%get3A_345, %get3A_346] {strides = array<i32>} : memref<256x32xf32, #tpu.memory_space<vmem>>, vector<1x16xf32>,
        %get3A_348 = vector.shape_cast %get3A_347 : vector<1x16xf32> to vector<16xf32>
        %mul3A_349 = arith.mulf %gather3A_332, %get3A_340 : vector<16xf32>
        %add3A_350 = arith.addf %add3A_326, %mul3A_349 : vector<16xf32>
        %mul3A_351 = arith.mulf %gather3A_332, %get3A_348 : vector<16xf32>
        %add3A_352 = arith.addf %add3A_328, %mul3A_351 : vector<16xf32>
        %broadcast_in_dim3A_353 = arith.constant 11 : i32
        %broadcast_in_dim3A_354 = vector.broadcast %broadcast_in_dim3A_353 : i32 to vector<16x1xi32>
        %gather3A_355 = vector.shape_cast %broadcast_in_dim3A_354 : vector<16x1xi32> to vector<16xi32>
        %gather3A_356 = tpu.dynamic_gather %get3A_89[%gather3A_355] in [0] : vector<16xf32>, vector<16xi32> -> vector<16xf32>
        %mul3A_357 = arith.constant 16 : i32
        %mul3A_358 = arith.muli %scan3A_82, %mul3A_357 : i32
        %add3A_359 = arith.constant 11 : i32
        %add3A_360 = arith.addi %mul3A_358, %add3A_359 : i32
        %get3A_361 = arith.index_cast %add3A_360 : i32 to index
        %get3A_362 = arith.constant 0 : index
        %get3A_363 = tpu.vector_load %arg20[%get3A_361, %get3A_362] {strides = array<i32>} : memref<256x32xf32, #tpu.memory_space<vmem>>, vector<1x16xf32>,
        %get3A_364 = vector.shape_cast %get3A_363 : vector<1x16xf32> to vector<16xf32>
        %mul3A_365 = arith.constant 16 : i32
        %mul3A_366 = arith.muli %scan3A_82, %mul3A_365 : i32
        %add3A_367 = arith.constant 11 : i32
        %add3A_368 = arith.addi %mul3A_366, %add3A_367 : i32
        %get3A_369 = arith.index_cast %add3A_368 : i32 to index
        %get3A_370 = arith.constant 16 : index
        %get3A_371 = tpu.vector_load %arg20[%get3A_369, %get3A_370] {strides = array<i32>} : memref<256x32xf32, #tpu.memory_space<vmem>>, vector<1x16xf32>,
        %get3A_372 = vector.shape_cast %get3A_371 : vector<1x16xf32> to vector<16xf32>
        %mul3A_373 = arith.mulf %gather3A_356, %get3A_364 : vector<16xf32>
        %add3A_374 = arith.addf %add3A_350, %mul3A_373 : vector<16xf32>
        %mul3A_375 = arith.mulf %gather3A_356, %get3A_372 : vector<16xf32>
        %add3A_376 = arith.addf %add3A_352, %mul3A_375 : vector<16xf32>
        %broadcast_in_dim3A_377 = arith.constant 12 : i32
        %broadcast_in_dim3A_378 = vector.broadcast %broadcast_in_dim3A_377 : i32 to vector<16x1xi32>
        %gather3A_379 = vector.shape_cast %broadcast_in_dim3A_378 : vector<16x1xi32> to vector<16xi32>
        %gather3A_380 = tpu.dynamic_gather %get3A_89[%gather3A_379] in [0] : vector<16xf32>, vector<16xi32> -> vector<16xf32>
        %mul3A_381 = arith.constant 16 : i32
        %mul3A_382 = arith.muli %scan3A_82, %mul3A_381 : i32
        %add3A_383 = arith.constant 12 : i32
        %add3A_384 = arith.addi %mul3A_382, %add3A_383 : i32
        %get3A_385 = arith.index_cast %add3A_384 : i32 to index
        %get3A_386 = arith.constant 0 : index
        %get3A_387 = tpu.vector_load %arg20[%get3A_385, %get3A_386] {strides = array<i32>} : memref<256x32xf32, #tpu.memory_space<vmem>>, vector<1x16xf32>,
        %get3A_388 = vector.shape_cast %get3A_387 : vector<1x16xf32> to vector<16xf32>
        %mul3A_389 = arith.constant 16 : i32
        %mul3A_390 = arith.muli %scan3A_82, %mul3A_389 : i32
        %add3A_391 = arith.constant 12 : i32
        %add3A_392 = arith.addi %mul3A_390, %add3A_391 : i32
        %get3A_393 = arith.index_cast %add3A_392 : i32 to index
        %get3A_394 = arith.constant 16 : index
        %get3A_395 = tpu.vector_load %arg20[%get3A_393, %get3A_394] {strides = array<i32>} : memref<256x32xf32, #tpu.memory_space<vmem>>, vector<1x16xf32>,
        %get3A_396 = vector.shape_cast %get3A_395 : vector<1x16xf32> to vector<16xf32>
        %mul3A_397 = arith.mulf %gather3A_380, %get3A_388 : vector<16xf32>
        %add3A_398 = arith.addf %add3A_374, %mul3A_397 : vector<16xf32>
        %mul3A_399 = arith.mulf %gather3A_380, %get3A_396 : vector<16xf32>
        %add3A_400 = arith.addf %add3A_376, %mul3A_399 : vector<16xf32>
        %broadcast_in_dim3A_401 = arith.constant 13 : i32
        %broadcast_in_dim3A_402 = vector.broadcast %broadcast_in_dim3A_401 : i32 to vector<16x1xi32>
        %gather3A_403 = vector.shape_cast %broadcast_in_dim3A_402 : vector<16x1xi32> to vector<16xi32>
        %gather3A_404 = tpu.dynamic_gather %get3A_89[%gather3A_403] in [0] : vector<16xf32>, vector<16xi32> -> vector<16xf32>
        %mul3A_405 = arith.constant 16 : i32
        %mul3A_406 = arith.muli %scan3A_82, %mul3A_405 : i32
        %add3A_407 = arith.constant 13 : i32
        %add3A_408 = arith.addi %mul3A_406, %add3A_407 : i32
        %get3A_409 = arith.index_cast %add3A_408 : i32 to index
        %get3A_410 = arith.constant 0 : index
        %get3A_411 = tpu.vector_load %arg20[%get3A_409, %get3A_410] {strides = array<i32>} : memref<256x32xf32, #tpu.memory_space<vmem>>, vector<1x16xf32>,
        %get3A_412 = vector.shape_cast %get3A_411 : vector<1x16xf32> to vector<16xf32>
        %mul3A_413 = arith.constant 16 : i32
        %mul3A_414 = arith.muli %scan3A_82, %mul3A_413 : i32
        %add3A_415 = arith.constant 13 : i32
        %add3A_416 = arith.addi %mul3A_414, %add3A_415 : i32
        %get3A_417 = arith.index_cast %add3A_416 : i32 to index
        %get3A_418 = arith.constant 16 : index
        %get3A_419 = tpu.vector_load %arg20[%get3A_417, %get3A_418] {strides = array<i32>} : memref<256x32xf32, #tpu.memory_space<vmem>>, vector<1x16xf32>,
        %get3A_420 = vector.shape_cast %get3A_419 : vector<1x16xf32> to vector<16xf32>
        %mul3A_421 = arith.mulf %gather3A_404, %get3A_412 : vector<16xf32>
        %add3A_422 = arith.addf %add3A_398, %mul3A_421 : vector<16xf32>
        %mul3A_423 = arith.mulf %gather3A_404, %get3A_420 : vector<16xf32>
        %add3A_424 = arith.addf %add3A_400, %mul3A_423 : vector<16xf32>
        %broadcast_in_dim3A_425 = arith.constant 14 : i32
        %broadcast_in_dim3A_426 = vector.broadcast %broadcast_in_dim3A_425 : i32 to vector<16x1xi32>
        %gather3A_427 = vector.shape_cast %broadcast_in_dim3A_426 : vector<16x1xi32> to vector<16xi32>
        %gather3A_428 = tpu.dynamic_gather %get3A_89[%gather3A_427] in [0] : vector<16xf32>, vector<16xi32> -> vector<16xf32>
        %mul3A_429 = arith.constant 16 : i32
        %mul3A_430 = arith.muli %scan3A_82, %mul3A_429 : i32
        %add3A_431 = arith.constant 14 : i32
        %add3A_432 = arith.addi %mul3A_430, %add3A_431 : i32
        %get3A_433 = arith.index_cast %add3A_432 : i32 to index
        %get3A_434 = arith.constant 0 : index
        %get3A_435 = tpu.vector_load %arg20[%get3A_433, %get3A_434] {strides = array<i32>} : memref<256x32xf32, #tpu.memory_space<vmem>>, vector<1x16xf32>,
        %get3A_436 = vector.shape_cast %get3A_435 : vector<1x16xf32> to vector<16xf32>
        %mul3A_437 = arith.constant 16 : i32
        %mul3A_438 = arith.muli %scan3A_82, %mul3A_437 : i32
        %add3A_439 = arith.constant 14 : i32
        %add3A_440 = arith.addi %mul3A_438, %add3A_439 : i32
        %get3A_441 = arith.index_cast %add3A_440 : i32 to index
        %get3A_442 = arith.constant 16 : index
        %get3A_443 = tpu.vector_load %arg20[%get3A_441, %get3A_442] {strides = array<i32>} : memref<256x32xf32, #tpu.memory_space<vmem>>, vector<1x16xf32>,
        %get3A_444 = vector.shape_cast %get3A_443 : vector<1x16xf32> to vector<16xf32>
        %mul3A_445 = arith.mulf %gather3A_428, %get3A_436 : vector<16xf32>
        %add3A_446 = arith.addf %add3A_422, %mul3A_445 : vector<16xf32>
        %mul3A_447 = arith.mulf %gather3A_428, %get3A_444 : vector<16xf32>
        %add3A_448 = arith.addf %add3A_424, %mul3A_447 : vector<16xf32>
        %broadcast_in_dim3A_449 = arith.constant 15 : i32
        %broadcast_in_dim3A_450 = vector.broadcast %broadcast_in_dim3A_449 : i32 to vector<16x1xi32>
        %gather3A_451 = vector.shape_cast %broadcast_in_dim3A_450 : vector<16x1xi32> to vector<16xi32>
        %gather3A_452 = tpu.dynamic_gather %get3A_89[%gather3A_451] in [0] : vector<16xf32>, vector<16xi32> -> vector<16xf32>
        %mul3A_453 = arith.constant 16 : i32
        %mul3A_454 = arith.muli %scan3A_82, %mul3A_453 : i32
        %add3A_455 = arith.constant 15 : i32
        %add3A_456 = arith.addi %mul3A_454, %add3A_455 : i32
        %get3A_457 = arith.index_cast %add3A_456 : i32 to index
        %get3A_458 = arith.constant 0 : index
        %get3A_459 = tpu.vector_load %arg20[%get3A_457, %get3A_458] {strides = array<i32>} : memref<256x32xf32, #tpu.memory_space<vmem>>, vector<1x16xf32>,
        %get3A_460 = vector.shape_cast %get3A_459 : vector<1x16xf32> to vector<16xf32>
        %mul3A_461 = arith.constant 16 : i32
        %mul3A_462 = arith.muli %scan3A_82, %mul3A_461 : i32
        %add3A_463 = arith.constant 15 : i32
        %add3A_464 = arith.addi %mul3A_462, %add3A_463 : i32
        %get3A_465 = arith.index_cast %add3A_464 : i32 to index
        %get3A_466 = arith.constant 16 : index
        %get3A_467 = tpu.vector_load %arg20[%get3A_465, %get3A_466] {strides = array<i32>} : memref<256x32xf32, #tpu.memory_space<vmem>>, vector<1x16xf32>,
        %get3A_468 = vector.shape_cast %get3A_467 : vector<1x16xf32> to vector<16xf32>
        %mul3A_469 = arith.mulf %gather3A_452, %get3A_460 : vector<16xf32>
        %add3A_470 = arith.addf %add3A_446, %mul3A_469 : vector<16xf32>
        %mul3A_471 = arith.mulf %gather3A_452, %get3A_468 : vector<16xf32>
        %add3A_472 = arith.addf %add3A_448, %mul3A_471 : vector<16xf32>
        %mul3A_473 = arith.constant 16 : i32
        %mul3A_474 = arith.muli %scan3A_82, %mul3A_473 : i32
        %get3A_475 = arith.index_cast %mul3A_474 : i32 to index
        %get3A_476 = tpu.vector_load %arg17[%get3A_475] {strides = array<i32>} : memref<256xf32, #tpu.memory_space<vmem>>, vector<16xf32>,
        %get3A_477 = vector.shape_cast %get3A_476 : vector<16xf32> to vector<16xf32>
        %broadcast_in_dim3A_478 = arith.constant 0 : i32
        %broadcast_in_dim3A_479 = vector.broadcast %broadcast_in_dim3A_478 : i32 to vector<16x1xi32>
        %gather3A_480 = vector.shape_cast %broadcast_in_dim3A_479 : vector<16x1xi32> to vector<16xi32>
        %gather3A_481 = tpu.dynamic_gather %get3A_477[%gather3A_480] in [0] : vector<16xf32>, vector<16xi32> -> vector<16xf32>
        %mul3A_482 = arith.constant 16 : i32
        %mul3A_483 = arith.muli %scan3A_82, %mul3A_482 : i32
        %add3A_484 = arith.constant 0 : i32
        %add3A_485 = arith.addi %mul3A_483, %add3A_484 : i32
        %get3A_486 = arith.index_cast %add3A_485 : i32 to index
        %get3A_487 = arith.constant 0 : index
        %get3A_488 = tpu.vector_load %arg21[%get3A_486, %get3A_487] {strides = array<i32>} : memref<256x32xf32, #tpu.memory_space<vmem>>, vector<1x16xf32>,
        %get3A_489 = vector.shape_cast %get3A_488 : vector<1x16xf32> to vector<16xf32>
        %mul3A_490 = arith.constant 16 : i32
        %mul3A_491 = arith.muli %scan3A_82, %mul3A_490 : i32
        %add3A_492 = arith.constant 0 : i32
        %add3A_493 = arith.addi %mul3A_491, %add3A_492 : i32
        %get3A_494 = arith.index_cast %add3A_493 : i32 to index
        %get3A_495 = arith.constant 16 : index
        %get3A_496 = tpu.vector_load %arg21[%get3A_494, %get3A_495] {strides = array<i32>} : memref<256x32xf32, #tpu.memory_space<vmem>>, vector<1x16xf32>,
        %get3A_497 = vector.shape_cast %get3A_496 : vector<1x16xf32> to vector<16xf32>
        %mul3A_498 = arith.mulf %gather3A_481, %get3A_489 : vector<16xf32>
        %add3A_499 = arith.addf %add3A_470, %mul3A_498 : vector<16xf32>
        %mul3A_500 = arith.mulf %gather3A_481, %get3A_497 : vector<16xf32>
        %add3A_501 = arith.addf %add3A_472, %mul3A_500 : vector<16xf32>
        %broadcast_in_dim3A_502 = arith.constant 1 : i32
        %broadcast_in_dim3A_503 = vector.broadcast %broadcast_in_dim3A_502 : i32 to vector<16x1xi32>
        %gather3A_504 = vector.shape_cast %broadcast_in_dim3A_503 : vector<16x1xi32> to vector<16xi32>
        %gather3A_505 = tpu.dynamic_gather %get3A_477[%gather3A_504] in [0] : vector<16xf32>, vector<16xi32> -> vector<16xf32>
        %mul3A_506 = arith.constant 16 : i32
        %mul3A_507 = arith.muli %scan3A_82, %mul3A_506 : i32
        %add3A_508 = arith.constant 1 : i32
        %add3A_509 = arith.addi %mul3A_507, %add3A_508 : i32
        %get3A_510 = arith.index_cast %add3A_509 : i32 to index
        %get3A_511 = arith.constant 0 : index
        %get3A_512 = tpu.vector_load %arg21[%get3A_510, %get3A_511] {strides = array<i32>} : memref<256x32xf32, #tpu.memory_space<vmem>>, vector<1x16xf32>,
        %get3A_513 = vector.shape_cast %get3A_512 : vector<1x16xf32> to vector<16xf32>
        %mul3A_514 = arith.constant 16 : i32
        %mul3A_515 = arith.muli %scan3A_82, %mul3A_514 : i32
        %add3A_516 = arith.constant 1 : i32
        %add3A_517 = arith.addi %mul3A_515, %add3A_516 : i32
        %get3A_518 = arith.index_cast %add3A_517 : i32 to index
        %get3A_519 = arith.constant 16 : index
        %get3A_520 = tpu.vector_load %arg21[%get3A_518, %get3A_519] {strides = array<i32>} : memref<256x32xf32, #tpu.memory_space<vmem>>, vector<1x16xf32>,
        %get3A_521 = vector.shape_cast %get3A_520 : vector<1x16xf32> to vector<16xf32>
        %mul3A_522 = arith.mulf %gather3A_505, %get3A_513 : vector<16xf32>
        %add3A_523 = arith.addf %add3A_499, %mul3A_522 : vector<16xf32>
        %mul3A_524 = arith.mulf %gather3A_505, %get3A_521 : vector<16xf32>
        %add3A_525 = arith.addf %add3A_501, %mul3A_524 : vector<16xf32>
        %broadcast_in_dim3A_526 = arith.constant 2 : i32
        %broadcast_in_dim3A_527 = vector.broadcast %broadcast_in_dim3A_526 : i32 to vector<16x1xi32>
        %gather3A_528 = vector.shape_cast %broadcast_in_dim3A_527 : vector<16x1xi32> to vector<16xi32>
        %gather3A_529 = tpu.dynamic_gather %get3A_477[%gather3A_528] in [0] : vector<16xf32>, vector<16xi32> -> vector<16xf32>
        %mul3A_530 = arith.constant 16 : i32
        %mul3A_531 = arith.muli %scan3A_82, %mul3A_530 : i32
        %add3A_532 = arith.constant 2 : i32
        %add3A_533 = arith.addi %mul3A_531, %add3A_532 : i32
        %get3A_534 = arith.index_cast %add3A_533 : i32 to index
        %get3A_535 = arith.constant 0 : index
        %get3A_536 = tpu.vector_load %arg21[%get3A_534, %get3A_535] {strides = array<i32>} : memref<256x32xf32, #tpu.memory_space<vmem>>, vector<1x16xf32>,
        %get3A_537 = vector.shape_cast %get3A_536 : vector<1x16xf32> to vector<16xf32>
        %mul3A_538 = arith.constant 16 : i32
        %mul3A_539 = arith.muli %scan3A_82, %mul3A_538 : i32
        %add3A_540 = arith.constant 2 : i32
        %add3A_541 = arith.addi %mul3A_539, %add3A_540 : i32
        %get3A_542 = arith.index_cast %add3A_541 : i32 to index
        %get3A_543 = arith.constant 16 : index
        %get3A_544 = tpu.vector_load %arg21[%get3A_542, %get3A_543] {strides = array<i32>} : memref<256x32xf32, #tpu.memory_space<vmem>>, vector<1x16xf32>,
        %get3A_545 = vector.shape_cast %get3A_544 : vector<1x16xf32> to vector<16xf32>
        %mul3A_546 = arith.mulf %gather3A_529, %get3A_537 : vector<16xf32>
        %add3A_547 = arith.addf %add3A_523, %mul3A_546 : vector<16xf32>
        %mul3A_548 = arith.mulf %gather3A_529, %get3A_545 : vector<16xf32>
        %add3A_549 = arith.addf %add3A_525, %mul3A_548 : vector<16xf32>
        %broadcast_in_dim3A_550 = arith.constant 3 : i32
        %broadcast_in_dim3A_551 = vector.broadcast %broadcast_in_dim3A_550 : i32 to vector<16x1xi32>
        %gather3A_552 = vector.shape_cast %broadcast_in_dim3A_551 : vector<16x1xi32> to vector<16xi32>
        %gather3A_553 = tpu.dynamic_gather %get3A_477[%gather3A_552] in [0] : vector<16xf32>, vector<16xi32> -> vector<16xf32>
        %mul3A_554 = arith.constant 16 : i32
        %mul3A_555 = arith.muli %scan3A_82, %mul3A_554 : i32
        %add3A_556 = arith.constant 3 : i32
        %add3A_557 = arith.addi %mul3A_555, %add3A_556 : i32
        %get3A_558 = arith.index_cast %add3A_557 : i32 to index
        %get3A_559 = arith.constant 0 : index
        %get3A_560 = tpu.vector_load %arg21[%get3A_558, %get3A_559] {strides = array<i32>} : memref<256x32xf32, #tpu.memory_space<vmem>>, vector<1x16xf32>,
        %get3A_561 = vector.shape_cast %get3A_560 : vector<1x16xf32> to vector<16xf32>
        %mul3A_562 = arith.constant 16 : i32
        %mul3A_563 = arith.muli %scan3A_82, %mul3A_562 : i32
        %add3A_564 = arith.constant 3 : i32
        %add3A_565 = arith.addi %mul3A_563, %add3A_564 : i32
        %get3A_566 = arith.index_cast %add3A_565 : i32 to index
        %get3A_567 = arith.constant 16 : index
        %get3A_568 = tpu.vector_load %arg21[%get3A_566, %get3A_567] {strides = array<i32>} : memref<256x32xf32, #tpu.memory_space<vmem>>, vector<1x16xf32>,
        %get3A_569 = vector.shape_cast %get3A_568 : vector<1x16xf32> to vector<16xf32>
        %mul3A_570 = arith.mulf %gather3A_553, %get3A_561 : vector<16xf32>
        %add3A_571 = arith.addf %add3A_547, %mul3A_570 : vector<16xf32>
        %mul3A_572 = arith.mulf %gather3A_553, %get3A_569 : vector<16xf32>
        %add3A_573 = arith.addf %add3A_549, %mul3A_572 : vector<16xf32>
        %broadcast_in_dim3A_574 = arith.constant 4 : i32
        %broadcast_in_dim3A_575 = vector.broadcast %broadcast_in_dim3A_574 : i32 to vector<16x1xi32>
        %gather3A_576 = vector.shape_cast %broadcast_in_dim3A_575 : vector<16x1xi32> to vector<16xi32>
        %gather3A_577 = tpu.dynamic_gather %get3A_477[%gather3A_576] in [0] : vector<16xf32>, vector<16xi32> -> vector<16xf32>
        %mul3A_578 = arith.constant 16 : i32
        %mul3A_579 = arith.muli %scan3A_82, %mul3A_578 : i32
        %add3A_580 = arith.constant 4 : i32
        %add3A_581 = arith.addi %mul3A_579, %add3A_580 : i32
        %get3A_582 = arith.index_cast %add3A_581 : i32 to index
        %get3A_583 = arith.constant 0 : index
        %get3A_584 = tpu.vector_load %arg21[%get3A_582, %get3A_583] {strides = array<i32>} : memref<256x32xf32, #tpu.memory_space<vmem>>, vector<1x16xf32>,
        %get3A_585 = vector.shape_cast %get3A_584 : vector<1x16xf32> to vector<16xf32>
        %mul3A_586 = arith.constant 16 : i32
        %mul3A_587 = arith.muli %scan3A_82, %mul3A_586 : i32
        %add3A_588 = arith.constant 4 : i32
        %add3A_589 = arith.addi %mul3A_587, %add3A_588 : i32
        %get3A_590 = arith.index_cast %add3A_589 : i32 to index
        %get3A_591 = arith.constant 16 : index
        %get3A_592 = tpu.vector_load %arg21[%get3A_590, %get3A_591] {strides = array<i32>} : memref<256x32xf32, #tpu.memory_space<vmem>>, vector<1x16xf32>,
        %get3A_593 = vector.shape_cast %get3A_592 : vector<1x16xf32> to vector<16xf32>
        %mul3A_594 = arith.mulf %gather3A_577, %get3A_585 : vector<16xf32>
        %add3A_595 = arith.addf %add3A_571, %mul3A_594 : vector<16xf32>
        %mul3A_596 = arith.mulf %gather3A_577, %get3A_593 : vector<16xf32>
        %add3A_597 = arith.addf %add3A_573, %mul3A_596 : vector<16xf32>
        %broadcast_in_dim3A_598 = arith.constant 5 : i32
        %broadcast_in_dim3A_599 = vector.broadcast %broadcast_in_dim3A_598 : i32 to vector<16x1xi32>
        %gather3A_600 = vector.shape_cast %broadcast_in_dim3A_599 : vector<16x1xi32> to vector<16xi32>
        %gather3A_601 = tpu.dynamic_gather %get3A_477[%gather3A_600] in [0] : vector<16xf32>, vector<16xi32> -> vector<16xf32>
        %mul3A_602 = arith.constant 16 : i32
        %mul3A_603 = arith.muli %scan3A_82, %mul3A_602 : i32
        %add3A_604 = arith.constant 5 : i32
        %add3A_605 = arith.addi %mul3A_603, %add3A_604 : i32
        %get3A_606 = arith.index_cast %add3A_605 : i32 to index
        %get3A_607 = arith.constant 0 : index
        %get3A_608 = tpu.vector_load %arg21[%get3A_606, %get3A_607] {strides = array<i32>} : memref<256x32xf32, #tpu.memory_space<vmem>>, vector<1x16xf32>,
        %get3A_609 = vector.shape_cast %get3A_608 : vector<1x16xf32> to vector<16xf32>
        %mul3A_610 = arith.constant 16 : i32
        %mul3A_611 = arith.muli %scan3A_82, %mul3A_610 : i32
        %add3A_612 = arith.constant 5 : i32
        %add3A_613 = arith.addi %mul3A_611, %add3A_612 : i32
        %get3A_614 = arith.index_cast %add3A_613 : i32 to index
        %get3A_615 = arith.constant 16 : index
        %get3A_616 = tpu.vector_load %arg21[%get3A_614, %get3A_615] {strides = array<i32>} : memref<256x32xf32, #tpu.memory_space<vmem>>, vector<1x16xf32>,
        %get3A_617 = vector.shape_cast %get3A_616 : vector<1x16xf32> to vector<16xf32>
        %mul3A_618 = arith.mulf %gather3A_601, %get3A_609 : vector<16xf32>
        %add3A_619 = arith.addf %add3A_595, %mul3A_618 : vector<16xf32>
        %mul3A_620 = arith.mulf %gather3A_601, %get3A_617 : vector<16xf32>
        %add3A_621 = arith.addf %add3A_597, %mul3A_620 : vector<16xf32>
        %broadcast_in_dim3A_622 = arith.constant 6 : i32
        %broadcast_in_dim3A_623 = vector.broadcast %broadcast_in_dim3A_622 : i32 to vector<16x1xi32>
        %gather3A_624 = vector.shape_cast %broadcast_in_dim3A_623 : vector<16x1xi32> to vector<16xi32>
        %gather3A_625 = tpu.dynamic_gather %get3A_477[%gather3A_624] in [0] : vector<16xf32>, vector<16xi32> -> vector<16xf32>
        %mul3A_626 = arith.constant 16 : i32
        %mul3A_627 = arith.muli %scan3A_82, %mul3A_626 : i32
        %add3A_628 = arith.constant 6 : i32
        %add3A_629 = arith.addi %mul3A_627, %add3A_628 : i32
        %get3A_630 = arith.index_cast %add3A_629 : i32 to index
        %get3A_631 = arith.constant 0 : index
        %get3A_632 = tpu.vector_load %arg21[%get3A_630, %get3A_631] {strides = array<i32>} : memref<256x32xf32, #tpu.memory_space<vmem>>, vector<1x16xf32>,
        %get3A_633 = vector.shape_cast %get3A_632 : vector<1x16xf32> to vector<16xf32>
        %mul3A_634 = arith.constant 16 : i32
        %mul3A_635 = arith.muli %scan3A_82, %mul3A_634 : i32
        %add3A_636 = arith.constant 6 : i32
        %add3A_637 = arith.addi %mul3A_635, %add3A_636 : i32
        %get3A_638 = arith.index_cast %add3A_637 : i32 to index
        %get3A_639 = arith.constant 16 : index
        %get3A_640 = tpu.vector_load %arg21[%get3A_638, %get3A_639] {strides = array<i32>} : memref<256x32xf32, #tpu.memory_space<vmem>>, vector<1x16xf32>,
        %get3A_641 = vector.shape_cast %get3A_640 : vector<1x16xf32> to vector<16xf32>
        %mul3A_642 = arith.mulf %gather3A_625, %get3A_633 : vector<16xf32>
        %add3A_643 = arith.addf %add3A_619, %mul3A_642 : vector<16xf32>
        %mul3A_644 = arith.mulf %gather3A_625, %get3A_641 : vector<16xf32>
        %add3A_645 = arith.addf %add3A_621, %mul3A_644 : vector<16xf32>
        %broadcast_in_dim3A_646 = arith.constant 7 : i32
        %broadcast_in_dim3A_647 = vector.broadcast %broadcast_in_dim3A_646 : i32 to vector<16x1xi32>
        %gather3A_648 = vector.shape_cast %broadcast_in_dim3A_647 : vector<16x1xi32> to vector<16xi32>
        %gather3A_649 = tpu.dynamic_gather %get3A_477[%gather3A_648] in [0] : vector<16xf32>, vector<16xi32> -> vector<16xf32>
        %mul3A_650 = arith.constant 16 : i32
        %mul3A_651 = arith.muli %scan3A_82, %mul3A_650 : i32
        %add3A_652 = arith.constant 7 : i32
        %add3A_653 = arith.addi %mul3A_651, %add3A_652 : i32
        %get3A_654 = arith.index_cast %add3A_653 : i32 to index
        %get3A_655 = arith.constant 0 : index
        %get3A_656 = tpu.vector_load %arg21[%get3A_654, %get3A_655] {strides = array<i32>} : memref<256x32xf32, #tpu.memory_space<vmem>>, vector<1x16xf32>,
        %get3A_657 = vector.shape_cast %get3A_656 : vector<1x16xf32> to vector<16xf32>
        %mul3A_658 = arith.constant 16 : i32
        %mul3A_659 = arith.muli %scan3A_82, %mul3A_658 : i32
        %add3A_660 = arith.constant 7 : i32
        %add3A_661 = arith.addi %mul3A_659, %add3A_660 : i32
        %get3A_662 = arith.index_cast %add3A_661 : i32 to index
        %get3A_663 = arith.constant 16 : index
        %get3A_664 = tpu.vector_load %arg21[%get3A_662, %get3A_663] {strides = array<i32>} : memref<256x32xf32, #tpu.memory_space<vmem>>, vector<1x16xf32>,
        %get3A_665 = vector.shape_cast %get3A_664 : vector<1x16xf32> to vector<16xf32>
        %mul3A_666 = arith.mulf %gather3A_649, %get3A_657 : vector<16xf32>
        %add3A_667 = arith.addf %add3A_643, %mul3A_666 : vector<16xf32>
        %mul3A_668 = arith.mulf %gather3A_649, %get3A_665 : vector<16xf32>
        %add3A_669 = arith.addf %add3A_645, %mul3A_668 : vector<16xf32>
        %broadcast_in_dim3A_670 = arith.constant 8 : i32
        %broadcast_in_dim3A_671 = vector.broadcast %broadcast_in_dim3A_670 : i32 to vector<16x1xi32>
        %gather3A_672 = vector.shape_cast %broadcast_in_dim3A_671 : vector<16x1xi32> to vector<16xi32>
        %gather3A_673 = tpu.dynamic_gather %get3A_477[%gather3A_672] in [0] : vector<16xf32>, vector<16xi32> -> vector<16xf32>
        %mul3A_674 = arith.constant 16 : i32
        %mul3A_675 = arith.muli %scan3A_82, %mul3A_674 : i32
        %add3A_676 = arith.constant 8 : i32
        %add3A_677 = arith.addi %mul3A_675, %add3A_676 : i32
        %get3A_678 = arith.index_cast %add3A_677 : i32 to index
        %get3A_679 = arith.constant 0 : index
        %get3A_680 = tpu.vector_load %arg21[%get3A_678, %get3A_679] {strides = array<i32>} : memref<256x32xf32, #tpu.memory_space<vmem>>, vector<1x16xf32>,
        %get3A_681 = vector.shape_cast %get3A_680 : vector<1x16xf32> to vector<16xf32>
        %mul3A_682 = arith.constant 16 : i32
        %mul3A_683 = arith.muli %scan3A_82, %mul3A_682 : i32
        %add3A_684 = arith.constant 8 : i32
        %add3A_685 = arith.addi %mul3A_683, %add3A_684 : i32
        %get3A_686 = arith.index_cast %add3A_685 : i32 to index
        %get3A_687 = arith.constant 16 : index
        %get3A_688 = tpu.vector_load %arg21[%get3A_686, %get3A_687] {strides = array<i32>} : memref<256x32xf32, #tpu.memory_space<vmem>>, vector<1x16xf32>,
        %get3A_689 = vector.shape_cast %get3A_688 : vector<1x16xf32> to vector<16xf32>
        %mul3A_690 = arith.mulf %gather3A_673, %get3A_681 : vector<16xf32>
        %add3A_691 = arith.addf %add3A_667, %mul3A_690 : vector<16xf32>
        %mul3A_692 = arith.mulf %gather3A_673, %get3A_689 : vector<16xf32>
        %add3A_693 = arith.addf %add3A_669, %mul3A_692 : vector<16xf32>
        %broadcast_in_dim3A_694 = arith.constant 9 : i32
        %broadcast_in_dim3A_695 = vector.broadcast %broadcast_in_dim3A_694 : i32 to vector<16x1xi32>
        %gather3A_696 = vector.shape_cast %broadcast_in_dim3A_695 : vector<16x1xi32> to vector<16xi32>
        %gather3A_697 = tpu.dynamic_gather %get3A_477[%gather3A_696] in [0] : vector<16xf32>, vector<16xi32> -> vector<16xf32>
        %mul3A_698 = arith.constant 16 : i32
        %mul3A_699 = arith.muli %scan3A_82, %mul3A_698 : i32
        %add3A_700 = arith.constant 9 : i32
        %add3A_701 = arith.addi %mul3A_699, %add3A_700 : i32
        %get3A_702 = arith.index_cast %add3A_701 : i32 to index
        %get3A_703 = arith.constant 0 : index
        %get3A_704 = tpu.vector_load %arg21[%get3A_702, %get3A_703] {strides = array<i32>} : memref<256x32xf32, #tpu.memory_space<vmem>>, vector<1x16xf32>,
        %get3A_705 = vector.shape_cast %get3A_704 : vector<1x16xf32> to vector<16xf32>
        %mul3A_706 = arith.constant 16 : i32
        %mul3A_707 = arith.muli %scan3A_82, %mul3A_706 : i32
        %add3A_708 = arith.constant 9 : i32
        %add3A_709 = arith.addi %mul3A_707, %add3A_708 : i32
        %get3A_710 = arith.index_cast %add3A_709 : i32 to index
        %get3A_711 = arith.constant 16 : index
        %get3A_712 = tpu.vector_load %arg21[%get3A_710, %get3A_711] {strides = array<i32>} : memref<256x32xf32, #tpu.memory_space<vmem>>, vector<1x16xf32>,
        %get3A_713 = vector.shape_cast %get3A_712 : vector<1x16xf32> to vector<16xf32>
        %mul3A_714 = arith.mulf %gather3A_697, %get3A_705 : vector<16xf32>
        %add3A_715 = arith.addf %add3A_691, %mul3A_714 : vector<16xf32>
        %mul3A_716 = arith.mulf %gather3A_697, %get3A_713 : vector<16xf32>
        %add3A_717 = arith.addf %add3A_693, %mul3A_716 : vector<16xf32>
        %broadcast_in_dim3A_718 = arith.constant 10 : i32
        %broadcast_in_dim3A_719 = vector.broadcast %broadcast_in_dim3A_718 : i32 to vector<16x1xi32>
        %gather3A_720 = vector.shape_cast %broadcast_in_dim3A_719 : vector<16x1xi32> to vector<16xi32>
        %gather3A_721 = tpu.dynamic_gather %get3A_477[%gather3A_720] in [0] : vector<16xf32>, vector<16xi32> -> vector<16xf32>
        %mul3A_722 = arith.constant 16 : i32
        %mul3A_723 = arith.muli %scan3A_82, %mul3A_722 : i32
        %add3A_724 = arith.constant 10 : i32
        %add3A_725 = arith.addi %mul3A_723, %add3A_724 : i32
        %get3A_726 = arith.index_cast %add3A_725 : i32 to index
        %get3A_727 = arith.constant 0 : index
        %get3A_728 = tpu.vector_load %arg21[%get3A_726, %get3A_727] {strides = array<i32>} : memref<256x32xf32, #tpu.memory_space<vmem>>, vector<1x16xf32>,
        %get3A_729 = vector.shape_cast %get3A_728 : vector<1x16xf32> to vector<16xf32>
        %mul3A_730 = arith.constant 16 : i32
        %mul3A_731 = arith.muli %scan3A_82, %mul3A_730 : i32
        %add3A_732 = arith.constant 10 : i32
        %add3A_733 = arith.addi %mul3A_731, %add3A_732 : i32
        %get3A_734 = arith.index_cast %add3A_733 : i32 to index
        %get3A_735 = arith.constant 16 : index
        %get3A_736 = tpu.vector_load %arg21[%get3A_734, %get3A_735] {strides = array<i32>} : memref<256x32xf32, #tpu.memory_space<vmem>>, vector<1x16xf32>,
        %get3A_737 = vector.shape_cast %get3A_736 : vector<1x16xf32> to vector<16xf32>
        %mul3A_738 = arith.mulf %gather3A_721, %get3A_729 : vector<16xf32>
        %add3A_739 = arith.addf %add3A_715, %mul3A_738 : vector<16xf32>
        %mul3A_740 = arith.mulf %gather3A_721, %get3A_737 : vector<16xf32>
        %add3A_741 = arith.addf %add3A_717, %mul3A_740 : vector<16xf32>
        %broadcast_in_dim3A_742 = arith.constant 11 : i32
        %broadcast_in_dim3A_743 = vector.broadcast %broadcast_in_dim3A_742 : i32 to vector<16x1xi32>
        %gather3A_744 = vector.shape_cast %broadcast_in_dim3A_743 : vector<16x1xi32> to vector<16xi32>
        %gather3A_745 = tpu.dynamic_gather %get3A_477[%gather3A_744] in [0] : vector<16xf32>, vector<16xi32> -> vector<16xf32>
        %mul3A_746 = arith.constant 16 : i32
        %mul3A_747 = arith.muli %scan3A_82, %mul3A_746 : i32
        %add3A_748 = arith.constant 11 : i32
        %add3A_749 = arith.addi %mul3A_747, %add3A_748 : i32
        %get3A_750 = arith.index_cast %add3A_749 : i32 to index
        %get3A_751 = arith.constant 0 : index
        %get3A_752 = tpu.vector_load %arg21[%get3A_750, %get3A_751] {strides = array<i32>} : memref<256x32xf32, #tpu.memory_space<vmem>>, vector<1x16xf32>,
        %get3A_753 = vector.shape_cast %get3A_752 : vector<1x16xf32> to vector<16xf32>
        %mul3A_754 = arith.constant 16 : i32
        %mul3A_755 = arith.muli %scan3A_82, %mul3A_754 : i32
        %add3A_756 = arith.constant 11 : i32
        %add3A_757 = arith.addi %mul3A_755, %add3A_756 : i32
        %get3A_758 = arith.index_cast %add3A_757 : i32 to index
        %get3A_759 = arith.constant 16 : index
        %get3A_760 = tpu.vector_load %arg21[%get3A_758, %get3A_759] {strides = array<i32>} : memref<256x32xf32, #tpu.memory_space<vmem>>, vector<1x16xf32>,
        %get3A_761 = vector.shape_cast %get3A_760 : vector<1x16xf32> to vector<16xf32>
        %mul3A_762 = arith.mulf %gather3A_745, %get3A_753 : vector<16xf32>
        %add3A_763 = arith.addf %add3A_739, %mul3A_762 : vector<16xf32>
        %mul3A_764 = arith.mulf %gather3A_745, %get3A_761 : vector<16xf32>
        %add3A_765 = arith.addf %add3A_741, %mul3A_764 : vector<16xf32>
        %broadcast_in_dim3A_766 = arith.constant 12 : i32
        %broadcast_in_dim3A_767 = vector.broadcast %broadcast_in_dim3A_766 : i32 to vector<16x1xi32>
        %gather3A_768 = vector.shape_cast %broadcast_in_dim3A_767 : vector<16x1xi32> to vector<16xi32>
        %gather3A_769 = tpu.dynamic_gather %get3A_477[%gather3A_768] in [0] : vector<16xf32>, vector<16xi32> -> vector<16xf32>
        %mul3A_770 = arith.constant 16 : i32
        %mul3A_771 = arith.muli %scan3A_82, %mul3A_770 : i32
        %add3A_772 = arith.constant 12 : i32
        %add3A_773 = arith.addi %mul3A_771, %add3A_772 : i32
        %get3A_774 = arith.index_cast %add3A_773 : i32 to index
        %get3A_775 = arith.constant 0 : index
        %get3A_776 = tpu.vector_load %arg21[%get3A_774, %get3A_775] {strides = array<i32>} : memref<256x32xf32, #tpu.memory_space<vmem>>, vector<1x16xf32>,
        %get3A_777 = vector.shape_cast %get3A_776 : vector<1x16xf32> to vector<16xf32>
        %mul3A_778 = arith.constant 16 : i32
        %mul3A_779 = arith.muli %scan3A_82, %mul3A_778 : i32
        %add3A_780 = arith.constant 12 : i32
        %add3A_781 = arith.addi %mul3A_779, %add3A_780 : i32
        %get3A_782 = arith.index_cast %add3A_781 : i32 to index
        %get3A_783 = arith.constant 16 : index
        %get3A_784 = tpu.vector_load %arg21[%get3A_782, %get3A_783] {strides = array<i32>} : memref<256x32xf32, #tpu.memory_space<vmem>>, vector<1x16xf32>,
        %get3A_785 = vector.shape_cast %get3A_784 : vector<1x16xf32> to vector<16xf32>
        %mul3A_786 = arith.mulf %gather3A_769, %get3A_777 : vector<16xf32>
        %add3A_787 = arith.addf %add3A_763, %mul3A_786 : vector<16xf32>
        %mul3A_788 = arith.mulf %gather3A_769, %get3A_785 : vector<16xf32>
        %add3A_789 = arith.addf %add3A_765, %mul3A_788 : vector<16xf32>
        %broadcast_in_dim3A_790 = arith.constant 13 : i32
        %broadcast_in_dim3A_791 = vector.broadcast %broadcast_in_dim3A_790 : i32 to vector<16x1xi32>
        %gather3A_792 = vector.shape_cast %broadcast_in_dim3A_791 : vector<16x1xi32> to vector<16xi32>
        %gather3A_793 = tpu.dynamic_gather %get3A_477[%gather3A_792] in [0] : vector<16xf32>, vector<16xi32> -> vector<16xf32>
        %mul3A_794 = arith.constant 16 : i32
        %mul3A_795 = arith.muli %scan3A_82, %mul3A_794 : i32
        %add3A_796 = arith.constant 13 : i32
        %add3A_797 = arith.addi %mul3A_795, %add3A_796 : i32
        %get3A_798 = arith.index_cast %add3A_797 : i32 to index
        %get3A_799 = arith.constant 0 : index
        %get3A_800 = tpu.vector_load %arg21[%get3A_798, %get3A_799] {strides = array<i32>} : memref<256x32xf32, #tpu.memory_space<vmem>>, vector<1x16xf32>,
        %get3A_801 = vector.shape_cast %get3A_800 : vector<1x16xf32> to vector<16xf32>
        %mul3A_802 = arith.constant 16 : i32
        %mul3A_803 = arith.muli %scan3A_82, %mul3A_802 : i32
        %add3A_804 = arith.constant 13 : i32
        %add3A_805 = arith.addi %mul3A_803, %add3A_804 : i32
        %get3A_806 = arith.index_cast %add3A_805 : i32 to index
        %get3A_807 = arith.constant 16 : index
        %get3A_808 = tpu.vector_load %arg21[%get3A_806, %get3A_807] {strides = array<i32>} : memref<256x32xf32, #tpu.memory_space<vmem>>, vector<1x16xf32>,
        %get3A_809 = vector.shape_cast %get3A_808 : vector<1x16xf32> to vector<16xf32>
        %mul3A_810 = arith.mulf %gather3A_793, %get3A_801 : vector<16xf32>
        %add3A_811 = arith.addf %add3A_787, %mul3A_810 : vector<16xf32>
        %mul3A_812 = arith.mulf %gather3A_793, %get3A_809 : vector<16xf32>
        %add3A_813 = arith.addf %add3A_789, %mul3A_812 : vector<16xf32>
        %broadcast_in_dim3A_814 = arith.constant 14 : i32
        %broadcast_in_dim3A_815 = vector.broadcast %broadcast_in_dim3A_814 : i32 to vector<16x1xi32>
        %gather3A_816 = vector.shape_cast %broadcast_in_dim3A_815 : vector<16x1xi32> to vector<16xi32>
        %gather3A_817 = tpu.dynamic_gather %get3A_477[%gather3A_816] in [0] : vector<16xf32>, vector<16xi32> -> vector<16xf32>
        %mul3A_818 = arith.constant 16 : i32
        %mul3A_819 = arith.muli %scan3A_82, %mul3A_818 : i32
        %add3A_820 = arith.constant 14 : i32
        %add3A_821 = arith.addi %mul3A_819, %add3A_820 : i32
        %get3A_822 = arith.index_cast %add3A_821 : i32 to index
        %get3A_823 = arith.constant 0 : index
        %get3A_824 = tpu.vector_load %arg21[%get3A_822, %get3A_823] {strides = array<i32>} : memref<256x32xf32, #tpu.memory_space<vmem>>, vector<1x16xf32>,
        %get3A_825 = vector.shape_cast %get3A_824 : vector<1x16xf32> to vector<16xf32>
        %mul3A_826 = arith.constant 16 : i32
        %mul3A_827 = arith.muli %scan3A_82, %mul3A_826 : i32
        %add3A_828 = arith.constant 14 : i32
        %add3A_829 = arith.addi %mul3A_827, %add3A_828 : i32
        %get3A_830 = arith.index_cast %add3A_829 : i32 to index
        %get3A_831 = arith.constant 16 : index
        %get3A_832 = tpu.vector_load %arg21[%get3A_830, %get3A_831] {strides = array<i32>} : memref<256x32xf32, #tpu.memory_space<vmem>>, vector<1x16xf32>,
        %get3A_833 = vector.shape_cast %get3A_832 : vector<1x16xf32> to vector<16xf32>
        %mul3A_834 = arith.mulf %gather3A_817, %get3A_825 : vector<16xf32>
        %add3A_835 = arith.addf %add3A_811, %mul3A_834 : vector<16xf32>
        %mul3A_836 = arith.mulf %gather3A_817, %get3A_833 : vector<16xf32>
        %add3A_837 = arith.addf %add3A_813, %mul3A_836 : vector<16xf32>
        %broadcast_in_dim3A_838 = arith.constant 15 : i32
        %broadcast_in_dim3A_839 = vector.broadcast %broadcast_in_dim3A_838 : i32 to vector<16x1xi32>
        %gather3A_840 = vector.shape_cast %broadcast_in_dim3A_839 : vector<16x1xi32> to vector<16xi32>
        %gather3A_841 = tpu.dynamic_gather %get3A_477[%gather3A_840] in [0] : vector<16xf32>, vector<16xi32> -> vector<16xf32>
        %mul3A_842 = arith.constant 16 : i32
        %mul3A_843 = arith.muli %scan3A_82, %mul3A_842 : i32
        %add3A_844 = arith.constant 15 : i32
        %add3A_845 = arith.addi %mul3A_843, %add3A_844 : i32
        %get3A_846 = arith.index_cast %add3A_845 : i32 to index
        %get3A_847 = arith.constant 0 : index
        %get3A_848 = tpu.vector_load %arg21[%get3A_846, %get3A_847] {strides = array<i32>} : memref<256x32xf32, #tpu.memory_space<vmem>>, vector<1x16xf32>,
        %get3A_849 = vector.shape_cast %get3A_848 : vector<1x16xf32> to vector<16xf32>
        %mul3A_850 = arith.constant 16 : i32
        %mul3A_851 = arith.muli %scan3A_82, %mul3A_850 : i32
        %add3A_852 = arith.constant 15 : i32
        %add3A_853 = arith.addi %mul3A_851, %add3A_852 : i32
        %get3A_854 = arith.index_cast %add3A_853 : i32 to index
        %get3A_855 = arith.constant 16 : index
        %get3A_856 = tpu.vector_load %arg21[%get3A_854, %get3A_855] {strides = array<i32>} : memref<256x32xf32, #tpu.memory_space<vmem>>, vector<1x16xf32>,
        %get3A_857 = vector.shape_cast %get3A_856 : vector<1x16xf32> to vector<16xf32>
        %mul3A_858 = arith.mulf %gather3A_841, %get3A_849 : vector<16xf32>
        %add3A_859 = arith.addf %add3A_835, %mul3A_858 : vector<16xf32>
        %mul3A_860 = arith.mulf %gather3A_841, %get3A_857 : vector<16xf32>
        %add3A_861 = arith.addf %add3A_837, %mul3A_860 : vector<16xf32>
        %mul3A_862 = arith.constant 16 : i32
        %mul3A_863 = arith.muli %scan3A_82, %mul3A_862 : i32
        %get3A_864 = arith.index_cast %mul3A_863 : i32 to index
        %get3A_865 = tpu.vector_load %arg18[%get3A_864] {strides = array<i32>} : memref<256xf32, #tpu.memory_space<vmem>>, vector<16xf32>,
        %get3A_866 = vector.shape_cast %get3A_865 : vector<16xf32> to vector<16xf32>
        %broadcast_in_dim3A_867 = arith.constant 0 : i32
        %broadcast_in_dim3A_868 = vector.broadcast %broadcast_in_dim3A_867 : i32 to vector<16x1xi32>
        %gather3A_869 = vector.shape_cast %broadcast_in_dim3A_868 : vector<16x1xi32> to vector<16xi32>
        %gather3A_870 = tpu.dynamic_gather %get3A_866[%gather3A_869] in [0] : vector<16xf32>, vector<16xi32> -> vector<16xf32>
        %mul3A_871 = arith.constant 16 : i32
        %mul3A_872 = arith.muli %scan3A_82, %mul3A_871 : i32
        %add3A_873 = arith.constant 0 : i32
        %add3A_874 = arith.addi %mul3A_872, %add3A_873 : i32
        %get3A_875 = arith.index_cast %add3A_874 : i32 to index
        %get3A_876 = arith.constant 0 : index
        %get3A_877 = tpu.vector_load %arg22[%get3A_875, %get3A_876] {strides = array<i32>} : memref<256x32xf32, #tpu.memory_space<vmem>>, vector<1x16xf32>,
        %get3A_878 = vector.shape_cast %get3A_877 : vector<1x16xf32> to vector<16xf32>
        %mul3A_879 = arith.constant 16 : i32
        %mul3A_880 = arith.muli %scan3A_82, %mul3A_879 : i32
        %add3A_881 = arith.constant 0 : i32
        %add3A_882 = arith.addi %mul3A_880, %add3A_881 : i32
        %get3A_883 = arith.index_cast %add3A_882 : i32 to index
        %get3A_884 = arith.constant 16 : index
        %get3A_885 = tpu.vector_load %arg22[%get3A_883, %get3A_884] {strides = array<i32>} : memref<256x32xf32, #tpu.memory_space<vmem>>, vector<1x16xf32>,
        %get3A_886 = vector.shape_cast %get3A_885 : vector<1x16xf32> to vector<16xf32>
        %mul3A_887 = arith.mulf %gather3A_870, %get3A_878 : vector<16xf32>
        %add3A_888 = arith.addf %add3A_859, %mul3A_887 : vector<16xf32>
        %mul3A_889 = arith.mulf %gather3A_870, %get3A_886 : vector<16xf32>
        %add3A_890 = arith.addf %add3A_861, %mul3A_889 : vector<16xf32>
        %broadcast_in_dim3A_891 = arith.constant 1 : i32
        %broadcast_in_dim3A_892 = vector.broadcast %broadcast_in_dim3A_891 : i32 to vector<16x1xi32>
        %gather3A_893 = vector.shape_cast %broadcast_in_dim3A_892 : vector<16x1xi32> to vector<16xi32>
        %gather3A_894 = tpu.dynamic_gather %get3A_866[%gather3A_893] in [0] : vector<16xf32>, vector<16xi32> -> vector<16xf32>
        %mul3A_895 = arith.constant 16 : i32
        %mul3A_896 = arith.muli %scan3A_82, %mul3A_895 : i32
        %add3A_897 = arith.constant 1 : i32
        %add3A_898 = arith.addi %mul3A_896, %add3A_897 : i32
        %get3A_899 = arith.index_cast %add3A_898 : i32 to index
        %get3A_900 = arith.constant 0 : index
        %get3A_901 = tpu.vector_load %arg22[%get3A_899, %get3A_900] {strides = array<i32>} : memref<256x32xf32, #tpu.memory_space<vmem>>, vector<1x16xf32>,
        %get3A_902 = vector.shape_cast %get3A_901 : vector<1x16xf32> to vector<16xf32>
        %mul3A_903 = arith.constant 16 : i32
        %mul3A_904 = arith.muli %scan3A_82, %mul3A_903 : i32
        %add3A_905 = arith.constant 1 : i32
        %add3A_906 = arith.addi %mul3A_904, %add3A_905 : i32
        %get3A_907 = arith.index_cast %add3A_906 : i32 to index
        %get3A_908 = arith.constant 16 : index
        %get3A_909 = tpu.vector_load %arg22[%get3A_907, %get3A_908] {strides = array<i32>} : memref<256x32xf32, #tpu.memory_space<vmem>>, vector<1x16xf32>,
        %get3A_910 = vector.shape_cast %get3A_909 : vector<1x16xf32> to vector<16xf32>
        %mul3A_911 = arith.mulf %gather3A_894, %get3A_902 : vector<16xf32>
        %add3A_912 = arith.addf %add3A_888, %mul3A_911 : vector<16xf32>
        %mul3A_913 = arith.mulf %gather3A_894, %get3A_910 : vector<16xf32>
        %add3A_914 = arith.addf %add3A_890, %mul3A_913 : vector<16xf32>
        %broadcast_in_dim3A_915 = arith.constant 2 : i32
        %broadcast_in_dim3A_916 = vector.broadcast %broadcast_in_dim3A_915 : i32 to vector<16x1xi32>
        %gather3A_917 = vector.shape_cast %broadcast_in_dim3A_916 : vector<16x1xi32> to vector<16xi32>
        %gather3A_918 = tpu.dynamic_gather %get3A_866[%gather3A_917] in [0] : vector<16xf32>, vector<16xi32> -> vector<16xf32>
        %mul3A_919 = arith.constant 16 : i32
        %mul3A_920 = arith.muli %scan3A_82, %mul3A_919 : i32
        %add3A_921 = arith.constant 2 : i32
        %add3A_922 = arith.addi %mul3A_920, %add3A_921 : i32
        %get3A_923 = arith.index_cast %add3A_922 : i32 to index
        %get3A_924 = arith.constant 0 : index
        %get3A_925 = tpu.vector_load %arg22[%get3A_923, %get3A_924] {strides = array<i32>} : memref<256x32xf32, #tpu.memory_space<vmem>>, vector<1x16xf32>,
        %get3A_926 = vector.shape_cast %get3A_925 : vector<1x16xf32> to vector<16xf32>
        %mul3A_927 = arith.constant 16 : i32
        %mul3A_928 = arith.muli %scan3A_82, %mul3A_927 : i32
        %add3A_929 = arith.constant 2 : i32
        %add3A_930 = arith.addi %mul3A_928, %add3A_929 : i32
        %get3A_931 = arith.index_cast %add3A_930 : i32 to index
        %get3A_932 = arith.constant 16 : index
        %get3A_933 = tpu.vector_load %arg22[%get3A_931, %get3A_932] {strides = array<i32>} : memref<256x32xf32, #tpu.memory_space<vmem>>, vector<1x16xf32>,
        %get3A_934 = vector.shape_cast %get3A_933 : vector<1x16xf32> to vector<16xf32>
        %mul3A_935 = arith.mulf %gather3A_918, %get3A_926 : vector<16xf32>
        %add3A_936 = arith.addf %add3A_912, %mul3A_935 : vector<16xf32>
        %mul3A_937 = arith.mulf %gather3A_918, %get3A_934 : vector<16xf32>
        %add3A_938 = arith.addf %add3A_914, %mul3A_937 : vector<16xf32>
        %broadcast_in_dim3A_939 = arith.constant 3 : i32
        %broadcast_in_dim3A_940 = vector.broadcast %broadcast_in_dim3A_939 : i32 to vector<16x1xi32>
        %gather3A_941 = vector.shape_cast %broadcast_in_dim3A_940 : vector<16x1xi32> to vector<16xi32>
        %gather3A_942 = tpu.dynamic_gather %get3A_866[%gather3A_941] in [0] : vector<16xf32>, vector<16xi32> -> vector<16xf32>
        %mul3A_943 = arith.constant 16 : i32
        %mul3A_944 = arith.muli %scan3A_82, %mul3A_943 : i32
        %add3A_945 = arith.constant 3 : i32
        %add3A_946 = arith.addi %mul3A_944, %add3A_945 : i32
        %get3A_947 = arith.index_cast %add3A_946 : i32 to index
        %get3A_948 = arith.constant 0 : index
        %get3A_949 = tpu.vector_load %arg22[%get3A_947, %get3A_948] {strides = array<i32>} : memref<256x32xf32, #tpu.memory_space<vmem>>, vector<1x16xf32>,
        %get3A_950 = vector.shape_cast %get3A_949 : vector<1x16xf32> to vector<16xf32>
        %mul3A_951 = arith.constant 16 : i32
        %mul3A_952 = arith.muli %scan3A_82, %mul3A_951 : i32
        %add3A_953 = arith.constant 3 : i32
        %add3A_954 = arith.addi %mul3A_952, %add3A_953 : i32
        %get3A_955 = arith.index_cast %add3A_954 : i32 to index
        %get3A_956 = arith.constant 16 : index
        %get3A_957 = tpu.vector_load %arg22[%get3A_955, %get3A_956] {strides = array<i32>} : memref<256x32xf32, #tpu.memory_space<vmem>>, vector<1x16xf32>,
        %get3A_958 = vector.shape_cast %get3A_957 : vector<1x16xf32> to vector<16xf32>
        %mul3A_959 = arith.mulf %gather3A_942, %get3A_950 : vector<16xf32>
        %add3A_960 = arith.addf %add3A_936, %mul3A_959 : vector<16xf32>
        %mul3A_961 = arith.mulf %gather3A_942, %get3A_958 : vector<16xf32>
        %add3A_962 = arith.addf %add3A_938, %mul3A_961 : vector<16xf32>
        %broadcast_in_dim3A_963 = arith.constant 4 : i32
        %broadcast_in_dim3A_964 = vector.broadcast %broadcast_in_dim3A_963 : i32 to vector<16x1xi32>
        %gather3A_965 = vector.shape_cast %broadcast_in_dim3A_964 : vector<16x1xi32> to vector<16xi32>
        %gather3A_966 = tpu.dynamic_gather %get3A_866[%gather3A_965] in [0] : vector<16xf32>, vector<16xi32> -> vector<16xf32>
        %mul3A_967 = arith.constant 16 : i32
        %mul3A_968 = arith.muli %scan3A_82, %mul3A_967 : i32
        %add3A_969 = arith.constant 4 : i32
        %add3A_970 = arith.addi %mul3A_968, %add3A_969 : i32
        %get3A_971 = arith.index_cast %add3A_970 : i32 to index
        %get3A_972 = arith.constant 0 : index
        %get3A_973 = tpu.vector_load %arg22[%get3A_971, %get3A_972] {strides = array<i32>} : memref<256x32xf32, #tpu.memory_space<vmem>>, vector<1x16xf32>,
        %get3A_974 = vector.shape_cast %get3A_973 : vector<1x16xf32> to vector<16xf32>
        %mul3A_975 = arith.constant 16 : i32
        %mul3A_976 = arith.muli %scan3A_82, %mul3A_975 : i32
        %add3A_977 = arith.constant 4 : i32
        %add3A_978 = arith.addi %mul3A_976, %add3A_977 : i32
        %get3A_979 = arith.index_cast %add3A_978 : i32 to index
        %get3A_980 = arith.constant 16 : index
        %get3A_981 = tpu.vector_load %arg22[%get3A_979, %get3A_980] {strides = array<i32>} : memref<256x32xf32, #tpu.memory_space<vmem>>, vector<1x16xf32>,
        %get3A_982 = vector.shape_cast %get3A_981 : vector<1x16xf32> to vector<16xf32>
        %mul3A_983 = arith.mulf %gather3A_966, %get3A_974 : vector<16xf32>
        %add3A_984 = arith.addf %add3A_960, %mul3A_983 : vector<16xf32>
        %mul3A_985 = arith.mulf %gather3A_966, %get3A_982 : vector<16xf32>
        %add3A_986 = arith.addf %add3A_962, %mul3A_985 : vector<16xf32>
        %broadcast_in_dim3A_987 = arith.constant 5 : i32
        %broadcast_in_dim3A_988 = vector.broadcast %broadcast_in_dim3A_987 : i32 to vector<16x1xi32>
        %gather3A_989 = vector.shape_cast %broadcast_in_dim3A_988 : vector<16x1xi32> to vector<16xi32>
        %gather3A_990 = tpu.dynamic_gather %get3A_866[%gather3A_989] in [0] : vector<16xf32>, vector<16xi32> -> vector<16xf32>
        %mul3A_991 = arith.constant 16 : i32
        %mul3A_992 = arith.muli %scan3A_82, %mul3A_991 : i32
        %add3A_993 = arith.constant 5 : i32
        %add3A_994 = arith.addi %mul3A_992, %add3A_993 : i32
        %get3A_995 = arith.index_cast %add3A_994 : i32 to index
        %get3A_996 = arith.constant 0 : index
        %get3A_997 = tpu.vector_load %arg22[%get3A_995, %get3A_996] {strides = array<i32>} : memref<256x32xf32, #tpu.memory_space<vmem>>, vector<1x16xf32>,
        %get3A_998 = vector.shape_cast %get3A_997 : vector<1x16xf32> to vector<16xf32>
        %mul3A_999 = arith.constant 16 : i32
        %mul3A_1000 = arith.muli %scan3A_82, %mul3A_999 : i32
        %add3A_1001 = arith.constant 5 : i32
        %add3A_1002 = arith.addi %mul3A_1000, %add3A_1001 : i32
        %get3A_1003 = arith.index_cast %add3A_1002 : i32 to index
        %get3A_1004 = arith.constant 16 : index
        %get3A_1005 = tpu.vector_load %arg22[%get3A_1003, %get3A_1004] {strides = array<i32>} : memref<256x32xf32, #tpu.memory_space<vmem>>, vector<1x16xf32>,
        %get3A_1006 = vector.shape_cast %get3A_1005 : vector<1x16xf32> to vector<16xf32>
        %mul3A_1007 = arith.mulf %gather3A_990, %get3A_998 : vector<16xf32>
        %add3A_1008 = arith.addf %add3A_984, %mul3A_1007 : vector<16xf32>
        %mul3A_1009 = arith.mulf %gather3A_990, %get3A_1006 : vector<16xf32>
        %add3A_1010 = arith.addf %add3A_986, %mul3A_1009 : vector<16xf32>
        %broadcast_in_dim3A_1011 = arith.constant 6 : i32
        %broadcast_in_dim3A_1012 = vector.broadcast %broadcast_in_dim3A_1011 : i32 to vector<16x1xi32>
        %gather3A_1013 = vector.shape_cast %broadcast_in_dim3A_1012 : vector<16x1xi32> to vector<16xi32>
        %gather3A_1014 = tpu.dynamic_gather %get3A_866[%gather3A_1013] in [0] : vector<16xf32>, vector<16xi32> -> vector<16xf32>
        %mul3A_1015 = arith.constant 16 : i32
        %mul3A_1016 = arith.muli %scan3A_82, %mul3A_1015 : i32
        %add3A_1017 = arith.constant 6 : i32
        %add3A_1018 = arith.addi %mul3A_1016, %add3A_1017 : i32
        %get3A_1019 = arith.index_cast %add3A_1018 : i32 to index
        %get3A_1020 = arith.constant 0 : index
        %get3A_1021 = tpu.vector_load %arg22[%get3A_1019, %get3A_1020] {strides = array<i32>} : memref<256x32xf32, #tpu.memory_space<vmem>>, vector<1x16xf32>,
        %get3A_1022 = vector.shape_cast %get3A_1021 : vector<1x16xf32> to vector<16xf32>
        %mul3A_1023 = arith.constant 16 : i32
        %mul3A_1024 = arith.muli %scan3A_82, %mul3A_1023 : i32
        %add3A_1025 = arith.constant 6 : i32
        %add3A_1026 = arith.addi %mul3A_1024, %add3A_1025 : i32
        %get3A_1027 = arith.index_cast %add3A_1026 : i32 to index
        %get3A_1028 = arith.constant 16 : index
        %get3A_1029 = tpu.vector_load %arg22[%get3A_1027, %get3A_1028] {strides = array<i32>} : memref<256x32xf32, #tpu.memory_space<vmem>>, vector<1x16xf32>,
        %get3A_1030 = vector.shape_cast %get3A_1029 : vector<1x16xf32> to vector<16xf32>
        %mul3A_1031 = arith.mulf %gather3A_1014, %get3A_1022 : vector<16xf32>
        %add3A_1032 = arith.addf %add3A_1008, %mul3A_1031 : vector<16xf32>
        %mul3A_1033 = arith.mulf %gather3A_1014, %get3A_1030 : vector<16xf32>
        %add3A_1034 = arith.addf %add3A_1010, %mul3A_1033 : vector<16xf32>
        %broadcast_in_dim3A_1035 = arith.constant 7 : i32
        %broadcast_in_dim3A_1036 = vector.broadcast %broadcast_in_dim3A_1035 : i32 to vector<16x1xi32>
        %gather3A_1037 = vector.shape_cast %broadcast_in_dim3A_1036 : vector<16x1xi32> to vector<16xi32>
        %gather3A_1038 = tpu.dynamic_gather %get3A_866[%gather3A_1037] in [0] : vector<16xf32>, vector<16xi32> -> vector<16xf32>
        %mul3A_1039 = arith.constant 16 : i32
        %mul3A_1040 = arith.muli %scan3A_82, %mul3A_1039 : i32
        %add3A_1041 = arith.constant 7 : i32
        %add3A_1042 = arith.addi %mul3A_1040, %add3A_1041 : i32
        %get3A_1043 = arith.index_cast %add3A_1042 : i32 to index
        %get3A_1044 = arith.constant 0 : index
        %get3A_1045 = tpu.vector_load %arg22[%get3A_1043, %get3A_1044] {strides = array<i32>} : memref<256x32xf32, #tpu.memory_space<vmem>>, vector<1x16xf32>,
        %get3A_1046 = vector.shape_cast %get3A_1045 : vector<1x16xf32> to vector<16xf32>
        %mul3A_1047 = arith.constant 16 : i32
        %mul3A_1048 = arith.muli %scan3A_82, %mul3A_1047 : i32
        %add3A_1049 = arith.constant 7 : i32
        %add3A_1050 = arith.addi %mul3A_1048, %add3A_1049 : i32
        %get3A_1051 = arith.index_cast %add3A_1050 : i32 to index
        %get3A_1052 = arith.constant 16 : index
        %get3A_1053 = tpu.vector_load %arg22[%get3A_1051, %get3A_1052] {strides = array<i32>} : memref<256x32xf32, #tpu.memory_space<vmem>>, vector<1x16xf32>,
        %get3A_1054 = vector.shape_cast %get3A_1053 : vector<1x16xf32> to vector<16xf32>
        %mul3A_1055 = arith.mulf %gather3A_1038, %get3A_1046 : vector<16xf32>
        %add3A_1056 = arith.addf %add3A_1032, %mul3A_1055 : vector<16xf32>
        %mul3A_1057 = arith.mulf %gather3A_1038, %get3A_1054 : vector<16xf32>
        %add3A_1058 = arith.addf %add3A_1034, %mul3A_1057 : vector<16xf32>
        %broadcast_in_dim3A_1059 = arith.constant 8 : i32
        %broadcast_in_dim3A_1060 = vector.broadcast %broadcast_in_dim3A_1059 : i32 to vector<16x1xi32>
        %gather3A_1061 = vector.shape_cast %broadcast_in_dim3A_1060 : vector<16x1xi32> to vector<16xi32>
        %gather3A_1062 = tpu.dynamic_gather %get3A_866[%gather3A_1061] in [0] : vector<16xf32>, vector<16xi32> -> vector<16xf32>
        %mul3A_1063 = arith.constant 16 : i32
        %mul3A_1064 = arith.muli %scan3A_82, %mul3A_1063 : i32
        %add3A_1065 = arith.constant 8 : i32
        %add3A_1066 = arith.addi %mul3A_1064, %add3A_1065 : i32
        %get3A_1067 = arith.index_cast %add3A_1066 : i32 to index
        %get3A_1068 = arith.constant 0 : index
        %get3A_1069 = tpu.vector_load %arg22[%get3A_1067, %get3A_1068] {strides = array<i32>} : memref<256x32xf32, #tpu.memory_space<vmem>>, vector<1x16xf32>,
        %get3A_1070 = vector.shape_cast %get3A_1069 : vector<1x16xf32> to vector<16xf32>
        %mul3A_1071 = arith.constant 16 : i32
        %mul3A_1072 = arith.muli %scan3A_82, %mul3A_1071 : i32
        %add3A_1073 = arith.constant 8 : i32
        %add3A_1074 = arith.addi %mul3A_1072, %add3A_1073 : i32
        %get3A_1075 = arith.index_cast %add3A_1074 : i32 to index
        %get3A_1076 = arith.constant 16 : index
        %get3A_1077 = tpu.vector_load %arg22[%get3A_1075, %get3A_1076] {strides = array<i32>} : memref<256x32xf32, #tpu.memory_space<vmem>>, vector<1x16xf32>,
        %get3A_1078 = vector.shape_cast %get3A_1077 : vector<1x16xf32> to vector<16xf32>
        %mul3A_1079 = arith.mulf %gather3A_1062, %get3A_1070 : vector<16xf32>
        %add3A_1080 = arith.addf %add3A_1056, %mul3A_1079 : vector<16xf32>
        %mul3A_1081 = arith.mulf %gather3A_1062, %get3A_1078 : vector<16xf32>
        %add3A_1082 = arith.addf %add3A_1058, %mul3A_1081 : vector<16xf32>
        %broadcast_in_dim3A_1083 = arith.constant 9 : i32
        %broadcast_in_dim3A_1084 = vector.broadcast %broadcast_in_dim3A_1083 : i32 to vector<16x1xi32>
        %gather3A_1085 = vector.shape_cast %broadcast_in_dim3A_1084 : vector<16x1xi32> to vector<16xi32>
        %gather3A_1086 = tpu.dynamic_gather %get3A_866[%gather3A_1085] in [0] : vector<16xf32>, vector<16xi32> -> vector<16xf32>
        %mul3A_1087 = arith.constant 16 : i32
        %mul3A_1088 = arith.muli %scan3A_82, %mul3A_1087 : i32
        %add3A_1089 = arith.constant 9 : i32
        %add3A_1090 = arith.addi %mul3A_1088, %add3A_1089 : i32
        %get3A_1091 = arith.index_cast %add3A_1090 : i32 to index
        %get3A_1092 = arith.constant 0 : index
        %get3A_1093 = tpu.vector_load %arg22[%get3A_1091, %get3A_1092] {strides = array<i32>} : memref<256x32xf32, #tpu.memory_space<vmem>>, vector<1x16xf32>,
        %get3A_1094 = vector.shape_cast %get3A_1093 : vector<1x16xf32> to vector<16xf32>
        %mul3A_1095 = arith.constant 16 : i32
        %mul3A_1096 = arith.muli %scan3A_82, %mul3A_1095 : i32
        %add3A_1097 = arith.constant 9 : i32
        %add3A_1098 = arith.addi %mul3A_1096, %add3A_1097 : i32
        %get3A_1099 = arith.index_cast %add3A_1098 : i32 to index
        %get3A_1100 = arith.constant 16 : index
        %get3A_1101 = tpu.vector_load %arg22[%get3A_1099, %get3A_1100] {strides = array<i32>} : memref<256x32xf32, #tpu.memory_space<vmem>>, vector<1x16xf32>,
        %get3A_1102 = vector.shape_cast %get3A_1101 : vector<1x16xf32> to vector<16xf32>
        %mul3A_1103 = arith.mulf %gather3A_1086, %get3A_1094 : vector<16xf32>
        %add3A_1104 = arith.addf %add3A_1080, %mul3A_1103 : vector<16xf32>
        %mul3A_1105 = arith.mulf %gather3A_1086, %get3A_1102 : vector<16xf32>
        %add3A_1106 = arith.addf %add3A_1082, %mul3A_1105 : vector<16xf32>
        %broadcast_in_dim3A_1107 = arith.constant 10 : i32
        %broadcast_in_dim3A_1108 = vector.broadcast %broadcast_in_dim3A_1107 : i32 to vector<16x1xi32>
        %gather3A_1109 = vector.shape_cast %broadcast_in_dim3A_1108 : vector<16x1xi32> to vector<16xi32>
        %gather3A_1110 = tpu.dynamic_gather %get3A_866[%gather3A_1109] in [0] : vector<16xf32>, vector<16xi32> -> vector<16xf32>
        %mul3A_1111 = arith.constant 16 : i32
        %mul3A_1112 = arith.muli %scan3A_82, %mul3A_1111 : i32
        %add3A_1113 = arith.constant 10 : i32
        %add3A_1114 = arith.addi %mul3A_1112, %add3A_1113 : i32
        %get3A_1115 = arith.index_cast %add3A_1114 : i32 to index
        %get3A_1116 = arith.constant 0 : index
        %get3A_1117 = tpu.vector_load %arg22[%get3A_1115, %get3A_1116] {strides = array<i32>} : memref<256x32xf32, #tpu.memory_space<vmem>>, vector<1x16xf32>,
        %get3A_1118 = vector.shape_cast %get3A_1117 : vector<1x16xf32> to vector<16xf32>
        %mul3A_1119 = arith.constant 16 : i32
        %mul3A_1120 = arith.muli %scan3A_82, %mul3A_1119 : i32
        %add3A_1121 = arith.constant 10 : i32
        %add3A_1122 = arith.addi %mul3A_1120, %add3A_1121 : i32
        %get3A_1123 = arith.index_cast %add3A_1122 : i32 to index
        %get3A_1124 = arith.constant 16 : index
        %get3A_1125 = tpu.vector_load %arg22[%get3A_1123, %get3A_1124] {strides = array<i32>} : memref<256x32xf32, #tpu.memory_space<vmem>>, vector<1x16xf32>,
        %get3A_1126 = vector.shape_cast %get3A_1125 : vector<1x16xf32> to vector<16xf32>
        %mul3A_1127 = arith.mulf %gather3A_1110, %get3A_1118 : vector<16xf32>
        %add3A_1128 = arith.addf %add3A_1104, %mul3A_1127 : vector<16xf32>
        %mul3A_1129 = arith.mulf %gather3A_1110, %get3A_1126 : vector<16xf32>
        %add3A_1130 = arith.addf %add3A_1106, %mul3A_1129 : vector<16xf32>
        %broadcast_in_dim3A_1131 = arith.constant 11 : i32
        %broadcast_in_dim3A_1132 = vector.broadcast %broadcast_in_dim3A_1131 : i32 to vector<16x1xi32>
        %gather3A_1133 = vector.shape_cast %broadcast_in_dim3A_1132 : vector<16x1xi32> to vector<16xi32>
        %gather3A_1134 = tpu.dynamic_gather %get3A_866[%gather3A_1133] in [0] : vector<16xf32>, vector<16xi32> -> vector<16xf32>
        %mul3A_1135 = arith.constant 16 : i32
        %mul3A_1136 = arith.muli %scan3A_82, %mul3A_1135 : i32
        %add3A_1137 = arith.constant 11 : i32
        %add3A_1138 = arith.addi %mul3A_1136, %add3A_1137 : i32
        %get3A_1139 = arith.index_cast %add3A_1138 : i32 to index
        %get3A_1140 = arith.constant 0 : index
        %get3A_1141 = tpu.vector_load %arg22[%get3A_1139, %get3A_1140] {strides = array<i32>} : memref<256x32xf32, #tpu.memory_space<vmem>>, vector<1x16xf32>,
        %get3A_1142 = vector.shape_cast %get3A_1141 : vector<1x16xf32> to vector<16xf32>
        %mul3A_1143 = arith.constant 16 : i32
        %mul3A_1144 = arith.muli %scan3A_82, %mul3A_1143 : i32
        %add3A_1145 = arith.constant 11 : i32
        %add3A_1146 = arith.addi %mul3A_1144, %add3A_1145 : i32
        %get3A_1147 = arith.index_cast %add3A_1146 : i32 to index
        %get3A_1148 = arith.constant 16 : index
        %get3A_1149 = tpu.vector_load %arg22[%get3A_1147, %get3A_1148] {strides = array<i32>} : memref<256x32xf32, #tpu.memory_space<vmem>>, vector<1x16xf32>,
        %get3A_1150 = vector.shape_cast %get3A_1149 : vector<1x16xf32> to vector<16xf32>
        %mul3A_1151 = arith.mulf %gather3A_1134, %get3A_1142 : vector<16xf32>
        %add3A_1152 = arith.addf %add3A_1128, %mul3A_1151 : vector<16xf32>
        %mul3A_1153 = arith.mulf %gather3A_1134, %get3A_1150 : vector<16xf32>
        %add3A_1154 = arith.addf %add3A_1130, %mul3A_1153 : vector<16xf32>
        %broadcast_in_dim3A_1155 = arith.constant 12 : i32
        %broadcast_in_dim3A_1156 = vector.broadcast %broadcast_in_dim3A_1155 : i32 to vector<16x1xi32>
        %gather3A_1157 = vector.shape_cast %broadcast_in_dim3A_1156 : vector<16x1xi32> to vector<16xi32>
        %gather3A_1158 = tpu.dynamic_gather %get3A_866[%gather3A_1157] in [0] : vector<16xf32>, vector<16xi32> -> vector<16xf32>
        %mul3A_1159 = arith.constant 16 : i32
        %mul3A_1160 = arith.muli %scan3A_82, %mul3A_1159 : i32
        %add3A_1161 = arith.constant 12 : i32
        %add3A_1162 = arith.addi %mul3A_1160, %add3A_1161 : i32
        %get3A_1163 = arith.index_cast %add3A_1162 : i32 to index
        %get3A_1164 = arith.constant 0 : index
        %get3A_1165 = tpu.vector_load %arg22[%get3A_1163, %get3A_1164] {strides = array<i32>} : memref<256x32xf32, #tpu.memory_space<vmem>>, vector<1x16xf32>,
        %get3A_1166 = vector.shape_cast %get3A_1165 : vector<1x16xf32> to vector<16xf32>
        %mul3A_1167 = arith.constant 16 : i32
        %mul3A_1168 = arith.muli %scan3A_82, %mul3A_1167 : i32
        %add3A_1169 = arith.constant 12 : i32
        %add3A_1170 = arith.addi %mul3A_1168, %add3A_1169 : i32
        %get3A_1171 = arith.index_cast %add3A_1170 : i32 to index
        %get3A_1172 = arith.constant 16 : index
        %get3A_1173 = tpu.vector_load %arg22[%get3A_1171, %get3A_1172] {strides = array<i32>} : memref<256x32xf32, #tpu.memory_space<vmem>>, vector<1x16xf32>,
        %get3A_1174 = vector.shape_cast %get3A_1173 : vector<1x16xf32> to vector<16xf32>
        %mul3A_1175 = arith.mulf %gather3A_1158, %get3A_1166 : vector<16xf32>
        %add3A_1176 = arith.addf %add3A_1152, %mul3A_1175 : vector<16xf32>
        %mul3A_1177 = arith.mulf %gather3A_1158, %get3A_1174 : vector<16xf32>
        %add3A_1178 = arith.addf %add3A_1154, %mul3A_1177 : vector<16xf32>
        %broadcast_in_dim3A_1179 = arith.constant 13 : i32
        %broadcast_in_dim3A_1180 = vector.broadcast %broadcast_in_dim3A_1179 : i32 to vector<16x1xi32>
        %gather3A_1181 = vector.shape_cast %broadcast_in_dim3A_1180 : vector<16x1xi32> to vector<16xi32>
        %gather3A_1182 = tpu.dynamic_gather %get3A_866[%gather3A_1181] in [0] : vector<16xf32>, vector<16xi32> -> vector<16xf32>
        %mul3A_1183 = arith.constant 16 : i32
        %mul3A_1184 = arith.muli %scan3A_82, %mul3A_1183 : i32
        %add3A_1185 = arith.constant 13 : i32
        %add3A_1186 = arith.addi %mul3A_1184, %add3A_1185 : i32
        %get3A_1187 = arith.index_cast %add3A_1186 : i32 to index
        %get3A_1188 = arith.constant 0 : index
        %get3A_1189 = tpu.vector_load %arg22[%get3A_1187, %get3A_1188] {strides = array<i32>} : memref<256x32xf32, #tpu.memory_space<vmem>>, vector<1x16xf32>,
        %get3A_1190 = vector.shape_cast %get3A_1189 : vector<1x16xf32> to vector<16xf32>
        %mul3A_1191 = arith.constant 16 : i32
        %mul3A_1192 = arith.muli %scan3A_82, %mul3A_1191 : i32
        %add3A_1193 = arith.constant 13 : i32
        %add3A_1194 = arith.addi %mul3A_1192, %add3A_1193 : i32
        %get3A_1195 = arith.index_cast %add3A_1194 : i32 to index
        %get3A_1196 = arith.constant 16 : index
        %get3A_1197 = tpu.vector_load %arg22[%get3A_1195, %get3A_1196] {strides = array<i32>} : memref<256x32xf32, #tpu.memory_space<vmem>>, vector<1x16xf32>,
        %get3A_1198 = vector.shape_cast %get3A_1197 : vector<1x16xf32> to vector<16xf32>
        %mul3A_1199 = arith.mulf %gather3A_1182, %get3A_1190 : vector<16xf32>
        %add3A_1200 = arith.addf %add3A_1176, %mul3A_1199 : vector<16xf32>
        %mul3A_1201 = arith.mulf %gather3A_1182, %get3A_1198 : vector<16xf32>
        %add3A_1202 = arith.addf %add3A_1178, %mul3A_1201 : vector<16xf32>
        %broadcast_in_dim3A_1203 = arith.constant 14 : i32
        %broadcast_in_dim3A_1204 = vector.broadcast %broadcast_in_dim3A_1203 : i32 to vector<16x1xi32>
        %gather3A_1205 = vector.shape_cast %broadcast_in_dim3A_1204 : vector<16x1xi32> to vector<16xi32>
        %gather3A_1206 = tpu.dynamic_gather %get3A_866[%gather3A_1205] in [0] : vector<16xf32>, vector<16xi32> -> vector<16xf32>
        %mul3A_1207 = arith.constant 16 : i32
        %mul3A_1208 = arith.muli %scan3A_82, %mul3A_1207 : i32
        %add3A_1209 = arith.constant 14 : i32
        %add3A_1210 = arith.addi %mul3A_1208, %add3A_1209 : i32
        %get3A_1211 = arith.index_cast %add3A_1210 : i32 to index
        %get3A_1212 = arith.constant 0 : index
        %get3A_1213 = tpu.vector_load %arg22[%get3A_1211, %get3A_1212] {strides = array<i32>} : memref<256x32xf32, #tpu.memory_space<vmem>>, vector<1x16xf32>,
        %get3A_1214 = vector.shape_cast %get3A_1213 : vector<1x16xf32> to vector<16xf32>
        %mul3A_1215 = arith.constant 16 : i32
        %mul3A_1216 = arith.muli %scan3A_82, %mul3A_1215 : i32
        %add3A_1217 = arith.constant 14 : i32
        %add3A_1218 = arith.addi %mul3A_1216, %add3A_1217 : i32
        %get3A_1219 = arith.index_cast %add3A_1218 : i32 to index
        %get3A_1220 = arith.constant 16 : index
        %get3A_1221 = tpu.vector_load %arg22[%get3A_1219, %get3A_1220] {strides = array<i32>} : memref<256x32xf32, #tpu.memory_space<vmem>>, vector<1x16xf32>,
        %get3A_1222 = vector.shape_cast %get3A_1221 : vector<1x16xf32> to vector<16xf32>
        %mul3A_1223 = arith.mulf %gather3A_1206, %get3A_1214 : vector<16xf32>
        %add3A_1224 = arith.addf %add3A_1200, %mul3A_1223 : vector<16xf32>
        %mul3A_1225 = arith.mulf %gather3A_1206, %get3A_1222 : vector<16xf32>
        %add3A_1226 = arith.addf %add3A_1202, %mul3A_1225 : vector<16xf32>
        %broadcast_in_dim3A_1227 = arith.constant 15 : i32
        %broadcast_in_dim3A_1228 = vector.broadcast %broadcast_in_dim3A_1227 : i32 to vector<16x1xi32>
        %gather3A_1229 = vector.shape_cast %broadcast_in_dim3A_1228 : vector<16x1xi32> to vector<16xi32>
        %gather3A_1230 = tpu.dynamic_gather %get3A_866[%gather3A_1229] in [0] : vector<16xf32>, vector<16xi32> -> vector<16xf32>
        %mul3A_1231 = arith.constant 16 : i32
        %mul3A_1232 = arith.muli %scan3A_82, %mul3A_1231 : i32
        %add3A_1233 = arith.constant 15 : i32
        %add3A_1234 = arith.addi %mul3A_1232, %add3A_1233 : i32
        %get3A_1235 = arith.index_cast %add3A_1234 : i32 to index
        %get3A_1236 = arith.constant 0 : index
        %get3A_1237 = tpu.vector_load %arg22[%get3A_1235, %get3A_1236] {strides = array<i32>} : memref<256x32xf32, #tpu.memory_space<vmem>>, vector<1x16xf32>,
        %get3A_1238 = vector.shape_cast %get3A_1237 : vector<1x16xf32> to vector<16xf32>
        %mul3A_1239 = arith.constant 16 : i32
        %mul3A_1240 = arith.muli %scan3A_82, %mul3A_1239 : i32
        %add3A_1241 = arith.constant 15 : i32
        %add3A_1242 = arith.addi %mul3A_1240, %add3A_1241 : i32
        %get3A_1243 = arith.index_cast %add3A_1242 : i32 to index
        %get3A_1244 = arith.constant 16 : index
        %get3A_1245 = tpu.vector_load %arg22[%get3A_1243, %get3A_1244] {strides = array<i32>} : memref<256x32xf32, #tpu.memory_space<vmem>>, vector<1x16xf32>,
        %get3A_1246 = vector.shape_cast %get3A_1245 : vector<1x16xf32> to vector<16xf32>
        %mul3A_1247 = arith.mulf %gather3A_1230, %get3A_1238 : vector<16xf32>
        %add3A_1248 = arith.addf %add3A_1224, %mul3A_1247 : vector<16xf32>
        %mul3A_1249 = arith.mulf %gather3A_1230, %get3A_1246 : vector<16xf32>
        %add3A_1250 = arith.addf %add3A_1226, %mul3A_1249 : vector<16xf32>
        %mul3A_1251 = arith.constant 16 : i32
        %mul3A_1252 = arith.muli %scan3A_82, %mul3A_1251 : i32
        %get3A_1253 = arith.index_cast %mul3A_1252 : i32 to index
        %get3A_1254 = tpu.vector_load %arg19[%get3A_1253] {strides = array<i32>} : memref<256xf32, #tpu.memory_space<vmem>>, vector<16xf32>,
        %get3A_1255 = vector.shape_cast %get3A_1254 : vector<16xf32> to vector<16xf32>
        %broadcast_in_dim3A_1256 = arith.constant 0 : i32
        %broadcast_in_dim3A_1257 = vector.broadcast %broadcast_in_dim3A_1256 : i32 to vector<16x1xi32>
        %gather3A_1258 = vector.shape_cast %broadcast_in_dim3A_1257 : vector<16x1xi32> to vector<16xi32>
        %gather3A_1259 = tpu.dynamic_gather %get3A_1255[%gather3A_1258] in [0] : vector<16xf32>, vector<16xi32> -> vector<16xf32>
        %mul3A_1260 = arith.constant 16 : i32
        %mul3A_1261 = arith.muli %scan3A_82, %mul3A_1260 : i32
        %add3A_1262 = arith.constant 0 : i32
        %add3A_1263 = arith.addi %mul3A_1261, %add3A_1262 : i32
        %get3A_1264 = arith.index_cast %add3A_1263 : i32 to index
        %get3A_1265 = arith.constant 0 : index
        %get3A_1266 = tpu.vector_load %arg23[%get3A_1264, %get3A_1265] {strides = array<i32>} : memref<256x32xf32, #tpu.memory_space<vmem>>, vector<1x16xf32>,
        %get3A_1267 = vector.shape_cast %get3A_1266 : vector<1x16xf32> to vector<16xf32>
        %mul3A_1268 = arith.constant 16 : i32
        %mul3A_1269 = arith.muli %scan3A_82, %mul3A_1268 : i32
        %add3A_1270 = arith.constant 0 : i32
        %add3A_1271 = arith.addi %mul3A_1269, %add3A_1270 : i32
        %get3A_1272 = arith.index_cast %add3A_1271 : i32 to index
        %get3A_1273 = arith.constant 16 : index
        %get3A_1274 = tpu.vector_load %arg23[%get3A_1272, %get3A_1273] {strides = array<i32>} : memref<256x32xf32, #tpu.memory_space<vmem>>, vector<1x16xf32>,
        %get3A_1275 = vector.shape_cast %get3A_1274 : vector<1x16xf32> to vector<16xf32>
        %mul3A_1276 = arith.mulf %gather3A_1259, %get3A_1267 : vector<16xf32>
        %add3A_1277 = arith.addf %add3A_1248, %mul3A_1276 : vector<16xf32>
        %mul3A_1278 = arith.mulf %gather3A_1259, %get3A_1275 : vector<16xf32>
        %add3A_1279 = arith.addf %add3A_1250, %mul3A_1278 : vector<16xf32>
        %broadcast_in_dim3A_1280 = arith.constant 1 : i32
        %broadcast_in_dim3A_1281 = vector.broadcast %broadcast_in_dim3A_1280 : i32 to vector<16x1xi32>
        %gather3A_1282 = vector.shape_cast %broadcast_in_dim3A_1281 : vector<16x1xi32> to vector<16xi32>
        %gather3A_1283 = tpu.dynamic_gather %get3A_1255[%gather3A_1282] in [0] : vector<16xf32>, vector<16xi32> -> vector<16xf32>
        %mul3A_1284 = arith.constant 16 : i32
        %mul3A_1285 = arith.muli %scan3A_82, %mul3A_1284 : i32
        %add3A_1286 = arith.constant 1 : i32
        %add3A_1287 = arith.addi %mul3A_1285, %add3A_1286 : i32
        %get3A_1288 = arith.index_cast %add3A_1287 : i32 to index
        %get3A_1289 = arith.constant 0 : index
        %get3A_1290 = tpu.vector_load %arg23[%get3A_1288, %get3A_1289] {strides = array<i32>} : memref<256x32xf32, #tpu.memory_space<vmem>>, vector<1x16xf32>,
        %get3A_1291 = vector.shape_cast %get3A_1290 : vector<1x16xf32> to vector<16xf32>
        %mul3A_1292 = arith.constant 16 : i32
        %mul3A_1293 = arith.muli %scan3A_82, %mul3A_1292 : i32
        %add3A_1294 = arith.constant 1 : i32
        %add3A_1295 = arith.addi %mul3A_1293, %add3A_1294 : i32
        %get3A_1296 = arith.index_cast %add3A_1295 : i32 to index
        %get3A_1297 = arith.constant 16 : index
        %get3A_1298 = tpu.vector_load %arg23[%get3A_1296, %get3A_1297] {strides = array<i32>} : memref<256x32xf32, #tpu.memory_space<vmem>>, vector<1x16xf32>,
        %get3A_1299 = vector.shape_cast %get3A_1298 : vector<1x16xf32> to vector<16xf32>
        %mul3A_1300 = arith.mulf %gather3A_1283, %get3A_1291 : vector<16xf32>
        %add3A_1301 = arith.addf %add3A_1277, %mul3A_1300 : vector<16xf32>
        %mul3A_1302 = arith.mulf %gather3A_1283, %get3A_1299 : vector<16xf32>
        %add3A_1303 = arith.addf %add3A_1279, %mul3A_1302 : vector<16xf32>
        %broadcast_in_dim3A_1304 = arith.constant 2 : i32
        %broadcast_in_dim3A_1305 = vector.broadcast %broadcast_in_dim3A_1304 : i32 to vector<16x1xi32>
        %gather3A_1306 = vector.shape_cast %broadcast_in_dim3A_1305 : vector<16x1xi32> to vector<16xi32>
        %gather3A_1307 = tpu.dynamic_gather %get3A_1255[%gather3A_1306] in [0] : vector<16xf32>, vector<16xi32> -> vector<16xf32>
        %mul3A_1308 = arith.constant 16 : i32
        %mul3A_1309 = arith.muli %scan3A_82, %mul3A_1308 : i32
        %add3A_1310 = arith.constant 2 : i32
        %add3A_1311 = arith.addi %mul3A_1309, %add3A_1310 : i32
        %get3A_1312 = arith.index_cast %add3A_1311 : i32 to index
        %get3A_1313 = arith.constant 0 : index
        %get3A_1314 = tpu.vector_load %arg23[%get3A_1312, %get3A_1313] {strides = array<i32>} : memref<256x32xf32, #tpu.memory_space<vmem>>, vector<1x16xf32>,
        %get3A_1315 = vector.shape_cast %get3A_1314 : vector<1x16xf32> to vector<16xf32>
        %mul3A_1316 = arith.constant 16 : i32
        %mul3A_1317 = arith.muli %scan3A_82, %mul3A_1316 : i32
        %add3A_1318 = arith.constant 2 : i32
        %add3A_1319 = arith.addi %mul3A_1317, %add3A_1318 : i32
        %get3A_1320 = arith.index_cast %add3A_1319 : i32 to index
        %get3A_1321 = arith.constant 16 : index
        %get3A_1322 = tpu.vector_load %arg23[%get3A_1320, %get3A_1321] {strides = array<i32>} : memref<256x32xf32, #tpu.memory_space<vmem>>, vector<1x16xf32>,
        %get3A_1323 = vector.shape_cast %get3A_1322 : vector<1x16xf32> to vector<16xf32>
        %mul3A_1324 = arith.mulf %gather3A_1307, %get3A_1315 : vector<16xf32>
        %add3A_1325 = arith.addf %add3A_1301, %mul3A_1324 : vector<16xf32>
        %mul3A_1326 = arith.mulf %gather3A_1307, %get3A_1323 : vector<16xf32>
        %add3A_1327 = arith.addf %add3A_1303, %mul3A_1326 : vector<16xf32>
        %broadcast_in_dim3A_1328 = arith.constant 3 : i32
        %broadcast_in_dim3A_1329 = vector.broadcast %broadcast_in_dim3A_1328 : i32 to vector<16x1xi32>
        %gather3A_1330 = vector.shape_cast %broadcast_in_dim3A_1329 : vector<16x1xi32> to vector<16xi32>
        %gather3A_1331 = tpu.dynamic_gather %get3A_1255[%gather3A_1330] in [0] : vector<16xf32>, vector<16xi32> -> vector<16xf32>
        %mul3A_1332 = arith.constant 16 : i32
        %mul3A_1333 = arith.muli %scan3A_82, %mul3A_1332 : i32
        %add3A_1334 = arith.constant 3 : i32
        %add3A_1335 = arith.addi %mul3A_1333, %add3A_1334 : i32
        %get3A_1336 = arith.index_cast %add3A_1335 : i32 to index
        %get3A_1337 = arith.constant 0 : index
        %get3A_1338 = tpu.vector_load %arg23[%get3A_1336, %get3A_1337] {strides = array<i32>} : memref<256x32xf32, #tpu.memory_space<vmem>>, vector<1x16xf32>,
        %get3A_1339 = vector.shape_cast %get3A_1338 : vector<1x16xf32> to vector<16xf32>
        %mul3A_1340 = arith.constant 16 : i32
        %mul3A_1341 = arith.muli %scan3A_82, %mul3A_1340 : i32
        %add3A_1342 = arith.constant 3 : i32
        %add3A_1343 = arith.addi %mul3A_1341, %add3A_1342 : i32
        %get3A_1344 = arith.index_cast %add3A_1343 : i32 to index
        %get3A_1345 = arith.constant 16 : index
        %get3A_1346 = tpu.vector_load %arg23[%get3A_1344, %get3A_1345] {strides = array<i32>} : memref<256x32xf32, #tpu.memory_space<vmem>>, vector<1x16xf32>,
        %get3A_1347 = vector.shape_cast %get3A_1346 : vector<1x16xf32> to vector<16xf32>
        %mul3A_1348 = arith.mulf %gather3A_1331, %get3A_1339 : vector<16xf32>
        %add3A_1349 = arith.addf %add3A_1325, %mul3A_1348 : vector<16xf32>
        %mul3A_1350 = arith.mulf %gather3A_1331, %get3A_1347 : vector<16xf32>
        %add3A_1351 = arith.addf %add3A_1327, %mul3A_1350 : vector<16xf32>
        %broadcast_in_dim3A_1352 = arith.constant 4 : i32
        %broadcast_in_dim3A_1353 = vector.broadcast %broadcast_in_dim3A_1352 : i32 to vector<16x1xi32>
        %gather3A_1354 = vector.shape_cast %broadcast_in_dim3A_1353 : vector<16x1xi32> to vector<16xi32>
        %gather3A_1355 = tpu.dynamic_gather %get3A_1255[%gather3A_1354] in [0] : vector<16xf32>, vector<16xi32> -> vector<16xf32>
        %mul3A_1356 = arith.constant 16 : i32
        %mul3A_1357 = arith.muli %scan3A_82, %mul3A_1356 : i32
        %add3A_1358 = arith.constant 4 : i32
        %add3A_1359 = arith.addi %mul3A_1357, %add3A_1358 : i32
        %get3A_1360 = arith.index_cast %add3A_1359 : i32 to index
        %get3A_1361 = arith.constant 0 : index
        %get3A_1362 = tpu.vector_load %arg23[%get3A_1360, %get3A_1361] {strides = array<i32>} : memref<256x32xf32, #tpu.memory_space<vmem>>, vector<1x16xf32>,
        %get3A_1363 = vector.shape_cast %get3A_1362 : vector<1x16xf32> to vector<16xf32>
        %mul3A_1364 = arith.constant 16 : i32
        %mul3A_1365 = arith.muli %scan3A_82, %mul3A_1364 : i32
        %add3A_1366 = arith.constant 4 : i32
        %add3A_1367 = arith.addi %mul3A_1365, %add3A_1366 : i32
        %get3A_1368 = arith.index_cast %add3A_1367 : i32 to index
        %get3A_1369 = arith.constant 16 : index
        %get3A_1370 = tpu.vector_load %arg23[%get3A_1368, %get3A_1369] {strides = array<i32>} : memref<256x32xf32, #tpu.memory_space<vmem>>, vector<1x16xf32>,
        %get3A_1371 = vector.shape_cast %get3A_1370 : vector<1x16xf32> to vector<16xf32>
        %mul3A_1372 = arith.mulf %gather3A_1355, %get3A_1363 : vector<16xf32>
        %add3A_1373 = arith.addf %add3A_1349, %mul3A_1372 : vector<16xf32>
        %mul3A_1374 = arith.mulf %gather3A_1355, %get3A_1371 : vector<16xf32>
        %add3A_1375 = arith.addf %add3A_1351, %mul3A_1374 : vector<16xf32>
        %broadcast_in_dim3A_1376 = arith.constant 5 : i32
        %broadcast_in_dim3A_1377 = vector.broadcast %broadcast_in_dim3A_1376 : i32 to vector<16x1xi32>
        %gather3A_1378 = vector.shape_cast %broadcast_in_dim3A_1377 : vector<16x1xi32> to vector<16xi32>
        %gather3A_1379 = tpu.dynamic_gather %get3A_1255[%gather3A_1378] in [0] : vector<16xf32>, vector<16xi32> -> vector<16xf32>
        %mul3A_1380 = arith.constant 16 : i32
        %mul3A_1381 = arith.muli %scan3A_82, %mul3A_1380 : i32
        %add3A_1382 = arith.constant 5 : i32
        %add3A_1383 = arith.addi %mul3A_1381, %add3A_1382 : i32
        %get3A_1384 = arith.index_cast %add3A_1383 : i32 to index
        %get3A_1385 = arith.constant 0 : index
        %get3A_1386 = tpu.vector_load %arg23[%get3A_1384, %get3A_1385] {strides = array<i32>} : memref<256x32xf32, #tpu.memory_space<vmem>>, vector<1x16xf32>,
        %get3A_1387 = vector.shape_cast %get3A_1386 : vector<1x16xf32> to vector<16xf32>
        %mul3A_1388 = arith.constant 16 : i32
        %mul3A_1389 = arith.muli %scan3A_82, %mul3A_1388 : i32
        %add3A_1390 = arith.constant 5 : i32
        %add3A_1391 = arith.addi %mul3A_1389, %add3A_1390 : i32
        %get3A_1392 = arith.index_cast %add3A_1391 : i32 to index
        %get3A_1393 = arith.constant 16 : index
        %get3A_1394 = tpu.vector_load %arg23[%get3A_1392, %get3A_1393] {strides = array<i32>} : memref<256x32xf32, #tpu.memory_space<vmem>>, vector<1x16xf32>,
        %get3A_1395 = vector.shape_cast %get3A_1394 : vector<1x16xf32> to vector<16xf32>
        %mul3A_1396 = arith.mulf %gather3A_1379, %get3A_1387 : vector<16xf32>
        %add3A_1397 = arith.addf %add3A_1373, %mul3A_1396 : vector<16xf32>
        %mul3A_1398 = arith.mulf %gather3A_1379, %get3A_1395 : vector<16xf32>
        %add3A_1399 = arith.addf %add3A_1375, %mul3A_1398 : vector<16xf32>
        %broadcast_in_dim3A_1400 = arith.constant 6 : i32
        %broadcast_in_dim3A_1401 = vector.broadcast %broadcast_in_dim3A_1400 : i32 to vector<16x1xi32>
        %gather3A_1402 = vector.shape_cast %broadcast_in_dim3A_1401 : vector<16x1xi32> to vector<16xi32>
        %gather3A_1403 = tpu.dynamic_gather %get3A_1255[%gather3A_1402] in [0] : vector<16xf32>, vector<16xi32> -> vector<16xf32>
        %mul3A_1404 = arith.constant 16 : i32
        %mul3A_1405 = arith.muli %scan3A_82, %mul3A_1404 : i32
        %add3A_1406 = arith.constant 6 : i32
        %add3A_1407 = arith.addi %mul3A_1405, %add3A_1406 : i32
        %get3A_1408 = arith.index_cast %add3A_1407 : i32 to index
        %get3A_1409 = arith.constant 0 : index
        %get3A_1410 = tpu.vector_load %arg23[%get3A_1408, %get3A_1409] {strides = array<i32>} : memref<256x32xf32, #tpu.memory_space<vmem>>, vector<1x16xf32>,
        %get3A_1411 = vector.shape_cast %get3A_1410 : vector<1x16xf32> to vector<16xf32>
        %mul3A_1412 = arith.constant 16 : i32
        %mul3A_1413 = arith.muli %scan3A_82, %mul3A_1412 : i32
        %add3A_1414 = arith.constant 6 : i32
        %add3A_1415 = arith.addi %mul3A_1413, %add3A_1414 : i32
        %get3A_1416 = arith.index_cast %add3A_1415 : i32 to index
        %get3A_1417 = arith.constant 16 : index
        %get3A_1418 = tpu.vector_load %arg23[%get3A_1416, %get3A_1417] {strides = array<i32>} : memref<256x32xf32, #tpu.memory_space<vmem>>, vector<1x16xf32>,
        %get3A_1419 = vector.shape_cast %get3A_1418 : vector<1x16xf32> to vector<16xf32>
        %mul3A_1420 = arith.mulf %gather3A_1403, %get3A_1411 : vector<16xf32>
        %add3A_1421 = arith.addf %add3A_1397, %mul3A_1420 : vector<16xf32>
        %mul3A_1422 = arith.mulf %gather3A_1403, %get3A_1419 : vector<16xf32>
        %add3A_1423 = arith.addf %add3A_1399, %mul3A_1422 : vector<16xf32>
        %broadcast_in_dim3A_1424 = arith.constant 7 : i32
        %broadcast_in_dim3A_1425 = vector.broadcast %broadcast_in_dim3A_1424 : i32 to vector<16x1xi32>
        %gather3A_1426 = vector.shape_cast %broadcast_in_dim3A_1425 : vector<16x1xi32> to vector<16xi32>
        %gather3A_1427 = tpu.dynamic_gather %get3A_1255[%gather3A_1426] in [0] : vector<16xf32>, vector<16xi32> -> vector<16xf32>
        %mul3A_1428 = arith.constant 16 : i32
        %mul3A_1429 = arith.muli %scan3A_82, %mul3A_1428 : i32
        %add3A_1430 = arith.constant 7 : i32
        %add3A_1431 = arith.addi %mul3A_1429, %add3A_1430 : i32
        %get3A_1432 = arith.index_cast %add3A_1431 : i32 to index
        %get3A_1433 = arith.constant 0 : index
        %get3A_1434 = tpu.vector_load %arg23[%get3A_1432, %get3A_1433] {strides = array<i32>} : memref<256x32xf32, #tpu.memory_space<vmem>>, vector<1x16xf32>,
        %get3A_1435 = vector.shape_cast %get3A_1434 : vector<1x16xf32> to vector<16xf32>
        %mul3A_1436 = arith.constant 16 : i32
        %mul3A_1437 = arith.muli %scan3A_82, %mul3A_1436 : i32
        %add3A_1438 = arith.constant 7 : i32
        %add3A_1439 = arith.addi %mul3A_1437, %add3A_1438 : i32
        %get3A_1440 = arith.index_cast %add3A_1439 : i32 to index
        %get3A_1441 = arith.constant 16 : index
        %get3A_1442 = tpu.vector_load %arg23[%get3A_1440, %get3A_1441] {strides = array<i32>} : memref<256x32xf32, #tpu.memory_space<vmem>>, vector<1x16xf32>,
        %get3A_1443 = vector.shape_cast %get3A_1442 : vector<1x16xf32> to vector<16xf32>
        %mul3A_1444 = arith.mulf %gather3A_1427, %get3A_1435 : vector<16xf32>
        %add3A_1445 = arith.addf %add3A_1421, %mul3A_1444 : vector<16xf32>
        %mul3A_1446 = arith.mulf %gather3A_1427, %get3A_1443 : vector<16xf32>
        %add3A_1447 = arith.addf %add3A_1423, %mul3A_1446 : vector<16xf32>
        %broadcast_in_dim3A_1448 = arith.constant 8 : i32
        %broadcast_in_dim3A_1449 = vector.broadcast %broadcast_in_dim3A_1448 : i32 to vector<16x1xi32>
        %gather3A_1450 = vector.shape_cast %broadcast_in_dim3A_1449 : vector<16x1xi32> to vector<16xi32>
        %gather3A_1451 = tpu.dynamic_gather %get3A_1255[%gather3A_1450] in [0] : vector<16xf32>, vector<16xi32> -> vector<16xf32>
        %mul3A_1452 = arith.constant 16 : i32
        %mul3A_1453 = arith.muli %scan3A_82, %mul3A_1452 : i32
        %add3A_1454 = arith.constant 8 : i32
        %add3A_1455 = arith.addi %mul3A_1453, %add3A_1454 : i32
        %get3A_1456 = arith.index_cast %add3A_1455 : i32 to index
        %get3A_1457 = arith.constant 0 : index
        %get3A_1458 = tpu.vector_load %arg23[%get3A_1456, %get3A_1457] {strides = array<i32>} : memref<256x32xf32, #tpu.memory_space<vmem>>, vector<1x16xf32>,
        %get3A_1459 = vector.shape_cast %get3A_1458 : vector<1x16xf32> to vector<16xf32>
        %mul3A_1460 = arith.constant 16 : i32
        %mul3A_1461 = arith.muli %scan3A_82, %mul3A_1460 : i32
        %add3A_1462 = arith.constant 8 : i32
        %add3A_1463 = arith.addi %mul3A_1461, %add3A_1462 : i32
        %get3A_1464 = arith.index_cast %add3A_1463 : i32 to index
        %get3A_1465 = arith.constant 16 : index
        %get3A_1466 = tpu.vector_load %arg23[%get3A_1464, %get3A_1465] {strides = array<i32>} : memref<256x32xf32, #tpu.memory_space<vmem>>, vector<1x16xf32>,
        %get3A_1467 = vector.shape_cast %get3A_1466 : vector<1x16xf32> to vector<16xf32>
        %mul3A_1468 = arith.mulf %gather3A_1451, %get3A_1459 : vector<16xf32>
        %add3A_1469 = arith.addf %add3A_1445, %mul3A_1468 : vector<16xf32>
        %mul3A_1470 = arith.mulf %gather3A_1451, %get3A_1467 : vector<16xf32>
        %add3A_1471 = arith.addf %add3A_1447, %mul3A_1470 : vector<16xf32>
        %broadcast_in_dim3A_1472 = arith.constant 9 : i32
        %broadcast_in_dim3A_1473 = vector.broadcast %broadcast_in_dim3A_1472 : i32 to vector<16x1xi32>
        %gather3A_1474 = vector.shape_cast %broadcast_in_dim3A_1473 : vector<16x1xi32> to vector<16xi32>
        %gather3A_1475 = tpu.dynamic_gather %get3A_1255[%gather3A_1474] in [0] : vector<16xf32>, vector<16xi32> -> vector<16xf32>
        %mul3A_1476 = arith.constant 16 : i32
        %mul3A_1477 = arith.muli %scan3A_82, %mul3A_1476 : i32
        %add3A_1478 = arith.constant 9 : i32
        %add3A_1479 = arith.addi %mul3A_1477, %add3A_1478 : i32
        %get3A_1480 = arith.index_cast %add3A_1479 : i32 to index
        %get3A_1481 = arith.constant 0 : index
        %get3A_1482 = tpu.vector_load %arg23[%get3A_1480, %get3A_1481] {strides = array<i32>} : memref<256x32xf32, #tpu.memory_space<vmem>>, vector<1x16xf32>,
        %get3A_1483 = vector.shape_cast %get3A_1482 : vector<1x16xf32> to vector<16xf32>
        %mul3A_1484 = arith.constant 16 : i32
        %mul3A_1485 = arith.muli %scan3A_82, %mul3A_1484 : i32
        %add3A_1486 = arith.constant 9 : i32
        %add3A_1487 = arith.addi %mul3A_1485, %add3A_1486 : i32
        %get3A_1488 = arith.index_cast %add3A_1487 : i32 to index
        %get3A_1489 = arith.constant 16 : index
        %get3A_1490 = tpu.vector_load %arg23[%get3A_1488, %get3A_1489] {strides = array<i32>} : memref<256x32xf32, #tpu.memory_space<vmem>>, vector<1x16xf32>,
        %get3A_1491 = vector.shape_cast %get3A_1490 : vector<1x16xf32> to vector<16xf32>
        %mul3A_1492 = arith.mulf %gather3A_1475, %get3A_1483 : vector<16xf32>
        %add3A_1493 = arith.addf %add3A_1469, %mul3A_1492 : vector<16xf32>
        %mul3A_1494 = arith.mulf %gather3A_1475, %get3A_1491 : vector<16xf32>
        %add3A_1495 = arith.addf %add3A_1471, %mul3A_1494 : vector<16xf32>
        %broadcast_in_dim3A_1496 = arith.constant 10 : i32
        %broadcast_in_dim3A_1497 = vector.broadcast %broadcast_in_dim3A_1496 : i32 to vector<16x1xi32>
        %gather3A_1498 = vector.shape_cast %broadcast_in_dim3A_1497 : vector<16x1xi32> to vector<16xi32>
        %gather3A_1499 = tpu.dynamic_gather %get3A_1255[%gather3A_1498] in [0] : vector<16xf32>, vector<16xi32> -> vector<16xf32>
        %mul3A_1500 = arith.constant 16 : i32
        %mul3A_1501 = arith.muli %scan3A_82, %mul3A_1500 : i32
        %add3A_1502 = arith.constant 10 : i32
        %add3A_1503 = arith.addi %mul3A_1501, %add3A_1502 : i32
        %get3A_1504 = arith.index_cast %add3A_1503 : i32 to index
        %get3A_1505 = arith.constant 0 : index
        %get3A_1506 = tpu.vector_load %arg23[%get3A_1504, %get3A_1505] {strides = array<i32>} : memref<256x32xf32, #tpu.memory_space<vmem>>, vector<1x16xf32>,
        %get3A_1507 = vector.shape_cast %get3A_1506 : vector<1x16xf32> to vector<16xf32>
        %mul3A_1508 = arith.constant 16 : i32
        %mul3A_1509 = arith.muli %scan3A_82, %mul3A_1508 : i32
        %add3A_1510 = arith.constant 10 : i32
        %add3A_1511 = arith.addi %mul3A_1509, %add3A_1510 : i32
        %get3A_1512 = arith.index_cast %add3A_1511 : i32 to index
        %get3A_1513 = arith.constant 16 : index
        %get3A_1514 = tpu.vector_load %arg23[%get3A_1512, %get3A_1513] {strides = array<i32>} : memref<256x32xf32, #tpu.memory_space<vmem>>, vector<1x16xf32>,
        %get3A_1515 = vector.shape_cast %get3A_1514 : vector<1x16xf32> to vector<16xf32>
        %mul3A_1516 = arith.mulf %gather3A_1499, %get3A_1507 : vector<16xf32>
        %add3A_1517 = arith.addf %add3A_1493, %mul3A_1516 : vector<16xf32>
        %mul3A_1518 = arith.mulf %gather3A_1499, %get3A_1515 : vector<16xf32>
        %add3A_1519 = arith.addf %add3A_1495, %mul3A_1518 : vector<16xf32>
        %broadcast_in_dim3A_1520 = arith.constant 11 : i32
        %broadcast_in_dim3A_1521 = vector.broadcast %broadcast_in_dim3A_1520 : i32 to vector<16x1xi32>
        %gather3A_1522 = vector.shape_cast %broadcast_in_dim3A_1521 : vector<16x1xi32> to vector<16xi32>
        %gather3A_1523 = tpu.dynamic_gather %get3A_1255[%gather3A_1522] in [0] : vector<16xf32>, vector<16xi32> -> vector<16xf32>
        %mul3A_1524 = arith.constant 16 : i32
        %mul3A_1525 = arith.muli %scan3A_82, %mul3A_1524 : i32
        %add3A_1526 = arith.constant 11 : i32
        %add3A_1527 = arith.addi %mul3A_1525, %add3A_1526 : i32
        %get3A_1528 = arith.index_cast %add3A_1527 : i32 to index
        %get3A_1529 = arith.constant 0 : index
        %get3A_1530 = tpu.vector_load %arg23[%get3A_1528, %get3A_1529] {strides = array<i32>} : memref<256x32xf32, #tpu.memory_space<vmem>>, vector<1x16xf32>,
        %get3A_1531 = vector.shape_cast %get3A_1530 : vector<1x16xf32> to vector<16xf32>
        %mul3A_1532 = arith.constant 16 : i32
        %mul3A_1533 = arith.muli %scan3A_82, %mul3A_1532 : i32
        %add3A_1534 = arith.constant 11 : i32
        %add3A_1535 = arith.addi %mul3A_1533, %add3A_1534 : i32
        %get3A_1536 = arith.index_cast %add3A_1535 : i32 to index
        %get3A_1537 = arith.constant 16 : index
        %get3A_1538 = tpu.vector_load %arg23[%get3A_1536, %get3A_1537] {strides = array<i32>} : memref<256x32xf32, #tpu.memory_space<vmem>>, vector<1x16xf32>,
        %get3A_1539 = vector.shape_cast %get3A_1538 : vector<1x16xf32> to vector<16xf32>
        %mul3A_1540 = arith.mulf %gather3A_1523, %get3A_1531 : vector<16xf32>
        %add3A_1541 = arith.addf %add3A_1517, %mul3A_1540 : vector<16xf32>
        %mul3A_1542 = arith.mulf %gather3A_1523, %get3A_1539 : vector<16xf32>
        %add3A_1543 = arith.addf %add3A_1519, %mul3A_1542 : vector<16xf32>
        %broadcast_in_dim3A_1544 = arith.constant 12 : i32
        %broadcast_in_dim3A_1545 = vector.broadcast %broadcast_in_dim3A_1544 : i32 to vector<16x1xi32>
        %gather3A_1546 = vector.shape_cast %broadcast_in_dim3A_1545 : vector<16x1xi32> to vector<16xi32>
        %gather3A_1547 = tpu.dynamic_gather %get3A_1255[%gather3A_1546] in [0] : vector<16xf32>, vector<16xi32> -> vector<16xf32>
        %mul3A_1548 = arith.constant 16 : i32
        %mul3A_1549 = arith.muli %scan3A_82, %mul3A_1548 : i32
        %add3A_1550 = arith.constant 12 : i32
        %add3A_1551 = arith.addi %mul3A_1549, %add3A_1550 : i32
        %get3A_1552 = arith.index_cast %add3A_1551 : i32 to index
        %get3A_1553 = arith.constant 0 : index
        %get3A_1554 = tpu.vector_load %arg23[%get3A_1552, %get3A_1553] {strides = array<i32>} : memref<256x32xf32, #tpu.memory_space<vmem>>, vector<1x16xf32>,
        %get3A_1555 = vector.shape_cast %get3A_1554 : vector<1x16xf32> to vector<16xf32>
        %mul3A_1556 = arith.constant 16 : i32
        %mul3A_1557 = arith.muli %scan3A_82, %mul3A_1556 : i32
        %add3A_1558 = arith.constant 12 : i32
        %add3A_1559 = arith.addi %mul3A_1557, %add3A_1558 : i32
        %get3A_1560 = arith.index_cast %add3A_1559 : i32 to index
        %get3A_1561 = arith.constant 16 : index
        %get3A_1562 = tpu.vector_load %arg23[%get3A_1560, %get3A_1561] {strides = array<i32>} : memref<256x32xf32, #tpu.memory_space<vmem>>, vector<1x16xf32>,
        %get3A_1563 = vector.shape_cast %get3A_1562 : vector<1x16xf32> to vector<16xf32>
        %mul3A_1564 = arith.mulf %gather3A_1547, %get3A_1555 : vector<16xf32>
        %add3A_1565 = arith.addf %add3A_1541, %mul3A_1564 : vector<16xf32>
        %mul3A_1566 = arith.mulf %gather3A_1547, %get3A_1563 : vector<16xf32>
        %add3A_1567 = arith.addf %add3A_1543, %mul3A_1566 : vector<16xf32>
        %broadcast_in_dim3A_1568 = arith.constant 13 : i32
        %broadcast_in_dim3A_1569 = vector.broadcast %broadcast_in_dim3A_1568 : i32 to vector<16x1xi32>
        %gather3A_1570 = vector.shape_cast %broadcast_in_dim3A_1569 : vector<16x1xi32> to vector<16xi32>
        %gather3A_1571 = tpu.dynamic_gather %get3A_1255[%gather3A_1570] in [0] : vector<16xf32>, vector<16xi32> -> vector<16xf32>
        %mul3A_1572 = arith.constant 16 : i32
        %mul3A_1573 = arith.muli %scan3A_82, %mul3A_1572 : i32
        %add3A_1574 = arith.constant 13 : i32
        %add3A_1575 = arith.addi %mul3A_1573, %add3A_1574 : i32
        %get3A_1576 = arith.index_cast %add3A_1575 : i32 to index
        %get3A_1577 = arith.constant 0 : index
        %get3A_1578 = tpu.vector_load %arg23[%get3A_1576, %get3A_1577] {strides = array<i32>} : memref<256x32xf32, #tpu.memory_space<vmem>>, vector<1x16xf32>,
        %get3A_1579 = vector.shape_cast %get3A_1578 : vector<1x16xf32> to vector<16xf32>
        %mul3A_1580 = arith.constant 16 : i32
        %mul3A_1581 = arith.muli %scan3A_82, %mul3A_1580 : i32
        %add3A_1582 = arith.constant 13 : i32
        %add3A_1583 = arith.addi %mul3A_1581, %add3A_1582 : i32
        %get3A_1584 = arith.index_cast %add3A_1583 : i32 to index
        %get3A_1585 = arith.constant 16 : index
        %get3A_1586 = tpu.vector_load %arg23[%get3A_1584, %get3A_1585] {strides = array<i32>} : memref<256x32xf32, #tpu.memory_space<vmem>>, vector<1x16xf32>,
        %get3A_1587 = vector.shape_cast %get3A_1586 : vector<1x16xf32> to vector<16xf32>
        %mul3A_1588 = arith.mulf %gather3A_1571, %get3A_1579 : vector<16xf32>
        %add3A_1589 = arith.addf %add3A_1565, %mul3A_1588 : vector<16xf32>
        %mul3A_1590 = arith.mulf %gather3A_1571, %get3A_1587 : vector<16xf32>
        %add3A_1591 = arith.addf %add3A_1567, %mul3A_1590 : vector<16xf32>
        %broadcast_in_dim3A_1592 = arith.constant 14 : i32
        %broadcast_in_dim3A_1593 = vector.broadcast %broadcast_in_dim3A_1592 : i32 to vector<16x1xi32>
        %gather3A_1594 = vector.shape_cast %broadcast_in_dim3A_1593 : vector<16x1xi32> to vector<16xi32>
        %gather3A_1595 = tpu.dynamic_gather %get3A_1255[%gather3A_1594] in [0] : vector<16xf32>, vector<16xi32> -> vector<16xf32>
        %mul3A_1596 = arith.constant 16 : i32
        %mul3A_1597 = arith.muli %scan3A_82, %mul3A_1596 : i32
        %add3A_1598 = arith.constant 14 : i32
        %add3A_1599 = arith.addi %mul3A_1597, %add3A_1598 : i32
        %get3A_1600 = arith.index_cast %add3A_1599 : i32 to index
        %get3A_1601 = arith.constant 0 : index
        %get3A_1602 = tpu.vector_load %arg23[%get3A_1600, %get3A_1601] {strides = array<i32>} : memref<256x32xf32, #tpu.memory_space<vmem>>, vector<1x16xf32>,
        %get3A_1603 = vector.shape_cast %get3A_1602 : vector<1x16xf32> to vector<16xf32>
        %mul3A_1604 = arith.constant 16 : i32
        %mul3A_1605 = arith.muli %scan3A_82, %mul3A_1604 : i32
        %add3A_1606 = arith.constant 14 : i32
        %add3A_1607 = arith.addi %mul3A_1605, %add3A_1606 : i32
        %get3A_1608 = arith.index_cast %add3A_1607 : i32 to index
        %get3A_1609 = arith.constant 16 : index
        %get3A_1610 = tpu.vector_load %arg23[%get3A_1608, %get3A_1609] {strides = array<i32>} : memref<256x32xf32, #tpu.memory_space<vmem>>, vector<1x16xf32>,
        %get3A_1611 = vector.shape_cast %get3A_1610 : vector<1x16xf32> to vector<16xf32>
        %mul3A_1612 = arith.mulf %gather3A_1595, %get3A_1603 : vector<16xf32>
        %add3A_1613 = arith.addf %add3A_1589, %mul3A_1612 : vector<16xf32>
        %mul3A_1614 = arith.mulf %gather3A_1595, %get3A_1611 : vector<16xf32>
        %add3A_1615 = arith.addf %add3A_1591, %mul3A_1614 : vector<16xf32>
        %broadcast_in_dim3A_1616 = arith.constant 15 : i32
        %broadcast_in_dim3A_1617 = vector.broadcast %broadcast_in_dim3A_1616 : i32 to vector<16x1xi32>
        %gather3A_1618 = vector.shape_cast %broadcast_in_dim3A_1617 : vector<16x1xi32> to vector<16xi32>
        %gather3A_1619 = tpu.dynamic_gather %get3A_1255[%gather3A_1618] in [0] : vector<16xf32>, vector<16xi32> -> vector<16xf32>
        %mul3A_1620 = arith.constant 16 : i32
        %mul3A_1621 = arith.muli %scan3A_82, %mul3A_1620 : i32
        %add3A_1622 = arith.constant 15 : i32
        %add3A_1623 = arith.addi %mul3A_1621, %add3A_1622 : i32
        %get3A_1624 = arith.index_cast %add3A_1623 : i32 to index
        %get3A_1625 = arith.constant 0 : index
        %get3A_1626 = tpu.vector_load %arg23[%get3A_1624, %get3A_1625] {strides = array<i32>} : memref<256x32xf32, #tpu.memory_space<vmem>>, vector<1x16xf32>,
        %get3A_1627 = vector.shape_cast %get3A_1626 : vector<1x16xf32> to vector<16xf32>
        %mul3A_1628 = arith.constant 16 : i32
        %mul3A_1629 = arith.muli %scan3A_82, %mul3A_1628 : i32
        %add3A_1630 = arith.constant 15 : i32
        %add3A_1631 = arith.addi %mul3A_1629, %add3A_1630 : i32
        %get3A_1632 = arith.index_cast %add3A_1631 : i32 to index
        %get3A_1633 = arith.constant 16 : index
        %get3A_1634 = tpu.vector_load %arg23[%get3A_1632, %get3A_1633] {strides = array<i32>} : memref<256x32xf32, #tpu.memory_space<vmem>>, vector<1x16xf32>,
        %get3A_1635 = vector.shape_cast %get3A_1634 : vector<1x16xf32> to vector<16xf32>
        %mul3A_1636 = arith.mulf %gather3A_1619, %get3A_1627 : vector<16xf32>
        %add3A_1637 = arith.addf %add3A_1613, %mul3A_1636 : vector<16xf32>
        %mul3A_1638 = arith.mulf %gather3A_1619, %get3A_1635 : vector<16xf32>
        %add3A_1639 = arith.addf %add3A_1615, %mul3A_1638 : vector<16xf32>
        %swap3A = arith.index_cast %scan3A_82 : i32 to index
        %swap3A_1640 = arith.constant 0 : index
        %swap3A_1641 = tpu.vector_load %arg38[%swap3A, %swap3A_1640] {strides = array<i32>} : memref<16x32xf32, #tpu.memory_space<vmem>>, vector<1x16xf32>,
        %swap3A_1642 = vector.shape_cast %swap3A_1641 : vector<1x16xf32> to vector<16xf32>
        %swap3A_1643 = vector.shape_cast %add3A_1637 : vector<16xf32> to vector<1x16xf32>
        tpu.vector_store %arg38[%swap3A, %swap3A_1640], %swap3A_1643 {strides = array<i32>} : memref<16x32xf32, #tpu.memory_space<vmem>>, vector<1x16xf32>,
        %swap3A_1644 = arith.index_cast %scan3A_82 : i32 to index
        %swap3A_1645 = arith.constant 16 : index
        %swap3A_1646 = tpu.vector_load %arg38[%swap3A_1644, %swap3A_1645] {strides = array<i32>} : memref<16x32xf32, #tpu.memory_space<vmem>>, vector<1x16xf32>,
        %swap3A_1647 = vector.shape_cast %swap3A_1646 : vector<1x16xf32> to vector<16xf32>
        %swap3A_1648 = vector.shape_cast %add3A_1639 : vector<16xf32> to vector<1x16xf32>
        tpu.vector_store %arg38[%swap3A_1644, %swap3A_1645], %swap3A_1648 {strides = array<i32>} : memref<16x32xf32, #tpu.memory_space<vmem>>, vector<1x16xf32>,
      }
      %scan3A_48 = arith.constant 16 : i32
      %mul3A_49 = arith.constant 16 : i32
      %mul3A_50 = arith.muli %add3A_27, %mul3A_49 : i32
      %add3A_51 = arith.addi %mul3A_2, %mul3A_50 : i32
      "tpu.region"() ({
        %run_scoped3A = tpu.sem_alloc : memref<!tpu.dma_semaphore, #tpu.memory_space<semaphore_mem>>
        %dma_start3A_82 = arith.constant 0 : i32
        %dma_start3A_83 = tpu.memref_slice %arg11[%add3A_51, %dma_start3A_82] : memref<174080x32xf32, #tpu.memory_space<hbm>> -> memref<16x32xf32, #tpu.memory_space<hbm>>
        %dma_start3A_84 = arith.constant 0 : i32
        %dma_start3A_85 = tpu.memref_slice %arg11[%add3A_51, %dma_start3A_84] : memref<174080x32xf32, #tpu.memory_space<hbm>> -> memref<16x32xf32, #tpu.memory_space<hbm>>
        tpu.enqueue_dma source(%arg38 : memref<16x32xf32, #tpu.memory_space<vmem>>) target(%dma_start3A_85 : memref<16x32xf32, #tpu.memory_space<hbm>>) target_semaphore(%run_scoped3A : memref<!tpu.dma_semaphore, #tpu.memory_space<semaphore_mem>>)
        %dma_wait3A_86 = arith.constant 0 : i32
        %dma_wait3A_87 = tpu.memref_slice %arg11[%add3A_51, %dma_wait3A_86] : memref<174080x32xf32, #tpu.memory_space<hbm>> -> memref<16x32xf32, #tpu.memory_space<hbm>>
        %dma_wait3A_88 = arith.constant 0 : i32
        %dma_wait3A_89 = tpu.memref_slice %arg11[%add3A_51, %dma_wait3A_88] : memref<174080x32xf32, #tpu.memory_space<hbm>> -> memref<16x32xf32, #tpu.memory_space<hbm>>
        tpu.wait_dma2 semaphore(%run_scoped3A : memref<!tpu.dma_semaphore, #tpu.memory_space<semaphore_mem>>) src(%arg38 : memref<16x32xf32, #tpu.memory_space<vmem>>) dst(%dma_wait3A_89 : memref<16x32xf32, #tpu.memory_space<hbm>>)
        tpu.yield
      }) : () -> ()
      %add3A_52 = arith.constant 1 : i32
      %add3A_53 = arith.addi %mul3A_25, %add3A_52 : i32
      %dma_wait3A_54 = arith.constant 0 : i32
      %dma_wait3A_55 = arith.constant 0 : i32
      %dma_wait3A_56 = tpu.memref_slice %arg2[%dma_wait3A_54, %dma_wait3A_55] : memref<174080x32xf32, #tpu.memory_space<hbm>> -> memref<174080x32xf32, #tpu.memory_space<hbm>>
      tpu.wait_indirect_dma semaphore(%arg37 : memref<!tpu.dma_semaphore, #tpu.memory_space<semaphore_mem>>) src(%dma_wait3A_56 : memref<174080x32xf32, #tpu.memory_space<hbm>>) dst(%arg33 : memref<256x32xf32, #tpu.memory_space<vmem>>)
      %dma_wait3A_57 = arith.constant 0 : i32
      %dma_wait3A_58 = arith.constant 0 : i32
      %dma_wait3A_59 = tpu.memref_slice %arg2[%dma_wait3A_57, %dma_wait3A_58] : memref<174080x32xf32, #tpu.memory_space<hbm>> -> memref<174080x32xf32, #tpu.memory_space<hbm>>
      tpu.wait_indirect_dma semaphore(%arg37 : memref<!tpu.dma_semaphore, #tpu.memory_space<semaphore_mem>>) src(%dma_wait3A_59 : memref<174080x32xf32, #tpu.memory_space<hbm>>) dst(%arg34 : memref<256x32xf32, #tpu.memory_space<vmem>>)
      %dma_wait3A_60 = arith.constant 0 : i32
      %dma_wait3A_61 = arith.constant 0 : i32
      %dma_wait3A_62 = tpu.memref_slice %arg2[%dma_wait3A_60, %dma_wait3A_61] : memref<174080x32xf32, #tpu.memory_space<hbm>> -> memref<174080x32xf32, #tpu.memory_space<hbm>>
      tpu.wait_indirect_dma semaphore(%arg37 : memref<!tpu.dma_semaphore, #tpu.memory_space<semaphore_mem>>) src(%dma_wait3A_62 : memref<174080x32xf32, #tpu.memory_space<hbm>>) dst(%arg35 : memref<256x32xf32, #tpu.memory_space<vmem>>)
      %dma_wait3A_63 = arith.constant 0 : i32
      %dma_wait3A_64 = arith.constant 0 : i32
      %dma_wait3A_65 = tpu.memref_slice %arg2[%dma_wait3A_63, %dma_wait3A_64] : memref<174080x32xf32, #tpu.memory_space<hbm>> -> memref<174080x32xf32, #tpu.memory_space<hbm>>
      tpu.wait_indirect_dma semaphore(%arg37 : memref<!tpu.dma_semaphore, #tpu.memory_space<semaphore_mem>>) src(%dma_wait3A_65 : memref<174080x32xf32, #tpu.memory_space<hbm>>) dst(%arg36 : memref<256x32xf32, #tpu.memory_space<vmem>>)
      %add3A_66 = arith.constant 1 : i32
      %add3A_67 = arith.addi %add3A_53, %add3A_66 : i32
      %lt3A_68 = arith.constant 340 : i32
      %lt3A_69 = arith.cmpi slt, %add3A_67, %lt3A_68 : i32
      %convert_element_type3A_70 = arith.extui %lt3A_69 : i1 to i32
      %cond3A_71 = arith.constant 0 : i32
      %cond3A_72 = arith.cmpi ne, %convert_element_type3A_70, %cond3A_71 : i32
      scf.if %cond3A_72 {
        %add3A_82 = arith.constant 1 : i32
        %add3A_83 = arith.addi %add3A_53, %add3A_82 : i32
        %mul3A_84 = arith.constant 16 : i32
        %mul3A_85 = arith.muli %add3A_83, %mul3A_84 : i32
        %add3A_86 = arith.addi %mul3A_2, %mul3A_85 : i32
        %mul3A_87 = arith.constant 16 : i32
        %mul3A_88 = arith.muli %add3A_86, %mul3A_87 : i32
        "tpu.region"() ({
          %run_scoped3A = tpu.sem_alloc : memref<!tpu.dma_semaphore, #tpu.memory_space<semaphore_mem>>
          %dma_start3A_101 = tpu.memref_slice %arg3[%mul3A_88] : memref<2785280xi32, #tpu.memory_space<hbm>> -> memref<256xi32, #tpu.memory_space<hbm>>
          %dma_start3A_102 = tpu.memref_slice %arg3[%mul3A_88] : memref<2785280xi32, #tpu.memory_space<hbm>> -> memref<256xi32, #tpu.memory_space<hbm>>
          tpu.enqueue_dma source(%dma_start3A_102 : memref<256xi32, #tpu.memory_space<hbm>>) target(%arg12 : memref<256xi32, #tpu.memory_space<vmem>>) target_semaphore(%run_scoped3A : memref<!tpu.dma_semaphore, #tpu.memory_space<semaphore_mem>>)
          %dma_wait3A_103 = tpu.memref_slice %arg3[%mul3A_88] : memref<2785280xi32, #tpu.memory_space<hbm>> -> memref<256xi32, #tpu.memory_space<hbm>>
          %dma_wait3A_104 = tpu.memref_slice %arg3[%mul3A_88] : memref<2785280xi32, #tpu.memory_space<hbm>> -> memref<256xi32, #tpu.memory_space<hbm>>
          tpu.wait_dma2 semaphore(%run_scoped3A : memref<!tpu.dma_semaphore, #tpu.memory_space<semaphore_mem>>) src(%dma_wait3A_104 : memref<256xi32, #tpu.memory_space<hbm>>) dst(%arg12 : memref<256xi32, #tpu.memory_space<vmem>>)
          tpu.yield
        }) : () -> ()
        "tpu.region"() ({
          %run_scoped3A = tpu.sem_alloc : memref<!tpu.dma_semaphore, #tpu.memory_space<semaphore_mem>>
          %dma_start3A_101 = tpu.memref_slice %arg7[%mul3A_88] : memref<2785280xf32, #tpu.memory_space<hbm>> -> memref<256xf32, #tpu.memory_space<hbm>>
          %dma_start3A_102 = tpu.memref_slice %arg7[%mul3A_88] : memref<2785280xf32, #tpu.memory_space<hbm>> -> memref<256xf32, #tpu.memory_space<hbm>>
          tpu.enqueue_dma source(%dma_start3A_102 : memref<256xf32, #tpu.memory_space<hbm>>) target(%arg16 : memref<256xf32, #tpu.memory_space<vmem>>) target_semaphore(%run_scoped3A : memref<!tpu.dma_semaphore, #tpu.memory_space<semaphore_mem>>)
          %dma_wait3A_103 = tpu.memref_slice %arg7[%mul3A_88] : memref<2785280xf32, #tpu.memory_space<hbm>> -> memref<256xf32, #tpu.memory_space<hbm>>
          %dma_wait3A_104 = tpu.memref_slice %arg7[%mul3A_88] : memref<2785280xf32, #tpu.memory_space<hbm>> -> memref<256xf32, #tpu.memory_space<hbm>>
          tpu.wait_dma2 semaphore(%run_scoped3A : memref<!tpu.dma_semaphore, #tpu.memory_space<semaphore_mem>>) src(%dma_wait3A_104 : memref<256xf32, #tpu.memory_space<hbm>>) dst(%arg16 : memref<256xf32, #tpu.memory_space<vmem>>)
          tpu.yield
        }) : () -> ()
        "tpu.region"() ({
          %run_scoped3A = tpu.sem_alloc : memref<!tpu.dma_semaphore, #tpu.memory_space<semaphore_mem>>
          %dma_start3A_101 = tpu.memref_slice %arg4[%mul3A_88] : memref<2785280xi32, #tpu.memory_space<hbm>> -> memref<256xi32, #tpu.memory_space<hbm>>
          %dma_start3A_102 = tpu.memref_slice %arg4[%mul3A_88] : memref<2785280xi32, #tpu.memory_space<hbm>> -> memref<256xi32, #tpu.memory_space<hbm>>
          tpu.enqueue_dma source(%dma_start3A_102 : memref<256xi32, #tpu.memory_space<hbm>>) target(%arg13 : memref<256xi32, #tpu.memory_space<vmem>>) target_semaphore(%run_scoped3A : memref<!tpu.dma_semaphore, #tpu.memory_space<semaphore_mem>>)
          %dma_wait3A_103 = tpu.memref_slice %arg4[%mul3A_88] : memref<2785280xi32, #tpu.memory_space<hbm>> -> memref<256xi32, #tpu.memory_space<hbm>>
          %dma_wait3A_104 = tpu.memref_slice %arg4[%mul3A_88] : memref<2785280xi32, #tpu.memory_space<hbm>> -> memref<256xi32, #tpu.memory_space<hbm>>
          tpu.wait_dma2 semaphore(%run_scoped3A : memref<!tpu.dma_semaphore, #tpu.memory_space<semaphore_mem>>) src(%dma_wait3A_104 : memref<256xi32, #tpu.memory_space<hbm>>) dst(%arg13 : memref<256xi32, #tpu.memory_space<vmem>>)
          tpu.yield
        }) : () -> ()
        "tpu.region"() ({
          %run_scoped3A = tpu.sem_alloc : memref<!tpu.dma_semaphore, #tpu.memory_space<semaphore_mem>>
          %dma_start3A_101 = tpu.memref_slice %arg8[%mul3A_88] : memref<2785280xf32, #tpu.memory_space<hbm>> -> memref<256xf32, #tpu.memory_space<hbm>>
          %dma_start3A_102 = tpu.memref_slice %arg8[%mul3A_88] : memref<2785280xf32, #tpu.memory_space<hbm>> -> memref<256xf32, #tpu.memory_space<hbm>>
          tpu.enqueue_dma source(%dma_start3A_102 : memref<256xf32, #tpu.memory_space<hbm>>) target(%arg17 : memref<256xf32, #tpu.memory_space<vmem>>) target_semaphore(%run_scoped3A : memref<!tpu.dma_semaphore, #tpu.memory_space<semaphore_mem>>)
          %dma_wait3A_103 = tpu.memref_slice %arg8[%mul3A_88] : memref<2785280xf32, #tpu.memory_space<hbm>> -> memref<256xf32, #tpu.memory_space<hbm>>
          %dma_wait3A_104 = tpu.memref_slice %arg8[%mul3A_88] : memref<2785280xf32, #tpu.memory_space<hbm>> -> memref<256xf32, #tpu.memory_space<hbm>>
          tpu.wait_dma2 semaphore(%run_scoped3A : memref<!tpu.dma_semaphore, #tpu.memory_space<semaphore_mem>>) src(%dma_wait3A_104 : memref<256xf32, #tpu.memory_space<hbm>>) dst(%arg17 : memref<256xf32, #tpu.memory_space<vmem>>)
          tpu.yield
        }) : () -> ()
        "tpu.region"() ({
          %run_scoped3A = tpu.sem_alloc : memref<!tpu.dma_semaphore, #tpu.memory_space<semaphore_mem>>
          %dma_start3A_101 = tpu.memref_slice %arg5[%mul3A_88] : memref<2785280xi32, #tpu.memory_space<hbm>> -> memref<256xi32, #tpu.memory_space<hbm>>
          %dma_start3A_102 = tpu.memref_slice %arg5[%mul3A_88] : memref<2785280xi32, #tpu.memory_space<hbm>> -> memref<256xi32, #tpu.memory_space<hbm>>
          tpu.enqueue_dma source(%dma_start3A_102 : memref<256xi32, #tpu.memory_space<hbm>>) target(%arg14 : memref<256xi32, #tpu.memory_space<vmem>>) target_semaphore(%run_scoped3A : memref<!tpu.dma_semaphore, #tpu.memory_space<semaphore_mem>>)
          %dma_wait3A_103 = tpu.memref_slice %arg5[%mul3A_88] : memref<2785280xi32, #tpu.memory_space<hbm>> -> memref<256xi32, #tpu.memory_space<hbm>>
          %dma_wait3A_104 = tpu.memref_slice %arg5[%mul3A_88] : memref<2785280xi32, #tpu.memory_space<hbm>> -> memref<256xi32, #tpu.memory_space<hbm>>
          tpu.wait_dma2 semaphore(%run_scoped3A : memref<!tpu.dma_semaphore, #tpu.memory_space<semaphore_mem>>) src(%dma_wait3A_104 : memref<256xi32, #tpu.memory_space<hbm>>) dst(%arg14 : memref<256xi32, #tpu.memory_space<vmem>>)
          tpu.yield
        }) : () -> ()
        "tpu.region"() ({
          %run_scoped3A = tpu.sem_alloc : memref<!tpu.dma_semaphore, #tpu.memory_space<semaphore_mem>>
          %dma_start3A_101 = tpu.memref_slice %arg9[%mul3A_88] : memref<2785280xf32, #tpu.memory_space<hbm>> -> memref<256xf32, #tpu.memory_space<hbm>>
          %dma_start3A_102 = tpu.memref_slice %arg9[%mul3A_88] : memref<2785280xf32, #tpu.memory_space<hbm>> -> memref<256xf32, #tpu.memory_space<hbm>>
          tpu.enqueue_dma source(%dma_start3A_102 : memref<256xf32, #tpu.memory_space<hbm>>) target(%arg18 : memref<256xf32, #tpu.memory_space<vmem>>) target_semaphore(%run_scoped3A : memref<!tpu.dma_semaphore, #tpu.memory_space<semaphore_mem>>)
          %dma_wait3A_103 = tpu.memref_slice %arg9[%mul3A_88] : memref<2785280xf32, #tpu.memory_space<hbm>> -> memref<256xf32, #tpu.memory_space<hbm>>
          %dma_wait3A_104 = tpu.memref_slice %arg9[%mul3A_88] : memref<2785280xf32, #tpu.memory_space<hbm>> -> memref<256xf32, #tpu.memory_space<hbm>>
          tpu.wait_dma2 semaphore(%run_scoped3A : memref<!tpu.dma_semaphore, #tpu.memory_space<semaphore_mem>>) src(%dma_wait3A_104 : memref<256xf32, #tpu.memory_space<hbm>>) dst(%arg18 : memref<256xf32, #tpu.memory_space<vmem>>)
          tpu.yield
        }) : () -> ()
        "tpu.region"() ({
          %run_scoped3A = tpu.sem_alloc : memref<!tpu.dma_semaphore, #tpu.memory_space<semaphore_mem>>
          %dma_start3A_101 = tpu.memref_slice %arg6[%mul3A_88] : memref<2785280xi32, #tpu.memory_space<hbm>> -> memref<256xi32, #tpu.memory_space<hbm>>
          %dma_start3A_102 = tpu.memref_slice %arg6[%mul3A_88] : memref<2785280xi32, #tpu.memory_space<hbm>> -> memref<256xi32, #tpu.memory_space<hbm>>
          tpu.enqueue_dma source(%dma_start3A_102 : memref<256xi32, #tpu.memory_space<hbm>>) target(%arg15 : memref<256xi32, #tpu.memory_space<vmem>>) target_semaphore(%run_scoped3A : memref<!tpu.dma_semaphore, #tpu.memory_space<semaphore_mem>>)
          %dma_wait3A_103 = tpu.memref_slice %arg6[%mul3A_88] : memref<2785280xi32, #tpu.memory_space<hbm>> -> memref<256xi32, #tpu.memory_space<hbm>>
          %dma_wait3A_104 = tpu.memref_slice %arg6[%mul3A_88] : memref<2785280xi32, #tpu.memory_space<hbm>> -> memref<256xi32, #tpu.memory_space<hbm>>
          tpu.wait_dma2 semaphore(%run_scoped3A : memref<!tpu.dma_semaphore, #tpu.memory_space<semaphore_mem>>) src(%dma_wait3A_104 : memref<256xi32, #tpu.memory_space<hbm>>) dst(%arg15 : memref<256xi32, #tpu.memory_space<vmem>>)
          tpu.yield
        }) : () -> ()
        "tpu.region"() ({
          %run_scoped3A = tpu.sem_alloc : memref<!tpu.dma_semaphore, #tpu.memory_space<semaphore_mem>>
          %dma_start3A_101 = tpu.memref_slice %arg10[%mul3A_88] : memref<2785280xf32, #tpu.memory_space<hbm>> -> memref<256xf32, #tpu.memory_space<hbm>>
          %dma_start3A_102 = tpu.memref_slice %arg10[%mul3A_88] : memref<2785280xf32, #tpu.memory_space<hbm>> -> memref<256xf32, #tpu.memory_space<hbm>>
          tpu.enqueue_dma source(%dma_start3A_102 : memref<256xf32, #tpu.memory_space<hbm>>) target(%arg19 : memref<256xf32, #tpu.memory_space<vmem>>) target_semaphore(%run_scoped3A : memref<!tpu.dma_semaphore, #tpu.memory_space<semaphore_mem>>)
          %dma_wait3A_103 = tpu.memref_slice %arg10[%mul3A_88] : memref<2785280xf32, #tpu.memory_space<hbm>> -> memref<256xf32, #tpu.memory_space<hbm>>
          %dma_wait3A_104 = tpu.memref_slice %arg10[%mul3A_88] : memref<2785280xf32, #tpu.memory_space<hbm>> -> memref<256xf32, #tpu.memory_space<hbm>>
          tpu.wait_dma2 semaphore(%run_scoped3A : memref<!tpu.dma_semaphore, #tpu.memory_space<semaphore_mem>>) src(%dma_wait3A_104 : memref<256xf32, #tpu.memory_space<hbm>>) dst(%arg19 : memref<256xf32, #tpu.memory_space<vmem>>)
          tpu.yield
        }) : () -> ()
        %dma_start3A_89 = arith.constant 0 : i32
        %dma_start3A_90 = arith.constant 0 : i32
        %dma_start3A_91 = tpu.memref_slice %arg2[%dma_start3A_89, %dma_start3A_90] : memref<174080x32xf32, #tpu.memory_space<hbm>> -> memref<174080x32xf32, #tpu.memory_space<hbm>>
        tpu.enqueue_indirect_dma source(%dma_start3A_91 : memref<174080x32xf32, #tpu.memory_space<hbm>>) target(%arg20 : memref<256x32xf32, #tpu.memory_space<vmem>>) offsets(%arg12 : memref<256xi32, #tpu.memory_space<vmem>>) semaphore(%arg24 : memref<!tpu.dma_semaphore, #tpu.memory_space<semaphore_mem>>)
        %dma_start3A_92 = arith.constant 0 : i32
        %dma_start3A_93 = arith.constant 0 : i32
        %dma_start3A_94 = tpu.memref_slice %arg2[%dma_start3A_92, %dma_start3A_93] : memref<174080x32xf32, #tpu.memory_space<hbm>> -> memref<174080x32xf32, #tpu.memory_space<hbm>>
        tpu.enqueue_indirect_dma source(%dma_start3A_94 : memref<174080x32xf32, #tpu.memory_space<hbm>>) target(%arg21 : memref<256x32xf32, #tpu.memory_space<vmem>>) offsets(%arg13 : memref<256xi32, #tpu.memory_space<vmem>>) semaphore(%arg24 : memref<!tpu.dma_semaphore, #tpu.memory_space<semaphore_mem>>)
        %dma_start3A_95 = arith.constant 0 : i32
        %dma_start3A_96 = arith.constant 0 : i32
        %dma_start3A_97 = tpu.memref_slice %arg2[%dma_start3A_95, %dma_start3A_96] : memref<174080x32xf32, #tpu.memory_space<hbm>> -> memref<174080x32xf32, #tpu.memory_space<hbm>>
        tpu.enqueue_indirect_dma source(%dma_start3A_97 : memref<174080x32xf32, #tpu.memory_space<hbm>>) target(%arg22 : memref<256x32xf32, #tpu.memory_space<vmem>>) offsets(%arg14 : memref<256xi32, #tpu.memory_space<vmem>>) semaphore(%arg24 : memref<!tpu.dma_semaphore, #tpu.memory_space<semaphore_mem>>)
        %dma_start3A_98 = arith.constant 0 : i32
        %dma_start3A_99 = arith.constant 0 : i32
        %dma_start3A_100 = tpu.memref_slice %arg2[%dma_start3A_98, %dma_start3A_99] : memref<174080x32xf32, #tpu.memory_space<hbm>> -> memref<174080x32xf32, #tpu.memory_space<hbm>>
        tpu.enqueue_indirect_dma source(%dma_start3A_100 : memref<174080x32xf32, #tpu.memory_space<hbm>>) target(%arg23 : memref<256x32xf32, #tpu.memory_space<vmem>>) offsets(%arg15 : memref<256xi32, #tpu.memory_space<vmem>>) semaphore(%arg24 : memref<!tpu.dma_semaphore, #tpu.memory_space<semaphore_mem>>)
      } else {
      }
      %scan3A_73 = arith.constant 0 : i32
      %scan3A_74 = arith.constant 0 : i32
      %scan3A_75 = arith.constant 16 : i32
      %scan3A_76 = arith.addi %scan3A_74, %scan3A_75 : i32
      %scan3A_77 = arith.constant 1 : i32
      scf.for %scan3A_82 = %scan3A_74 to %scan3A_76 step %scan3A_77  : i32 {
        %broadcast_in_dim3A = arith.constant 0.000000e+00 : f32
        %broadcast_in_dim3A_83 = vector.broadcast %broadcast_in_dim3A : f32 to vector<16xf32>
        %broadcast_in_dim3A_84 = arith.constant 0.000000e+00 : f32
        %broadcast_in_dim3A_85 = vector.broadcast %broadcast_in_dim3A_84 : f32 to vector<16xf32>
        %mul3A_86 = arith.constant 16 : i32
        %mul3A_87 = arith.muli %scan3A_82, %mul3A_86 : i32
        %get3A = arith.index_cast %mul3A_87 : i32 to index
        %get3A_88 = tpu.vector_load %arg29[%get3A] {strides = array<i32>} : memref<256xf32, #tpu.memory_space<vmem>>, vector<16xf32>,
        %get3A_89 = vector.shape_cast %get3A_88 : vector<16xf32> to vector<16xf32>
        %broadcast_in_dim3A_90 = arith.constant 0 : i32
        %broadcast_in_dim3A_91 = vector.broadcast %broadcast_in_dim3A_90 : i32 to vector<16x1xi32>
        %gather3A = vector.shape_cast %broadcast_in_dim3A_91 : vector<16x1xi32> to vector<16xi32>
        %gather3A_92 = tpu.dynamic_gather %get3A_89[%gather3A] in [0] : vector<16xf32>, vector<16xi32> -> vector<16xf32>
        %mul3A_93 = arith.constant 16 : i32
        %mul3A_94 = arith.muli %scan3A_82, %mul3A_93 : i32
        %add3A_95 = arith.constant 0 : i32
        %add3A_96 = arith.addi %mul3A_94, %add3A_95 : i32
        %get3A_97 = arith.index_cast %add3A_96 : i32 to index
        %get3A_98 = arith.constant 0 : index
        %get3A_99 = tpu.vector_load %arg33[%get3A_97, %get3A_98] {strides = array<i32>} : memref<256x32xf32, #tpu.memory_space<vmem>>, vector<1x16xf32>,
        %get3A_100 = vector.shape_cast %get3A_99 : vector<1x16xf32> to vector<16xf32>
        %mul3A_101 = arith.constant 16 : i32
        %mul3A_102 = arith.muli %scan3A_82, %mul3A_101 : i32
        %add3A_103 = arith.constant 0 : i32
        %add3A_104 = arith.addi %mul3A_102, %add3A_103 : i32
        %get3A_105 = arith.index_cast %add3A_104 : i32 to index
        %get3A_106 = arith.constant 16 : index
        %get3A_107 = tpu.vector_load %arg33[%get3A_105, %get3A_106] {strides = array<i32>} : memref<256x32xf32, #tpu.memory_space<vmem>>, vector<1x16xf32>,
        %get3A_108 = vector.shape_cast %get3A_107 : vector<1x16xf32> to vector<16xf32>
        %mul3A_109 = arith.mulf %gather3A_92, %get3A_100 : vector<16xf32>
        %add3A_110 = arith.addf %broadcast_in_dim3A_83, %mul3A_109 : vector<16xf32>
        %mul3A_111 = arith.mulf %gather3A_92, %get3A_108 : vector<16xf32>
        %add3A_112 = arith.addf %broadcast_in_dim3A_85, %mul3A_111 : vector<16xf32>
        %broadcast_in_dim3A_113 = arith.constant 1 : i32
        %broadcast_in_dim3A_114 = vector.broadcast %broadcast_in_dim3A_113 : i32 to vector<16x1xi32>
        %gather3A_115 = vector.shape_cast %broadcast_in_dim3A_114 : vector<16x1xi32> to vector<16xi32>
        %gather3A_116 = tpu.dynamic_gather %get3A_89[%gather3A_115] in [0] : vector<16xf32>, vector<16xi32> -> vector<16xf32>
        %mul3A_117 = arith.constant 16 : i32
        %mul3A_118 = arith.muli %scan3A_82, %mul3A_117 : i32
        %add3A_119 = arith.constant 1 : i32
        %add3A_120 = arith.addi %mul3A_118, %add3A_119 : i32
        %get3A_121 = arith.index_cast %add3A_120 : i32 to index
        %get3A_122 = arith.constant 0 : index
        %get3A_123 = tpu.vector_load %arg33[%get3A_121, %get3A_122] {strides = array<i32>} : memref<256x32xf32, #tpu.memory_space<vmem>>, vector<1x16xf32>,
        %get3A_124 = vector.shape_cast %get3A_123 : vector<1x16xf32> to vector<16xf32>
        %mul3A_125 = arith.constant 16 : i32
        %mul3A_126 = arith.muli %scan3A_82, %mul3A_125 : i32
        %add3A_127 = arith.constant 1 : i32
        %add3A_128 = arith.addi %mul3A_126, %add3A_127 : i32
        %get3A_129 = arith.index_cast %add3A_128 : i32 to index
        %get3A_130 = arith.constant 16 : index
        %get3A_131 = tpu.vector_load %arg33[%get3A_129, %get3A_130] {strides = array<i32>} : memref<256x32xf32, #tpu.memory_space<vmem>>, vector<1x16xf32>,
        %get3A_132 = vector.shape_cast %get3A_131 : vector<1x16xf32> to vector<16xf32>
        %mul3A_133 = arith.mulf %gather3A_116, %get3A_124 : vector<16xf32>
        %add3A_134 = arith.addf %add3A_110, %mul3A_133 : vector<16xf32>
        %mul3A_135 = arith.mulf %gather3A_116, %get3A_132 : vector<16xf32>
        %add3A_136 = arith.addf %add3A_112, %mul3A_135 : vector<16xf32>
        %broadcast_in_dim3A_137 = arith.constant 2 : i32
        %broadcast_in_dim3A_138 = vector.broadcast %broadcast_in_dim3A_137 : i32 to vector<16x1xi32>
        %gather3A_139 = vector.shape_cast %broadcast_in_dim3A_138 : vector<16x1xi32> to vector<16xi32>
        %gather3A_140 = tpu.dynamic_gather %get3A_89[%gather3A_139] in [0] : vector<16xf32>, vector<16xi32> -> vector<16xf32>
        %mul3A_141 = arith.constant 16 : i32
        %mul3A_142 = arith.muli %scan3A_82, %mul3A_141 : i32
        %add3A_143 = arith.constant 2 : i32
        %add3A_144 = arith.addi %mul3A_142, %add3A_143 : i32
        %get3A_145 = arith.index_cast %add3A_144 : i32 to index
        %get3A_146 = arith.constant 0 : index
        %get3A_147 = tpu.vector_load %arg33[%get3A_145, %get3A_146] {strides = array<i32>} : memref<256x32xf32, #tpu.memory_space<vmem>>, vector<1x16xf32>,
        %get3A_148 = vector.shape_cast %get3A_147 : vector<1x16xf32> to vector<16xf32>
        %mul3A_149 = arith.constant 16 : i32
        %mul3A_150 = arith.muli %scan3A_82, %mul3A_149 : i32
        %add3A_151 = arith.constant 2 : i32
        %add3A_152 = arith.addi %mul3A_150, %add3A_151 : i32
        %get3A_153 = arith.index_cast %add3A_152 : i32 to index
        %get3A_154 = arith.constant 16 : index
        %get3A_155 = tpu.vector_load %arg33[%get3A_153, %get3A_154] {strides = array<i32>} : memref<256x32xf32, #tpu.memory_space<vmem>>, vector<1x16xf32>,
        %get3A_156 = vector.shape_cast %get3A_155 : vector<1x16xf32> to vector<16xf32>
        %mul3A_157 = arith.mulf %gather3A_140, %get3A_148 : vector<16xf32>
        %add3A_158 = arith.addf %add3A_134, %mul3A_157 : vector<16xf32>
        %mul3A_159 = arith.mulf %gather3A_140, %get3A_156 : vector<16xf32>
        %add3A_160 = arith.addf %add3A_136, %mul3A_159 : vector<16xf32>
        %broadcast_in_dim3A_161 = arith.constant 3 : i32
        %broadcast_in_dim3A_162 = vector.broadcast %broadcast_in_dim3A_161 : i32 to vector<16x1xi32>
        %gather3A_163 = vector.shape_cast %broadcast_in_dim3A_162 : vector<16x1xi32> to vector<16xi32>
        %gather3A_164 = tpu.dynamic_gather %get3A_89[%gather3A_163] in [0] : vector<16xf32>, vector<16xi32> -> vector<16xf32>
        %mul3A_165 = arith.constant 16 : i32
        %mul3A_166 = arith.muli %scan3A_82, %mul3A_165 : i32
        %add3A_167 = arith.constant 3 : i32
        %add3A_168 = arith.addi %mul3A_166, %add3A_167 : i32
        %get3A_169 = arith.index_cast %add3A_168 : i32 to index
        %get3A_170 = arith.constant 0 : index
        %get3A_171 = tpu.vector_load %arg33[%get3A_169, %get3A_170] {strides = array<i32>} : memref<256x32xf32, #tpu.memory_space<vmem>>, vector<1x16xf32>,
        %get3A_172 = vector.shape_cast %get3A_171 : vector<1x16xf32> to vector<16xf32>
        %mul3A_173 = arith.constant 16 : i32
        %mul3A_174 = arith.muli %scan3A_82, %mul3A_173 : i32
        %add3A_175 = arith.constant 3 : i32
        %add3A_176 = arith.addi %mul3A_174, %add3A_175 : i32
        %get3A_177 = arith.index_cast %add3A_176 : i32 to index
        %get3A_178 = arith.constant 16 : index
        %get3A_179 = tpu.vector_load %arg33[%get3A_177, %get3A_178] {strides = array<i32>} : memref<256x32xf32, #tpu.memory_space<vmem>>, vector<1x16xf32>,
        %get3A_180 = vector.shape_cast %get3A_179 : vector<1x16xf32> to vector<16xf32>
        %mul3A_181 = arith.mulf %gather3A_164, %get3A_172 : vector<16xf32>
        %add3A_182 = arith.addf %add3A_158, %mul3A_181 : vector<16xf32>
        %mul3A_183 = arith.mulf %gather3A_164, %get3A_180 : vector<16xf32>
        %add3A_184 = arith.addf %add3A_160, %mul3A_183 : vector<16xf32>
        %broadcast_in_dim3A_185 = arith.constant 4 : i32
        %broadcast_in_dim3A_186 = vector.broadcast %broadcast_in_dim3A_185 : i32 to vector<16x1xi32>
        %gather3A_187 = vector.shape_cast %broadcast_in_dim3A_186 : vector<16x1xi32> to vector<16xi32>
        %gather3A_188 = tpu.dynamic_gather %get3A_89[%gather3A_187] in [0] : vector<16xf32>, vector<16xi32> -> vector<16xf32>
        %mul3A_189 = arith.constant 16 : i32
        %mul3A_190 = arith.muli %scan3A_82, %mul3A_189 : i32
        %add3A_191 = arith.constant 4 : i32
        %add3A_192 = arith.addi %mul3A_190, %add3A_191 : i32
        %get3A_193 = arith.index_cast %add3A_192 : i32 to index
        %get3A_194 = arith.constant 0 : index
        %get3A_195 = tpu.vector_load %arg33[%get3A_193, %get3A_194] {strides = array<i32>} : memref<256x32xf32, #tpu.memory_space<vmem>>, vector<1x16xf32>,
        %get3A_196 = vector.shape_cast %get3A_195 : vector<1x16xf32> to vector<16xf32>
        %mul3A_197 = arith.constant 16 : i32
        %mul3A_198 = arith.muli %scan3A_82, %mul3A_197 : i32
        %add3A_199 = arith.constant 4 : i32
        %add3A_200 = arith.addi %mul3A_198, %add3A_199 : i32
        %get3A_201 = arith.index_cast %add3A_200 : i32 to index
        %get3A_202 = arith.constant 16 : index
        %get3A_203 = tpu.vector_load %arg33[%get3A_201, %get3A_202] {strides = array<i32>} : memref<256x32xf32, #tpu.memory_space<vmem>>, vector<1x16xf32>,
        %get3A_204 = vector.shape_cast %get3A_203 : vector<1x16xf32> to vector<16xf32>
        %mul3A_205 = arith.mulf %gather3A_188, %get3A_196 : vector<16xf32>
        %add3A_206 = arith.addf %add3A_182, %mul3A_205 : vector<16xf32>
        %mul3A_207 = arith.mulf %gather3A_188, %get3A_204 : vector<16xf32>
        %add3A_208 = arith.addf %add3A_184, %mul3A_207 : vector<16xf32>
        %broadcast_in_dim3A_209 = arith.constant 5 : i32
        %broadcast_in_dim3A_210 = vector.broadcast %broadcast_in_dim3A_209 : i32 to vector<16x1xi32>
        %gather3A_211 = vector.shape_cast %broadcast_in_dim3A_210 : vector<16x1xi32> to vector<16xi32>
        %gather3A_212 = tpu.dynamic_gather %get3A_89[%gather3A_211] in [0] : vector<16xf32>, vector<16xi32> -> vector<16xf32>
        %mul3A_213 = arith.constant 16 : i32
        %mul3A_214 = arith.muli %scan3A_82, %mul3A_213 : i32
        %add3A_215 = arith.constant 5 : i32
        %add3A_216 = arith.addi %mul3A_214, %add3A_215 : i32
        %get3A_217 = arith.index_cast %add3A_216 : i32 to index
        %get3A_218 = arith.constant 0 : index
        %get3A_219 = tpu.vector_load %arg33[%get3A_217, %get3A_218] {strides = array<i32>} : memref<256x32xf32, #tpu.memory_space<vmem>>, vector<1x16xf32>,
        %get3A_220 = vector.shape_cast %get3A_219 : vector<1x16xf32> to vector<16xf32>
        %mul3A_221 = arith.constant 16 : i32
        %mul3A_222 = arith.muli %scan3A_82, %mul3A_221 : i32
        %add3A_223 = arith.constant 5 : i32
        %add3A_224 = arith.addi %mul3A_222, %add3A_223 : i32
        %get3A_225 = arith.index_cast %add3A_224 : i32 to index
        %get3A_226 = arith.constant 16 : index
        %get3A_227 = tpu.vector_load %arg33[%get3A_225, %get3A_226] {strides = array<i32>} : memref<256x32xf32, #tpu.memory_space<vmem>>, vector<1x16xf32>,
        %get3A_228 = vector.shape_cast %get3A_227 : vector<1x16xf32> to vector<16xf32>
        %mul3A_229 = arith.mulf %gather3A_212, %get3A_220 : vector<16xf32>
        %add3A_230 = arith.addf %add3A_206, %mul3A_229 : vector<16xf32>
        %mul3A_231 = arith.mulf %gather3A_212, %get3A_228 : vector<16xf32>
        %add3A_232 = arith.addf %add3A_208, %mul3A_231 : vector<16xf32>
        %broadcast_in_dim3A_233 = arith.constant 6 : i32
        %broadcast_in_dim3A_234 = vector.broadcast %broadcast_in_dim3A_233 : i32 to vector<16x1xi32>
        %gather3A_235 = vector.shape_cast %broadcast_in_dim3A_234 : vector<16x1xi32> to vector<16xi32>
        %gather3A_236 = tpu.dynamic_gather %get3A_89[%gather3A_235] in [0] : vector<16xf32>, vector<16xi32> -> vector<16xf32>
        %mul3A_237 = arith.constant 16 : i32
        %mul3A_238 = arith.muli %scan3A_82, %mul3A_237 : i32
        %add3A_239 = arith.constant 6 : i32
        %add3A_240 = arith.addi %mul3A_238, %add3A_239 : i32
        %get3A_241 = arith.index_cast %add3A_240 : i32 to index
        %get3A_242 = arith.constant 0 : index
        %get3A_243 = tpu.vector_load %arg33[%get3A_241, %get3A_242] {strides = array<i32>} : memref<256x32xf32, #tpu.memory_space<vmem>>, vector<1x16xf32>,
        %get3A_244 = vector.shape_cast %get3A_243 : vector<1x16xf32> to vector<16xf32>
        %mul3A_245 = arith.constant 16 : i32
        %mul3A_246 = arith.muli %scan3A_82, %mul3A_245 : i32
        %add3A_247 = arith.constant 6 : i32
        %add3A_248 = arith.addi %mul3A_246, %add3A_247 : i32
        %get3A_249 = arith.index_cast %add3A_248 : i32 to index
        %get3A_250 = arith.constant 16 : index
        %get3A_251 = tpu.vector_load %arg33[%get3A_249, %get3A_250] {strides = array<i32>} : memref<256x32xf32, #tpu.memory_space<vmem>>, vector<1x16xf32>,
        %get3A_252 = vector.shape_cast %get3A_251 : vector<1x16xf32> to vector<16xf32>
        %mul3A_253 = arith.mulf %gather3A_236, %get3A_244 : vector<16xf32>
        %add3A_254 = arith.addf %add3A_230, %mul3A_253 : vector<16xf32>
        %mul3A_255 = arith.mulf %gather3A_236, %get3A_252 : vector<16xf32>
        %add3A_256 = arith.addf %add3A_232, %mul3A_255 : vector<16xf32>
        %broadcast_in_dim3A_257 = arith.constant 7 : i32
        %broadcast_in_dim3A_258 = vector.broadcast %broadcast_in_dim3A_257 : i32 to vector<16x1xi32>
        %gather3A_259 = vector.shape_cast %broadcast_in_dim3A_258 : vector<16x1xi32> to vector<16xi32>
        %gather3A_260 = tpu.dynamic_gather %get3A_89[%gather3A_259] in [0] : vector<16xf32>, vector<16xi32> -> vector<16xf32>
        %mul3A_261 = arith.constant 16 : i32
        %mul3A_262 = arith.muli %scan3A_82, %mul3A_261 : i32
        %add3A_263 = arith.constant 7 : i32
        %add3A_264 = arith.addi %mul3A_262, %add3A_263 : i32
        %get3A_265 = arith.index_cast %add3A_264 : i32 to index
        %get3A_266 = arith.constant 0 : index
        %get3A_267 = tpu.vector_load %arg33[%get3A_265, %get3A_266] {strides = array<i32>} : memref<256x32xf32, #tpu.memory_space<vmem>>, vector<1x16xf32>,
        %get3A_268 = vector.shape_cast %get3A_267 : vector<1x16xf32> to vector<16xf32>
        %mul3A_269 = arith.constant 16 : i32
        %mul3A_270 = arith.muli %scan3A_82, %mul3A_269 : i32
        %add3A_271 = arith.constant 7 : i32
        %add3A_272 = arith.addi %mul3A_270, %add3A_271 : i32
        %get3A_273 = arith.index_cast %add3A_272 : i32 to index
        %get3A_274 = arith.constant 16 : index
        %get3A_275 = tpu.vector_load %arg33[%get3A_273, %get3A_274] {strides = array<i32>} : memref<256x32xf32, #tpu.memory_space<vmem>>, vector<1x16xf32>,
        %get3A_276 = vector.shape_cast %get3A_275 : vector<1x16xf32> to vector<16xf32>
        %mul3A_277 = arith.mulf %gather3A_260, %get3A_268 : vector<16xf32>
        %add3A_278 = arith.addf %add3A_254, %mul3A_277 : vector<16xf32>
        %mul3A_279 = arith.mulf %gather3A_260, %get3A_276 : vector<16xf32>
        %add3A_280 = arith.addf %add3A_256, %mul3A_279 : vector<16xf32>
        %broadcast_in_dim3A_281 = arith.constant 8 : i32
        %broadcast_in_dim3A_282 = vector.broadcast %broadcast_in_dim3A_281 : i32 to vector<16x1xi32>
        %gather3A_283 = vector.shape_cast %broadcast_in_dim3A_282 : vector<16x1xi32> to vector<16xi32>
        %gather3A_284 = tpu.dynamic_gather %get3A_89[%gather3A_283] in [0] : vector<16xf32>, vector<16xi32> -> vector<16xf32>
        %mul3A_285 = arith.constant 16 : i32
        %mul3A_286 = arith.muli %scan3A_82, %mul3A_285 : i32
        %add3A_287 = arith.constant 8 : i32
        %add3A_288 = arith.addi %mul3A_286, %add3A_287 : i32
        %get3A_289 = arith.index_cast %add3A_288 : i32 to index
        %get3A_290 = arith.constant 0 : index
        %get3A_291 = tpu.vector_load %arg33[%get3A_289, %get3A_290] {strides = array<i32>} : memref<256x32xf32, #tpu.memory_space<vmem>>, vector<1x16xf32>,
        %get3A_292 = vector.shape_cast %get3A_291 : vector<1x16xf32> to vector<16xf32>
        %mul3A_293 = arith.constant 16 : i32
        %mul3A_294 = arith.muli %scan3A_82, %mul3A_293 : i32
        %add3A_295 = arith.constant 8 : i32
        %add3A_296 = arith.addi %mul3A_294, %add3A_295 : i32
        %get3A_297 = arith.index_cast %add3A_296 : i32 to index
        %get3A_298 = arith.constant 16 : index
        %get3A_299 = tpu.vector_load %arg33[%get3A_297, %get3A_298] {strides = array<i32>} : memref<256x32xf32, #tpu.memory_space<vmem>>, vector<1x16xf32>,
        %get3A_300 = vector.shape_cast %get3A_299 : vector<1x16xf32> to vector<16xf32>
        %mul3A_301 = arith.mulf %gather3A_284, %get3A_292 : vector<16xf32>
        %add3A_302 = arith.addf %add3A_278, %mul3A_301 : vector<16xf32>
        %mul3A_303 = arith.mulf %gather3A_284, %get3A_300 : vector<16xf32>
        %add3A_304 = arith.addf %add3A_280, %mul3A_303 : vector<16xf32>
        %broadcast_in_dim3A_305 = arith.constant 9 : i32
        %broadcast_in_dim3A_306 = vector.broadcast %broadcast_in_dim3A_305 : i32 to vector<16x1xi32>
        %gather3A_307 = vector.shape_cast %broadcast_in_dim3A_306 : vector<16x1xi32> to vector<16xi32>
        %gather3A_308 = tpu.dynamic_gather %get3A_89[%gather3A_307] in [0] : vector<16xf32>, vector<16xi32> -> vector<16xf32>
        %mul3A_309 = arith.constant 16 : i32
        %mul3A_310 = arith.muli %scan3A_82, %mul3A_309 : i32
        %add3A_311 = arith.constant 9 : i32
        %add3A_312 = arith.addi %mul3A_310, %add3A_311 : i32
        %get3A_313 = arith.index_cast %add3A_312 : i32 to index
        %get3A_314 = arith.constant 0 : index
        %get3A_315 = tpu.vector_load %arg33[%get3A_313, %get3A_314] {strides = array<i32>} : memref<256x32xf32, #tpu.memory_space<vmem>>, vector<1x16xf32>,
        %get3A_316 = vector.shape_cast %get3A_315 : vector<1x16xf32> to vector<16xf32>
        %mul3A_317 = arith.constant 16 : i32
        %mul3A_318 = arith.muli %scan3A_82, %mul3A_317 : i32
        %add3A_319 = arith.constant 9 : i32
        %add3A_320 = arith.addi %mul3A_318, %add3A_319 : i32
        %get3A_321 = arith.index_cast %add3A_320 : i32 to index
        %get3A_322 = arith.constant 16 : index
        %get3A_323 = tpu.vector_load %arg33[%get3A_321, %get3A_322] {strides = array<i32>} : memref<256x32xf32, #tpu.memory_space<vmem>>, vector<1x16xf32>,
        %get3A_324 = vector.shape_cast %get3A_323 : vector<1x16xf32> to vector<16xf32>
        %mul3A_325 = arith.mulf %gather3A_308, %get3A_316 : vector<16xf32>
        %add3A_326 = arith.addf %add3A_302, %mul3A_325 : vector<16xf32>
        %mul3A_327 = arith.mulf %gather3A_308, %get3A_324 : vector<16xf32>
        %add3A_328 = arith.addf %add3A_304, %mul3A_327 : vector<16xf32>
        %broadcast_in_dim3A_329 = arith.constant 10 : i32
        %broadcast_in_dim3A_330 = vector.broadcast %broadcast_in_dim3A_329 : i32 to vector<16x1xi32>
        %gather3A_331 = vector.shape_cast %broadcast_in_dim3A_330 : vector<16x1xi32> to vector<16xi32>
        %gather3A_332 = tpu.dynamic_gather %get3A_89[%gather3A_331] in [0] : vector<16xf32>, vector<16xi32> -> vector<16xf32>
        %mul3A_333 = arith.constant 16 : i32
        %mul3A_334 = arith.muli %scan3A_82, %mul3A_333 : i32
        %add3A_335 = arith.constant 10 : i32
        %add3A_336 = arith.addi %mul3A_334, %add3A_335 : i32
        %get3A_337 = arith.index_cast %add3A_336 : i32 to index
        %get3A_338 = arith.constant 0 : index
        %get3A_339 = tpu.vector_load %arg33[%get3A_337, %get3A_338] {strides = array<i32>} : memref<256x32xf32, #tpu.memory_space<vmem>>, vector<1x16xf32>,
        %get3A_340 = vector.shape_cast %get3A_339 : vector<1x16xf32> to vector<16xf32>
        %mul3A_341 = arith.constant 16 : i32
        %mul3A_342 = arith.muli %scan3A_82, %mul3A_341 : i32
        %add3A_343 = arith.constant 10 : i32
        %add3A_344 = arith.addi %mul3A_342, %add3A_343 : i32
        %get3A_345 = arith.index_cast %add3A_344 : i32 to index
        %get3A_346 = arith.constant 16 : index
        %get3A_347 = tpu.vector_load %arg33[%get3A_345, %get3A_346] {strides = array<i32>} : memref<256x32xf32, #tpu.memory_space<vmem>>, vector<1x16xf32>,
        %get3A_348 = vector.shape_cast %get3A_347 : vector<1x16xf32> to vector<16xf32>
        %mul3A_349 = arith.mulf %gather3A_332, %get3A_340 : vector<16xf32>
        %add3A_350 = arith.addf %add3A_326, %mul3A_349 : vector<16xf32>
        %mul3A_351 = arith.mulf %gather3A_332, %get3A_348 : vector<16xf32>
        %add3A_352 = arith.addf %add3A_328, %mul3A_351 : vector<16xf32>
        %broadcast_in_dim3A_353 = arith.constant 11 : i32
        %broadcast_in_dim3A_354 = vector.broadcast %broadcast_in_dim3A_353 : i32 to vector<16x1xi32>
        %gather3A_355 = vector.shape_cast %broadcast_in_dim3A_354 : vector<16x1xi32> to vector<16xi32>
        %gather3A_356 = tpu.dynamic_gather %get3A_89[%gather3A_355] in [0] : vector<16xf32>, vector<16xi32> -> vector<16xf32>
        %mul3A_357 = arith.constant 16 : i32
        %mul3A_358 = arith.muli %scan3A_82, %mul3A_357 : i32
        %add3A_359 = arith.constant 11 : i32
        %add3A_360 = arith.addi %mul3A_358, %add3A_359 : i32
        %get3A_361 = arith.index_cast %add3A_360 : i32 to index
        %get3A_362 = arith.constant 0 : index
        %get3A_363 = tpu.vector_load %arg33[%get3A_361, %get3A_362] {strides = array<i32>} : memref<256x32xf32, #tpu.memory_space<vmem>>, vector<1x16xf32>,
        %get3A_364 = vector.shape_cast %get3A_363 : vector<1x16xf32> to vector<16xf32>
        %mul3A_365 = arith.constant 16 : i32
        %mul3A_366 = arith.muli %scan3A_82, %mul3A_365 : i32
        %add3A_367 = arith.constant 11 : i32
        %add3A_368 = arith.addi %mul3A_366, %add3A_367 : i32
        %get3A_369 = arith.index_cast %add3A_368 : i32 to index
        %get3A_370 = arith.constant 16 : index
        %get3A_371 = tpu.vector_load %arg33[%get3A_369, %get3A_370] {strides = array<i32>} : memref<256x32xf32, #tpu.memory_space<vmem>>, vector<1x16xf32>,
        %get3A_372 = vector.shape_cast %get3A_371 : vector<1x16xf32> to vector<16xf32>
        %mul3A_373 = arith.mulf %gather3A_356, %get3A_364 : vector<16xf32>
        %add3A_374 = arith.addf %add3A_350, %mul3A_373 : vector<16xf32>
        %mul3A_375 = arith.mulf %gather3A_356, %get3A_372 : vector<16xf32>
        %add3A_376 = arith.addf %add3A_352, %mul3A_375 : vector<16xf32>
        %broadcast_in_dim3A_377 = arith.constant 12 : i32
        %broadcast_in_dim3A_378 = vector.broadcast %broadcast_in_dim3A_377 : i32 to vector<16x1xi32>
        %gather3A_379 = vector.shape_cast %broadcast_in_dim3A_378 : vector<16x1xi32> to vector<16xi32>
        %gather3A_380 = tpu.dynamic_gather %get3A_89[%gather3A_379] in [0] : vector<16xf32>, vector<16xi32> -> vector<16xf32>
        %mul3A_381 = arith.constant 16 : i32
        %mul3A_382 = arith.muli %scan3A_82, %mul3A_381 : i32
        %add3A_383 = arith.constant 12 : i32
        %add3A_384 = arith.addi %mul3A_382, %add3A_383 : i32
        %get3A_385 = arith.index_cast %add3A_384 : i32 to index
        %get3A_386 = arith.constant 0 : index
        %get3A_387 = tpu.vector_load %arg33[%get3A_385, %get3A_386] {strides = array<i32>} : memref<256x32xf32, #tpu.memory_space<vmem>>, vector<1x16xf32>,
        %get3A_388 = vector.shape_cast %get3A_387 : vector<1x16xf32> to vector<16xf32>
        %mul3A_389 = arith.constant 16 : i32
        %mul3A_390 = arith.muli %scan3A_82, %mul3A_389 : i32
        %add3A_391 = arith.constant 12 : i32
        %add3A_392 = arith.addi %mul3A_390, %add3A_391 : i32
        %get3A_393 = arith.index_cast %add3A_392 : i32 to index
        %get3A_394 = arith.constant 16 : index
        %get3A_395 = tpu.vector_load %arg33[%get3A_393, %get3A_394] {strides = array<i32>} : memref<256x32xf32, #tpu.memory_space<vmem>>, vector<1x16xf32>,
        %get3A_396 = vector.shape_cast %get3A_395 : vector<1x16xf32> to vector<16xf32>
        %mul3A_397 = arith.mulf %gather3A_380, %get3A_388 : vector<16xf32>
        %add3A_398 = arith.addf %add3A_374, %mul3A_397 : vector<16xf32>
        %mul3A_399 = arith.mulf %gather3A_380, %get3A_396 : vector<16xf32>
        %add3A_400 = arith.addf %add3A_376, %mul3A_399 : vector<16xf32>
        %broadcast_in_dim3A_401 = arith.constant 13 : i32
        %broadcast_in_dim3A_402 = vector.broadcast %broadcast_in_dim3A_401 : i32 to vector<16x1xi32>
        %gather3A_403 = vector.shape_cast %broadcast_in_dim3A_402 : vector<16x1xi32> to vector<16xi32>
        %gather3A_404 = tpu.dynamic_gather %get3A_89[%gather3A_403] in [0] : vector<16xf32>, vector<16xi32> -> vector<16xf32>
        %mul3A_405 = arith.constant 16 : i32
        %mul3A_406 = arith.muli %scan3A_82, %mul3A_405 : i32
        %add3A_407 = arith.constant 13 : i32
        %add3A_408 = arith.addi %mul3A_406, %add3A_407 : i32
        %get3A_409 = arith.index_cast %add3A_408 : i32 to index
        %get3A_410 = arith.constant 0 : index
        %get3A_411 = tpu.vector_load %arg33[%get3A_409, %get3A_410] {strides = array<i32>} : memref<256x32xf32, #tpu.memory_space<vmem>>, vector<1x16xf32>,
        %get3A_412 = vector.shape_cast %get3A_411 : vector<1x16xf32> to vector<16xf32>
        %mul3A_413 = arith.constant 16 : i32
        %mul3A_414 = arith.muli %scan3A_82, %mul3A_413 : i32
        %add3A_415 = arith.constant 13 : i32
        %add3A_416 = arith.addi %mul3A_414, %add3A_415 : i32
        %get3A_417 = arith.index_cast %add3A_416 : i32 to index
        %get3A_418 = arith.constant 16 : index
        %get3A_419 = tpu.vector_load %arg33[%get3A_417, %get3A_418] {strides = array<i32>} : memref<256x32xf32, #tpu.memory_space<vmem>>, vector<1x16xf32>,
        %get3A_420 = vector.shape_cast %get3A_419 : vector<1x16xf32> to vector<16xf32>
        %mul3A_421 = arith.mulf %gather3A_404, %get3A_412 : vector<16xf32>
        %add3A_422 = arith.addf %add3A_398, %mul3A_421 : vector<16xf32>
        %mul3A_423 = arith.mulf %gather3A_404, %get3A_420 : vector<16xf32>
        %add3A_424 = arith.addf %add3A_400, %mul3A_423 : vector<16xf32>
        %broadcast_in_dim3A_425 = arith.constant 14 : i32
        %broadcast_in_dim3A_426 = vector.broadcast %broadcast_in_dim3A_425 : i32 to vector<16x1xi32>
        %gather3A_427 = vector.shape_cast %broadcast_in_dim3A_426 : vector<16x1xi32> to vector<16xi32>
        %gather3A_428 = tpu.dynamic_gather %get3A_89[%gather3A_427] in [0] : vector<16xf32>, vector<16xi32> -> vector<16xf32>
        %mul3A_429 = arith.constant 16 : i32
        %mul3A_430 = arith.muli %scan3A_82, %mul3A_429 : i32
        %add3A_431 = arith.constant 14 : i32
        %add3A_432 = arith.addi %mul3A_430, %add3A_431 : i32
        %get3A_433 = arith.index_cast %add3A_432 : i32 to index
        %get3A_434 = arith.constant 0 : index
        %get3A_435 = tpu.vector_load %arg33[%get3A_433, %get3A_434] {strides = array<i32>} : memref<256x32xf32, #tpu.memory_space<vmem>>, vector<1x16xf32>,
        %get3A_436 = vector.shape_cast %get3A_435 : vector<1x16xf32> to vector<16xf32>
        %mul3A_437 = arith.constant 16 : i32
        %mul3A_438 = arith.muli %scan3A_82, %mul3A_437 : i32
        %add3A_439 = arith.constant 14 : i32
        %add3A_440 = arith.addi %mul3A_438, %add3A_439 : i32
        %get3A_441 = arith.index_cast %add3A_440 : i32 to index
        %get3A_442 = arith.constant 16 : index
        %get3A_443 = tpu.vector_load %arg33[%get3A_441, %get3A_442] {strides = array<i32>} : memref<256x32xf32, #tpu.memory_space<vmem>>, vector<1x16xf32>,
        %get3A_444 = vector.shape_cast %get3A_443 : vector<1x16xf32> to vector<16xf32>
        %mul3A_445 = arith.mulf %gather3A_428, %get3A_436 : vector<16xf32>
        %add3A_446 = arith.addf %add3A_422, %mul3A_445 : vector<16xf32>
        %mul3A_447 = arith.mulf %gather3A_428, %get3A_444 : vector<16xf32>
        %add3A_448 = arith.addf %add3A_424, %mul3A_447 : vector<16xf32>
        %broadcast_in_dim3A_449 = arith.constant 15 : i32
        %broadcast_in_dim3A_450 = vector.broadcast %broadcast_in_dim3A_449 : i32 to vector<16x1xi32>
        %gather3A_451 = vector.shape_cast %broadcast_in_dim3A_450 : vector<16x1xi32> to vector<16xi32>
        %gather3A_452 = tpu.dynamic_gather %get3A_89[%gather3A_451] in [0] : vector<16xf32>, vector<16xi32> -> vector<16xf32>
        %mul3A_453 = arith.constant 16 : i32
        %mul3A_454 = arith.muli %scan3A_82, %mul3A_453 : i32
        %add3A_455 = arith.constant 15 : i32
        %add3A_456 = arith.addi %mul3A_454, %add3A_455 : i32
        %get3A_457 = arith.index_cast %add3A_456 : i32 to index
        %get3A_458 = arith.constant 0 : index
        %get3A_459 = tpu.vector_load %arg33[%get3A_457, %get3A_458] {strides = array<i32>} : memref<256x32xf32, #tpu.memory_space<vmem>>, vector<1x16xf32>,
        %get3A_460 = vector.shape_cast %get3A_459 : vector<1x16xf32> to vector<16xf32>
        %mul3A_461 = arith.constant 16 : i32
        %mul3A_462 = arith.muli %scan3A_82, %mul3A_461 : i32
        %add3A_463 = arith.constant 15 : i32
        %add3A_464 = arith.addi %mul3A_462, %add3A_463 : i32
        %get3A_465 = arith.index_cast %add3A_464 : i32 to index
        %get3A_466 = arith.constant 16 : index
        %get3A_467 = tpu.vector_load %arg33[%get3A_465, %get3A_466] {strides = array<i32>} : memref<256x32xf32, #tpu.memory_space<vmem>>, vector<1x16xf32>,
        %get3A_468 = vector.shape_cast %get3A_467 : vector<1x16xf32> to vector<16xf32>
        %mul3A_469 = arith.mulf %gather3A_452, %get3A_460 : vector<16xf32>
        %add3A_470 = arith.addf %add3A_446, %mul3A_469 : vector<16xf32>
        %mul3A_471 = arith.mulf %gather3A_452, %get3A_468 : vector<16xf32>
        %add3A_472 = arith.addf %add3A_448, %mul3A_471 : vector<16xf32>
        %mul3A_473 = arith.constant 16 : i32
        %mul3A_474 = arith.muli %scan3A_82, %mul3A_473 : i32
        %get3A_475 = arith.index_cast %mul3A_474 : i32 to index
        %get3A_476 = tpu.vector_load %arg30[%get3A_475] {strides = array<i32>} : memref<256xf32, #tpu.memory_space<vmem>>, vector<16xf32>,
        %get3A_477 = vector.shape_cast %get3A_476 : vector<16xf32> to vector<16xf32>
        %broadcast_in_dim3A_478 = arith.constant 0 : i32
        %broadcast_in_dim3A_479 = vector.broadcast %broadcast_in_dim3A_478 : i32 to vector<16x1xi32>
        %gather3A_480 = vector.shape_cast %broadcast_in_dim3A_479 : vector<16x1xi32> to vector<16xi32>
        %gather3A_481 = tpu.dynamic_gather %get3A_477[%gather3A_480] in [0] : vector<16xf32>, vector<16xi32> -> vector<16xf32>
        %mul3A_482 = arith.constant 16 : i32
        %mul3A_483 = arith.muli %scan3A_82, %mul3A_482 : i32
        %add3A_484 = arith.constant 0 : i32
        %add3A_485 = arith.addi %mul3A_483, %add3A_484 : i32
        %get3A_486 = arith.index_cast %add3A_485 : i32 to index
        %get3A_487 = arith.constant 0 : index
        %get3A_488 = tpu.vector_load %arg34[%get3A_486, %get3A_487] {strides = array<i32>} : memref<256x32xf32, #tpu.memory_space<vmem>>, vector<1x16xf32>,
        %get3A_489 = vector.shape_cast %get3A_488 : vector<1x16xf32> to vector<16xf32>
        %mul3A_490 = arith.constant 16 : i32
        %mul3A_491 = arith.muli %scan3A_82, %mul3A_490 : i32
        %add3A_492 = arith.constant 0 : i32
        %add3A_493 = arith.addi %mul3A_491, %add3A_492 : i32
        %get3A_494 = arith.index_cast %add3A_493 : i32 to index
        %get3A_495 = arith.constant 16 : index
        %get3A_496 = tpu.vector_load %arg34[%get3A_494, %get3A_495] {strides = array<i32>} : memref<256x32xf32, #tpu.memory_space<vmem>>, vector<1x16xf32>,
        %get3A_497 = vector.shape_cast %get3A_496 : vector<1x16xf32> to vector<16xf32>
        %mul3A_498 = arith.mulf %gather3A_481, %get3A_489 : vector<16xf32>
        %add3A_499 = arith.addf %add3A_470, %mul3A_498 : vector<16xf32>
        %mul3A_500 = arith.mulf %gather3A_481, %get3A_497 : vector<16xf32>
        %add3A_501 = arith.addf %add3A_472, %mul3A_500 : vector<16xf32>
        %broadcast_in_dim3A_502 = arith.constant 1 : i32
        %broadcast_in_dim3A_503 = vector.broadcast %broadcast_in_dim3A_502 : i32 to vector<16x1xi32>
        %gather3A_504 = vector.shape_cast %broadcast_in_dim3A_503 : vector<16x1xi32> to vector<16xi32>
        %gather3A_505 = tpu.dynamic_gather %get3A_477[%gather3A_504] in [0] : vector<16xf32>, vector<16xi32> -> vector<16xf32>
        %mul3A_506 = arith.constant 16 : i32
        %mul3A_507 = arith.muli %scan3A_82, %mul3A_506 : i32
        %add3A_508 = arith.constant 1 : i32
        %add3A_509 = arith.addi %mul3A_507, %add3A_508 : i32
        %get3A_510 = arith.index_cast %add3A_509 : i32 to index
        %get3A_511 = arith.constant 0 : index
        %get3A_512 = tpu.vector_load %arg34[%get3A_510, %get3A_511] {strides = array<i32>} : memref<256x32xf32, #tpu.memory_space<vmem>>, vector<1x16xf32>,
        %get3A_513 = vector.shape_cast %get3A_512 : vector<1x16xf32> to vector<16xf32>
        %mul3A_514 = arith.constant 16 : i32
        %mul3A_515 = arith.muli %scan3A_82, %mul3A_514 : i32
        %add3A_516 = arith.constant 1 : i32
        %add3A_517 = arith.addi %mul3A_515, %add3A_516 : i32
        %get3A_518 = arith.index_cast %add3A_517 : i32 to index
        %get3A_519 = arith.constant 16 : index
        %get3A_520 = tpu.vector_load %arg34[%get3A_518, %get3A_519] {strides = array<i32>} : memref<256x32xf32, #tpu.memory_space<vmem>>, vector<1x16xf32>,
        %get3A_521 = vector.shape_cast %get3A_520 : vector<1x16xf32> to vector<16xf32>
        %mul3A_522 = arith.mulf %gather3A_505, %get3A_513 : vector<16xf32>
        %add3A_523 = arith.addf %add3A_499, %mul3A_522 : vector<16xf32>
        %mul3A_524 = arith.mulf %gather3A_505, %get3A_521 : vector<16xf32>
        %add3A_525 = arith.addf %add3A_501, %mul3A_524 : vector<16xf32>
        %broadcast_in_dim3A_526 = arith.constant 2 : i32
        %broadcast_in_dim3A_527 = vector.broadcast %broadcast_in_dim3A_526 : i32 to vector<16x1xi32>
        %gather3A_528 = vector.shape_cast %broadcast_in_dim3A_527 : vector<16x1xi32> to vector<16xi32>
        %gather3A_529 = tpu.dynamic_gather %get3A_477[%gather3A_528] in [0] : vector<16xf32>, vector<16xi32> -> vector<16xf32>
        %mul3A_530 = arith.constant 16 : i32
        %mul3A_531 = arith.muli %scan3A_82, %mul3A_530 : i32
        %add3A_532 = arith.constant 2 : i32
        %add3A_533 = arith.addi %mul3A_531, %add3A_532 : i32
        %get3A_534 = arith.index_cast %add3A_533 : i32 to index
        %get3A_535 = arith.constant 0 : index
        %get3A_536 = tpu.vector_load %arg34[%get3A_534, %get3A_535] {strides = array<i32>} : memref<256x32xf32, #tpu.memory_space<vmem>>, vector<1x16xf32>,
        %get3A_537 = vector.shape_cast %get3A_536 : vector<1x16xf32> to vector<16xf32>
        %mul3A_538 = arith.constant 16 : i32
        %mul3A_539 = arith.muli %scan3A_82, %mul3A_538 : i32
        %add3A_540 = arith.constant 2 : i32
        %add3A_541 = arith.addi %mul3A_539, %add3A_540 : i32
        %get3A_542 = arith.index_cast %add3A_541 : i32 to index
        %get3A_543 = arith.constant 16 : index
        %get3A_544 = tpu.vector_load %arg34[%get3A_542, %get3A_543] {strides = array<i32>} : memref<256x32xf32, #tpu.memory_space<vmem>>, vector<1x16xf32>,
        %get3A_545 = vector.shape_cast %get3A_544 : vector<1x16xf32> to vector<16xf32>
        %mul3A_546 = arith.mulf %gather3A_529, %get3A_537 : vector<16xf32>
        %add3A_547 = arith.addf %add3A_523, %mul3A_546 : vector<16xf32>
        %mul3A_548 = arith.mulf %gather3A_529, %get3A_545 : vector<16xf32>
        %add3A_549 = arith.addf %add3A_525, %mul3A_548 : vector<16xf32>
        %broadcast_in_dim3A_550 = arith.constant 3 : i32
        %broadcast_in_dim3A_551 = vector.broadcast %broadcast_in_dim3A_550 : i32 to vector<16x1xi32>
        %gather3A_552 = vector.shape_cast %broadcast_in_dim3A_551 : vector<16x1xi32> to vector<16xi32>
        %gather3A_553 = tpu.dynamic_gather %get3A_477[%gather3A_552] in [0] : vector<16xf32>, vector<16xi32> -> vector<16xf32>
        %mul3A_554 = arith.constant 16 : i32
        %mul3A_555 = arith.muli %scan3A_82, %mul3A_554 : i32
        %add3A_556 = arith.constant 3 : i32
        %add3A_557 = arith.addi %mul3A_555, %add3A_556 : i32
        %get3A_558 = arith.index_cast %add3A_557 : i32 to index
        %get3A_559 = arith.constant 0 : index
        %get3A_560 = tpu.vector_load %arg34[%get3A_558, %get3A_559] {strides = array<i32>} : memref<256x32xf32, #tpu.memory_space<vmem>>, vector<1x16xf32>,
        %get3A_561 = vector.shape_cast %get3A_560 : vector<1x16xf32> to vector<16xf32>
        %mul3A_562 = arith.constant 16 : i32
        %mul3A_563 = arith.muli %scan3A_82, %mul3A_562 : i32
        %add3A_564 = arith.constant 3 : i32
        %add3A_565 = arith.addi %mul3A_563, %add3A_564 : i32
        %get3A_566 = arith.index_cast %add3A_565 : i32 to index
        %get3A_567 = arith.constant 16 : index
        %get3A_568 = tpu.vector_load %arg34[%get3A_566, %get3A_567] {strides = array<i32>} : memref<256x32xf32, #tpu.memory_space<vmem>>, vector<1x16xf32>,
        %get3A_569 = vector.shape_cast %get3A_568 : vector<1x16xf32> to vector<16xf32>
        %mul3A_570 = arith.mulf %gather3A_553, %get3A_561 : vector<16xf32>
        %add3A_571 = arith.addf %add3A_547, %mul3A_570 : vector<16xf32>
        %mul3A_572 = arith.mulf %gather3A_553, %get3A_569 : vector<16xf32>
        %add3A_573 = arith.addf %add3A_549, %mul3A_572 : vector<16xf32>
        %broadcast_in_dim3A_574 = arith.constant 4 : i32
        %broadcast_in_dim3A_575 = vector.broadcast %broadcast_in_dim3A_574 : i32 to vector<16x1xi32>
        %gather3A_576 = vector.shape_cast %broadcast_in_dim3A_575 : vector<16x1xi32> to vector<16xi32>
        %gather3A_577 = tpu.dynamic_gather %get3A_477[%gather3A_576] in [0] : vector<16xf32>, vector<16xi32> -> vector<16xf32>
        %mul3A_578 = arith.constant 16 : i32
        %mul3A_579 = arith.muli %scan3A_82, %mul3A_578 : i32
        %add3A_580 = arith.constant 4 : i32
        %add3A_581 = arith.addi %mul3A_579, %add3A_580 : i32
        %get3A_582 = arith.index_cast %add3A_581 : i32 to index
        %get3A_583 = arith.constant 0 : index
        %get3A_584 = tpu.vector_load %arg34[%get3A_582, %get3A_583] {strides = array<i32>} : memref<256x32xf32, #tpu.memory_space<vmem>>, vector<1x16xf32>,
        %get3A_585 = vector.shape_cast %get3A_584 : vector<1x16xf32> to vector<16xf32>
        %mul3A_586 = arith.constant 16 : i32
        %mul3A_587 = arith.muli %scan3A_82, %mul3A_586 : i32
        %add3A_588 = arith.constant 4 : i32
        %add3A_589 = arith.addi %mul3A_587, %add3A_588 : i32
        %get3A_590 = arith.index_cast %add3A_589 : i32 to index
        %get3A_591 = arith.constant 16 : index
        %get3A_592 = tpu.vector_load %arg34[%get3A_590, %get3A_591] {strides = array<i32>} : memref<256x32xf32, #tpu.memory_space<vmem>>, vector<1x16xf32>,
        %get3A_593 = vector.shape_cast %get3A_592 : vector<1x16xf32> to vector<16xf32>
        %mul3A_594 = arith.mulf %gather3A_577, %get3A_585 : vector<16xf32>
        %add3A_595 = arith.addf %add3A_571, %mul3A_594 : vector<16xf32>
        %mul3A_596 = arith.mulf %gather3A_577, %get3A_593 : vector<16xf32>
        %add3A_597 = arith.addf %add3A_573, %mul3A_596 : vector<16xf32>
        %broadcast_in_dim3A_598 = arith.constant 5 : i32
        %broadcast_in_dim3A_599 = vector.broadcast %broadcast_in_dim3A_598 : i32 to vector<16x1xi32>
        %gather3A_600 = vector.shape_cast %broadcast_in_dim3A_599 : vector<16x1xi32> to vector<16xi32>
        %gather3A_601 = tpu.dynamic_gather %get3A_477[%gather3A_600] in [0] : vector<16xf32>, vector<16xi32> -> vector<16xf32>
        %mul3A_602 = arith.constant 16 : i32
        %mul3A_603 = arith.muli %scan3A_82, %mul3A_602 : i32
        %add3A_604 = arith.constant 5 : i32
        %add3A_605 = arith.addi %mul3A_603, %add3A_604 : i32
        %get3A_606 = arith.index_cast %add3A_605 : i32 to index
        %get3A_607 = arith.constant 0 : index
        %get3A_608 = tpu.vector_load %arg34[%get3A_606, %get3A_607] {strides = array<i32>} : memref<256x32xf32, #tpu.memory_space<vmem>>, vector<1x16xf32>,
        %get3A_609 = vector.shape_cast %get3A_608 : vector<1x16xf32> to vector<16xf32>
        %mul3A_610 = arith.constant 16 : i32
        %mul3A_611 = arith.muli %scan3A_82, %mul3A_610 : i32
        %add3A_612 = arith.constant 5 : i32
        %add3A_613 = arith.addi %mul3A_611, %add3A_612 : i32
        %get3A_614 = arith.index_cast %add3A_613 : i32 to index
        %get3A_615 = arith.constant 16 : index
        %get3A_616 = tpu.vector_load %arg34[%get3A_614, %get3A_615] {strides = array<i32>} : memref<256x32xf32, #tpu.memory_space<vmem>>, vector<1x16xf32>,
        %get3A_617 = vector.shape_cast %get3A_616 : vector<1x16xf32> to vector<16xf32>
        %mul3A_618 = arith.mulf %gather3A_601, %get3A_609 : vector<16xf32>
        %add3A_619 = arith.addf %add3A_595, %mul3A_618 : vector<16xf32>
        %mul3A_620 = arith.mulf %gather3A_601, %get3A_617 : vector<16xf32>
        %add3A_621 = arith.addf %add3A_597, %mul3A_620 : vector<16xf32>
        %broadcast_in_dim3A_622 = arith.constant 6 : i32
        %broadcast_in_dim3A_623 = vector.broadcast %broadcast_in_dim3A_622 : i32 to vector<16x1xi32>
        %gather3A_624 = vector.shape_cast %broadcast_in_dim3A_623 : vector<16x1xi32> to vector<16xi32>
        %gather3A_625 = tpu.dynamic_gather %get3A_477[%gather3A_624] in [0] : vector<16xf32>, vector<16xi32> -> vector<16xf32>
        %mul3A_626 = arith.constant 16 : i32
        %mul3A_627 = arith.muli %scan3A_82, %mul3A_626 : i32
        %add3A_628 = arith.constant 6 : i32
        %add3A_629 = arith.addi %mul3A_627, %add3A_628 : i32
        %get3A_630 = arith.index_cast %add3A_629 : i32 to index
        %get3A_631 = arith.constant 0 : index
        %get3A_632 = tpu.vector_load %arg34[%get3A_630, %get3A_631] {strides = array<i32>} : memref<256x32xf32, #tpu.memory_space<vmem>>, vector<1x16xf32>,
        %get3A_633 = vector.shape_cast %get3A_632 : vector<1x16xf32> to vector<16xf32>
        %mul3A_634 = arith.constant 16 : i32
        %mul3A_635 = arith.muli %scan3A_82, %mul3A_634 : i32
        %add3A_636 = arith.constant 6 : i32
        %add3A_637 = arith.addi %mul3A_635, %add3A_636 : i32
        %get3A_638 = arith.index_cast %add3A_637 : i32 to index
        %get3A_639 = arith.constant 16 : index
        %get3A_640 = tpu.vector_load %arg34[%get3A_638, %get3A_639] {strides = array<i32>} : memref<256x32xf32, #tpu.memory_space<vmem>>, vector<1x16xf32>,
        %get3A_641 = vector.shape_cast %get3A_640 : vector<1x16xf32> to vector<16xf32>
        %mul3A_642 = arith.mulf %gather3A_625, %get3A_633 : vector<16xf32>
        %add3A_643 = arith.addf %add3A_619, %mul3A_642 : vector<16xf32>
        %mul3A_644 = arith.mulf %gather3A_625, %get3A_641 : vector<16xf32>
        %add3A_645 = arith.addf %add3A_621, %mul3A_644 : vector<16xf32>
        %broadcast_in_dim3A_646 = arith.constant 7 : i32
        %broadcast_in_dim3A_647 = vector.broadcast %broadcast_in_dim3A_646 : i32 to vector<16x1xi32>
        %gather3A_648 = vector.shape_cast %broadcast_in_dim3A_647 : vector<16x1xi32> to vector<16xi32>
        %gather3A_649 = tpu.dynamic_gather %get3A_477[%gather3A_648] in [0] : vector<16xf32>, vector<16xi32> -> vector<16xf32>
        %mul3A_650 = arith.constant 16 : i32
        %mul3A_651 = arith.muli %scan3A_82, %mul3A_650 : i32
        %add3A_652 = arith.constant 7 : i32
        %add3A_653 = arith.addi %mul3A_651, %add3A_652 : i32
        %get3A_654 = arith.index_cast %add3A_653 : i32 to index
        %get3A_655 = arith.constant 0 : index
        %get3A_656 = tpu.vector_load %arg34[%get3A_654, %get3A_655] {strides = array<i32>} : memref<256x32xf32, #tpu.memory_space<vmem>>, vector<1x16xf32>,
        %get3A_657 = vector.shape_cast %get3A_656 : vector<1x16xf32> to vector<16xf32>
        %mul3A_658 = arith.constant 16 : i32
        %mul3A_659 = arith.muli %scan3A_82, %mul3A_658 : i32
        %add3A_660 = arith.constant 7 : i32
        %add3A_661 = arith.addi %mul3A_659, %add3A_660 : i32
        %get3A_662 = arith.index_cast %add3A_661 : i32 to index
        %get3A_663 = arith.constant 16 : index
        %get3A_664 = tpu.vector_load %arg34[%get3A_662, %get3A_663] {strides = array<i32>} : memref<256x32xf32, #tpu.memory_space<vmem>>, vector<1x16xf32>,
        %get3A_665 = vector.shape_cast %get3A_664 : vector<1x16xf32> to vector<16xf32>
        %mul3A_666 = arith.mulf %gather3A_649, %get3A_657 : vector<16xf32>
        %add3A_667 = arith.addf %add3A_643, %mul3A_666 : vector<16xf32>
        %mul3A_668 = arith.mulf %gather3A_649, %get3A_665 : vector<16xf32>
        %add3A_669 = arith.addf %add3A_645, %mul3A_668 : vector<16xf32>
        %broadcast_in_dim3A_670 = arith.constant 8 : i32
        %broadcast_in_dim3A_671 = vector.broadcast %broadcast_in_dim3A_670 : i32 to vector<16x1xi32>
        %gather3A_672 = vector.shape_cast %broadcast_in_dim3A_671 : vector<16x1xi32> to vector<16xi32>
        %gather3A_673 = tpu.dynamic_gather %get3A_477[%gather3A_672] in [0] : vector<16xf32>, vector<16xi32> -> vector<16xf32>
        %mul3A_674 = arith.constant 16 : i32
        %mul3A_675 = arith.muli %scan3A_82, %mul3A_674 : i32
        %add3A_676 = arith.constant 8 : i32
        %add3A_677 = arith.addi %mul3A_675, %add3A_676 : i32
        %get3A_678 = arith.index_cast %add3A_677 : i32 to index
        %get3A_679 = arith.constant 0 : index
        %get3A_680 = tpu.vector_load %arg34[%get3A_678, %get3A_679] {strides = array<i32>} : memref<256x32xf32, #tpu.memory_space<vmem>>, vector<1x16xf32>,
        %get3A_681 = vector.shape_cast %get3A_680 : vector<1x16xf32> to vector<16xf32>
        %mul3A_682 = arith.constant 16 : i32
        %mul3A_683 = arith.muli %scan3A_82, %mul3A_682 : i32
        %add3A_684 = arith.constant 8 : i32
        %add3A_685 = arith.addi %mul3A_683, %add3A_684 : i32
        %get3A_686 = arith.index_cast %add3A_685 : i32 to index
        %get3A_687 = arith.constant 16 : index
        %get3A_688 = tpu.vector_load %arg34[%get3A_686, %get3A_687] {strides = array<i32>} : memref<256x32xf32, #tpu.memory_space<vmem>>, vector<1x16xf32>,
        %get3A_689 = vector.shape_cast %get3A_688 : vector<1x16xf32> to vector<16xf32>
        %mul3A_690 = arith.mulf %gather3A_673, %get3A_681 : vector<16xf32>
        %add3A_691 = arith.addf %add3A_667, %mul3A_690 : vector<16xf32>
        %mul3A_692 = arith.mulf %gather3A_673, %get3A_689 : vector<16xf32>
        %add3A_693 = arith.addf %add3A_669, %mul3A_692 : vector<16xf32>
        %broadcast_in_dim3A_694 = arith.constant 9 : i32
        %broadcast_in_dim3A_695 = vector.broadcast %broadcast_in_dim3A_694 : i32 to vector<16x1xi32>
        %gather3A_696 = vector.shape_cast %broadcast_in_dim3A_695 : vector<16x1xi32> to vector<16xi32>
        %gather3A_697 = tpu.dynamic_gather %get3A_477[%gather3A_696] in [0] : vector<16xf32>, vector<16xi32> -> vector<16xf32>
        %mul3A_698 = arith.constant 16 : i32
        %mul3A_699 = arith.muli %scan3A_82, %mul3A_698 : i32
        %add3A_700 = arith.constant 9 : i32
        %add3A_701 = arith.addi %mul3A_699, %add3A_700 : i32
        %get3A_702 = arith.index_cast %add3A_701 : i32 to index
        %get3A_703 = arith.constant 0 : index
        %get3A_704 = tpu.vector_load %arg34[%get3A_702, %get3A_703] {strides = array<i32>} : memref<256x32xf32, #tpu.memory_space<vmem>>, vector<1x16xf32>,
        %get3A_705 = vector.shape_cast %get3A_704 : vector<1x16xf32> to vector<16xf32>
        %mul3A_706 = arith.constant 16 : i32
        %mul3A_707 = arith.muli %scan3A_82, %mul3A_706 : i32
        %add3A_708 = arith.constant 9 : i32
        %add3A_709 = arith.addi %mul3A_707, %add3A_708 : i32
        %get3A_710 = arith.index_cast %add3A_709 : i32 to index
        %get3A_711 = arith.constant 16 : index
        %get3A_712 = tpu.vector_load %arg34[%get3A_710, %get3A_711] {strides = array<i32>} : memref<256x32xf32, #tpu.memory_space<vmem>>, vector<1x16xf32>,
        %get3A_713 = vector.shape_cast %get3A_712 : vector<1x16xf32> to vector<16xf32>
        %mul3A_714 = arith.mulf %gather3A_697, %get3A_705 : vector<16xf32>
        %add3A_715 = arith.addf %add3A_691, %mul3A_714 : vector<16xf32>
        %mul3A_716 = arith.mulf %gather3A_697, %get3A_713 : vector<16xf32>
        %add3A_717 = arith.addf %add3A_693, %mul3A_716 : vector<16xf32>
        %broadcast_in_dim3A_718 = arith.constant 10 : i32
        %broadcast_in_dim3A_719 = vector.broadcast %broadcast_in_dim3A_718 : i32 to vector<16x1xi32>
        %gather3A_720 = vector.shape_cast %broadcast_in_dim3A_719 : vector<16x1xi32> to vector<16xi32>
        %gather3A_721 = tpu.dynamic_gather %get3A_477[%gather3A_720] in [0] : vector<16xf32>, vector<16xi32> -> vector<16xf32>
        %mul3A_722 = arith.constant 16 : i32
        %mul3A_723 = arith.muli %scan3A_82, %mul3A_722 : i32
        %add3A_724 = arith.constant 10 : i32
        %add3A_725 = arith.addi %mul3A_723, %add3A_724 : i32
        %get3A_726 = arith.index_cast %add3A_725 : i32 to index
        %get3A_727 = arith.constant 0 : index
        %get3A_728 = tpu.vector_load %arg34[%get3A_726, %get3A_727] {strides = array<i32>} : memref<256x32xf32, #tpu.memory_space<vmem>>, vector<1x16xf32>,
        %get3A_729 = vector.shape_cast %get3A_728 : vector<1x16xf32> to vector<16xf32>
        %mul3A_730 = arith.constant 16 : i32
        %mul3A_731 = arith.muli %scan3A_82, %mul3A_730 : i32
        %add3A_732 = arith.constant 10 : i32
        %add3A_733 = arith.addi %mul3A_731, %add3A_732 : i32
        %get3A_734 = arith.index_cast %add3A_733 : i32 to index
        %get3A_735 = arith.constant 16 : index
        %get3A_736 = tpu.vector_load %arg34[%get3A_734, %get3A_735] {strides = array<i32>} : memref<256x32xf32, #tpu.memory_space<vmem>>, vector<1x16xf32>,
        %get3A_737 = vector.shape_cast %get3A_736 : vector<1x16xf32> to vector<16xf32>
        %mul3A_738 = arith.mulf %gather3A_721, %get3A_729 : vector<16xf32>
        %add3A_739 = arith.addf %add3A_715, %mul3A_738 : vector<16xf32>
        %mul3A_740 = arith.mulf %gather3A_721, %get3A_737 : vector<16xf32>
        %add3A_741 = arith.addf %add3A_717, %mul3A_740 : vector<16xf32>
        %broadcast_in_dim3A_742 = arith.constant 11 : i32
        %broadcast_in_dim3A_743 = vector.broadcast %broadcast_in_dim3A_742 : i32 to vector<16x1xi32>
        %gather3A_744 = vector.shape_cast %broadcast_in_dim3A_743 : vector<16x1xi32> to vector<16xi32>
        %gather3A_745 = tpu.dynamic_gather %get3A_477[%gather3A_744] in [0] : vector<16xf32>, vector<16xi32> -> vector<16xf32>
        %mul3A_746 = arith.constant 16 : i32
        %mul3A_747 = arith.muli %scan3A_82, %mul3A_746 : i32
        %add3A_748 = arith.constant 11 : i32
        %add3A_749 = arith.addi %mul3A_747, %add3A_748 : i32
        %get3A_750 = arith.index_cast %add3A_749 : i32 to index
        %get3A_751 = arith.constant 0 : index
        %get3A_752 = tpu.vector_load %arg34[%get3A_750, %get3A_751] {strides = array<i32>} : memref<256x32xf32, #tpu.memory_space<vmem>>, vector<1x16xf32>,
        %get3A_753 = vector.shape_cast %get3A_752 : vector<1x16xf32> to vector<16xf32>
        %mul3A_754 = arith.constant 16 : i32
        %mul3A_755 = arith.muli %scan3A_82, %mul3A_754 : i32
        %add3A_756 = arith.constant 11 : i32
        %add3A_757 = arith.addi %mul3A_755, %add3A_756 : i32
        %get3A_758 = arith.index_cast %add3A_757 : i32 to index
        %get3A_759 = arith.constant 16 : index
        %get3A_760 = tpu.vector_load %arg34[%get3A_758, %get3A_759] {strides = array<i32>} : memref<256x32xf32, #tpu.memory_space<vmem>>, vector<1x16xf32>,
        %get3A_761 = vector.shape_cast %get3A_760 : vector<1x16xf32> to vector<16xf32>
        %mul3A_762 = arith.mulf %gather3A_745, %get3A_753 : vector<16xf32>
        %add3A_763 = arith.addf %add3A_739, %mul3A_762 : vector<16xf32>
        %mul3A_764 = arith.mulf %gather3A_745, %get3A_761 : vector<16xf32>
        %add3A_765 = arith.addf %add3A_741, %mul3A_764 : vector<16xf32>
        %broadcast_in_dim3A_766 = arith.constant 12 : i32
        %broadcast_in_dim3A_767 = vector.broadcast %broadcast_in_dim3A_766 : i32 to vector<16x1xi32>
        %gather3A_768 = vector.shape_cast %broadcast_in_dim3A_767 : vector<16x1xi32> to vector<16xi32>
        %gather3A_769 = tpu.dynamic_gather %get3A_477[%gather3A_768] in [0] : vector<16xf32>, vector<16xi32> -> vector<16xf32>
        %mul3A_770 = arith.constant 16 : i32
        %mul3A_771 = arith.muli %scan3A_82, %mul3A_770 : i32
        %add3A_772 = arith.constant 12 : i32
        %add3A_773 = arith.addi %mul3A_771, %add3A_772 : i32
        %get3A_774 = arith.index_cast %add3A_773 : i32 to index
        %get3A_775 = arith.constant 0 : index
        %get3A_776 = tpu.vector_load %arg34[%get3A_774, %get3A_775] {strides = array<i32>} : memref<256x32xf32, #tpu.memory_space<vmem>>, vector<1x16xf32>,
        %get3A_777 = vector.shape_cast %get3A_776 : vector<1x16xf32> to vector<16xf32>
        %mul3A_778 = arith.constant 16 : i32
        %mul3A_779 = arith.muli %scan3A_82, %mul3A_778 : i32
        %add3A_780 = arith.constant 12 : i32
        %add3A_781 = arith.addi %mul3A_779, %add3A_780 : i32
        %get3A_782 = arith.index_cast %add3A_781 : i32 to index
        %get3A_783 = arith.constant 16 : index
        %get3A_784 = tpu.vector_load %arg34[%get3A_782, %get3A_783] {strides = array<i32>} : memref<256x32xf32, #tpu.memory_space<vmem>>, vector<1x16xf32>,
        %get3A_785 = vector.shape_cast %get3A_784 : vector<1x16xf32> to vector<16xf32>
        %mul3A_786 = arith.mulf %gather3A_769, %get3A_777 : vector<16xf32>
        %add3A_787 = arith.addf %add3A_763, %mul3A_786 : vector<16xf32>
        %mul3A_788 = arith.mulf %gather3A_769, %get3A_785 : vector<16xf32>
        %add3A_789 = arith.addf %add3A_765, %mul3A_788 : vector<16xf32>
        %broadcast_in_dim3A_790 = arith.constant 13 : i32
        %broadcast_in_dim3A_791 = vector.broadcast %broadcast_in_dim3A_790 : i32 to vector<16x1xi32>
        %gather3A_792 = vector.shape_cast %broadcast_in_dim3A_791 : vector<16x1xi32> to vector<16xi32>
        %gather3A_793 = tpu.dynamic_gather %get3A_477[%gather3A_792] in [0] : vector<16xf32>, vector<16xi32> -> vector<16xf32>
        %mul3A_794 = arith.constant 16 : i32
        %mul3A_795 = arith.muli %scan3A_82, %mul3A_794 : i32
        %add3A_796 = arith.constant 13 : i32
        %add3A_797 = arith.addi %mul3A_795, %add3A_796 : i32
        %get3A_798 = arith.index_cast %add3A_797 : i32 to index
        %get3A_799 = arith.constant 0 : index
        %get3A_800 = tpu.vector_load %arg34[%get3A_798, %get3A_799] {strides = array<i32>} : memref<256x32xf32, #tpu.memory_space<vmem>>, vector<1x16xf32>,
        %get3A_801 = vector.shape_cast %get3A_800 : vector<1x16xf32> to vector<16xf32>
        %mul3A_802 = arith.constant 16 : i32
        %mul3A_803 = arith.muli %scan3A_82, %mul3A_802 : i32
        %add3A_804 = arith.constant 13 : i32
        %add3A_805 = arith.addi %mul3A_803, %add3A_804 : i32
        %get3A_806 = arith.index_cast %add3A_805 : i32 to index
        %get3A_807 = arith.constant 16 : index
        %get3A_808 = tpu.vector_load %arg34[%get3A_806, %get3A_807] {strides = array<i32>} : memref<256x32xf32, #tpu.memory_space<vmem>>, vector<1x16xf32>,
        %get3A_809 = vector.shape_cast %get3A_808 : vector<1x16xf32> to vector<16xf32>
        %mul3A_810 = arith.mulf %gather3A_793, %get3A_801 : vector<16xf32>
        %add3A_811 = arith.addf %add3A_787, %mul3A_810 : vector<16xf32>
        %mul3A_812 = arith.mulf %gather3A_793, %get3A_809 : vector<16xf32>
        %add3A_813 = arith.addf %add3A_789, %mul3A_812 : vector<16xf32>
        %broadcast_in_dim3A_814 = arith.constant 14 : i32
        %broadcast_in_dim3A_815 = vector.broadcast %broadcast_in_dim3A_814 : i32 to vector<16x1xi32>
        %gather3A_816 = vector.shape_cast %broadcast_in_dim3A_815 : vector<16x1xi32> to vector<16xi32>
        %gather3A_817 = tpu.dynamic_gather %get3A_477[%gather3A_816] in [0] : vector<16xf32>, vector<16xi32> -> vector<16xf32>
        %mul3A_818 = arith.constant 16 : i32
        %mul3A_819 = arith.muli %scan3A_82, %mul3A_818 : i32
        %add3A_820 = arith.constant 14 : i32
        %add3A_821 = arith.addi %mul3A_819, %add3A_820 : i32
        %get3A_822 = arith.index_cast %add3A_821 : i32 to index
        %get3A_823 = arith.constant 0 : index
        %get3A_824 = tpu.vector_load %arg34[%get3A_822, %get3A_823] {strides = array<i32>} : memref<256x32xf32, #tpu.memory_space<vmem>>, vector<1x16xf32>,
        %get3A_825 = vector.shape_cast %get3A_824 : vector<1x16xf32> to vector<16xf32>
        %mul3A_826 = arith.constant 16 : i32
        %mul3A_827 = arith.muli %scan3A_82, %mul3A_826 : i32
        %add3A_828 = arith.constant 14 : i32
        %add3A_829 = arith.addi %mul3A_827, %add3A_828 : i32
        %get3A_830 = arith.index_cast %add3A_829 : i32 to index
        %get3A_831 = arith.constant 16 : index
        %get3A_832 = tpu.vector_load %arg34[%get3A_830, %get3A_831] {strides = array<i32>} : memref<256x32xf32, #tpu.memory_space<vmem>>, vector<1x16xf32>,
        %get3A_833 = vector.shape_cast %get3A_832 : vector<1x16xf32> to vector<16xf32>
        %mul3A_834 = arith.mulf %gather3A_817, %get3A_825 : vector<16xf32>
        %add3A_835 = arith.addf %add3A_811, %mul3A_834 : vector<16xf32>
        %mul3A_836 = arith.mulf %gather3A_817, %get3A_833 : vector<16xf32>
        %add3A_837 = arith.addf %add3A_813, %mul3A_836 : vector<16xf32>
        %broadcast_in_dim3A_838 = arith.constant 15 : i32
        %broadcast_in_dim3A_839 = vector.broadcast %broadcast_in_dim3A_838 : i32 to vector<16x1xi32>
        %gather3A_840 = vector.shape_cast %broadcast_in_dim3A_839 : vector<16x1xi32> to vector<16xi32>
        %gather3A_841 = tpu.dynamic_gather %get3A_477[%gather3A_840] in [0] : vector<16xf32>, vector<16xi32> -> vector<16xf32>
        %mul3A_842 = arith.constant 16 : i32
        %mul3A_843 = arith.muli %scan3A_82, %mul3A_842 : i32
        %add3A_844 = arith.constant 15 : i32
        %add3A_845 = arith.addi %mul3A_843, %add3A_844 : i32
        %get3A_846 = arith.index_cast %add3A_845 : i32 to index
        %get3A_847 = arith.constant 0 : index
        %get3A_848 = tpu.vector_load %arg34[%get3A_846, %get3A_847] {strides = array<i32>} : memref<256x32xf32, #tpu.memory_space<vmem>>, vector<1x16xf32>,
        %get3A_849 = vector.shape_cast %get3A_848 : vector<1x16xf32> to vector<16xf32>
        %mul3A_850 = arith.constant 16 : i32
        %mul3A_851 = arith.muli %scan3A_82, %mul3A_850 : i32
        %add3A_852 = arith.constant 15 : i32
        %add3A_853 = arith.addi %mul3A_851, %add3A_852 : i32
        %get3A_854 = arith.index_cast %add3A_853 : i32 to index
        %get3A_855 = arith.constant 16 : index
        %get3A_856 = tpu.vector_load %arg34[%get3A_854, %get3A_855] {strides = array<i32>} : memref<256x32xf32, #tpu.memory_space<vmem>>, vector<1x16xf32>,
        %get3A_857 = vector.shape_cast %get3A_856 : vector<1x16xf32> to vector<16xf32>
        %mul3A_858 = arith.mulf %gather3A_841, %get3A_849 : vector<16xf32>
        %add3A_859 = arith.addf %add3A_835, %mul3A_858 : vector<16xf32>
        %mul3A_860 = arith.mulf %gather3A_841, %get3A_857 : vector<16xf32>
        %add3A_861 = arith.addf %add3A_837, %mul3A_860 : vector<16xf32>
        %mul3A_862 = arith.constant 16 : i32
        %mul3A_863 = arith.muli %scan3A_82, %mul3A_862 : i32
        %get3A_864 = arith.index_cast %mul3A_863 : i32 to index
        %get3A_865 = tpu.vector_load %arg31[%get3A_864] {strides = array<i32>} : memref<256xf32, #tpu.memory_space<vmem>>, vector<16xf32>,
        %get3A_866 = vector.shape_cast %get3A_865 : vector<16xf32> to vector<16xf32>
        %broadcast_in_dim3A_867 = arith.constant 0 : i32
        %broadcast_in_dim3A_868 = vector.broadcast %broadcast_in_dim3A_867 : i32 to vector<16x1xi32>
        %gather3A_869 = vector.shape_cast %broadcast_in_dim3A_868 : vector<16x1xi32> to vector<16xi32>
        %gather3A_870 = tpu.dynamic_gather %get3A_866[%gather3A_869] in [0] : vector<16xf32>, vector<16xi32> -> vector<16xf32>
        %mul3A_871 = arith.constant 16 : i32
        %mul3A_872 = arith.muli %scan3A_82, %mul3A_871 : i32
        %add3A_873 = arith.constant 0 : i32
        %add3A_874 = arith.addi %mul3A_872, %add3A_873 : i32
        %get3A_875 = arith.index_cast %add3A_874 : i32 to index
        %get3A_876 = arith.constant 0 : index
        %get3A_877 = tpu.vector_load %arg35[%get3A_875, %get3A_876] {strides = array<i32>} : memref<256x32xf32, #tpu.memory_space<vmem>>, vector<1x16xf32>,
        %get3A_878 = vector.shape_cast %get3A_877 : vector<1x16xf32> to vector<16xf32>
        %mul3A_879 = arith.constant 16 : i32
        %mul3A_880 = arith.muli %scan3A_82, %mul3A_879 : i32
        %add3A_881 = arith.constant 0 : i32
        %add3A_882 = arith.addi %mul3A_880, %add3A_881 : i32
        %get3A_883 = arith.index_cast %add3A_882 : i32 to index
        %get3A_884 = arith.constant 16 : index
        %get3A_885 = tpu.vector_load %arg35[%get3A_883, %get3A_884] {strides = array<i32>} : memref<256x32xf32, #tpu.memory_space<vmem>>, vector<1x16xf32>,
        %get3A_886 = vector.shape_cast %get3A_885 : vector<1x16xf32> to vector<16xf32>
        %mul3A_887 = arith.mulf %gather3A_870, %get3A_878 : vector<16xf32>
        %add3A_888 = arith.addf %add3A_859, %mul3A_887 : vector<16xf32>
        %mul3A_889 = arith.mulf %gather3A_870, %get3A_886 : vector<16xf32>
        %add3A_890 = arith.addf %add3A_861, %mul3A_889 : vector<16xf32>
        %broadcast_in_dim3A_891 = arith.constant 1 : i32
        %broadcast_in_dim3A_892 = vector.broadcast %broadcast_in_dim3A_891 : i32 to vector<16x1xi32>
        %gather3A_893 = vector.shape_cast %broadcast_in_dim3A_892 : vector<16x1xi32> to vector<16xi32>
        %gather3A_894 = tpu.dynamic_gather %get3A_866[%gather3A_893] in [0] : vector<16xf32>, vector<16xi32> -> vector<16xf32>
        %mul3A_895 = arith.constant 16 : i32
        %mul3A_896 = arith.muli %scan3A_82, %mul3A_895 : i32
        %add3A_897 = arith.constant 1 : i32
        %add3A_898 = arith.addi %mul3A_896, %add3A_897 : i32
        %get3A_899 = arith.index_cast %add3A_898 : i32 to index
        %get3A_900 = arith.constant 0 : index
        %get3A_901 = tpu.vector_load %arg35[%get3A_899, %get3A_900] {strides = array<i32>} : memref<256x32xf32, #tpu.memory_space<vmem>>, vector<1x16xf32>,
        %get3A_902 = vector.shape_cast %get3A_901 : vector<1x16xf32> to vector<16xf32>
        %mul3A_903 = arith.constant 16 : i32
        %mul3A_904 = arith.muli %scan3A_82, %mul3A_903 : i32
        %add3A_905 = arith.constant 1 : i32
        %add3A_906 = arith.addi %mul3A_904, %add3A_905 : i32
        %get3A_907 = arith.index_cast %add3A_906 : i32 to index
        %get3A_908 = arith.constant 16 : index
        %get3A_909 = tpu.vector_load %arg35[%get3A_907, %get3A_908] {strides = array<i32>} : memref<256x32xf32, #tpu.memory_space<vmem>>, vector<1x16xf32>,
        %get3A_910 = vector.shape_cast %get3A_909 : vector<1x16xf32> to vector<16xf32>
        %mul3A_911 = arith.mulf %gather3A_894, %get3A_902 : vector<16xf32>
        %add3A_912 = arith.addf %add3A_888, %mul3A_911 : vector<16xf32>
        %mul3A_913 = arith.mulf %gather3A_894, %get3A_910 : vector<16xf32>
        %add3A_914 = arith.addf %add3A_890, %mul3A_913 : vector<16xf32>
        %broadcast_in_dim3A_915 = arith.constant 2 : i32
        %broadcast_in_dim3A_916 = vector.broadcast %broadcast_in_dim3A_915 : i32 to vector<16x1xi32>
        %gather3A_917 = vector.shape_cast %broadcast_in_dim3A_916 : vector<16x1xi32> to vector<16xi32>
        %gather3A_918 = tpu.dynamic_gather %get3A_866[%gather3A_917] in [0] : vector<16xf32>, vector<16xi32> -> vector<16xf32>
        %mul3A_919 = arith.constant 16 : i32
        %mul3A_920 = arith.muli %scan3A_82, %mul3A_919 : i32
        %add3A_921 = arith.constant 2 : i32
        %add3A_922 = arith.addi %mul3A_920, %add3A_921 : i32
        %get3A_923 = arith.index_cast %add3A_922 : i32 to index
        %get3A_924 = arith.constant 0 : index
        %get3A_925 = tpu.vector_load %arg35[%get3A_923, %get3A_924] {strides = array<i32>} : memref<256x32xf32, #tpu.memory_space<vmem>>, vector<1x16xf32>,
        %get3A_926 = vector.shape_cast %get3A_925 : vector<1x16xf32> to vector<16xf32>
        %mul3A_927 = arith.constant 16 : i32
        %mul3A_928 = arith.muli %scan3A_82, %mul3A_927 : i32
        %add3A_929 = arith.constant 2 : i32
        %add3A_930 = arith.addi %mul3A_928, %add3A_929 : i32
        %get3A_931 = arith.index_cast %add3A_930 : i32 to index
        %get3A_932 = arith.constant 16 : index
        %get3A_933 = tpu.vector_load %arg35[%get3A_931, %get3A_932] {strides = array<i32>} : memref<256x32xf32, #tpu.memory_space<vmem>>, vector<1x16xf32>,
        %get3A_934 = vector.shape_cast %get3A_933 : vector<1x16xf32> to vector<16xf32>
        %mul3A_935 = arith.mulf %gather3A_918, %get3A_926 : vector<16xf32>
        %add3A_936 = arith.addf %add3A_912, %mul3A_935 : vector<16xf32>
        %mul3A_937 = arith.mulf %gather3A_918, %get3A_934 : vector<16xf32>
        %add3A_938 = arith.addf %add3A_914, %mul3A_937 : vector<16xf32>
        %broadcast_in_dim3A_939 = arith.constant 3 : i32
        %broadcast_in_dim3A_940 = vector.broadcast %broadcast_in_dim3A_939 : i32 to vector<16x1xi32>
        %gather3A_941 = vector.shape_cast %broadcast_in_dim3A_940 : vector<16x1xi32> to vector<16xi32>
        %gather3A_942 = tpu.dynamic_gather %get3A_866[%gather3A_941] in [0] : vector<16xf32>, vector<16xi32> -> vector<16xf32>
        %mul3A_943 = arith.constant 16 : i32
        %mul3A_944 = arith.muli %scan3A_82, %mul3A_943 : i32
        %add3A_945 = arith.constant 3 : i32
        %add3A_946 = arith.addi %mul3A_944, %add3A_945 : i32
        %get3A_947 = arith.index_cast %add3A_946 : i32 to index
        %get3A_948 = arith.constant 0 : index
        %get3A_949 = tpu.vector_load %arg35[%get3A_947, %get3A_948] {strides = array<i32>} : memref<256x32xf32, #tpu.memory_space<vmem>>, vector<1x16xf32>,
        %get3A_950 = vector.shape_cast %get3A_949 : vector<1x16xf32> to vector<16xf32>
        %mul3A_951 = arith.constant 16 : i32
        %mul3A_952 = arith.muli %scan3A_82, %mul3A_951 : i32
        %add3A_953 = arith.constant 3 : i32
        %add3A_954 = arith.addi %mul3A_952, %add3A_953 : i32
        %get3A_955 = arith.index_cast %add3A_954 : i32 to index
        %get3A_956 = arith.constant 16 : index
        %get3A_957 = tpu.vector_load %arg35[%get3A_955, %get3A_956] {strides = array<i32>} : memref<256x32xf32, #tpu.memory_space<vmem>>, vector<1x16xf32>,
        %get3A_958 = vector.shape_cast %get3A_957 : vector<1x16xf32> to vector<16xf32>
        %mul3A_959 = arith.mulf %gather3A_942, %get3A_950 : vector<16xf32>
        %add3A_960 = arith.addf %add3A_936, %mul3A_959 : vector<16xf32>
        %mul3A_961 = arith.mulf %gather3A_942, %get3A_958 : vector<16xf32>
        %add3A_962 = arith.addf %add3A_938, %mul3A_961 : vector<16xf32>
        %broadcast_in_dim3A_963 = arith.constant 4 : i32
        %broadcast_in_dim3A_964 = vector.broadcast %broadcast_in_dim3A_963 : i32 to vector<16x1xi32>
        %gather3A_965 = vector.shape_cast %broadcast_in_dim3A_964 : vector<16x1xi32> to vector<16xi32>
        %gather3A_966 = tpu.dynamic_gather %get3A_866[%gather3A_965] in [0] : vector<16xf32>, vector<16xi32> -> vector<16xf32>
        %mul3A_967 = arith.constant 16 : i32
        %mul3A_968 = arith.muli %scan3A_82, %mul3A_967 : i32
        %add3A_969 = arith.constant 4 : i32
        %add3A_970 = arith.addi %mul3A_968, %add3A_969 : i32
        %get3A_971 = arith.index_cast %add3A_970 : i32 to index
        %get3A_972 = arith.constant 0 : index
        %get3A_973 = tpu.vector_load %arg35[%get3A_971, %get3A_972] {strides = array<i32>} : memref<256x32xf32, #tpu.memory_space<vmem>>, vector<1x16xf32>,
        %get3A_974 = vector.shape_cast %get3A_973 : vector<1x16xf32> to vector<16xf32>
        %mul3A_975 = arith.constant 16 : i32
        %mul3A_976 = arith.muli %scan3A_82, %mul3A_975 : i32
        %add3A_977 = arith.constant 4 : i32
        %add3A_978 = arith.addi %mul3A_976, %add3A_977 : i32
        %get3A_979 = arith.index_cast %add3A_978 : i32 to index
        %get3A_980 = arith.constant 16 : index
        %get3A_981 = tpu.vector_load %arg35[%get3A_979, %get3A_980] {strides = array<i32>} : memref<256x32xf32, #tpu.memory_space<vmem>>, vector<1x16xf32>,
        %get3A_982 = vector.shape_cast %get3A_981 : vector<1x16xf32> to vector<16xf32>
        %mul3A_983 = arith.mulf %gather3A_966, %get3A_974 : vector<16xf32>
        %add3A_984 = arith.addf %add3A_960, %mul3A_983 : vector<16xf32>
        %mul3A_985 = arith.mulf %gather3A_966, %get3A_982 : vector<16xf32>
        %add3A_986 = arith.addf %add3A_962, %mul3A_985 : vector<16xf32>
        %broadcast_in_dim3A_987 = arith.constant 5 : i32
        %broadcast_in_dim3A_988 = vector.broadcast %broadcast_in_dim3A_987 : i32 to vector<16x1xi32>
        %gather3A_989 = vector.shape_cast %broadcast_in_dim3A_988 : vector<16x1xi32> to vector<16xi32>
        %gather3A_990 = tpu.dynamic_gather %get3A_866[%gather3A_989] in [0] : vector<16xf32>, vector<16xi32> -> vector<16xf32>
        %mul3A_991 = arith.constant 16 : i32
        %mul3A_992 = arith.muli %scan3A_82, %mul3A_991 : i32
        %add3A_993 = arith.constant 5 : i32
        %add3A_994 = arith.addi %mul3A_992, %add3A_993 : i32
        %get3A_995 = arith.index_cast %add3A_994 : i32 to index
        %get3A_996 = arith.constant 0 : index
        %get3A_997 = tpu.vector_load %arg35[%get3A_995, %get3A_996] {strides = array<i32>} : memref<256x32xf32, #tpu.memory_space<vmem>>, vector<1x16xf32>,
        %get3A_998 = vector.shape_cast %get3A_997 : vector<1x16xf32> to vector<16xf32>
        %mul3A_999 = arith.constant 16 : i32
        %mul3A_1000 = arith.muli %scan3A_82, %mul3A_999 : i32
        %add3A_1001 = arith.constant 5 : i32
        %add3A_1002 = arith.addi %mul3A_1000, %add3A_1001 : i32
        %get3A_1003 = arith.index_cast %add3A_1002 : i32 to index
        %get3A_1004 = arith.constant 16 : index
        %get3A_1005 = tpu.vector_load %arg35[%get3A_1003, %get3A_1004] {strides = array<i32>} : memref<256x32xf32, #tpu.memory_space<vmem>>, vector<1x16xf32>,
        %get3A_1006 = vector.shape_cast %get3A_1005 : vector<1x16xf32> to vector<16xf32>
        %mul3A_1007 = arith.mulf %gather3A_990, %get3A_998 : vector<16xf32>
        %add3A_1008 = arith.addf %add3A_984, %mul3A_1007 : vector<16xf32>
        %mul3A_1009 = arith.mulf %gather3A_990, %get3A_1006 : vector<16xf32>
        %add3A_1010 = arith.addf %add3A_986, %mul3A_1009 : vector<16xf32>
        %broadcast_in_dim3A_1011 = arith.constant 6 : i32
        %broadcast_in_dim3A_1012 = vector.broadcast %broadcast_in_dim3A_1011 : i32 to vector<16x1xi32>
        %gather3A_1013 = vector.shape_cast %broadcast_in_dim3A_1012 : vector<16x1xi32> to vector<16xi32>
        %gather3A_1014 = tpu.dynamic_gather %get3A_866[%gather3A_1013] in [0] : vector<16xf32>, vector<16xi32> -> vector<16xf32>
        %mul3A_1015 = arith.constant 16 : i32
        %mul3A_1016 = arith.muli %scan3A_82, %mul3A_1015 : i32
        %add3A_1017 = arith.constant 6 : i32
        %add3A_1018 = arith.addi %mul3A_1016, %add3A_1017 : i32
        %get3A_1019 = arith.index_cast %add3A_1018 : i32 to index
        %get3A_1020 = arith.constant 0 : index
        %get3A_1021 = tpu.vector_load %arg35[%get3A_1019, %get3A_1020] {strides = array<i32>} : memref<256x32xf32, #tpu.memory_space<vmem>>, vector<1x16xf32>,
        %get3A_1022 = vector.shape_cast %get3A_1021 : vector<1x16xf32> to vector<16xf32>
        %mul3A_1023 = arith.constant 16 : i32
        %mul3A_1024 = arith.muli %scan3A_82, %mul3A_1023 : i32
        %add3A_1025 = arith.constant 6 : i32
        %add3A_1026 = arith.addi %mul3A_1024, %add3A_1025 : i32
        %get3A_1027 = arith.index_cast %add3A_1026 : i32 to index
        %get3A_1028 = arith.constant 16 : index
        %get3A_1029 = tpu.vector_load %arg35[%get3A_1027, %get3A_1028] {strides = array<i32>} : memref<256x32xf32, #tpu.memory_space<vmem>>, vector<1x16xf32>,
        %get3A_1030 = vector.shape_cast %get3A_1029 : vector<1x16xf32> to vector<16xf32>
        %mul3A_1031 = arith.mulf %gather3A_1014, %get3A_1022 : vector<16xf32>
        %add3A_1032 = arith.addf %add3A_1008, %mul3A_1031 : vector<16xf32>
        %mul3A_1033 = arith.mulf %gather3A_1014, %get3A_1030 : vector<16xf32>
        %add3A_1034 = arith.addf %add3A_1010, %mul3A_1033 : vector<16xf32>
        %broadcast_in_dim3A_1035 = arith.constant 7 : i32
        %broadcast_in_dim3A_1036 = vector.broadcast %broadcast_in_dim3A_1035 : i32 to vector<16x1xi32>
        %gather3A_1037 = vector.shape_cast %broadcast_in_dim3A_1036 : vector<16x1xi32> to vector<16xi32>
        %gather3A_1038 = tpu.dynamic_gather %get3A_866[%gather3A_1037] in [0] : vector<16xf32>, vector<16xi32> -> vector<16xf32>
        %mul3A_1039 = arith.constant 16 : i32
        %mul3A_1040 = arith.muli %scan3A_82, %mul3A_1039 : i32
        %add3A_1041 = arith.constant 7 : i32
        %add3A_1042 = arith.addi %mul3A_1040, %add3A_1041 : i32
        %get3A_1043 = arith.index_cast %add3A_1042 : i32 to index
        %get3A_1044 = arith.constant 0 : index
        %get3A_1045 = tpu.vector_load %arg35[%get3A_1043, %get3A_1044] {strides = array<i32>} : memref<256x32xf32, #tpu.memory_space<vmem>>, vector<1x16xf32>,
        %get3A_1046 = vector.shape_cast %get3A_1045 : vector<1x16xf32> to vector<16xf32>
        %mul3A_1047 = arith.constant 16 : i32
        %mul3A_1048 = arith.muli %scan3A_82, %mul3A_1047 : i32
        %add3A_1049 = arith.constant 7 : i32
        %add3A_1050 = arith.addi %mul3A_1048, %add3A_1049 : i32
        %get3A_1051 = arith.index_cast %add3A_1050 : i32 to index
        %get3A_1052 = arith.constant 16 : index
        %get3A_1053 = tpu.vector_load %arg35[%get3A_1051, %get3A_1052] {strides = array<i32>} : memref<256x32xf32, #tpu.memory_space<vmem>>, vector<1x16xf32>,
        %get3A_1054 = vector.shape_cast %get3A_1053 : vector<1x16xf32> to vector<16xf32>
        %mul3A_1055 = arith.mulf %gather3A_1038, %get3A_1046 : vector<16xf32>
        %add3A_1056 = arith.addf %add3A_1032, %mul3A_1055 : vector<16xf32>
        %mul3A_1057 = arith.mulf %gather3A_1038, %get3A_1054 : vector<16xf32>
        %add3A_1058 = arith.addf %add3A_1034, %mul3A_1057 : vector<16xf32>
        %broadcast_in_dim3A_1059 = arith.constant 8 : i32
        %broadcast_in_dim3A_1060 = vector.broadcast %broadcast_in_dim3A_1059 : i32 to vector<16x1xi32>
        %gather3A_1061 = vector.shape_cast %broadcast_in_dim3A_1060 : vector<16x1xi32> to vector<16xi32>
        %gather3A_1062 = tpu.dynamic_gather %get3A_866[%gather3A_1061] in [0] : vector<16xf32>, vector<16xi32> -> vector<16xf32>
        %mul3A_1063 = arith.constant 16 : i32
        %mul3A_1064 = arith.muli %scan3A_82, %mul3A_1063 : i32
        %add3A_1065 = arith.constant 8 : i32
        %add3A_1066 = arith.addi %mul3A_1064, %add3A_1065 : i32
        %get3A_1067 = arith.index_cast %add3A_1066 : i32 to index
        %get3A_1068 = arith.constant 0 : index
        %get3A_1069 = tpu.vector_load %arg35[%get3A_1067, %get3A_1068] {strides = array<i32>} : memref<256x32xf32, #tpu.memory_space<vmem>>, vector<1x16xf32>,
        %get3A_1070 = vector.shape_cast %get3A_1069 : vector<1x16xf32> to vector<16xf32>
        %mul3A_1071 = arith.constant 16 : i32
        %mul3A_1072 = arith.muli %scan3A_82, %mul3A_1071 : i32
        %add3A_1073 = arith.constant 8 : i32
        %add3A_1074 = arith.addi %mul3A_1072, %add3A_1073 : i32
        %get3A_1075 = arith.index_cast %add3A_1074 : i32 to index
        %get3A_1076 = arith.constant 16 : index
        %get3A_1077 = tpu.vector_load %arg35[%get3A_1075, %get3A_1076] {strides = array<i32>} : memref<256x32xf32, #tpu.memory_space<vmem>>, vector<1x16xf32>,
        %get3A_1078 = vector.shape_cast %get3A_1077 : vector<1x16xf32> to vector<16xf32>
        %mul3A_1079 = arith.mulf %gather3A_1062, %get3A_1070 : vector<16xf32>
        %add3A_1080 = arith.addf %add3A_1056, %mul3A_1079 : vector<16xf32>
        %mul3A_1081 = arith.mulf %gather3A_1062, %get3A_1078 : vector<16xf32>
        %add3A_1082 = arith.addf %add3A_1058, %mul3A_1081 : vector<16xf32>
        %broadcast_in_dim3A_1083 = arith.constant 9 : i32
        %broadcast_in_dim3A_1084 = vector.broadcast %broadcast_in_dim3A_1083 : i32 to vector<16x1xi32>
        %gather3A_1085 = vector.shape_cast %broadcast_in_dim3A_1084 : vector<16x1xi32> to vector<16xi32>
        %gather3A_1086 = tpu.dynamic_gather %get3A_866[%gather3A_1085] in [0] : vector<16xf32>, vector<16xi32> -> vector<16xf32>
        %mul3A_1087 = arith.constant 16 : i32
        %mul3A_1088 = arith.muli %scan3A_82, %mul3A_1087 : i32
        %add3A_1089 = arith.constant 9 : i32
        %add3A_1090 = arith.addi %mul3A_1088, %add3A_1089 : i32
        %get3A_1091 = arith.index_cast %add3A_1090 : i32 to index
        %get3A_1092 = arith.constant 0 : index
        %get3A_1093 = tpu.vector_load %arg35[%get3A_1091, %get3A_1092] {strides = array<i32>} : memref<256x32xf32, #tpu.memory_space<vmem>>, vector<1x16xf32>,
        %get3A_1094 = vector.shape_cast %get3A_1093 : vector<1x16xf32> to vector<16xf32>
        %mul3A_1095 = arith.constant 16 : i32
        %mul3A_1096 = arith.muli %scan3A_82, %mul3A_1095 : i32
        %add3A_1097 = arith.constant 9 : i32
        %add3A_1098 = arith.addi %mul3A_1096, %add3A_1097 : i32
        %get3A_1099 = arith.index_cast %add3A_1098 : i32 to index
        %get3A_1100 = arith.constant 16 : index
        %get3A_1101 = tpu.vector_load %arg35[%get3A_1099, %get3A_1100] {strides = array<i32>} : memref<256x32xf32, #tpu.memory_space<vmem>>, vector<1x16xf32>,
        %get3A_1102 = vector.shape_cast %get3A_1101 : vector<1x16xf32> to vector<16xf32>
        %mul3A_1103 = arith.mulf %gather3A_1086, %get3A_1094 : vector<16xf32>
        %add3A_1104 = arith.addf %add3A_1080, %mul3A_1103 : vector<16xf32>
        %mul3A_1105 = arith.mulf %gather3A_1086, %get3A_1102 : vector<16xf32>
        %add3A_1106 = arith.addf %add3A_1082, %mul3A_1105 : vector<16xf32>
        %broadcast_in_dim3A_1107 = arith.constant 10 : i32
        %broadcast_in_dim3A_1108 = vector.broadcast %broadcast_in_dim3A_1107 : i32 to vector<16x1xi32>
        %gather3A_1109 = vector.shape_cast %broadcast_in_dim3A_1108 : vector<16x1xi32> to vector<16xi32>
        %gather3A_1110 = tpu.dynamic_gather %get3A_866[%gather3A_1109] in [0] : vector<16xf32>, vector<16xi32> -> vector<16xf32>
        %mul3A_1111 = arith.constant 16 : i32
        %mul3A_1112 = arith.muli %scan3A_82, %mul3A_1111 : i32
        %add3A_1113 = arith.constant 10 : i32
        %add3A_1114 = arith.addi %mul3A_1112, %add3A_1113 : i32
        %get3A_1115 = arith.index_cast %add3A_1114 : i32 to index
        %get3A_1116 = arith.constant 0 : index
        %get3A_1117 = tpu.vector_load %arg35[%get3A_1115, %get3A_1116] {strides = array<i32>} : memref<256x32xf32, #tpu.memory_space<vmem>>, vector<1x16xf32>,
        %get3A_1118 = vector.shape_cast %get3A_1117 : vector<1x16xf32> to vector<16xf32>
        %mul3A_1119 = arith.constant 16 : i32
        %mul3A_1120 = arith.muli %scan3A_82, %mul3A_1119 : i32
        %add3A_1121 = arith.constant 10 : i32
        %add3A_1122 = arith.addi %mul3A_1120, %add3A_1121 : i32
        %get3A_1123 = arith.index_cast %add3A_1122 : i32 to index
        %get3A_1124 = arith.constant 16 : index
        %get3A_1125 = tpu.vector_load %arg35[%get3A_1123, %get3A_1124] {strides = array<i32>} : memref<256x32xf32, #tpu.memory_space<vmem>>, vector<1x16xf32>,
        %get3A_1126 = vector.shape_cast %get3A_1125 : vector<1x16xf32> to vector<16xf32>
        %mul3A_1127 = arith.mulf %gather3A_1110, %get3A_1118 : vector<16xf32>
        %add3A_1128 = arith.addf %add3A_1104, %mul3A_1127 : vector<16xf32>
        %mul3A_1129 = arith.mulf %gather3A_1110, %get3A_1126 : vector<16xf32>
        %add3A_1130 = arith.addf %add3A_1106, %mul3A_1129 : vector<16xf32>
        %broadcast_in_dim3A_1131 = arith.constant 11 : i32
        %broadcast_in_dim3A_1132 = vector.broadcast %broadcast_in_dim3A_1131 : i32 to vector<16x1xi32>
        %gather3A_1133 = vector.shape_cast %broadcast_in_dim3A_1132 : vector<16x1xi32> to vector<16xi32>
        %gather3A_1134 = tpu.dynamic_gather %get3A_866[%gather3A_1133] in [0] : vector<16xf32>, vector<16xi32> -> vector<16xf32>
        %mul3A_1135 = arith.constant 16 : i32
        %mul3A_1136 = arith.muli %scan3A_82, %mul3A_1135 : i32
        %add3A_1137 = arith.constant 11 : i32
        %add3A_1138 = arith.addi %mul3A_1136, %add3A_1137 : i32
        %get3A_1139 = arith.index_cast %add3A_1138 : i32 to index
        %get3A_1140 = arith.constant 0 : index
        %get3A_1141 = tpu.vector_load %arg35[%get3A_1139, %get3A_1140] {strides = array<i32>} : memref<256x32xf32, #tpu.memory_space<vmem>>, vector<1x16xf32>,
        %get3A_1142 = vector.shape_cast %get3A_1141 : vector<1x16xf32> to vector<16xf32>
        %mul3A_1143 = arith.constant 16 : i32
        %mul3A_1144 = arith.muli %scan3A_82, %mul3A_1143 : i32
        %add3A_1145 = arith.constant 11 : i32
        %add3A_1146 = arith.addi %mul3A_1144, %add3A_1145 : i32
        %get3A_1147 = arith.index_cast %add3A_1146 : i32 to index
        %get3A_1148 = arith.constant 16 : index
        %get3A_1149 = tpu.vector_load %arg35[%get3A_1147, %get3A_1148] {strides = array<i32>} : memref<256x32xf32, #tpu.memory_space<vmem>>, vector<1x16xf32>,
        %get3A_1150 = vector.shape_cast %get3A_1149 : vector<1x16xf32> to vector<16xf32>
        %mul3A_1151 = arith.mulf %gather3A_1134, %get3A_1142 : vector<16xf32>
        %add3A_1152 = arith.addf %add3A_1128, %mul3A_1151 : vector<16xf32>
        %mul3A_1153 = arith.mulf %gather3A_1134, %get3A_1150 : vector<16xf32>
        %add3A_1154 = arith.addf %add3A_1130, %mul3A_1153 : vector<16xf32>
        %broadcast_in_dim3A_1155 = arith.constant 12 : i32
        %broadcast_in_dim3A_1156 = vector.broadcast %broadcast_in_dim3A_1155 : i32 to vector<16x1xi32>
        %gather3A_1157 = vector.shape_cast %broadcast_in_dim3A_1156 : vector<16x1xi32> to vector<16xi32>
        %gather3A_1158 = tpu.dynamic_gather %get3A_866[%gather3A_1157] in [0] : vector<16xf32>, vector<16xi32> -> vector<16xf32>
        %mul3A_1159 = arith.constant 16 : i32
        %mul3A_1160 = arith.muli %scan3A_82, %mul3A_1159 : i32
        %add3A_1161 = arith.constant 12 : i32
        %add3A_1162 = arith.addi %mul3A_1160, %add3A_1161 : i32
        %get3A_1163 = arith.index_cast %add3A_1162 : i32 to index
        %get3A_1164 = arith.constant 0 : index
        %get3A_1165 = tpu.vector_load %arg35[%get3A_1163, %get3A_1164] {strides = array<i32>} : memref<256x32xf32, #tpu.memory_space<vmem>>, vector<1x16xf32>,
        %get3A_1166 = vector.shape_cast %get3A_1165 : vector<1x16xf32> to vector<16xf32>
        %mul3A_1167 = arith.constant 16 : i32
        %mul3A_1168 = arith.muli %scan3A_82, %mul3A_1167 : i32
        %add3A_1169 = arith.constant 12 : i32
        %add3A_1170 = arith.addi %mul3A_1168, %add3A_1169 : i32
        %get3A_1171 = arith.index_cast %add3A_1170 : i32 to index
        %get3A_1172 = arith.constant 16 : index
        %get3A_1173 = tpu.vector_load %arg35[%get3A_1171, %get3A_1172] {strides = array<i32>} : memref<256x32xf32, #tpu.memory_space<vmem>>, vector<1x16xf32>,
        %get3A_1174 = vector.shape_cast %get3A_1173 : vector<1x16xf32> to vector<16xf32>
        %mul3A_1175 = arith.mulf %gather3A_1158, %get3A_1166 : vector<16xf32>
        %add3A_1176 = arith.addf %add3A_1152, %mul3A_1175 : vector<16xf32>
        %mul3A_1177 = arith.mulf %gather3A_1158, %get3A_1174 : vector<16xf32>
        %add3A_1178 = arith.addf %add3A_1154, %mul3A_1177 : vector<16xf32>
        %broadcast_in_dim3A_1179 = arith.constant 13 : i32
        %broadcast_in_dim3A_1180 = vector.broadcast %broadcast_in_dim3A_1179 : i32 to vector<16x1xi32>
        %gather3A_1181 = vector.shape_cast %broadcast_in_dim3A_1180 : vector<16x1xi32> to vector<16xi32>
        %gather3A_1182 = tpu.dynamic_gather %get3A_866[%gather3A_1181] in [0] : vector<16xf32>, vector<16xi32> -> vector<16xf32>
        %mul3A_1183 = arith.constant 16 : i32
        %mul3A_1184 = arith.muli %scan3A_82, %mul3A_1183 : i32
        %add3A_1185 = arith.constant 13 : i32
        %add3A_1186 = arith.addi %mul3A_1184, %add3A_1185 : i32
        %get3A_1187 = arith.index_cast %add3A_1186 : i32 to index
        %get3A_1188 = arith.constant 0 : index
        %get3A_1189 = tpu.vector_load %arg35[%get3A_1187, %get3A_1188] {strides = array<i32>} : memref<256x32xf32, #tpu.memory_space<vmem>>, vector<1x16xf32>,
        %get3A_1190 = vector.shape_cast %get3A_1189 : vector<1x16xf32> to vector<16xf32>
        %mul3A_1191 = arith.constant 16 : i32
        %mul3A_1192 = arith.muli %scan3A_82, %mul3A_1191 : i32
        %add3A_1193 = arith.constant 13 : i32
        %add3A_1194 = arith.addi %mul3A_1192, %add3A_1193 : i32
        %get3A_1195 = arith.index_cast %add3A_1194 : i32 to index
        %get3A_1196 = arith.constant 16 : index
        %get3A_1197 = tpu.vector_load %arg35[%get3A_1195, %get3A_1196] {strides = array<i32>} : memref<256x32xf32, #tpu.memory_space<vmem>>, vector<1x16xf32>,
        %get3A_1198 = vector.shape_cast %get3A_1197 : vector<1x16xf32> to vector<16xf32>
        %mul3A_1199 = arith.mulf %gather3A_1182, %get3A_1190 : vector<16xf32>
        %add3A_1200 = arith.addf %add3A_1176, %mul3A_1199 : vector<16xf32>
        %mul3A_1201 = arith.mulf %gather3A_1182, %get3A_1198 : vector<16xf32>
        %add3A_1202 = arith.addf %add3A_1178, %mul3A_1201 : vector<16xf32>
        %broadcast_in_dim3A_1203 = arith.constant 14 : i32
        %broadcast_in_dim3A_1204 = vector.broadcast %broadcast_in_dim3A_1203 : i32 to vector<16x1xi32>
        %gather3A_1205 = vector.shape_cast %broadcast_in_dim3A_1204 : vector<16x1xi32> to vector<16xi32>
        %gather3A_1206 = tpu.dynamic_gather %get3A_866[%gather3A_1205] in [0] : vector<16xf32>, vector<16xi32> -> vector<16xf32>
        %mul3A_1207 = arith.constant 16 : i32
        %mul3A_1208 = arith.muli %scan3A_82, %mul3A_1207 : i32
        %add3A_1209 = arith.constant 14 : i32
        %add3A_1210 = arith.addi %mul3A_1208, %add3A_1209 : i32
        %get3A_1211 = arith.index_cast %add3A_1210 : i32 to index
        %get3A_1212 = arith.constant 0 : index
        %get3A_1213 = tpu.vector_load %arg35[%get3A_1211, %get3A_1212] {strides = array<i32>} : memref<256x32xf32, #tpu.memory_space<vmem>>, vector<1x16xf32>,
        %get3A_1214 = vector.shape_cast %get3A_1213 : vector<1x16xf32> to vector<16xf32>
        %mul3A_1215 = arith.constant 16 : i32
        %mul3A_1216 = arith.muli %scan3A_82, %mul3A_1215 : i32
        %add3A_1217 = arith.constant 14 : i32
        %add3A_1218 = arith.addi %mul3A_1216, %add3A_1217 : i32
        %get3A_1219 = arith.index_cast %add3A_1218 : i32 to index
        %get3A_1220 = arith.constant 16 : index
        %get3A_1221 = tpu.vector_load %arg35[%get3A_1219, %get3A_1220] {strides = array<i32>} : memref<256x32xf32, #tpu.memory_space<vmem>>, vector<1x16xf32>,
        %get3A_1222 = vector.shape_cast %get3A_1221 : vector<1x16xf32> to vector<16xf32>
        %mul3A_1223 = arith.mulf %gather3A_1206, %get3A_1214 : vector<16xf32>
        %add3A_1224 = arith.addf %add3A_1200, %mul3A_1223 : vector<16xf32>
        %mul3A_1225 = arith.mulf %gather3A_1206, %get3A_1222 : vector<16xf32>
        %add3A_1226 = arith.addf %add3A_1202, %mul3A_1225 : vector<16xf32>
        %broadcast_in_dim3A_1227 = arith.constant 15 : i32
        %broadcast_in_dim3A_1228 = vector.broadcast %broadcast_in_dim3A_1227 : i32 to vector<16x1xi32>
        %gather3A_1229 = vector.shape_cast %broadcast_in_dim3A_1228 : vector<16x1xi32> to vector<16xi32>
        %gather3A_1230 = tpu.dynamic_gather %get3A_866[%gather3A_1229] in [0] : vector<16xf32>, vector<16xi32> -> vector<16xf32>
        %mul3A_1231 = arith.constant 16 : i32
        %mul3A_1232 = arith.muli %scan3A_82, %mul3A_1231 : i32
        %add3A_1233 = arith.constant 15 : i32
        %add3A_1234 = arith.addi %mul3A_1232, %add3A_1233 : i32
        %get3A_1235 = arith.index_cast %add3A_1234 : i32 to index
        %get3A_1236 = arith.constant 0 : index
        %get3A_1237 = tpu.vector_load %arg35[%get3A_1235, %get3A_1236] {strides = array<i32>} : memref<256x32xf32, #tpu.memory_space<vmem>>, vector<1x16xf32>,
        %get3A_1238 = vector.shape_cast %get3A_1237 : vector<1x16xf32> to vector<16xf32>
        %mul3A_1239 = arith.constant 16 : i32
        %mul3A_1240 = arith.muli %scan3A_82, %mul3A_1239 : i32
        %add3A_1241 = arith.constant 15 : i32
        %add3A_1242 = arith.addi %mul3A_1240, %add3A_1241 : i32
        %get3A_1243 = arith.index_cast %add3A_1242 : i32 to index
        %get3A_1244 = arith.constant 16 : index
        %get3A_1245 = tpu.vector_load %arg35[%get3A_1243, %get3A_1244] {strides = array<i32>} : memref<256x32xf32, #tpu.memory_space<vmem>>, vector<1x16xf32>,
        %get3A_1246 = vector.shape_cast %get3A_1245 : vector<1x16xf32> to vector<16xf32>
        %mul3A_1247 = arith.mulf %gather3A_1230, %get3A_1238 : vector<16xf32>
        %add3A_1248 = arith.addf %add3A_1224, %mul3A_1247 : vector<16xf32>
        %mul3A_1249 = arith.mulf %gather3A_1230, %get3A_1246 : vector<16xf32>
        %add3A_1250 = arith.addf %add3A_1226, %mul3A_1249 : vector<16xf32>
        %mul3A_1251 = arith.constant 16 : i32
        %mul3A_1252 = arith.muli %scan3A_82, %mul3A_1251 : i32
        %get3A_1253 = arith.index_cast %mul3A_1252 : i32 to index
        %get3A_1254 = tpu.vector_load %arg32[%get3A_1253] {strides = array<i32>} : memref<256xf32, #tpu.memory_space<vmem>>, vector<16xf32>,
        %get3A_1255 = vector.shape_cast %get3A_1254 : vector<16xf32> to vector<16xf32>
        %broadcast_in_dim3A_1256 = arith.constant 0 : i32
        %broadcast_in_dim3A_1257 = vector.broadcast %broadcast_in_dim3A_1256 : i32 to vector<16x1xi32>
        %gather3A_1258 = vector.shape_cast %broadcast_in_dim3A_1257 : vector<16x1xi32> to vector<16xi32>
        %gather3A_1259 = tpu.dynamic_gather %get3A_1255[%gather3A_1258] in [0] : vector<16xf32>, vector<16xi32> -> vector<16xf32>
        %mul3A_1260 = arith.constant 16 : i32
        %mul3A_1261 = arith.muli %scan3A_82, %mul3A_1260 : i32
        %add3A_1262 = arith.constant 0 : i32
        %add3A_1263 = arith.addi %mul3A_1261, %add3A_1262 : i32
        %get3A_1264 = arith.index_cast %add3A_1263 : i32 to index
        %get3A_1265 = arith.constant 0 : index
        %get3A_1266 = tpu.vector_load %arg36[%get3A_1264, %get3A_1265] {strides = array<i32>} : memref<256x32xf32, #tpu.memory_space<vmem>>, vector<1x16xf32>,
        %get3A_1267 = vector.shape_cast %get3A_1266 : vector<1x16xf32> to vector<16xf32>
        %mul3A_1268 = arith.constant 16 : i32
        %mul3A_1269 = arith.muli %scan3A_82, %mul3A_1268 : i32
        %add3A_1270 = arith.constant 0 : i32
        %add3A_1271 = arith.addi %mul3A_1269, %add3A_1270 : i32
        %get3A_1272 = arith.index_cast %add3A_1271 : i32 to index
        %get3A_1273 = arith.constant 16 : index
        %get3A_1274 = tpu.vector_load %arg36[%get3A_1272, %get3A_1273] {strides = array<i32>} : memref<256x32xf32, #tpu.memory_space<vmem>>, vector<1x16xf32>,
        %get3A_1275 = vector.shape_cast %get3A_1274 : vector<1x16xf32> to vector<16xf32>
        %mul3A_1276 = arith.mulf %gather3A_1259, %get3A_1267 : vector<16xf32>
        %add3A_1277 = arith.addf %add3A_1248, %mul3A_1276 : vector<16xf32>
        %mul3A_1278 = arith.mulf %gather3A_1259, %get3A_1275 : vector<16xf32>
        %add3A_1279 = arith.addf %add3A_1250, %mul3A_1278 : vector<16xf32>
        %broadcast_in_dim3A_1280 = arith.constant 1 : i32
        %broadcast_in_dim3A_1281 = vector.broadcast %broadcast_in_dim3A_1280 : i32 to vector<16x1xi32>
        %gather3A_1282 = vector.shape_cast %broadcast_in_dim3A_1281 : vector<16x1xi32> to vector<16xi32>
        %gather3A_1283 = tpu.dynamic_gather %get3A_1255[%gather3A_1282] in [0] : vector<16xf32>, vector<16xi32> -> vector<16xf32>
        %mul3A_1284 = arith.constant 16 : i32
        %mul3A_1285 = arith.muli %scan3A_82, %mul3A_1284 : i32
        %add3A_1286 = arith.constant 1 : i32
        %add3A_1287 = arith.addi %mul3A_1285, %add3A_1286 : i32
        %get3A_1288 = arith.index_cast %add3A_1287 : i32 to index
        %get3A_1289 = arith.constant 0 : index
        %get3A_1290 = tpu.vector_load %arg36[%get3A_1288, %get3A_1289] {strides = array<i32>} : memref<256x32xf32, #tpu.memory_space<vmem>>, vector<1x16xf32>,
        %get3A_1291 = vector.shape_cast %get3A_1290 : vector<1x16xf32> to vector<16xf32>
        %mul3A_1292 = arith.constant 16 : i32
        %mul3A_1293 = arith.muli %scan3A_82, %mul3A_1292 : i32
        %add3A_1294 = arith.constant 1 : i32
        %add3A_1295 = arith.addi %mul3A_1293, %add3A_1294 : i32
        %get3A_1296 = arith.index_cast %add3A_1295 : i32 to index
        %get3A_1297 = arith.constant 16 : index
        %get3A_1298 = tpu.vector_load %arg36[%get3A_1296, %get3A_1297] {strides = array<i32>} : memref<256x32xf32, #tpu.memory_space<vmem>>, vector<1x16xf32>,
        %get3A_1299 = vector.shape_cast %get3A_1298 : vector<1x16xf32> to vector<16xf32>
        %mul3A_1300 = arith.mulf %gather3A_1283, %get3A_1291 : vector<16xf32>
        %add3A_1301 = arith.addf %add3A_1277, %mul3A_1300 : vector<16xf32>
        %mul3A_1302 = arith.mulf %gather3A_1283, %get3A_1299 : vector<16xf32>
        %add3A_1303 = arith.addf %add3A_1279, %mul3A_1302 : vector<16xf32>
        %broadcast_in_dim3A_1304 = arith.constant 2 : i32
        %broadcast_in_dim3A_1305 = vector.broadcast %broadcast_in_dim3A_1304 : i32 to vector<16x1xi32>
        %gather3A_1306 = vector.shape_cast %broadcast_in_dim3A_1305 : vector<16x1xi32> to vector<16xi32>
        %gather3A_1307 = tpu.dynamic_gather %get3A_1255[%gather3A_1306] in [0] : vector<16xf32>, vector<16xi32> -> vector<16xf32>
        %mul3A_1308 = arith.constant 16 : i32
        %mul3A_1309 = arith.muli %scan3A_82, %mul3A_1308 : i32
        %add3A_1310 = arith.constant 2 : i32
        %add3A_1311 = arith.addi %mul3A_1309, %add3A_1310 : i32
        %get3A_1312 = arith.index_cast %add3A_1311 : i32 to index
        %get3A_1313 = arith.constant 0 : index
        %get3A_1314 = tpu.vector_load %arg36[%get3A_1312, %get3A_1313] {strides = array<i32>} : memref<256x32xf32, #tpu.memory_space<vmem>>, vector<1x16xf32>,
        %get3A_1315 = vector.shape_cast %get3A_1314 : vector<1x16xf32> to vector<16xf32>
        %mul3A_1316 = arith.constant 16 : i32
        %mul3A_1317 = arith.muli %scan3A_82, %mul3A_1316 : i32
        %add3A_1318 = arith.constant 2 : i32
        %add3A_1319 = arith.addi %mul3A_1317, %add3A_1318 : i32
        %get3A_1320 = arith.index_cast %add3A_1319 : i32 to index
        %get3A_1321 = arith.constant 16 : index
        %get3A_1322 = tpu.vector_load %arg36[%get3A_1320, %get3A_1321] {strides = array<i32>} : memref<256x32xf32, #tpu.memory_space<vmem>>, vector<1x16xf32>,
        %get3A_1323 = vector.shape_cast %get3A_1322 : vector<1x16xf32> to vector<16xf32>
        %mul3A_1324 = arith.mulf %gather3A_1307, %get3A_1315 : vector<16xf32>
        %add3A_1325 = arith.addf %add3A_1301, %mul3A_1324 : vector<16xf32>
        %mul3A_1326 = arith.mulf %gather3A_1307, %get3A_1323 : vector<16xf32>
        %add3A_1327 = arith.addf %add3A_1303, %mul3A_1326 : vector<16xf32>
        %broadcast_in_dim3A_1328 = arith.constant 3 : i32
        %broadcast_in_dim3A_1329 = vector.broadcast %broadcast_in_dim3A_1328 : i32 to vector<16x1xi32>
        %gather3A_1330 = vector.shape_cast %broadcast_in_dim3A_1329 : vector<16x1xi32> to vector<16xi32>
        %gather3A_1331 = tpu.dynamic_gather %get3A_1255[%gather3A_1330] in [0] : vector<16xf32>, vector<16xi32> -> vector<16xf32>
        %mul3A_1332 = arith.constant 16 : i32
        %mul3A_1333 = arith.muli %scan3A_82, %mul3A_1332 : i32
        %add3A_1334 = arith.constant 3 : i32
        %add3A_1335 = arith.addi %mul3A_1333, %add3A_1334 : i32
        %get3A_1336 = arith.index_cast %add3A_1335 : i32 to index
        %get3A_1337 = arith.constant 0 : index
        %get3A_1338 = tpu.vector_load %arg36[%get3A_1336, %get3A_1337] {strides = array<i32>} : memref<256x32xf32, #tpu.memory_space<vmem>>, vector<1x16xf32>,
        %get3A_1339 = vector.shape_cast %get3A_1338 : vector<1x16xf32> to vector<16xf32>
        %mul3A_1340 = arith.constant 16 : i32
        %mul3A_1341 = arith.muli %scan3A_82, %mul3A_1340 : i32
        %add3A_1342 = arith.constant 3 : i32
        %add3A_1343 = arith.addi %mul3A_1341, %add3A_1342 : i32
        %get3A_1344 = arith.index_cast %add3A_1343 : i32 to index
        %get3A_1345 = arith.constant 16 : index
        %get3A_1346 = tpu.vector_load %arg36[%get3A_1344, %get3A_1345] {strides = array<i32>} : memref<256x32xf32, #tpu.memory_space<vmem>>, vector<1x16xf32>,
        %get3A_1347 = vector.shape_cast %get3A_1346 : vector<1x16xf32> to vector<16xf32>
        %mul3A_1348 = arith.mulf %gather3A_1331, %get3A_1339 : vector<16xf32>
        %add3A_1349 = arith.addf %add3A_1325, %mul3A_1348 : vector<16xf32>
        %mul3A_1350 = arith.mulf %gather3A_1331, %get3A_1347 : vector<16xf32>
        %add3A_1351 = arith.addf %add3A_1327, %mul3A_1350 : vector<16xf32>
        %broadcast_in_dim3A_1352 = arith.constant 4 : i32
        %broadcast_in_dim3A_1353 = vector.broadcast %broadcast_in_dim3A_1352 : i32 to vector<16x1xi32>
        %gather3A_1354 = vector.shape_cast %broadcast_in_dim3A_1353 : vector<16x1xi32> to vector<16xi32>
        %gather3A_1355 = tpu.dynamic_gather %get3A_1255[%gather3A_1354] in [0] : vector<16xf32>, vector<16xi32> -> vector<16xf32>
        %mul3A_1356 = arith.constant 16 : i32
        %mul3A_1357 = arith.muli %scan3A_82, %mul3A_1356 : i32
        %add3A_1358 = arith.constant 4 : i32
        %add3A_1359 = arith.addi %mul3A_1357, %add3A_1358 : i32
        %get3A_1360 = arith.index_cast %add3A_1359 : i32 to index
        %get3A_1361 = arith.constant 0 : index
        %get3A_1362 = tpu.vector_load %arg36[%get3A_1360, %get3A_1361] {strides = array<i32>} : memref<256x32xf32, #tpu.memory_space<vmem>>, vector<1x16xf32>,
        %get3A_1363 = vector.shape_cast %get3A_1362 : vector<1x16xf32> to vector<16xf32>
        %mul3A_1364 = arith.constant 16 : i32
        %mul3A_1365 = arith.muli %scan3A_82, %mul3A_1364 : i32
        %add3A_1366 = arith.constant 4 : i32
        %add3A_1367 = arith.addi %mul3A_1365, %add3A_1366 : i32
        %get3A_1368 = arith.index_cast %add3A_1367 : i32 to index
        %get3A_1369 = arith.constant 16 : index
        %get3A_1370 = tpu.vector_load %arg36[%get3A_1368, %get3A_1369] {strides = array<i32>} : memref<256x32xf32, #tpu.memory_space<vmem>>, vector<1x16xf32>,
        %get3A_1371 = vector.shape_cast %get3A_1370 : vector<1x16xf32> to vector<16xf32>
        %mul3A_1372 = arith.mulf %gather3A_1355, %get3A_1363 : vector<16xf32>
        %add3A_1373 = arith.addf %add3A_1349, %mul3A_1372 : vector<16xf32>
        %mul3A_1374 = arith.mulf %gather3A_1355, %get3A_1371 : vector<16xf32>
        %add3A_1375 = arith.addf %add3A_1351, %mul3A_1374 : vector<16xf32>
        %broadcast_in_dim3A_1376 = arith.constant 5 : i32
        %broadcast_in_dim3A_1377 = vector.broadcast %broadcast_in_dim3A_1376 : i32 to vector<16x1xi32>
        %gather3A_1378 = vector.shape_cast %broadcast_in_dim3A_1377 : vector<16x1xi32> to vector<16xi32>
        %gather3A_1379 = tpu.dynamic_gather %get3A_1255[%gather3A_1378] in [0] : vector<16xf32>, vector<16xi32> -> vector<16xf32>
        %mul3A_1380 = arith.constant 16 : i32
        %mul3A_1381 = arith.muli %scan3A_82, %mul3A_1380 : i32
        %add3A_1382 = arith.constant 5 : i32
        %add3A_1383 = arith.addi %mul3A_1381, %add3A_1382 : i32
        %get3A_1384 = arith.index_cast %add3A_1383 : i32 to index
        %get3A_1385 = arith.constant 0 : index
        %get3A_1386 = tpu.vector_load %arg36[%get3A_1384, %get3A_1385] {strides = array<i32>} : memref<256x32xf32, #tpu.memory_space<vmem>>, vector<1x16xf32>,
        %get3A_1387 = vector.shape_cast %get3A_1386 : vector<1x16xf32> to vector<16xf32>
        %mul3A_1388 = arith.constant 16 : i32
        %mul3A_1389 = arith.muli %scan3A_82, %mul3A_1388 : i32
        %add3A_1390 = arith.constant 5 : i32
        %add3A_1391 = arith.addi %mul3A_1389, %add3A_1390 : i32
        %get3A_1392 = arith.index_cast %add3A_1391 : i32 to index
        %get3A_1393 = arith.constant 16 : index
        %get3A_1394 = tpu.vector_load %arg36[%get3A_1392, %get3A_1393] {strides = array<i32>} : memref<256x32xf32, #tpu.memory_space<vmem>>, vector<1x16xf32>,
        %get3A_1395 = vector.shape_cast %get3A_1394 : vector<1x16xf32> to vector<16xf32>
        %mul3A_1396 = arith.mulf %gather3A_1379, %get3A_1387 : vector<16xf32>
        %add3A_1397 = arith.addf %add3A_1373, %mul3A_1396 : vector<16xf32>
        %mul3A_1398 = arith.mulf %gather3A_1379, %get3A_1395 : vector<16xf32>
        %add3A_1399 = arith.addf %add3A_1375, %mul3A_1398 : vector<16xf32>
        %broadcast_in_dim3A_1400 = arith.constant 6 : i32
        %broadcast_in_dim3A_1401 = vector.broadcast %broadcast_in_dim3A_1400 : i32 to vector<16x1xi32>
        %gather3A_1402 = vector.shape_cast %broadcast_in_dim3A_1401 : vector<16x1xi32> to vector<16xi32>
        %gather3A_1403 = tpu.dynamic_gather %get3A_1255[%gather3A_1402] in [0] : vector<16xf32>, vector<16xi32> -> vector<16xf32>
        %mul3A_1404 = arith.constant 16 : i32
        %mul3A_1405 = arith.muli %scan3A_82, %mul3A_1404 : i32
        %add3A_1406 = arith.constant 6 : i32
        %add3A_1407 = arith.addi %mul3A_1405, %add3A_1406 : i32
        %get3A_1408 = arith.index_cast %add3A_1407 : i32 to index
        %get3A_1409 = arith.constant 0 : index
        %get3A_1410 = tpu.vector_load %arg36[%get3A_1408, %get3A_1409] {strides = array<i32>} : memref<256x32xf32, #tpu.memory_space<vmem>>, vector<1x16xf32>,
        %get3A_1411 = vector.shape_cast %get3A_1410 : vector<1x16xf32> to vector<16xf32>
        %mul3A_1412 = arith.constant 16 : i32
        %mul3A_1413 = arith.muli %scan3A_82, %mul3A_1412 : i32
        %add3A_1414 = arith.constant 6 : i32
        %add3A_1415 = arith.addi %mul3A_1413, %add3A_1414 : i32
        %get3A_1416 = arith.index_cast %add3A_1415 : i32 to index
        %get3A_1417 = arith.constant 16 : index
        %get3A_1418 = tpu.vector_load %arg36[%get3A_1416, %get3A_1417] {strides = array<i32>} : memref<256x32xf32, #tpu.memory_space<vmem>>, vector<1x16xf32>,
        %get3A_1419 = vector.shape_cast %get3A_1418 : vector<1x16xf32> to vector<16xf32>
        %mul3A_1420 = arith.mulf %gather3A_1403, %get3A_1411 : vector<16xf32>
        %add3A_1421 = arith.addf %add3A_1397, %mul3A_1420 : vector<16xf32>
        %mul3A_1422 = arith.mulf %gather3A_1403, %get3A_1419 : vector<16xf32>
        %add3A_1423 = arith.addf %add3A_1399, %mul3A_1422 : vector<16xf32>
        %broadcast_in_dim3A_1424 = arith.constant 7 : i32
        %broadcast_in_dim3A_1425 = vector.broadcast %broadcast_in_dim3A_1424 : i32 to vector<16x1xi32>
        %gather3A_1426 = vector.shape_cast %broadcast_in_dim3A_1425 : vector<16x1xi32> to vector<16xi32>
        %gather3A_1427 = tpu.dynamic_gather %get3A_1255[%gather3A_1426] in [0] : vector<16xf32>, vector<16xi32> -> vector<16xf32>
        %mul3A_1428 = arith.constant 16 : i32
        %mul3A_1429 = arith.muli %scan3A_82, %mul3A_1428 : i32
        %add3A_1430 = arith.constant 7 : i32
        %add3A_1431 = arith.addi %mul3A_1429, %add3A_1430 : i32
        %get3A_1432 = arith.index_cast %add3A_1431 : i32 to index
        %get3A_1433 = arith.constant 0 : index
        %get3A_1434 = tpu.vector_load %arg36[%get3A_1432, %get3A_1433] {strides = array<i32>} : memref<256x32xf32, #tpu.memory_space<vmem>>, vector<1x16xf32>,
        %get3A_1435 = vector.shape_cast %get3A_1434 : vector<1x16xf32> to vector<16xf32>
        %mul3A_1436 = arith.constant 16 : i32
        %mul3A_1437 = arith.muli %scan3A_82, %mul3A_1436 : i32
        %add3A_1438 = arith.constant 7 : i32
        %add3A_1439 = arith.addi %mul3A_1437, %add3A_1438 : i32
        %get3A_1440 = arith.index_cast %add3A_1439 : i32 to index
        %get3A_1441 = arith.constant 16 : index
        %get3A_1442 = tpu.vector_load %arg36[%get3A_1440, %get3A_1441] {strides = array<i32>} : memref<256x32xf32, #tpu.memory_space<vmem>>, vector<1x16xf32>,
        %get3A_1443 = vector.shape_cast %get3A_1442 : vector<1x16xf32> to vector<16xf32>
        %mul3A_1444 = arith.mulf %gather3A_1427, %get3A_1435 : vector<16xf32>
        %add3A_1445 = arith.addf %add3A_1421, %mul3A_1444 : vector<16xf32>
        %mul3A_1446 = arith.mulf %gather3A_1427, %get3A_1443 : vector<16xf32>
        %add3A_1447 = arith.addf %add3A_1423, %mul3A_1446 : vector<16xf32>
        %broadcast_in_dim3A_1448 = arith.constant 8 : i32
        %broadcast_in_dim3A_1449 = vector.broadcast %broadcast_in_dim3A_1448 : i32 to vector<16x1xi32>
        %gather3A_1450 = vector.shape_cast %broadcast_in_dim3A_1449 : vector<16x1xi32> to vector<16xi32>
        %gather3A_1451 = tpu.dynamic_gather %get3A_1255[%gather3A_1450] in [0] : vector<16xf32>, vector<16xi32> -> vector<16xf32>
        %mul3A_1452 = arith.constant 16 : i32
        %mul3A_1453 = arith.muli %scan3A_82, %mul3A_1452 : i32
        %add3A_1454 = arith.constant 8 : i32
        %add3A_1455 = arith.addi %mul3A_1453, %add3A_1454 : i32
        %get3A_1456 = arith.index_cast %add3A_1455 : i32 to index
        %get3A_1457 = arith.constant 0 : index
        %get3A_1458 = tpu.vector_load %arg36[%get3A_1456, %get3A_1457] {strides = array<i32>} : memref<256x32xf32, #tpu.memory_space<vmem>>, vector<1x16xf32>,
        %get3A_1459 = vector.shape_cast %get3A_1458 : vector<1x16xf32> to vector<16xf32>
        %mul3A_1460 = arith.constant 16 : i32
        %mul3A_1461 = arith.muli %scan3A_82, %mul3A_1460 : i32
        %add3A_1462 = arith.constant 8 : i32
        %add3A_1463 = arith.addi %mul3A_1461, %add3A_1462 : i32
        %get3A_1464 = arith.index_cast %add3A_1463 : i32 to index
        %get3A_1465 = arith.constant 16 : index
        %get3A_1466 = tpu.vector_load %arg36[%get3A_1464, %get3A_1465] {strides = array<i32>} : memref<256x32xf32, #tpu.memory_space<vmem>>, vector<1x16xf32>,
        %get3A_1467 = vector.shape_cast %get3A_1466 : vector<1x16xf32> to vector<16xf32>
        %mul3A_1468 = arith.mulf %gather3A_1451, %get3A_1459 : vector<16xf32>
        %add3A_1469 = arith.addf %add3A_1445, %mul3A_1468 : vector<16xf32>
        %mul3A_1470 = arith.mulf %gather3A_1451, %get3A_1467 : vector<16xf32>
        %add3A_1471 = arith.addf %add3A_1447, %mul3A_1470 : vector<16xf32>
        %broadcast_in_dim3A_1472 = arith.constant 9 : i32
        %broadcast_in_dim3A_1473 = vector.broadcast %broadcast_in_dim3A_1472 : i32 to vector<16x1xi32>
        %gather3A_1474 = vector.shape_cast %broadcast_in_dim3A_1473 : vector<16x1xi32> to vector<16xi32>
        %gather3A_1475 = tpu.dynamic_gather %get3A_1255[%gather3A_1474] in [0] : vector<16xf32>, vector<16xi32> -> vector<16xf32>
        %mul3A_1476 = arith.constant 16 : i32
        %mul3A_1477 = arith.muli %scan3A_82, %mul3A_1476 : i32
        %add3A_1478 = arith.constant 9 : i32
        %add3A_1479 = arith.addi %mul3A_1477, %add3A_1478 : i32
        %get3A_1480 = arith.index_cast %add3A_1479 : i32 to index
        %get3A_1481 = arith.constant 0 : index
        %get3A_1482 = tpu.vector_load %arg36[%get3A_1480, %get3A_1481] {strides = array<i32>} : memref<256x32xf32, #tpu.memory_space<vmem>>, vector<1x16xf32>,
        %get3A_1483 = vector.shape_cast %get3A_1482 : vector<1x16xf32> to vector<16xf32>
        %mul3A_1484 = arith.constant 16 : i32
        %mul3A_1485 = arith.muli %scan3A_82, %mul3A_1484 : i32
        %add3A_1486 = arith.constant 9 : i32
        %add3A_1487 = arith.addi %mul3A_1485, %add3A_1486 : i32
        %get3A_1488 = arith.index_cast %add3A_1487 : i32 to index
        %get3A_1489 = arith.constant 16 : index
        %get3A_1490 = tpu.vector_load %arg36[%get3A_1488, %get3A_1489] {strides = array<i32>} : memref<256x32xf32, #tpu.memory_space<vmem>>, vector<1x16xf32>,
        %get3A_1491 = vector.shape_cast %get3A_1490 : vector<1x16xf32> to vector<16xf32>
        %mul3A_1492 = arith.mulf %gather3A_1475, %get3A_1483 : vector<16xf32>
        %add3A_1493 = arith.addf %add3A_1469, %mul3A_1492 : vector<16xf32>
        %mul3A_1494 = arith.mulf %gather3A_1475, %get3A_1491 : vector<16xf32>
        %add3A_1495 = arith.addf %add3A_1471, %mul3A_1494 : vector<16xf32>
        %broadcast_in_dim3A_1496 = arith.constant 10 : i32
        %broadcast_in_dim3A_1497 = vector.broadcast %broadcast_in_dim3A_1496 : i32 to vector<16x1xi32>
        %gather3A_1498 = vector.shape_cast %broadcast_in_dim3A_1497 : vector<16x1xi32> to vector<16xi32>
        %gather3A_1499 = tpu.dynamic_gather %get3A_1255[%gather3A_1498] in [0] : vector<16xf32>, vector<16xi32> -> vector<16xf32>
        %mul3A_1500 = arith.constant 16 : i32
        %mul3A_1501 = arith.muli %scan3A_82, %mul3A_1500 : i32
        %add3A_1502 = arith.constant 10 : i32
        %add3A_1503 = arith.addi %mul3A_1501, %add3A_1502 : i32
        %get3A_1504 = arith.index_cast %add3A_1503 : i32 to index
        %get3A_1505 = arith.constant 0 : index
        %get3A_1506 = tpu.vector_load %arg36[%get3A_1504, %get3A_1505] {strides = array<i32>} : memref<256x32xf32, #tpu.memory_space<vmem>>, vector<1x16xf32>,
        %get3A_1507 = vector.shape_cast %get3A_1506 : vector<1x16xf32> to vector<16xf32>
        %mul3A_1508 = arith.constant 16 : i32
        %mul3A_1509 = arith.muli %scan3A_82, %mul3A_1508 : i32
        %add3A_1510 = arith.constant 10 : i32
        %add3A_1511 = arith.addi %mul3A_1509, %add3A_1510 : i32
        %get3A_1512 = arith.index_cast %add3A_1511 : i32 to index
        %get3A_1513 = arith.constant 16 : index
        %get3A_1514 = tpu.vector_load %arg36[%get3A_1512, %get3A_1513] {strides = array<i32>} : memref<256x32xf32, #tpu.memory_space<vmem>>, vector<1x16xf32>,
        %get3A_1515 = vector.shape_cast %get3A_1514 : vector<1x16xf32> to vector<16xf32>
        %mul3A_1516 = arith.mulf %gather3A_1499, %get3A_1507 : vector<16xf32>
        %add3A_1517 = arith.addf %add3A_1493, %mul3A_1516 : vector<16xf32>
        %mul3A_1518 = arith.mulf %gather3A_1499, %get3A_1515 : vector<16xf32>
        %add3A_1519 = arith.addf %add3A_1495, %mul3A_1518 : vector<16xf32>
        %broadcast_in_dim3A_1520 = arith.constant 11 : i32
        %broadcast_in_dim3A_1521 = vector.broadcast %broadcast_in_dim3A_1520 : i32 to vector<16x1xi32>
        %gather3A_1522 = vector.shape_cast %broadcast_in_dim3A_1521 : vector<16x1xi32> to vector<16xi32>
        %gather3A_1523 = tpu.dynamic_gather %get3A_1255[%gather3A_1522] in [0] : vector<16xf32>, vector<16xi32> -> vector<16xf32>
        %mul3A_1524 = arith.constant 16 : i32
        %mul3A_1525 = arith.muli %scan3A_82, %mul3A_1524 : i32
        %add3A_1526 = arith.constant 11 : i32
        %add3A_1527 = arith.addi %mul3A_1525, %add3A_1526 : i32
        %get3A_1528 = arith.index_cast %add3A_1527 : i32 to index
        %get3A_1529 = arith.constant 0 : index
        %get3A_1530 = tpu.vector_load %arg36[%get3A_1528, %get3A_1529] {strides = array<i32>} : memref<256x32xf32, #tpu.memory_space<vmem>>, vector<1x16xf32>,
        %get3A_1531 = vector.shape_cast %get3A_1530 : vector<1x16xf32> to vector<16xf32>
        %mul3A_1532 = arith.constant 16 : i32
        %mul3A_1533 = arith.muli %scan3A_82, %mul3A_1532 : i32
        %add3A_1534 = arith.constant 11 : i32
        %add3A_1535 = arith.addi %mul3A_1533, %add3A_1534 : i32
        %get3A_1536 = arith.index_cast %add3A_1535 : i32 to index
        %get3A_1537 = arith.constant 16 : index
        %get3A_1538 = tpu.vector_load %arg36[%get3A_1536, %get3A_1537] {strides = array<i32>} : memref<256x32xf32, #tpu.memory_space<vmem>>, vector<1x16xf32>,
        %get3A_1539 = vector.shape_cast %get3A_1538 : vector<1x16xf32> to vector<16xf32>
        %mul3A_1540 = arith.mulf %gather3A_1523, %get3A_1531 : vector<16xf32>
        %add3A_1541 = arith.addf %add3A_1517, %mul3A_1540 : vector<16xf32>
        %mul3A_1542 = arith.mulf %gather3A_1523, %get3A_1539 : vector<16xf32>
        %add3A_1543 = arith.addf %add3A_1519, %mul3A_1542 : vector<16xf32>
        %broadcast_in_dim3A_1544 = arith.constant 12 : i32
        %broadcast_in_dim3A_1545 = vector.broadcast %broadcast_in_dim3A_1544 : i32 to vector<16x1xi32>
        %gather3A_1546 = vector.shape_cast %broadcast_in_dim3A_1545 : vector<16x1xi32> to vector<16xi32>
        %gather3A_1547 = tpu.dynamic_gather %get3A_1255[%gather3A_1546] in [0] : vector<16xf32>, vector<16xi32> -> vector<16xf32>
        %mul3A_1548 = arith.constant 16 : i32
        %mul3A_1549 = arith.muli %scan3A_82, %mul3A_1548 : i32
        %add3A_1550 = arith.constant 12 : i32
        %add3A_1551 = arith.addi %mul3A_1549, %add3A_1550 : i32
        %get3A_1552 = arith.index_cast %add3A_1551 : i32 to index
        %get3A_1553 = arith.constant 0 : index
        %get3A_1554 = tpu.vector_load %arg36[%get3A_1552, %get3A_1553] {strides = array<i32>} : memref<256x32xf32, #tpu.memory_space<vmem>>, vector<1x16xf32>,
        %get3A_1555 = vector.shape_cast %get3A_1554 : vector<1x16xf32> to vector<16xf32>
        %mul3A_1556 = arith.constant 16 : i32
        %mul3A_1557 = arith.muli %scan3A_82, %mul3A_1556 : i32
        %add3A_1558 = arith.constant 12 : i32
        %add3A_1559 = arith.addi %mul3A_1557, %add3A_1558 : i32
        %get3A_1560 = arith.index_cast %add3A_1559 : i32 to index
        %get3A_1561 = arith.constant 16 : index
        %get3A_1562 = tpu.vector_load %arg36[%get3A_1560, %get3A_1561] {strides = array<i32>} : memref<256x32xf32, #tpu.memory_space<vmem>>, vector<1x16xf32>,
        %get3A_1563 = vector.shape_cast %get3A_1562 : vector<1x16xf32> to vector<16xf32>
        %mul3A_1564 = arith.mulf %gather3A_1547, %get3A_1555 : vector<16xf32>
        %add3A_1565 = arith.addf %add3A_1541, %mul3A_1564 : vector<16xf32>
        %mul3A_1566 = arith.mulf %gather3A_1547, %get3A_1563 : vector<16xf32>
        %add3A_1567 = arith.addf %add3A_1543, %mul3A_1566 : vector<16xf32>
        %broadcast_in_dim3A_1568 = arith.constant 13 : i32
        %broadcast_in_dim3A_1569 = vector.broadcast %broadcast_in_dim3A_1568 : i32 to vector<16x1xi32>
        %gather3A_1570 = vector.shape_cast %broadcast_in_dim3A_1569 : vector<16x1xi32> to vector<16xi32>
        %gather3A_1571 = tpu.dynamic_gather %get3A_1255[%gather3A_1570] in [0] : vector<16xf32>, vector<16xi32> -> vector<16xf32>
        %mul3A_1572 = arith.constant 16 : i32
        %mul3A_1573 = arith.muli %scan3A_82, %mul3A_1572 : i32
        %add3A_1574 = arith.constant 13 : i32
        %add3A_1575 = arith.addi %mul3A_1573, %add3A_1574 : i32
        %get3A_1576 = arith.index_cast %add3A_1575 : i32 to index
        %get3A_1577 = arith.constant 0 : index
        %get3A_1578 = tpu.vector_load %arg36[%get3A_1576, %get3A_1577] {strides = array<i32>} : memref<256x32xf32, #tpu.memory_space<vmem>>, vector<1x16xf32>,
        %get3A_1579 = vector.shape_cast %get3A_1578 : vector<1x16xf32> to vector<16xf32>
        %mul3A_1580 = arith.constant 16 : i32
        %mul3A_1581 = arith.muli %scan3A_82, %mul3A_1580 : i32
        %add3A_1582 = arith.constant 13 : i32
        %add3A_1583 = arith.addi %mul3A_1581, %add3A_1582 : i32
        %get3A_1584 = arith.index_cast %add3A_1583 : i32 to index
        %get3A_1585 = arith.constant 16 : index
        %get3A_1586 = tpu.vector_load %arg36[%get3A_1584, %get3A_1585] {strides = array<i32>} : memref<256x32xf32, #tpu.memory_space<vmem>>, vector<1x16xf32>,
        %get3A_1587 = vector.shape_cast %get3A_1586 : vector<1x16xf32> to vector<16xf32>
        %mul3A_1588 = arith.mulf %gather3A_1571, %get3A_1579 : vector<16xf32>
        %add3A_1589 = arith.addf %add3A_1565, %mul3A_1588 : vector<16xf32>
        %mul3A_1590 = arith.mulf %gather3A_1571, %get3A_1587 : vector<16xf32>
        %add3A_1591 = arith.addf %add3A_1567, %mul3A_1590 : vector<16xf32>
        %broadcast_in_dim3A_1592 = arith.constant 14 : i32
        %broadcast_in_dim3A_1593 = vector.broadcast %broadcast_in_dim3A_1592 : i32 to vector<16x1xi32>
        %gather3A_1594 = vector.shape_cast %broadcast_in_dim3A_1593 : vector<16x1xi32> to vector<16xi32>
        %gather3A_1595 = tpu.dynamic_gather %get3A_1255[%gather3A_1594] in [0] : vector<16xf32>, vector<16xi32> -> vector<16xf32>
        %mul3A_1596 = arith.constant 16 : i32
        %mul3A_1597 = arith.muli %scan3A_82, %mul3A_1596 : i32
        %add3A_1598 = arith.constant 14 : i32
        %add3A_1599 = arith.addi %mul3A_1597, %add3A_1598 : i32
        %get3A_1600 = arith.index_cast %add3A_1599 : i32 to index
        %get3A_1601 = arith.constant 0 : index
        %get3A_1602 = tpu.vector_load %arg36[%get3A_1600, %get3A_1601] {strides = array<i32>} : memref<256x32xf32, #tpu.memory_space<vmem>>, vector<1x16xf32>,
        %get3A_1603 = vector.shape_cast %get3A_1602 : vector<1x16xf32> to vector<16xf32>
        %mul3A_1604 = arith.constant 16 : i32
        %mul3A_1605 = arith.muli %scan3A_82, %mul3A_1604 : i32
        %add3A_1606 = arith.constant 14 : i32
        %add3A_1607 = arith.addi %mul3A_1605, %add3A_1606 : i32
        %get3A_1608 = arith.index_cast %add3A_1607 : i32 to index
        %get3A_1609 = arith.constant 16 : index
        %get3A_1610 = tpu.vector_load %arg36[%get3A_1608, %get3A_1609] {strides = array<i32>} : memref<256x32xf32, #tpu.memory_space<vmem>>, vector<1x16xf32>,
        %get3A_1611 = vector.shape_cast %get3A_1610 : vector<1x16xf32> to vector<16xf32>
        %mul3A_1612 = arith.mulf %gather3A_1595, %get3A_1603 : vector<16xf32>
        %add3A_1613 = arith.addf %add3A_1589, %mul3A_1612 : vector<16xf32>
        %mul3A_1614 = arith.mulf %gather3A_1595, %get3A_1611 : vector<16xf32>
        %add3A_1615 = arith.addf %add3A_1591, %mul3A_1614 : vector<16xf32>
        %broadcast_in_dim3A_1616 = arith.constant 15 : i32
        %broadcast_in_dim3A_1617 = vector.broadcast %broadcast_in_dim3A_1616 : i32 to vector<16x1xi32>
        %gather3A_1618 = vector.shape_cast %broadcast_in_dim3A_1617 : vector<16x1xi32> to vector<16xi32>
        %gather3A_1619 = tpu.dynamic_gather %get3A_1255[%gather3A_1618] in [0] : vector<16xf32>, vector<16xi32> -> vector<16xf32>
        %mul3A_1620 = arith.constant 16 : i32
        %mul3A_1621 = arith.muli %scan3A_82, %mul3A_1620 : i32
        %add3A_1622 = arith.constant 15 : i32
        %add3A_1623 = arith.addi %mul3A_1621, %add3A_1622 : i32
        %get3A_1624 = arith.index_cast %add3A_1623 : i32 to index
        %get3A_1625 = arith.constant 0 : index
        %get3A_1626 = tpu.vector_load %arg36[%get3A_1624, %get3A_1625] {strides = array<i32>} : memref<256x32xf32, #tpu.memory_space<vmem>>, vector<1x16xf32>,
        %get3A_1627 = vector.shape_cast %get3A_1626 : vector<1x16xf32> to vector<16xf32>
        %mul3A_1628 = arith.constant 16 : i32
        %mul3A_1629 = arith.muli %scan3A_82, %mul3A_1628 : i32
        %add3A_1630 = arith.constant 15 : i32
        %add3A_1631 = arith.addi %mul3A_1629, %add3A_1630 : i32
        %get3A_1632 = arith.index_cast %add3A_1631 : i32 to index
        %get3A_1633 = arith.constant 16 : index
        %get3A_1634 = tpu.vector_load %arg36[%get3A_1632, %get3A_1633] {strides = array<i32>} : memref<256x32xf32, #tpu.memory_space<vmem>>, vector<1x16xf32>,
        %get3A_1635 = vector.shape_cast %get3A_1634 : vector<1x16xf32> to vector<16xf32>
        %mul3A_1636 = arith.mulf %gather3A_1619, %get3A_1627 : vector<16xf32>
        %add3A_1637 = arith.addf %add3A_1613, %mul3A_1636 : vector<16xf32>
        %mul3A_1638 = arith.mulf %gather3A_1619, %get3A_1635 : vector<16xf32>
        %add3A_1639 = arith.addf %add3A_1615, %mul3A_1638 : vector<16xf32>
        %swap3A = arith.index_cast %scan3A_82 : i32 to index
        %swap3A_1640 = arith.constant 0 : index
        %swap3A_1641 = tpu.vector_load %arg38[%swap3A, %swap3A_1640] {strides = array<i32>} : memref<16x32xf32, #tpu.memory_space<vmem>>, vector<1x16xf32>,
        %swap3A_1642 = vector.shape_cast %swap3A_1641 : vector<1x16xf32> to vector<16xf32>
        %swap3A_1643 = vector.shape_cast %add3A_1637 : vector<16xf32> to vector<1x16xf32>
        tpu.vector_store %arg38[%swap3A, %swap3A_1640], %swap3A_1643 {strides = array<i32>} : memref<16x32xf32, #tpu.memory_space<vmem>>, vector<1x16xf32>,
        %swap3A_1644 = arith.index_cast %scan3A_82 : i32 to index
        %swap3A_1645 = arith.constant 16 : index
        %swap3A_1646 = tpu.vector_load %arg38[%swap3A_1644, %swap3A_1645] {strides = array<i32>} : memref<16x32xf32, #tpu.memory_space<vmem>>, vector<1x16xf32>,
        %swap3A_1647 = vector.shape_cast %swap3A_1646 : vector<1x16xf32> to vector<16xf32>
        %swap3A_1648 = vector.shape_cast %add3A_1639 : vector<16xf32> to vector<1x16xf32>
        tpu.vector_store %arg38[%swap3A_1644, %swap3A_1645], %swap3A_1648 {strides = array<i32>} : memref<16x32xf32, #tpu.memory_space<vmem>>, vector<1x16xf32>,
      }
      %scan3A_78 = arith.constant 16 : i32
      %mul3A_79 = arith.constant 16 : i32
      %mul3A_80 = arith.muli %add3A_53, %mul3A_79 : i32
      %add3A_81 = arith.addi %mul3A_2, %mul3A_80 : i32
      "tpu.region"() ({
        %run_scoped3A = tpu.sem_alloc : memref<!tpu.dma_semaphore, #tpu.memory_space<semaphore_mem>>
        %dma_start3A_82 = arith.constant 0 : i32
        %dma_start3A_83 = tpu.memref_slice %arg11[%add3A_81, %dma_start3A_82] : memref<174080x32xf32, #tpu.memory_space<hbm>> -> memref<16x32xf32, #tpu.memory_space<hbm>>
        %dma_start3A_84 = arith.constant 0 : i32
        %dma_start3A_85 = tpu.memref_slice %arg11[%add3A_81, %dma_start3A_84] : memref<174080x32xf32, #tpu.memory_space<hbm>> -> memref<16x32xf32, #tpu.memory_space<hbm>>
        tpu.enqueue_dma source(%arg38 : memref<16x32xf32, #tpu.memory_space<vmem>>) target(%dma_start3A_85 : memref<16x32xf32, #tpu.memory_space<hbm>>) target_semaphore(%run_scoped3A : memref<!tpu.dma_semaphore, #tpu.memory_space<semaphore_mem>>)
        %dma_wait3A_86 = arith.constant 0 : i32
        %dma_wait3A_87 = tpu.memref_slice %arg11[%add3A_81, %dma_wait3A_86] : memref<174080x32xf32, #tpu.memory_space<hbm>> -> memref<16x32xf32, #tpu.memory_space<hbm>>
        %dma_wait3A_88 = arith.constant 0 : i32
        %dma_wait3A_89 = tpu.memref_slice %arg11[%add3A_81, %dma_wait3A_88] : memref<174080x32xf32, #tpu.memory_space<hbm>> -> memref<16x32xf32, #tpu.memory_space<hbm>>
        tpu.wait_dma2 semaphore(%run_scoped3A : memref<!tpu.dma_semaphore, #tpu.memory_space<semaphore_mem>>) src(%arg38 : memref<16x32xf32, #tpu.memory_space<vmem>>) dst(%dma_wait3A_89 : memref<16x32xf32, #tpu.memory_space<hbm>>)
        tpu.yield
      }) : () -> ()
    }
    %scan3A_22 = arith.constant 170 : i32
    return
  }
}

module attributes {stable_mosaic.version = 14 : i64} {
  func.func @_mha_body(%arg0: memref<384x256xf32, #tpu.memory_space<vmem>>, %arg1: memref<384x256xf32, #tpu.memory_space<vmem>>, %arg2: memref<256x256xf32, #tpu.memory_space<vmem>>, %arg3: memref<256x256xf32, #tpu.memory_space<vmem>>, %arg4: memref<256x256xf32, #tpu.memory_space<vmem>>, %arg5: memref<1x256xf32, #tpu.memory_space<vmem>>, %arg6: memref<1x256xf32, #tpu.memory_space<vmem>>, %arg7: memref<1x256xf32, #tpu.memory_space<vmem>>, %arg8: memref<256x256xf32, #tpu.memory_space<vmem>>, %arg9: memref<1x256xf32, #tpu.memory_space<vmem>>, %arg10: memref<1x256xf32, #tpu.memory_space<vmem>>, %arg11: memref<1x256xf32, #tpu.memory_space<vmem>>, %arg12: memref<384x256xf32, #tpu.memory_space<vmem>>) attributes {dimension_semantics = [], scalar_prefetch = 0 : i64, scratch_operands = 0 : i64, tpu.core_type = #tpu.core_type<tc>} {
    %get3A = arith.constant 0 : index
    %get3A_0 = arith.constant 0 : index
    %get3A_1 = vector.load %arg0[%get3A, %get3A_0] : memref<384x256xf32, #tpu.memory_space<vmem>>, vector<384x256xf32>
    %get3A_2 = arith.constant 0 : index
    %get3A_3 = arith.constant 0 : index
    %get3A_4 = vector.load %arg1[%get3A_2, %get3A_3] : memref<384x256xf32, #tpu.memory_space<vmem>>, vector<384x256xf32>
    %add3A = arith.addf %get3A_1, %get3A_4 : vector<384x256xf32>
    %get3A_5 = arith.constant 0 : index
    %get3A_6 = arith.constant 0 : index
    %get3A_7 = vector.load %arg2[%get3A_5, %get3A_6] : memref<256x256xf32, #tpu.memory_space<vmem>>, vector<256x256xf32>
    %dot_general3A = arith.constant dense<0.000000e+00> : vector<384x256xf32>
    %dot_general3A_8 = tpu.matmul %add3A, %get3A_7, %dot_general3A {dimension_numbers = #tpu.dot_dimension_numbers<[1], [0], [0], [1], [0, 0, 1, 1], [], []>, transpose_lhs_hint = false} : vector<384x256xf32>, vector<256x256xf32>, vector<384x256xf32> -> vector<384x256xf32>
    %get3A_9 = arith.constant 0 : index
    %get3A_10 = arith.constant 0 : index
    %get3A_11 = vector.load %arg5[%get3A_9, %get3A_10] : memref<1x256xf32, #tpu.memory_space<vmem>>, vector<1x256xf32>
    %add3A_12 = vector.broadcast %get3A_11 : vector<1x256xf32> to vector<384x256xf32>
    %add3A_13 = arith.addf %dot_general3A_8, %add3A_12 : vector<384x256xf32>
    %get3A_14 = arith.constant 0 : index
    %get3A_15 = arith.constant 0 : index
    %get3A_16 = vector.load %arg3[%get3A_14, %get3A_15] : memref<256x256xf32, #tpu.memory_space<vmem>>, vector<256x256xf32>
    %dot_general3A_17 = arith.constant dense<0.000000e+00> : vector<384x256xf32>
    %dot_general3A_18 = tpu.matmul %add3A, %get3A_16, %dot_general3A_17 {dimension_numbers = #tpu.dot_dimension_numbers<[1], [0], [0], [1], [0, 0, 1, 1], [], []>, transpose_lhs_hint = false} : vector<384x256xf32>, vector<256x256xf32>, vector<384x256xf32> -> vector<384x256xf32>
    %get3A_19 = arith.constant 0 : index
    %get3A_20 = arith.constant 0 : index
    %get3A_21 = vector.load %arg6[%get3A_19, %get3A_20] : memref<1x256xf32, #tpu.memory_space<vmem>>, vector<1x256xf32>
    %add3A_22 = vector.broadcast %get3A_21 : vector<1x256xf32> to vector<384x256xf32>
    %add3A_23 = arith.addf %dot_general3A_18, %add3A_22 : vector<384x256xf32>
    %get3A_24 = arith.constant 0 : index
    %get3A_25 = arith.constant 0 : index
    %get3A_26 = vector.load %arg4[%get3A_24, %get3A_25] : memref<256x256xf32, #tpu.memory_space<vmem>>, vector<256x256xf32>
    %dot_general3A_27 = arith.constant dense<0.000000e+00> : vector<384x256xf32>
    %dot_general3A_28 = tpu.matmul %get3A_1, %get3A_26, %dot_general3A_27 {dimension_numbers = #tpu.dot_dimension_numbers<[1], [0], [0], [1], [0, 0, 1, 1], [], []>, transpose_lhs_hint = false} : vector<384x256xf32>, vector<256x256xf32>, vector<384x256xf32> -> vector<384x256xf32>
    %get3A_29 = arith.constant 0 : index
    %get3A_30 = arith.constant 0 : index
    %get3A_31 = vector.load %arg7[%get3A_29, %get3A_30] : memref<1x256xf32, #tpu.memory_space<vmem>>, vector<1x256xf32>
    %add3A_32 = vector.broadcast %get3A_31 : vector<1x256xf32> to vector<384x256xf32>
    %add3A_33 = arith.addf %dot_general3A_28, %add3A_32 : vector<384x256xf32>
    %iota3A = tpu.iota {dimensions = array<i32: 1>} : vector<384x384xi32>
    %slice3A = vector.extract_strided_slice %add3A_13 {offsets = [0, 0], sizes = [384, 32], strides = [1, 1]} : vector<384x256xf32> to vector<384x32xf32>
    %slice3A_34 = vector.extract_strided_slice %add3A_23 {offsets = [0, 0], sizes = [384, 32], strides = [1, 1]} : vector<384x256xf32> to vector<384x32xf32>
    %slice3A_35 = vector.extract_strided_slice %add3A_33 {offsets = [0, 0], sizes = [384, 32], strides = [1, 1]} : vector<384x256xf32> to vector<384x32xf32>
    %dot_general3A_36 = arith.constant dense<0.000000e+00> : vector<384x384xf32>
    %dot_general3A_37 = tpu.matmul %slice3A, %slice3A_34, %dot_general3A_36 {dimension_numbers = #tpu.dot_dimension_numbers<[1], [1], [0], [0], [0, 0, 1, 0], [], []>, transpose_lhs_hint = false} : vector<384x32xf32>, vector<384x32xf32>, vector<384x384xf32> -> vector<384x384xf32>
    %mul3A = arith.constant 0.176776692 : f32
    %mul3A_38 = vector.broadcast %mul3A : f32 to vector<384x384xf32>
    %mul3A_39 = arith.mulf %dot_general3A_37, %mul3A_38 : vector<384x384xf32>
    %lt3A = arith.constant 300 : i32
    %lt3A_40 = vector.broadcast %lt3A : i32 to vector<384x384xi32>
    %lt3A_41 = arith.cmpi slt, %iota3A, %lt3A_40 : vector<384x384xi32>
    %jit3A = arith.constant -1.000000e+30 : f32
    %broadcast_in_dim3A = vector.broadcast %jit3A : f32 to vector<384x384xf32>
    %select_n3A = arith.select %lt3A_41, %mul3A_39, %broadcast_in_dim3A : vector<384x384xi1>, vector<384x384xf32>
    %reduce_max3A = arith.constant dense<0xFF800000> : vector<384xf32>
    %reduce_max3A_42 = vector.multi_reduction <maximumf>, %select_n3A, %reduce_max3A [1] : vector<384x384xf32> to vector<384xf32>
    %broadcast_in_dim3A_43 = vector.shape_cast %reduce_max3A_42 : vector<384xf32> to vector<384x1xf32>
    %sub3A = vector.broadcast %broadcast_in_dim3A_43 : vector<384x1xf32> to vector<384x384xf32>
    %sub3A_44 = arith.subf %select_n3A, %sub3A : vector<384x384xf32>
    %exp3A = math.exp %sub3A_44 : vector<384x384xf32>
    %reduce_sum3A = arith.constant dense<0.000000e+00> : vector<384xf32>
    %reduce_sum3A_45 = vector.multi_reduction <add>, %exp3A, %reduce_sum3A [1] : vector<384x384xf32> to vector<384xf32>
    %broadcast_in_dim3A_46 = vector.shape_cast %reduce_sum3A_45 : vector<384xf32> to vector<384x1xf32>
    %div3A = vector.broadcast %broadcast_in_dim3A_46 : vector<384x1xf32> to vector<384x384xf32>
    %div3A_47 = arith.divf %exp3A, %div3A : vector<384x384xf32>
    %dot_general3A_48 = arith.constant dense<0.000000e+00> : vector<384x32xf32>
    %dot_general3A_49 = tpu.matmul %div3A_47, %slice3A_35, %dot_general3A_48 {dimension_numbers = #tpu.dot_dimension_numbers<[1], [0], [0], [1], [0, 0, 1, 1], [], []>, transpose_lhs_hint = false} : vector<384x384xf32>, vector<384x32xf32>, vector<384x32xf32> -> vector<384x32xf32>
    %slice3A_50 = vector.extract_strided_slice %add3A_13 {offsets = [0, 32], sizes = [384, 32], strides = [1, 1]} : vector<384x256xf32> to vector<384x32xf32>
    %slice3A_51 = vector.extract_strided_slice %add3A_23 {offsets = [0, 32], sizes = [384, 32], strides = [1, 1]} : vector<384x256xf32> to vector<384x32xf32>
    %slice3A_52 = vector.extract_strided_slice %add3A_33 {offsets = [0, 32], sizes = [384, 32], strides = [1, 1]} : vector<384x256xf32> to vector<384x32xf32>
    %dot_general3A_53 = arith.constant dense<0.000000e+00> : vector<384x384xf32>
    %dot_general3A_54 = tpu.matmul %slice3A_50, %slice3A_51, %dot_general3A_53 {dimension_numbers = #tpu.dot_dimension_numbers<[1], [1], [0], [0], [0, 0, 1, 0], [], []>, transpose_lhs_hint = false} : vector<384x32xf32>, vector<384x32xf32>, vector<384x384xf32> -> vector<384x384xf32>
    %mul3A_55 = arith.constant 0.176776692 : f32
    %mul3A_56 = vector.broadcast %mul3A_55 : f32 to vector<384x384xf32>
    %mul3A_57 = arith.mulf %dot_general3A_54, %mul3A_56 : vector<384x384xf32>
    %lt3A_58 = arith.constant 300 : i32
    %lt3A_59 = vector.broadcast %lt3A_58 : i32 to vector<384x384xi32>
    %lt3A_60 = arith.cmpi slt, %iota3A, %lt3A_59 : vector<384x384xi32>
    %jit3A_61 = arith.constant -1.000000e+30 : f32
    %broadcast_in_dim3A_62 = vector.broadcast %jit3A_61 : f32 to vector<384x384xf32>
    %select_n3A_63 = arith.select %lt3A_60, %mul3A_57, %broadcast_in_dim3A_62 : vector<384x384xi1>, vector<384x384xf32>
    %reduce_max3A_64 = arith.constant dense<0xFF800000> : vector<384xf32>
    %reduce_max3A_65 = vector.multi_reduction <maximumf>, %select_n3A_63, %reduce_max3A_64 [1] : vector<384x384xf32> to vector<384xf32>
    %broadcast_in_dim3A_66 = vector.shape_cast %reduce_max3A_65 : vector<384xf32> to vector<384x1xf32>
    %sub3A_67 = vector.broadcast %broadcast_in_dim3A_66 : vector<384x1xf32> to vector<384x384xf32>
    %sub3A_68 = arith.subf %select_n3A_63, %sub3A_67 : vector<384x384xf32>
    %exp3A_69 = math.exp %sub3A_68 : vector<384x384xf32>
    %reduce_sum3A_70 = arith.constant dense<0.000000e+00> : vector<384xf32>
    %reduce_sum3A_71 = vector.multi_reduction <add>, %exp3A_69, %reduce_sum3A_70 [1] : vector<384x384xf32> to vector<384xf32>
    %broadcast_in_dim3A_72 = vector.shape_cast %reduce_sum3A_71 : vector<384xf32> to vector<384x1xf32>
    %div3A_73 = vector.broadcast %broadcast_in_dim3A_72 : vector<384x1xf32> to vector<384x384xf32>
    %div3A_74 = arith.divf %exp3A_69, %div3A_73 : vector<384x384xf32>
    %dot_general3A_75 = arith.constant dense<0.000000e+00> : vector<384x32xf32>
    %dot_general3A_76 = tpu.matmul %div3A_74, %slice3A_52, %dot_general3A_75 {dimension_numbers = #tpu.dot_dimension_numbers<[1], [0], [0], [1], [0, 0, 1, 1], [], []>, transpose_lhs_hint = false} : vector<384x384xf32>, vector<384x32xf32>, vector<384x32xf32> -> vector<384x32xf32>
    %slice3A_77 = vector.extract_strided_slice %add3A_13 {offsets = [0, 64], sizes = [384, 32], strides = [1, 1]} : vector<384x256xf32> to vector<384x32xf32>
    %slice3A_78 = vector.extract_strided_slice %add3A_23 {offsets = [0, 64], sizes = [384, 32], strides = [1, 1]} : vector<384x256xf32> to vector<384x32xf32>
    %slice3A_79 = vector.extract_strided_slice %add3A_33 {offsets = [0, 64], sizes = [384, 32], strides = [1, 1]} : vector<384x256xf32> to vector<384x32xf32>
    %dot_general3A_80 = arith.constant dense<0.000000e+00> : vector<384x384xf32>
    %dot_general3A_81 = tpu.matmul %slice3A_77, %slice3A_78, %dot_general3A_80 {dimension_numbers = #tpu.dot_dimension_numbers<[1], [1], [0], [0], [0, 0, 1, 0], [], []>, transpose_lhs_hint = false} : vector<384x32xf32>, vector<384x32xf32>, vector<384x384xf32> -> vector<384x384xf32>
    %mul3A_82 = arith.constant 0.176776692 : f32
    %mul3A_83 = vector.broadcast %mul3A_82 : f32 to vector<384x384xf32>
    %mul3A_84 = arith.mulf %dot_general3A_81, %mul3A_83 : vector<384x384xf32>
    %lt3A_85 = arith.constant 300 : i32
    %lt3A_86 = vector.broadcast %lt3A_85 : i32 to vector<384x384xi32>
    %lt3A_87 = arith.cmpi slt, %iota3A, %lt3A_86 : vector<384x384xi32>
    %jit3A_88 = arith.constant -1.000000e+30 : f32
    %broadcast_in_dim3A_89 = vector.broadcast %jit3A_88 : f32 to vector<384x384xf32>
    %select_n3A_90 = arith.select %lt3A_87, %mul3A_84, %broadcast_in_dim3A_89 : vector<384x384xi1>, vector<384x384xf32>
    %reduce_max3A_91 = arith.constant dense<0xFF800000> : vector<384xf32>
    %reduce_max3A_92 = vector.multi_reduction <maximumf>, %select_n3A_90, %reduce_max3A_91 [1] : vector<384x384xf32> to vector<384xf32>
    %broadcast_in_dim3A_93 = vector.shape_cast %reduce_max3A_92 : vector<384xf32> to vector<384x1xf32>
    %sub3A_94 = vector.broadcast %broadcast_in_dim3A_93 : vector<384x1xf32> to vector<384x384xf32>
    %sub3A_95 = arith.subf %select_n3A_90, %sub3A_94 : vector<384x384xf32>
    %exp3A_96 = math.exp %sub3A_95 : vector<384x384xf32>
    %reduce_sum3A_97 = arith.constant dense<0.000000e+00> : vector<384xf32>
    %reduce_sum3A_98 = vector.multi_reduction <add>, %exp3A_96, %reduce_sum3A_97 [1] : vector<384x384xf32> to vector<384xf32>
    %broadcast_in_dim3A_99 = vector.shape_cast %reduce_sum3A_98 : vector<384xf32> to vector<384x1xf32>
    %div3A_100 = vector.broadcast %broadcast_in_dim3A_99 : vector<384x1xf32> to vector<384x384xf32>
    %div3A_101 = arith.divf %exp3A_96, %div3A_100 : vector<384x384xf32>
    %dot_general3A_102 = arith.constant dense<0.000000e+00> : vector<384x32xf32>
    %dot_general3A_103 = tpu.matmul %div3A_101, %slice3A_79, %dot_general3A_102 {dimension_numbers = #tpu.dot_dimension_numbers<[1], [0], [0], [1], [0, 0, 1, 1], [], []>, transpose_lhs_hint = false} : vector<384x384xf32>, vector<384x32xf32>, vector<384x32xf32> -> vector<384x32xf32>
    %slice3A_104 = vector.extract_strided_slice %add3A_13 {offsets = [0, 96], sizes = [384, 32], strides = [1, 1]} : vector<384x256xf32> to vector<384x32xf32>
    %slice3A_105 = vector.extract_strided_slice %add3A_23 {offsets = [0, 96], sizes = [384, 32], strides = [1, 1]} : vector<384x256xf32> to vector<384x32xf32>
    %slice3A_106 = vector.extract_strided_slice %add3A_33 {offsets = [0, 96], sizes = [384, 32], strides = [1, 1]} : vector<384x256xf32> to vector<384x32xf32>
    %dot_general3A_107 = arith.constant dense<0.000000e+00> : vector<384x384xf32>
    %dot_general3A_108 = tpu.matmul %slice3A_104, %slice3A_105, %dot_general3A_107 {dimension_numbers = #tpu.dot_dimension_numbers<[1], [1], [0], [0], [0, 0, 1, 0], [], []>, transpose_lhs_hint = false} : vector<384x32xf32>, vector<384x32xf32>, vector<384x384xf32> -> vector<384x384xf32>
    %mul3A_109 = arith.constant 0.176776692 : f32
    %mul3A_110 = vector.broadcast %mul3A_109 : f32 to vector<384x384xf32>
    %mul3A_111 = arith.mulf %dot_general3A_108, %mul3A_110 : vector<384x384xf32>
    %lt3A_112 = arith.constant 300 : i32
    %lt3A_113 = vector.broadcast %lt3A_112 : i32 to vector<384x384xi32>
    %lt3A_114 = arith.cmpi slt, %iota3A, %lt3A_113 : vector<384x384xi32>
    %jit3A_115 = arith.constant -1.000000e+30 : f32
    %broadcast_in_dim3A_116 = vector.broadcast %jit3A_115 : f32 to vector<384x384xf32>
    %select_n3A_117 = arith.select %lt3A_114, %mul3A_111, %broadcast_in_dim3A_116 : vector<384x384xi1>, vector<384x384xf32>
    %reduce_max3A_118 = arith.constant dense<0xFF800000> : vector<384xf32>
    %reduce_max3A_119 = vector.multi_reduction <maximumf>, %select_n3A_117, %reduce_max3A_118 [1] : vector<384x384xf32> to vector<384xf32>
    %broadcast_in_dim3A_120 = vector.shape_cast %reduce_max3A_119 : vector<384xf32> to vector<384x1xf32>
    %sub3A_121 = vector.broadcast %broadcast_in_dim3A_120 : vector<384x1xf32> to vector<384x384xf32>
    %sub3A_122 = arith.subf %select_n3A_117, %sub3A_121 : vector<384x384xf32>
    %exp3A_123 = math.exp %sub3A_122 : vector<384x384xf32>
    %reduce_sum3A_124 = arith.constant dense<0.000000e+00> : vector<384xf32>
    %reduce_sum3A_125 = vector.multi_reduction <add>, %exp3A_123, %reduce_sum3A_124 [1] : vector<384x384xf32> to vector<384xf32>
    %broadcast_in_dim3A_126 = vector.shape_cast %reduce_sum3A_125 : vector<384xf32> to vector<384x1xf32>
    %div3A_127 = vector.broadcast %broadcast_in_dim3A_126 : vector<384x1xf32> to vector<384x384xf32>
    %div3A_128 = arith.divf %exp3A_123, %div3A_127 : vector<384x384xf32>
    %dot_general3A_129 = arith.constant dense<0.000000e+00> : vector<384x32xf32>
    %dot_general3A_130 = tpu.matmul %div3A_128, %slice3A_106, %dot_general3A_129 {dimension_numbers = #tpu.dot_dimension_numbers<[1], [0], [0], [1], [0, 0, 1, 1], [], []>, transpose_lhs_hint = false} : vector<384x384xf32>, vector<384x32xf32>, vector<384x32xf32> -> vector<384x32xf32>
    %slice3A_131 = vector.extract_strided_slice %add3A_13 {offsets = [0, 128], sizes = [384, 32], strides = [1, 1]} : vector<384x256xf32> to vector<384x32xf32>
    %slice3A_132 = vector.extract_strided_slice %add3A_23 {offsets = [0, 128], sizes = [384, 32], strides = [1, 1]} : vector<384x256xf32> to vector<384x32xf32>
    %slice3A_133 = vector.extract_strided_slice %add3A_33 {offsets = [0, 128], sizes = [384, 32], strides = [1, 1]} : vector<384x256xf32> to vector<384x32xf32>
    %dot_general3A_134 = arith.constant dense<0.000000e+00> : vector<384x384xf32>
    %dot_general3A_135 = tpu.matmul %slice3A_131, %slice3A_132, %dot_general3A_134 {dimension_numbers = #tpu.dot_dimension_numbers<[1], [1], [0], [0], [0, 0, 1, 0], [], []>, transpose_lhs_hint = false} : vector<384x32xf32>, vector<384x32xf32>, vector<384x384xf32> -> vector<384x384xf32>
    %mul3A_136 = arith.constant 0.176776692 : f32
    %mul3A_137 = vector.broadcast %mul3A_136 : f32 to vector<384x384xf32>
    %mul3A_138 = arith.mulf %dot_general3A_135, %mul3A_137 : vector<384x384xf32>
    %lt3A_139 = arith.constant 300 : i32
    %lt3A_140 = vector.broadcast %lt3A_139 : i32 to vector<384x384xi32>
    %lt3A_141 = arith.cmpi slt, %iota3A, %lt3A_140 : vector<384x384xi32>
    %jit3A_142 = arith.constant -1.000000e+30 : f32
    %broadcast_in_dim3A_143 = vector.broadcast %jit3A_142 : f32 to vector<384x384xf32>
    %select_n3A_144 = arith.select %lt3A_141, %mul3A_138, %broadcast_in_dim3A_143 : vector<384x384xi1>, vector<384x384xf32>
    %reduce_max3A_145 = arith.constant dense<0xFF800000> : vector<384xf32>
    %reduce_max3A_146 = vector.multi_reduction <maximumf>, %select_n3A_144, %reduce_max3A_145 [1] : vector<384x384xf32> to vector<384xf32>
    %broadcast_in_dim3A_147 = vector.shape_cast %reduce_max3A_146 : vector<384xf32> to vector<384x1xf32>
    %sub3A_148 = vector.broadcast %broadcast_in_dim3A_147 : vector<384x1xf32> to vector<384x384xf32>
    %sub3A_149 = arith.subf %select_n3A_144, %sub3A_148 : vector<384x384xf32>
    %exp3A_150 = math.exp %sub3A_149 : vector<384x384xf32>
    %reduce_sum3A_151 = arith.constant dense<0.000000e+00> : vector<384xf32>
    %reduce_sum3A_152 = vector.multi_reduction <add>, %exp3A_150, %reduce_sum3A_151 [1] : vector<384x384xf32> to vector<384xf32>
    %broadcast_in_dim3A_153 = vector.shape_cast %reduce_sum3A_152 : vector<384xf32> to vector<384x1xf32>
    %div3A_154 = vector.broadcast %broadcast_in_dim3A_153 : vector<384x1xf32> to vector<384x384xf32>
    %div3A_155 = arith.divf %exp3A_150, %div3A_154 : vector<384x384xf32>
    %dot_general3A_156 = arith.constant dense<0.000000e+00> : vector<384x32xf32>
    %dot_general3A_157 = tpu.matmul %div3A_155, %slice3A_133, %dot_general3A_156 {dimension_numbers = #tpu.dot_dimension_numbers<[1], [0], [0], [1], [0, 0, 1, 1], [], []>, transpose_lhs_hint = false} : vector<384x384xf32>, vector<384x32xf32>, vector<384x32xf32> -> vector<384x32xf32>
    %slice3A_158 = vector.extract_strided_slice %add3A_13 {offsets = [0, 160], sizes = [384, 32], strides = [1, 1]} : vector<384x256xf32> to vector<384x32xf32>
    %slice3A_159 = vector.extract_strided_slice %add3A_23 {offsets = [0, 160], sizes = [384, 32], strides = [1, 1]} : vector<384x256xf32> to vector<384x32xf32>
    %slice3A_160 = vector.extract_strided_slice %add3A_33 {offsets = [0, 160], sizes = [384, 32], strides = [1, 1]} : vector<384x256xf32> to vector<384x32xf32>
    %dot_general3A_161 = arith.constant dense<0.000000e+00> : vector<384x384xf32>
    %dot_general3A_162 = tpu.matmul %slice3A_158, %slice3A_159, %dot_general3A_161 {dimension_numbers = #tpu.dot_dimension_numbers<[1], [1], [0], [0], [0, 0, 1, 0], [], []>, transpose_lhs_hint = false} : vector<384x32xf32>, vector<384x32xf32>, vector<384x384xf32> -> vector<384x384xf32>
    %mul3A_163 = arith.constant 0.176776692 : f32
    %mul3A_164 = vector.broadcast %mul3A_163 : f32 to vector<384x384xf32>
    %mul3A_165 = arith.mulf %dot_general3A_162, %mul3A_164 : vector<384x384xf32>
    %lt3A_166 = arith.constant 300 : i32
    %lt3A_167 = vector.broadcast %lt3A_166 : i32 to vector<384x384xi32>
    %lt3A_168 = arith.cmpi slt, %iota3A, %lt3A_167 : vector<384x384xi32>
    %jit3A_169 = arith.constant -1.000000e+30 : f32
    %broadcast_in_dim3A_170 = vector.broadcast %jit3A_169 : f32 to vector<384x384xf32>
    %select_n3A_171 = arith.select %lt3A_168, %mul3A_165, %broadcast_in_dim3A_170 : vector<384x384xi1>, vector<384x384xf32>
    %reduce_max3A_172 = arith.constant dense<0xFF800000> : vector<384xf32>
    %reduce_max3A_173 = vector.multi_reduction <maximumf>, %select_n3A_171, %reduce_max3A_172 [1] : vector<384x384xf32> to vector<384xf32>
    %broadcast_in_dim3A_174 = vector.shape_cast %reduce_max3A_173 : vector<384xf32> to vector<384x1xf32>
    %sub3A_175 = vector.broadcast %broadcast_in_dim3A_174 : vector<384x1xf32> to vector<384x384xf32>
    %sub3A_176 = arith.subf %select_n3A_171, %sub3A_175 : vector<384x384xf32>
    %exp3A_177 = math.exp %sub3A_176 : vector<384x384xf32>
    %reduce_sum3A_178 = arith.constant dense<0.000000e+00> : vector<384xf32>
    %reduce_sum3A_179 = vector.multi_reduction <add>, %exp3A_177, %reduce_sum3A_178 [1] : vector<384x384xf32> to vector<384xf32>
    %broadcast_in_dim3A_180 = vector.shape_cast %reduce_sum3A_179 : vector<384xf32> to vector<384x1xf32>
    %div3A_181 = vector.broadcast %broadcast_in_dim3A_180 : vector<384x1xf32> to vector<384x384xf32>
    %div3A_182 = arith.divf %exp3A_177, %div3A_181 : vector<384x384xf32>
    %dot_general3A_183 = arith.constant dense<0.000000e+00> : vector<384x32xf32>
    %dot_general3A_184 = tpu.matmul %div3A_182, %slice3A_160, %dot_general3A_183 {dimension_numbers = #tpu.dot_dimension_numbers<[1], [0], [0], [1], [0, 0, 1, 1], [], []>, transpose_lhs_hint = false} : vector<384x384xf32>, vector<384x32xf32>, vector<384x32xf32> -> vector<384x32xf32>
    %slice3A_185 = vector.extract_strided_slice %add3A_13 {offsets = [0, 192], sizes = [384, 32], strides = [1, 1]} : vector<384x256xf32> to vector<384x32xf32>
    %slice3A_186 = vector.extract_strided_slice %add3A_23 {offsets = [0, 192], sizes = [384, 32], strides = [1, 1]} : vector<384x256xf32> to vector<384x32xf32>
    %slice3A_187 = vector.extract_strided_slice %add3A_33 {offsets = [0, 192], sizes = [384, 32], strides = [1, 1]} : vector<384x256xf32> to vector<384x32xf32>
    %dot_general3A_188 = arith.constant dense<0.000000e+00> : vector<384x384xf32>
    %dot_general3A_189 = tpu.matmul %slice3A_185, %slice3A_186, %dot_general3A_188 {dimension_numbers = #tpu.dot_dimension_numbers<[1], [1], [0], [0], [0, 0, 1, 0], [], []>, transpose_lhs_hint = false} : vector<384x32xf32>, vector<384x32xf32>, vector<384x384xf32> -> vector<384x384xf32>
    %mul3A_190 = arith.constant 0.176776692 : f32
    %mul3A_191 = vector.broadcast %mul3A_190 : f32 to vector<384x384xf32>
    %mul3A_192 = arith.mulf %dot_general3A_189, %mul3A_191 : vector<384x384xf32>
    %lt3A_193 = arith.constant 300 : i32
    %lt3A_194 = vector.broadcast %lt3A_193 : i32 to vector<384x384xi32>
    %lt3A_195 = arith.cmpi slt, %iota3A, %lt3A_194 : vector<384x384xi32>
    %jit3A_196 = arith.constant -1.000000e+30 : f32
    %broadcast_in_dim3A_197 = vector.broadcast %jit3A_196 : f32 to vector<384x384xf32>
    %select_n3A_198 = arith.select %lt3A_195, %mul3A_192, %broadcast_in_dim3A_197 : vector<384x384xi1>, vector<384x384xf32>
    %reduce_max3A_199 = arith.constant dense<0xFF800000> : vector<384xf32>
    %reduce_max3A_200 = vector.multi_reduction <maximumf>, %select_n3A_198, %reduce_max3A_199 [1] : vector<384x384xf32> to vector<384xf32>
    %broadcast_in_dim3A_201 = vector.shape_cast %reduce_max3A_200 : vector<384xf32> to vector<384x1xf32>
    %sub3A_202 = vector.broadcast %broadcast_in_dim3A_201 : vector<384x1xf32> to vector<384x384xf32>
    %sub3A_203 = arith.subf %select_n3A_198, %sub3A_202 : vector<384x384xf32>
    %exp3A_204 = math.exp %sub3A_203 : vector<384x384xf32>
    %reduce_sum3A_205 = arith.constant dense<0.000000e+00> : vector<384xf32>
    %reduce_sum3A_206 = vector.multi_reduction <add>, %exp3A_204, %reduce_sum3A_205 [1] : vector<384x384xf32> to vector<384xf32>
    %broadcast_in_dim3A_207 = vector.shape_cast %reduce_sum3A_206 : vector<384xf32> to vector<384x1xf32>
    %div3A_208 = vector.broadcast %broadcast_in_dim3A_207 : vector<384x1xf32> to vector<384x384xf32>
    %div3A_209 = arith.divf %exp3A_204, %div3A_208 : vector<384x384xf32>
    %dot_general3A_210 = arith.constant dense<0.000000e+00> : vector<384x32xf32>
    %dot_general3A_211 = tpu.matmul %div3A_209, %slice3A_187, %dot_general3A_210 {dimension_numbers = #tpu.dot_dimension_numbers<[1], [0], [0], [1], [0, 0, 1, 1], [], []>, transpose_lhs_hint = false} : vector<384x384xf32>, vector<384x32xf32>, vector<384x32xf32> -> vector<384x32xf32>
    %slice3A_212 = vector.extract_strided_slice %add3A_13 {offsets = [0, 224], sizes = [384, 32], strides = [1, 1]} : vector<384x256xf32> to vector<384x32xf32>
    %slice3A_213 = vector.extract_strided_slice %add3A_23 {offsets = [0, 224], sizes = [384, 32], strides = [1, 1]} : vector<384x256xf32> to vector<384x32xf32>
    %slice3A_214 = vector.extract_strided_slice %add3A_33 {offsets = [0, 224], sizes = [384, 32], strides = [1, 1]} : vector<384x256xf32> to vector<384x32xf32>
    %dot_general3A_215 = arith.constant dense<0.000000e+00> : vector<384x384xf32>
    %dot_general3A_216 = tpu.matmul %slice3A_212, %slice3A_213, %dot_general3A_215 {dimension_numbers = #tpu.dot_dimension_numbers<[1], [1], [0], [0], [0, 0, 1, 0], [], []>, transpose_lhs_hint = false} : vector<384x32xf32>, vector<384x32xf32>, vector<384x384xf32> -> vector<384x384xf32>
    %mul3A_217 = arith.constant 0.176776692 : f32
    %mul3A_218 = vector.broadcast %mul3A_217 : f32 to vector<384x384xf32>
    %mul3A_219 = arith.mulf %dot_general3A_216, %mul3A_218 : vector<384x384xf32>
    %lt3A_220 = arith.constant 300 : i32
    %lt3A_221 = vector.broadcast %lt3A_220 : i32 to vector<384x384xi32>
    %lt3A_222 = arith.cmpi slt, %iota3A, %lt3A_221 : vector<384x384xi32>
    %jit3A_223 = arith.constant -1.000000e+30 : f32
    %broadcast_in_dim3A_224 = vector.broadcast %jit3A_223 : f32 to vector<384x384xf32>
    %select_n3A_225 = arith.select %lt3A_222, %mul3A_219, %broadcast_in_dim3A_224 : vector<384x384xi1>, vector<384x384xf32>
    %reduce_max3A_226 = arith.constant dense<0xFF800000> : vector<384xf32>
    %reduce_max3A_227 = vector.multi_reduction <maximumf>, %select_n3A_225, %reduce_max3A_226 [1] : vector<384x384xf32> to vector<384xf32>
    %broadcast_in_dim3A_228 = vector.shape_cast %reduce_max3A_227 : vector<384xf32> to vector<384x1xf32>
    %sub3A_229 = vector.broadcast %broadcast_in_dim3A_228 : vector<384x1xf32> to vector<384x384xf32>
    %sub3A_230 = arith.subf %select_n3A_225, %sub3A_229 : vector<384x384xf32>
    %exp3A_231 = math.exp %sub3A_230 : vector<384x384xf32>
    %reduce_sum3A_232 = arith.constant dense<0.000000e+00> : vector<384xf32>
    %reduce_sum3A_233 = vector.multi_reduction <add>, %exp3A_231, %reduce_sum3A_232 [1] : vector<384x384xf32> to vector<384xf32>
    %broadcast_in_dim3A_234 = vector.shape_cast %reduce_sum3A_233 : vector<384xf32> to vector<384x1xf32>
    %div3A_235 = vector.broadcast %broadcast_in_dim3A_234 : vector<384x1xf32> to vector<384x384xf32>
    %div3A_236 = arith.divf %exp3A_231, %div3A_235 : vector<384x384xf32>
    %dot_general3A_237 = arith.constant dense<0.000000e+00> : vector<384x32xf32>
    %dot_general3A_238 = tpu.matmul %div3A_236, %slice3A_214, %dot_general3A_237 {dimension_numbers = #tpu.dot_dimension_numbers<[1], [0], [0], [1], [0, 0, 1, 1], [], []>, transpose_lhs_hint = false} : vector<384x384xf32>, vector<384x32xf32>, vector<384x32xf32> -> vector<384x32xf32>
    %concatenate3A = tpu.concatenate %dot_general3A_49, %dot_general3A_76, %dot_general3A_103, %dot_general3A_130, %dot_general3A_157, %dot_general3A_184, %dot_general3A_211, %dot_general3A_238 in 1 : vector<384x32xf32>, vector<384x32xf32>, vector<384x32xf32>, vector<384x32xf32>, vector<384x32xf32>, vector<384x32xf32>, vector<384x32xf32>, vector<384x32xf32> -> vector<384x256xf32>
    %get3A_239 = arith.constant 0 : index
    %get3A_240 = arith.constant 0 : index
    %get3A_241 = vector.load %arg8[%get3A_239, %get3A_240] : memref<256x256xf32, #tpu.memory_space<vmem>>, vector<256x256xf32>
    %dot_general3A_242 = arith.constant dense<0.000000e+00> : vector<384x256xf32>
    %dot_general3A_243 = tpu.matmul %concatenate3A, %get3A_241, %dot_general3A_242 {dimension_numbers = #tpu.dot_dimension_numbers<[1], [0], [0], [1], [0, 0, 1, 1], [], []>, transpose_lhs_hint = false} : vector<384x256xf32>, vector<256x256xf32>, vector<384x256xf32> -> vector<384x256xf32>
    %get3A_244 = arith.constant 0 : index
    %get3A_245 = arith.constant 0 : index
    %get3A_246 = vector.load %arg9[%get3A_244, %get3A_245] : memref<1x256xf32, #tpu.memory_space<vmem>>, vector<1x256xf32>
    %add3A_247 = vector.broadcast %get3A_246 : vector<1x256xf32> to vector<384x256xf32>
    %add3A_248 = arith.addf %dot_general3A_243, %add3A_247 : vector<384x256xf32>
    %add3A_249 = arith.addf %get3A_1, %add3A_248 : vector<384x256xf32>
    %get3A_250 = arith.constant 0 : index
    %get3A_251 = arith.constant 0 : index
    %get3A_252 = vector.load %arg10[%get3A_250, %get3A_251] : memref<1x256xf32, #tpu.memory_space<vmem>>, vector<1x256xf32>
    %get3A_253 = arith.constant 0 : index
    %get3A_254 = arith.constant 0 : index
    %get3A_255 = vector.load %arg11[%get3A_253, %get3A_254] : memref<1x256xf32, #tpu.memory_space<vmem>>, vector<1x256xf32>
    %reduce_sum3A_256 = arith.constant dense<0.000000e+00> : vector<384xf32>
    %reduce_sum3A_257 = vector.multi_reduction <add>, %add3A_249, %reduce_sum3A_256 [1] : vector<384x256xf32> to vector<384xf32>
    %broadcast_in_dim3A_258 = vector.shape_cast %reduce_sum3A_257 : vector<384xf32> to vector<384x1xf32>
    %div3A_259 = arith.constant 2.560000e+02 : f32
    %div3A_260 = vector.broadcast %div3A_259 : f32 to vector<384x1xf32>
    %div3A_261 = arith.divf %broadcast_in_dim3A_258, %div3A_260 : vector<384x1xf32>
    %sub3A_262 = vector.broadcast %div3A_261 : vector<384x1xf32> to vector<384x256xf32>
    %sub3A_263 = arith.subf %add3A_249, %sub3A_262 : vector<384x256xf32>
    %integer_pow3A = arith.mulf %sub3A_263, %sub3A_263 : vector<384x256xf32>
    %reduce_sum3A_264 = arith.constant dense<0.000000e+00> : vector<384xf32>
    %reduce_sum3A_265 = vector.multi_reduction <add>, %integer_pow3A, %reduce_sum3A_264 [1] : vector<384x256xf32> to vector<384xf32>
    %broadcast_in_dim3A_266 = vector.shape_cast %reduce_sum3A_265 : vector<384xf32> to vector<384x1xf32>
    %div3A_267 = arith.constant 2.560000e+02 : f32
    %div3A_268 = vector.broadcast %div3A_267 : f32 to vector<384x1xf32>
    %div3A_269 = arith.divf %broadcast_in_dim3A_266, %div3A_268 : vector<384x1xf32>
    %sub3A_270 = vector.broadcast %div3A_261 : vector<384x1xf32> to vector<384x256xf32>
    %sub3A_271 = arith.subf %add3A_249, %sub3A_270 : vector<384x256xf32>
    %add3A_272 = arith.constant 9.99999974E-6 : f32
    %add3A_273 = vector.broadcast %add3A_272 : f32 to vector<384x1xf32>
    %add3A_274 = arith.addf %div3A_269, %add3A_273 : vector<384x1xf32>
    %rsqrt3A = math.rsqrt %add3A_274 : vector<384x1xf32>
    %mul3A_275 = vector.broadcast %rsqrt3A : vector<384x1xf32> to vector<384x256xf32>
    %mul3A_276 = arith.mulf %sub3A_271, %mul3A_275 : vector<384x256xf32>
    %mul3A_277 = vector.broadcast %get3A_252 : vector<1x256xf32> to vector<384x256xf32>
    %mul3A_278 = arith.mulf %mul3A_276, %mul3A_277 : vector<384x256xf32>
    %add3A_279 = vector.broadcast %get3A_255 : vector<1x256xf32> to vector<384x256xf32>
    %add3A_280 = arith.addf %mul3A_278, %add3A_279 : vector<384x256xf32>
    %swap3A = arith.constant 0 : index
    %swap3A_281 = arith.constant 0 : index
    %swap3A_282 = vector.load %arg12[%swap3A, %swap3A_281] : memref<384x256xf32, #tpu.memory_space<vmem>>, vector<384x256xf32>
    tpu.vector_store %arg12[%swap3A, %swap3A_281], %add3A_280 {strides = array<i32>} : memref<384x256xf32, #tpu.memory_space<vmem>>, vector<384x256xf32>,
    return
  }
}

module attributes {stable_mosaic.version = 14 : i64} {
  func.func @_proj_body(%arg0: i32, %arg1: memref<256x256xf32, #tpu.memory_space<vmem>>, %arg2: memref<256x256xf32, #tpu.memory_space<vmem>>, %arg3: memref<256x256xf32, #tpu.memory_space<vmem>>, %arg4: memref<256x128xf32, #tpu.memory_space<vmem>>, %arg5: memref<256x128xf32, #tpu.memory_space<vmem>>, %arg6: memref<256x256xf32, #tpu.memory_space<vmem>>, %arg7: memref<1x256xf32, #tpu.memory_space<vmem>>, %arg8: memref<256x128xf32, #tpu.memory_space<vmem>>, %arg9: memref<1x128xf32, #tpu.memory_space<vmem>>, %arg10: memref<256x128xf32, #tpu.memory_space<vmem>>, %arg11: memref<1x128xf32, #tpu.memory_space<vmem>>, %arg12: memref<256x128xf32, #tpu.memory_space<vmem>>, %arg13: memref<1x128xf32, #tpu.memory_space<vmem>>, %arg14: memref<128x128xf32, #tpu.memory_space<vmem>>, %arg15: memref<1x128xf32, #tpu.memory_space<vmem>>, %arg16: memref<1x128xf32, #tpu.memory_space<vmem>>, %arg17: memref<1x128xi32, #tpu.memory_space<vmem>>, %arg18: memref<1x128xi32, #tpu.memory_space<vmem>>, %arg19: memref<256x256xf32, #tpu.memory_space<vmem>>, %arg20: memref<256x128xi32, #tpu.memory_space<vmem>>, %arg21: memref<256x128xi32, #tpu.memory_space<vmem>>, %arg22: memref<256x128xi32, #tpu.memory_space<vmem>>, %arg23: memref<256x128xi32, #tpu.memory_space<vmem>>, %arg24: memref<256x128xf32, #tpu.memory_space<vmem>>, %arg25: memref<256x128xf32, #tpu.memory_space<vmem>>, %arg26: memref<256x128xf32, #tpu.memory_space<vmem>>, %arg27: memref<256x128xf32, #tpu.memory_space<vmem>>) attributes {dimension_semantics = [#tpu.dimension_semantics<arbitrary>], iteration_bounds = array<i64: 85>, scalar_prefetch = 0 : i64, scratch_operands = 0 : i64, tpu.core_type = #tpu.core_type<tc>, window_params = [{transform_indices = @transform_0, window_bounds = array<i64: 256, 256>}, {transform_indices = @transform_1, window_bounds = array<i64: 256, 256>}, {transform_indices = @transform_2, window_bounds = array<i64: 256, 256>}, {transform_indices = @transform_3, window_bounds = array<i64: 256, 128>}, {transform_indices = @transform_4, window_bounds = array<i64: 256, 128>}, {pipeline_mode = #tpu.pipeline_mode<synchronous>, transform_indices = @transform_5, window_bounds = array<i64: 256, 256>}, {pipeline_mode = #tpu.pipeline_mode<synchronous>, transform_indices = @transform_6, window_bounds = array<i64: 1, 256>}, {pipeline_mode = #tpu.pipeline_mode<synchronous>, transform_indices = @transform_7, window_bounds = array<i64: 256, 128>}, {pipeline_mode = #tpu.pipeline_mode<synchronous>, transform_indices = @transform_8, window_bounds = array<i64: 1, 128>}, {pipeline_mode = #tpu.pipeline_mode<synchronous>, transform_indices = @transform_9, window_bounds = array<i64: 256, 128>}, {pipeline_mode = #tpu.pipeline_mode<synchronous>, transform_indices = @transform_10, window_bounds = array<i64: 1, 128>}, {pipeline_mode = #tpu.pipeline_mode<synchronous>, transform_indices = @transform_11, window_bounds = array<i64: 256, 128>}, {pipeline_mode = #tpu.pipeline_mode<synchronous>, transform_indices = @transform_12, window_bounds = array<i64: 1, 128>}, {pipeline_mode = #tpu.pipeline_mode<synchronous>, transform_indices = @transform_13, window_bounds = array<i64: 128, 128>}, {pipeline_mode = #tpu.pipeline_mode<synchronous>, transform_indices = @transform_14, window_bounds = array<i64: 1, 128>}, {pipeline_mode = #tpu.pipeline_mode<synchronous>, transform_indices = @transform_15, window_bounds = array<i64: 1, 128>}, {pipeline_mode = #tpu.pipeline_mode<synchronous>, transform_indices = @transform_16, window_bounds = array<i64: 1, 128>}, {pipeline_mode = #tpu.pipeline_mode<synchronous>, transform_indices = @transform_17, window_bounds = array<i64: 1, 128>}, {transform_indices = @transform_18, window_bounds = array<i64: 256, 256>}, {transform_indices = @transform_19, window_bounds = array<i64: 256, 128>}, {transform_indices = @transform_20, window_bounds = array<i64: 256, 128>}, {transform_indices = @transform_21, window_bounds = array<i64: 256, 128>}, {transform_indices = @transform_22, window_bounds = array<i64: 256, 128>}, {transform_indices = @transform_23, window_bounds = array<i64: 256, 128>}, {transform_indices = @transform_24, window_bounds = array<i64: 256, 128>}, {transform_indices = @transform_25, window_bounds = array<i64: 256, 128>}, {transform_indices = @transform_26, window_bounds = array<i64: 256, 128>}]} {
    %get3A = arith.constant 0 : index
    %get3A_0 = arith.constant 0 : index
    %get3A_1 = vector.load %arg1[%get3A, %get3A_0] : memref<256x256xf32, #tpu.memory_space<vmem>>, vector<256x256xf32>
    %get3A_2 = arith.constant 0 : index
    %get3A_3 = arith.constant 0 : index
    %get3A_4 = vector.load %arg2[%get3A_2, %get3A_3] : memref<256x256xf32, #tpu.memory_space<vmem>>, vector<256x256xf32>
    %add3A = arith.addf %get3A_1, %get3A_4 : vector<256x256xf32>
    %get3A_5 = arith.constant 0 : index
    %get3A_6 = arith.constant 0 : index
    %get3A_7 = vector.load %arg3[%get3A_5, %get3A_6] : memref<256x256xf32, #tpu.memory_space<vmem>>, vector<256x256xf32>
    %get3A_8 = arith.constant 0 : index
    %get3A_9 = arith.constant 0 : index
    %get3A_10 = vector.load %arg6[%get3A_8, %get3A_9] : memref<256x256xf32, #tpu.memory_space<vmem>>, vector<256x256xf32>
    %dot_general3A = arith.constant dense<0.000000e+00> : vector<256x256xf32>
    %dot_general3A_11 = tpu.matmul %get3A_7, %get3A_10, %dot_general3A {dimension_numbers = #tpu.dot_dimension_numbers<[1], [0], [0], [1], [0, 0, 1, 1], [], []>, transpose_lhs_hint = false} : vector<256x256xf32>, vector<256x256xf32>, vector<256x256xf32> -> vector<256x256xf32>
    %get3A_12 = arith.constant 0 : index
    %get3A_13 = arith.constant 0 : index
    %get3A_14 = vector.load %arg7[%get3A_12, %get3A_13] : memref<1x256xf32, #tpu.memory_space<vmem>>, vector<1x256xf32>
    %add3A_15 = vector.broadcast %get3A_14 : vector<1x256xf32> to vector<256x256xf32>
    %add3A_16 = arith.addf %dot_general3A_11, %add3A_15 : vector<256x256xf32>
    %swap3A = arith.constant 0 : index
    %swap3A_17 = arith.constant 0 : index
    %swap3A_18 = vector.load %arg19[%swap3A, %swap3A_17] : memref<256x256xf32, #tpu.memory_space<vmem>>, vector<256x256xf32>
    tpu.vector_store %arg19[%swap3A, %swap3A_17], %add3A_16 {strides = array<i32>} : memref<256x256xf32, #tpu.memory_space<vmem>>, vector<256x256xf32>,
    %get3A_19 = arith.constant 0 : index
    %get3A_20 = arith.constant 0 : index
    %get3A_21 = vector.load %arg8[%get3A_19, %get3A_20] : memref<256x128xf32, #tpu.memory_space<vmem>>, vector<256x128xf32>
    %dot_general3A_22 = arith.constant dense<0.000000e+00> : vector<256x128xf32>
    %dot_general3A_23 = tpu.matmul %add3A, %get3A_21, %dot_general3A_22 {dimension_numbers = #tpu.dot_dimension_numbers<[1], [0], [0], [1], [0, 0, 1, 1], [], []>, transpose_lhs_hint = false} : vector<256x256xf32>, vector<256x128xf32>, vector<256x128xf32> -> vector<256x128xf32>
    %get3A_24 = arith.constant 0 : index
    %get3A_25 = arith.constant 0 : index
    %get3A_26 = vector.load %arg9[%get3A_24, %get3A_25] : memref<1x128xf32, #tpu.memory_space<vmem>>, vector<1x128xf32>
    %add3A_27 = vector.broadcast %get3A_26 : vector<1x128xf32> to vector<256x128xf32>
    %add3A_28 = arith.addf %dot_general3A_23, %add3A_27 : vector<256x128xf32>
    %get3A_29 = arith.constant 0 : index
    %get3A_30 = arith.constant 0 : index
    %get3A_31 = vector.load %arg10[%get3A_29, %get3A_30] : memref<256x128xf32, #tpu.memory_space<vmem>>, vector<256x128xf32>
    %dot_general3A_32 = arith.constant dense<0.000000e+00> : vector<256x128xf32>
    %dot_general3A_33 = tpu.matmul %add3A, %get3A_31, %dot_general3A_32 {dimension_numbers = #tpu.dot_dimension_numbers<[1], [0], [0], [1], [0, 0, 1, 1], [], []>, transpose_lhs_hint = false} : vector<256x256xf32>, vector<256x128xf32>, vector<256x128xf32> -> vector<256x128xf32>
    %get3A_34 = arith.constant 0 : index
    %get3A_35 = arith.constant 0 : index
    %get3A_36 = vector.load %arg11[%get3A_34, %get3A_35] : memref<1x128xf32, #tpu.memory_space<vmem>>, vector<1x128xf32>
    %add3A_37 = vector.broadcast %get3A_36 : vector<1x128xf32> to vector<256x128xf32>
    %add3A_38 = arith.addf %dot_general3A_33, %add3A_37 : vector<256x128xf32>
    %get3A_39 = arith.constant 0 : index
    %get3A_40 = arith.constant 0 : index
    %get3A_41 = vector.load %arg12[%get3A_39, %get3A_40] : memref<256x128xf32, #tpu.memory_space<vmem>>, vector<256x128xf32>
    %dot_general3A_42 = arith.constant dense<0.000000e+00> : vector<256x128xf32>
    %dot_general3A_43 = tpu.matmul %add3A, %get3A_41, %dot_general3A_42 {dimension_numbers = #tpu.dot_dimension_numbers<[1], [0], [0], [1], [0, 0, 1, 1], [], []>, transpose_lhs_hint = false} : vector<256x256xf32>, vector<256x128xf32>, vector<256x128xf32> -> vector<256x128xf32>
    %get3A_44 = arith.constant 0 : index
    %get3A_45 = arith.constant 0 : index
    %get3A_46 = vector.load %arg13[%get3A_44, %get3A_45] : memref<1x128xf32, #tpu.memory_space<vmem>>, vector<1x128xf32>
    %add3A_47 = vector.broadcast %get3A_46 : vector<1x128xf32> to vector<256x128xf32>
    %add3A_48 = arith.addf %dot_general3A_43, %add3A_47 : vector<256x128xf32>
    %reduce_max3A = arith.constant dense<0xFF800000> : vector<256xf32>
    %reduce_max3A_49 = vector.multi_reduction <maximumf>, %add3A_48, %reduce_max3A [1] : vector<256x128xf32> to vector<256xf32>
    %broadcast_in_dim3A = vector.shape_cast %reduce_max3A_49 : vector<256xf32> to vector<256x1xf32>
    %sub3A = vector.broadcast %broadcast_in_dim3A : vector<256x1xf32> to vector<256x128xf32>
    %sub3A_50 = arith.subf %add3A_48, %sub3A : vector<256x128xf32>
    %exp3A = math.exp %sub3A_50 : vector<256x128xf32>
    %get3A_51 = arith.constant 0 : index
    %get3A_52 = arith.constant 0 : index
    %get3A_53 = vector.load %arg14[%get3A_51, %get3A_52] : memref<128x128xf32, #tpu.memory_space<vmem>>, vector<128x128xf32>
    %dot_general3A_54 = arith.constant dense<0.000000e+00> : vector<256x128xf32>
    %dot_general3A_55 = tpu.matmul %exp3A, %get3A_53, %dot_general3A_54 {dimension_numbers = #tpu.dot_dimension_numbers<[1], [0], [0], [1], [0, 0, 1, 1], [], []>, transpose_lhs_hint = false} : vector<256x128xf32>, vector<128x128xf32>, vector<256x128xf32> -> vector<256x128xf32>
    %div3A = arith.divf %exp3A, %dot_general3A_55 : vector<256x128xf32>
    %get3A_56 = arith.constant 0 : index
    %get3A_57 = arith.constant 0 : index
    %get3A_58 = vector.load %arg15[%get3A_56, %get3A_57] : memref<1x128xf32, #tpu.memory_space<vmem>>, vector<1x128xf32>
    %get3A_59 = arith.constant 0 : index
    %get3A_60 = arith.constant 0 : index
    %get3A_61 = vector.load %arg16[%get3A_59, %get3A_60] : memref<1x128xf32, #tpu.memory_space<vmem>>, vector<1x128xf32>
    %convert_element_type3A = arith.fptosi %get3A_58 : vector<1x128xf32> to vector<1x128xi32>
    %convert_element_type3A_62 = arith.fptosi %get3A_61 : vector<1x128xf32> to vector<1x128xi32>
    %get3A_63 = arith.constant 0 : index
    %get3A_64 = arith.constant 0 : index
    %get3A_65 = vector.load %arg17[%get3A_63, %get3A_64] : memref<1x128xi32, #tpu.memory_space<vmem>>, vector<1x128xi32>
    %get3A_66 = arith.constant 0 : index
    %get3A_67 = arith.constant 0 : index
    %get3A_68 = vector.load %arg18[%get3A_66, %get3A_67] : memref<1x128xi32, #tpu.memory_space<vmem>>, vector<1x128xi32>
    %get3A_69 = arith.constant 0 : index
    %get3A_70 = arith.constant 0 : index
    %get3A_71 = vector.load %arg4[%get3A_69, %get3A_70] : memref<256x128xf32, #tpu.memory_space<vmem>>, vector<256x128xf32>
    %mul3A = vector.broadcast %get3A_58 : vector<1x128xf32> to vector<256x128xf32>
    %mul3A_72 = arith.mulf %get3A_71, %mul3A : vector<256x128xf32>
    %add3A_73 = arith.addf %mul3A_72, %add3A_28 : vector<256x128xf32>
    %sub3A_74 = arith.constant 5.000000e-01 : f32
    %sub3A_75 = vector.broadcast %sub3A_74 : f32 to vector<256x128xf32>
    %sub3A_76 = arith.subf %add3A_73, %sub3A_75 : vector<256x128xf32>
    %get3A_77 = arith.constant 0 : index
    %get3A_78 = arith.constant 0 : index
    %get3A_79 = vector.load %arg5[%get3A_77, %get3A_78] : memref<256x128xf32, #tpu.memory_space<vmem>>, vector<256x128xf32>
    %mul3A_80 = vector.broadcast %get3A_61 : vector<1x128xf32> to vector<256x128xf32>
    %mul3A_81 = arith.mulf %get3A_79, %mul3A_80 : vector<256x128xf32>
    %add3A_82 = arith.addf %mul3A_81, %add3A_38 : vector<256x128xf32>
    %sub3A_83 = arith.constant 5.000000e-01 : f32
    %sub3A_84 = vector.broadcast %sub3A_83 : f32 to vector<256x128xf32>
    %sub3A_85 = arith.subf %add3A_82, %sub3A_84 : vector<256x128xf32>
    %floor3A = math.floor %sub3A_76 : vector<256x128xf32>
    %floor3A_86 = math.floor %sub3A_85 : vector<256x128xf32>
    %sub3A_87 = arith.subf %sub3A_76, %floor3A : vector<256x128xf32>
    %sub3A_88 = arith.subf %sub3A_85, %floor3A_86 : vector<256x128xf32>
    %convert_element_type3A_89 = arith.fptosi %floor3A : vector<256x128xf32> to vector<256x128xi32>
    %convert_element_type3A_90 = arith.fptosi %floor3A_86 : vector<256x128xf32> to vector<256x128xi32>
    %sub3A_91 = arith.constant 1.000000e+00 : f32
    %sub3A_92 = vector.broadcast %sub3A_91 : f32 to vector<256x128xf32>
    %sub3A_93 = arith.subf %sub3A_92, %sub3A_87 : vector<256x128xf32>
    %sub3A_94 = arith.constant 1.000000e+00 : f32
    %sub3A_95 = vector.broadcast %sub3A_94 : f32 to vector<256x128xf32>
    %sub3A_96 = arith.subf %sub3A_95, %sub3A_88 : vector<256x128xf32>
    %mul3A_97 = arith.mulf %sub3A_93, %sub3A_96 : vector<256x128xf32>
    %sub3A_98 = arith.constant 1.000000e+00 : f32
    %sub3A_99 = vector.broadcast %sub3A_98 : f32 to vector<256x128xf32>
    %sub3A_100 = arith.subf %sub3A_99, %sub3A_88 : vector<256x128xf32>
    %mul3A_101 = arith.mulf %sub3A_87, %sub3A_100 : vector<256x128xf32>
    %sub3A_102 = arith.constant 1.000000e+00 : f32
    %sub3A_103 = vector.broadcast %sub3A_102 : f32 to vector<256x128xf32>
    %sub3A_104 = arith.subf %sub3A_103, %sub3A_87 : vector<256x128xf32>
    %mul3A_105 = arith.mulf %sub3A_104, %sub3A_88 : vector<256x128xf32>
    %mul3A_106 = arith.mulf %sub3A_87, %sub3A_88 : vector<256x128xf32>
    %add3A_107 = arith.constant 0 : i32
    %add3A_108 = vector.broadcast %add3A_107 : i32 to vector<256x128xi32>
    %add3A_109 = arith.addi %convert_element_type3A_89, %add3A_108 : vector<256x128xi32>
    %add3A_110 = arith.constant 0 : i32
    %add3A_111 = vector.broadcast %add3A_110 : i32 to vector<256x128xi32>
    %add3A_112 = arith.addi %convert_element_type3A_90, %add3A_111 : vector<256x128xi32>
    %ge3A = arith.constant 0 : i32
    %ge3A_113 = vector.broadcast %ge3A : i32 to vector<256x128xi32>
    %ge3A_114 = arith.cmpi sge, %add3A_109, %ge3A_113 : vector<256x128xi32>
    %lt3A = vector.broadcast %convert_element_type3A : vector<1x128xi32> to vector<256x128xi32>
    %lt3A_115 = arith.cmpi slt, %add3A_109, %lt3A : vector<256x128xi32>
    %and3A = arith.andi %ge3A_114, %lt3A_115 : vector<256x128xi1>
    %ge3A_116 = arith.constant 0 : i32
    %ge3A_117 = vector.broadcast %ge3A_116 : i32 to vector<256x128xi32>
    %ge3A_118 = arith.cmpi sge, %add3A_112, %ge3A_117 : vector<256x128xi32>
    %and3A_119 = arith.andi %and3A, %ge3A_118 : vector<256x128xi1>
    %lt3A_120 = vector.broadcast %convert_element_type3A_62 : vector<1x128xi32> to vector<256x128xi32>
    %lt3A_121 = arith.cmpi slt, %add3A_112, %lt3A_120 : vector<256x128xi32>
    %and3A_122 = arith.andi %and3A_119, %lt3A_121 : vector<256x128xi1>
    %sub3A_123 = arith.constant 1 : i32
    %sub3A_124 = vector.broadcast %sub3A_123 : i32 to vector<1x128xi32>
    %sub3A_125 = arith.subi %convert_element_type3A, %sub3A_124 : vector<1x128xi32>
    %jit3A = arith.constant 0 : i32
    %max3A = vector.broadcast %jit3A : i32 to vector<256x128xi32>
    %max3A_126 = arith.maxsi %max3A, %add3A_109 : vector<256x128xi32>
    %min3A = vector.broadcast %sub3A_125 : vector<1x128xi32> to vector<256x128xi32>
    %min3A_127 = arith.minsi %min3A, %max3A_126 : vector<256x128xi32>
    %sub3A_128 = arith.constant 1 : i32
    %sub3A_129 = vector.broadcast %sub3A_128 : i32 to vector<1x128xi32>
    %sub3A_130 = arith.subi %convert_element_type3A_62, %sub3A_129 : vector<1x128xi32>
    %jit3A_131 = arith.constant 0 : i32
    %max3A_132 = vector.broadcast %jit3A_131 : i32 to vector<256x128xi32>
    %max3A_133 = arith.maxsi %max3A_132, %add3A_112 : vector<256x128xi32>
    %min3A_134 = vector.broadcast %sub3A_130 : vector<1x128xi32> to vector<256x128xi32>
    %min3A_135 = arith.minsi %min3A_134, %max3A_133 : vector<256x128xi32>
    %mul3A_136 = vector.broadcast %convert_element_type3A : vector<1x128xi32> to vector<256x128xi32>
    %mul3A_137 = arith.muli %min3A_135, %mul3A_136 : vector<256x128xi32>
    %add3A_138 = vector.broadcast %get3A_65 : vector<1x128xi32> to vector<256x128xi32>
    %add3A_139 = arith.addi %add3A_138, %mul3A_137 : vector<256x128xi32>
    %add3A_140 = arith.addi %add3A_139, %min3A_127 : vector<256x128xi32>
    %mul3A_141 = arith.constant 8 : i32
    %mul3A_142 = vector.broadcast %mul3A_141 : i32 to vector<256x128xi32>
    %mul3A_143 = arith.muli %add3A_140, %mul3A_142 : vector<256x128xi32>
    %add3A_144 = vector.broadcast %get3A_68 : vector<1x128xi32> to vector<256x128xi32>
    %add3A_145 = arith.addi %mul3A_143, %add3A_144 : vector<256x128xi32>
    %swap3A_146 = arith.constant 0 : index
    %swap3A_147 = arith.constant 0 : index
    %swap3A_148 = vector.load %arg20[%swap3A_146, %swap3A_147] : memref<256x128xi32, #tpu.memory_space<vmem>>, vector<256x128xi32>
    tpu.vector_store %arg20[%swap3A_146, %swap3A_147], %add3A_145 {strides = array<i32>} : memref<256x128xi32, #tpu.memory_space<vmem>>, vector<256x128xi32>,
    %mul3A_149 = arith.mulf %mul3A_97, %div3A : vector<256x128xf32>
    %convert_element_type3A_150 = arith.extui %and3A_122 : vector<256x128xi1> to vector<256x128xi32>
    %convert_element_type3A_151 = arith.sitofp %convert_element_type3A_150 : vector<256x128xi32> to vector<256x128xf32>
    %mul3A_152 = arith.mulf %mul3A_149, %convert_element_type3A_151 : vector<256x128xf32>
    %swap3A_153 = arith.constant 0 : index
    %swap3A_154 = arith.constant 0 : index
    %swap3A_155 = vector.load %arg24[%swap3A_153, %swap3A_154] : memref<256x128xf32, #tpu.memory_space<vmem>>, vector<256x128xf32>
    tpu.vector_store %arg24[%swap3A_153, %swap3A_154], %mul3A_152 {strides = array<i32>} : memref<256x128xf32, #tpu.memory_space<vmem>>, vector<256x128xf32>,
    %add3A_156 = arith.constant 1 : i32
    %add3A_157 = vector.broadcast %add3A_156 : i32 to vector<256x128xi32>
    %add3A_158 = arith.addi %convert_element_type3A_89, %add3A_157 : vector<256x128xi32>
    %add3A_159 = arith.constant 0 : i32
    %add3A_160 = vector.broadcast %add3A_159 : i32 to vector<256x128xi32>
    %add3A_161 = arith.addi %convert_element_type3A_90, %add3A_160 : vector<256x128xi32>
    %ge3A_162 = arith.constant 0 : i32
    %ge3A_163 = vector.broadcast %ge3A_162 : i32 to vector<256x128xi32>
    %ge3A_164 = arith.cmpi sge, %add3A_158, %ge3A_163 : vector<256x128xi32>
    %lt3A_165 = vector.broadcast %convert_element_type3A : vector<1x128xi32> to vector<256x128xi32>
    %lt3A_166 = arith.cmpi slt, %add3A_158, %lt3A_165 : vector<256x128xi32>
    %and3A_167 = arith.andi %ge3A_164, %lt3A_166 : vector<256x128xi1>
    %ge3A_168 = arith.constant 0 : i32
    %ge3A_169 = vector.broadcast %ge3A_168 : i32 to vector<256x128xi32>
    %ge3A_170 = arith.cmpi sge, %add3A_161, %ge3A_169 : vector<256x128xi32>
    %and3A_171 = arith.andi %and3A_167, %ge3A_170 : vector<256x128xi1>
    %lt3A_172 = vector.broadcast %convert_element_type3A_62 : vector<1x128xi32> to vector<256x128xi32>
    %lt3A_173 = arith.cmpi slt, %add3A_161, %lt3A_172 : vector<256x128xi32>
    %and3A_174 = arith.andi %and3A_171, %lt3A_173 : vector<256x128xi1>
    %sub3A_175 = arith.constant 1 : i32
    %sub3A_176 = vector.broadcast %sub3A_175 : i32 to vector<1x128xi32>
    %sub3A_177 = arith.subi %convert_element_type3A, %sub3A_176 : vector<1x128xi32>
    %jit3A_178 = arith.constant 0 : i32
    %max3A_179 = vector.broadcast %jit3A_178 : i32 to vector<256x128xi32>
    %max3A_180 = arith.maxsi %max3A_179, %add3A_158 : vector<256x128xi32>
    %min3A_181 = vector.broadcast %sub3A_177 : vector<1x128xi32> to vector<256x128xi32>
    %min3A_182 = arith.minsi %min3A_181, %max3A_180 : vector<256x128xi32>
    %sub3A_183 = arith.constant 1 : i32
    %sub3A_184 = vector.broadcast %sub3A_183 : i32 to vector<1x128xi32>
    %sub3A_185 = arith.subi %convert_element_type3A_62, %sub3A_184 : vector<1x128xi32>
    %jit3A_186 = arith.constant 0 : i32
    %max3A_187 = vector.broadcast %jit3A_186 : i32 to vector<256x128xi32>
    %max3A_188 = arith.maxsi %max3A_187, %add3A_161 : vector<256x128xi32>
    %min3A_189 = vector.broadcast %sub3A_185 : vector<1x128xi32> to vector<256x128xi32>
    %min3A_190 = arith.minsi %min3A_189, %max3A_188 : vector<256x128xi32>
    %mul3A_191 = vector.broadcast %convert_element_type3A : vector<1x128xi32> to vector<256x128xi32>
    %mul3A_192 = arith.muli %min3A_190, %mul3A_191 : vector<256x128xi32>
    %add3A_193 = vector.broadcast %get3A_65 : vector<1x128xi32> to vector<256x128xi32>
    %add3A_194 = arith.addi %add3A_193, %mul3A_192 : vector<256x128xi32>
    %add3A_195 = arith.addi %add3A_194, %min3A_182 : vector<256x128xi32>
    %mul3A_196 = arith.constant 8 : i32
    %mul3A_197 = vector.broadcast %mul3A_196 : i32 to vector<256x128xi32>
    %mul3A_198 = arith.muli %add3A_195, %mul3A_197 : vector<256x128xi32>
    %add3A_199 = vector.broadcast %get3A_68 : vector<1x128xi32> to vector<256x128xi32>
    %add3A_200 = arith.addi %mul3A_198, %add3A_199 : vector<256x128xi32>
    %swap3A_201 = arith.constant 0 : index
    %swap3A_202 = arith.constant 0 : index
    %swap3A_203 = vector.load %arg21[%swap3A_201, %swap3A_202] : memref<256x128xi32, #tpu.memory_space<vmem>>, vector<256x128xi32>
    tpu.vector_store %arg21[%swap3A_201, %swap3A_202], %add3A_200 {strides = array<i32>} : memref<256x128xi32, #tpu.memory_space<vmem>>, vector<256x128xi32>,
    %mul3A_204 = arith.mulf %mul3A_101, %div3A : vector<256x128xf32>
    %convert_element_type3A_205 = arith.extui %and3A_174 : vector<256x128xi1> to vector<256x128xi32>
    %convert_element_type3A_206 = arith.sitofp %convert_element_type3A_205 : vector<256x128xi32> to vector<256x128xf32>
    %mul3A_207 = arith.mulf %mul3A_204, %convert_element_type3A_206 : vector<256x128xf32>
    %swap3A_208 = arith.constant 0 : index
    %swap3A_209 = arith.constant 0 : index
    %swap3A_210 = vector.load %arg25[%swap3A_208, %swap3A_209] : memref<256x128xf32, #tpu.memory_space<vmem>>, vector<256x128xf32>
    tpu.vector_store %arg25[%swap3A_208, %swap3A_209], %mul3A_207 {strides = array<i32>} : memref<256x128xf32, #tpu.memory_space<vmem>>, vector<256x128xf32>,
    %add3A_211 = arith.constant 0 : i32
    %add3A_212 = vector.broadcast %add3A_211 : i32 to vector<256x128xi32>
    %add3A_213 = arith.addi %convert_element_type3A_89, %add3A_212 : vector<256x128xi32>
    %add3A_214 = arith.constant 1 : i32
    %add3A_215 = vector.broadcast %add3A_214 : i32 to vector<256x128xi32>
    %add3A_216 = arith.addi %convert_element_type3A_90, %add3A_215 : vector<256x128xi32>
    %ge3A_217 = arith.constant 0 : i32
    %ge3A_218 = vector.broadcast %ge3A_217 : i32 to vector<256x128xi32>
    %ge3A_219 = arith.cmpi sge, %add3A_213, %ge3A_218 : vector<256x128xi32>
    %lt3A_220 = vector.broadcast %convert_element_type3A : vector<1x128xi32> to vector<256x128xi32>
    %lt3A_221 = arith.cmpi slt, %add3A_213, %lt3A_220 : vector<256x128xi32>
    %and3A_222 = arith.andi %ge3A_219, %lt3A_221 : vector<256x128xi1>
    %ge3A_223 = arith.constant 0 : i32
    %ge3A_224 = vector.broadcast %ge3A_223 : i32 to vector<256x128xi32>
    %ge3A_225 = arith.cmpi sge, %add3A_216, %ge3A_224 : vector<256x128xi32>
    %and3A_226 = arith.andi %and3A_222, %ge3A_225 : vector<256x128xi1>
    %lt3A_227 = vector.broadcast %convert_element_type3A_62 : vector<1x128xi32> to vector<256x128xi32>
    %lt3A_228 = arith.cmpi slt, %add3A_216, %lt3A_227 : vector<256x128xi32>
    %and3A_229 = arith.andi %and3A_226, %lt3A_228 : vector<256x128xi1>
    %sub3A_230 = arith.constant 1 : i32
    %sub3A_231 = vector.broadcast %sub3A_230 : i32 to vector<1x128xi32>
    %sub3A_232 = arith.subi %convert_element_type3A, %sub3A_231 : vector<1x128xi32>
    %jit3A_233 = arith.constant 0 : i32
    %max3A_234 = vector.broadcast %jit3A_233 : i32 to vector<256x128xi32>
    %max3A_235 = arith.maxsi %max3A_234, %add3A_213 : vector<256x128xi32>
    %min3A_236 = vector.broadcast %sub3A_232 : vector<1x128xi32> to vector<256x128xi32>
    %min3A_237 = arith.minsi %min3A_236, %max3A_235 : vector<256x128xi32>
    %sub3A_238 = arith.constant 1 : i32
    %sub3A_239 = vector.broadcast %sub3A_238 : i32 to vector<1x128xi32>
    %sub3A_240 = arith.subi %convert_element_type3A_62, %sub3A_239 : vector<1x128xi32>
    %jit3A_241 = arith.constant 0 : i32
    %max3A_242 = vector.broadcast %jit3A_241 : i32 to vector<256x128xi32>
    %max3A_243 = arith.maxsi %max3A_242, %add3A_216 : vector<256x128xi32>
    %min3A_244 = vector.broadcast %sub3A_240 : vector<1x128xi32> to vector<256x128xi32>
    %min3A_245 = arith.minsi %min3A_244, %max3A_243 : vector<256x128xi32>
    %mul3A_246 = vector.broadcast %convert_element_type3A : vector<1x128xi32> to vector<256x128xi32>
    %mul3A_247 = arith.muli %min3A_245, %mul3A_246 : vector<256x128xi32>
    %add3A_248 = vector.broadcast %get3A_65 : vector<1x128xi32> to vector<256x128xi32>
    %add3A_249 = arith.addi %add3A_248, %mul3A_247 : vector<256x128xi32>
    %add3A_250 = arith.addi %add3A_249, %min3A_237 : vector<256x128xi32>
    %mul3A_251 = arith.constant 8 : i32
    %mul3A_252 = vector.broadcast %mul3A_251 : i32 to vector<256x128xi32>
    %mul3A_253 = arith.muli %add3A_250, %mul3A_252 : vector<256x128xi32>
    %add3A_254 = vector.broadcast %get3A_68 : vector<1x128xi32> to vector<256x128xi32>
    %add3A_255 = arith.addi %mul3A_253, %add3A_254 : vector<256x128xi32>
    %swap3A_256 = arith.constant 0 : index
    %swap3A_257 = arith.constant 0 : index
    %swap3A_258 = vector.load %arg22[%swap3A_256, %swap3A_257] : memref<256x128xi32, #tpu.memory_space<vmem>>, vector<256x128xi32>
    tpu.vector_store %arg22[%swap3A_256, %swap3A_257], %add3A_255 {strides = array<i32>} : memref<256x128xi32, #tpu.memory_space<vmem>>, vector<256x128xi32>,
    %mul3A_259 = arith.mulf %mul3A_105, %div3A : vector<256x128xf32>
    %convert_element_type3A_260 = arith.extui %and3A_229 : vector<256x128xi1> to vector<256x128xi32>
    %convert_element_type3A_261 = arith.sitofp %convert_element_type3A_260 : vector<256x128xi32> to vector<256x128xf32>
    %mul3A_262 = arith.mulf %mul3A_259, %convert_element_type3A_261 : vector<256x128xf32>
    %swap3A_263 = arith.constant 0 : index
    %swap3A_264 = arith.constant 0 : index
    %swap3A_265 = vector.load %arg26[%swap3A_263, %swap3A_264] : memref<256x128xf32, #tpu.memory_space<vmem>>, vector<256x128xf32>
    tpu.vector_store %arg26[%swap3A_263, %swap3A_264], %mul3A_262 {strides = array<i32>} : memref<256x128xf32, #tpu.memory_space<vmem>>, vector<256x128xf32>,
    %add3A_266 = arith.constant 1 : i32
    %add3A_267 = vector.broadcast %add3A_266 : i32 to vector<256x128xi32>
    %add3A_268 = arith.addi %convert_element_type3A_89, %add3A_267 : vector<256x128xi32>
    %add3A_269 = arith.constant 1 : i32
    %add3A_270 = vector.broadcast %add3A_269 : i32 to vector<256x128xi32>
    %add3A_271 = arith.addi %convert_element_type3A_90, %add3A_270 : vector<256x128xi32>
    %ge3A_272 = arith.constant 0 : i32
    %ge3A_273 = vector.broadcast %ge3A_272 : i32 to vector<256x128xi32>
    %ge3A_274 = arith.cmpi sge, %add3A_268, %ge3A_273 : vector<256x128xi32>
    %lt3A_275 = vector.broadcast %convert_element_type3A : vector<1x128xi32> to vector<256x128xi32>
    %lt3A_276 = arith.cmpi slt, %add3A_268, %lt3A_275 : vector<256x128xi32>
    %and3A_277 = arith.andi %ge3A_274, %lt3A_276 : vector<256x128xi1>
    %ge3A_278 = arith.constant 0 : i32
    %ge3A_279 = vector.broadcast %ge3A_278 : i32 to vector<256x128xi32>
    %ge3A_280 = arith.cmpi sge, %add3A_271, %ge3A_279 : vector<256x128xi32>
    %and3A_281 = arith.andi %and3A_277, %ge3A_280 : vector<256x128xi1>
    %lt3A_282 = vector.broadcast %convert_element_type3A_62 : vector<1x128xi32> to vector<256x128xi32>
    %lt3A_283 = arith.cmpi slt, %add3A_271, %lt3A_282 : vector<256x128xi32>
    %and3A_284 = arith.andi %and3A_281, %lt3A_283 : vector<256x128xi1>
    %sub3A_285 = arith.constant 1 : i32
    %sub3A_286 = vector.broadcast %sub3A_285 : i32 to vector<1x128xi32>
    %sub3A_287 = arith.subi %convert_element_type3A, %sub3A_286 : vector<1x128xi32>
    %jit3A_288 = arith.constant 0 : i32
    %max3A_289 = vector.broadcast %jit3A_288 : i32 to vector<256x128xi32>
    %max3A_290 = arith.maxsi %max3A_289, %add3A_268 : vector<256x128xi32>
    %min3A_291 = vector.broadcast %sub3A_287 : vector<1x128xi32> to vector<256x128xi32>
    %min3A_292 = arith.minsi %min3A_291, %max3A_290 : vector<256x128xi32>
    %sub3A_293 = arith.constant 1 : i32
    %sub3A_294 = vector.broadcast %sub3A_293 : i32 to vector<1x128xi32>
    %sub3A_295 = arith.subi %convert_element_type3A_62, %sub3A_294 : vector<1x128xi32>
    %jit3A_296 = arith.constant 0 : i32
    %max3A_297 = vector.broadcast %jit3A_296 : i32 to vector<256x128xi32>
    %max3A_298 = arith.maxsi %max3A_297, %add3A_271 : vector<256x128xi32>
    %min3A_299 = vector.broadcast %sub3A_295 : vector<1x128xi32> to vector<256x128xi32>
    %min3A_300 = arith.minsi %min3A_299, %max3A_298 : vector<256x128xi32>
    %mul3A_301 = vector.broadcast %convert_element_type3A : vector<1x128xi32> to vector<256x128xi32>
    %mul3A_302 = arith.muli %min3A_300, %mul3A_301 : vector<256x128xi32>
    %add3A_303 = vector.broadcast %get3A_65 : vector<1x128xi32> to vector<256x128xi32>
    %add3A_304 = arith.addi %add3A_303, %mul3A_302 : vector<256x128xi32>
    %add3A_305 = arith.addi %add3A_304, %min3A_292 : vector<256x128xi32>
    %mul3A_306 = arith.constant 8 : i32
    %mul3A_307 = vector.broadcast %mul3A_306 : i32 to vector<256x128xi32>
    %mul3A_308 = arith.muli %add3A_305, %mul3A_307 : vector<256x128xi32>
    %add3A_309 = vector.broadcast %get3A_68 : vector<1x128xi32> to vector<256x128xi32>
    %add3A_310 = arith.addi %mul3A_308, %add3A_309 : vector<256x128xi32>
    %swap3A_311 = arith.constant 0 : index
    %swap3A_312 = arith.constant 0 : index
    %swap3A_313 = vector.load %arg23[%swap3A_311, %swap3A_312] : memref<256x128xi32, #tpu.memory_space<vmem>>, vector<256x128xi32>
    tpu.vector_store %arg23[%swap3A_311, %swap3A_312], %add3A_310 {strides = array<i32>} : memref<256x128xi32, #tpu.memory_space<vmem>>, vector<256x128xi32>,
    %mul3A_314 = arith.mulf %mul3A_106, %div3A : vector<256x128xf32>
    %convert_element_type3A_315 = arith.extui %and3A_284 : vector<256x128xi1> to vector<256x128xi32>
    %convert_element_type3A_316 = arith.sitofp %convert_element_type3A_315 : vector<256x128xi32> to vector<256x128xf32>
    %mul3A_317 = arith.mulf %mul3A_314, %convert_element_type3A_316 : vector<256x128xf32>
    %swap3A_318 = arith.constant 0 : index
    %swap3A_319 = arith.constant 0 : index
    %swap3A_320 = vector.load %arg27[%swap3A_318, %swap3A_319] : memref<256x128xf32, #tpu.memory_space<vmem>>, vector<256x128xf32>
    tpu.vector_store %arg27[%swap3A_318, %swap3A_319], %mul3A_317 {strides = array<i32>} : memref<256x128xf32, #tpu.memory_space<vmem>>, vector<256x128xf32>,
    return
  }
  func.func @transform_0(%arg0: i32) -> (i32, i32) {
    %c0_i32 = arith.constant 0 : i32
    %c0_i32_0 = arith.constant 0 : i32
    return %arg0, %c0_i32 : i32, i32
  }
  func.func @transform_1(%arg0: i32) -> (i32, i32) {
    %c0_i32 = arith.constant 0 : i32
    %c0_i32_0 = arith.constant 0 : i32
    return %arg0, %c0_i32 : i32, i32
  }
  func.func @transform_2(%arg0: i32) -> (i32, i32) {
    %c0_i32 = arith.constant 0 : i32
    %c0_i32_0 = arith.constant 0 : i32
    return %arg0, %c0_i32 : i32, i32
  }
  func.func @transform_3(%arg0: i32) -> (i32, i32) {
    %c0_i32 = arith.constant 0 : i32
    %c0_i32_0 = arith.constant 0 : i32
    return %arg0, %c0_i32 : i32, i32
  }
  func.func @transform_4(%arg0: i32) -> (i32, i32) {
    %c0_i32 = arith.constant 0 : i32
    %c0_i32_0 = arith.constant 0 : i32
    return %arg0, %c0_i32 : i32, i32
  }
  func.func @transform_5(%arg0: i32) -> (i32, i32) {
    %c0_i32 = arith.constant 0 : i32
    %c0_i32_0 = arith.constant 0 : i32
    %c0_i32_1 = arith.constant 0 : i32
    return %c0_i32, %c0_i32_0 : i32, i32
  }
  func.func @transform_6(%arg0: i32) -> (i32, i32) {
    %c0_i32 = arith.constant 0 : i32
    %c0_i32_0 = arith.constant 0 : i32
    %c0_i32_1 = arith.constant 0 : i32
    return %c0_i32, %c0_i32_0 : i32, i32
  }
  func.func @transform_7(%arg0: i32) -> (i32, i32) {
    %c0_i32 = arith.constant 0 : i32
    %c0_i32_0 = arith.constant 0 : i32
    %c0_i32_1 = arith.constant 0 : i32
    return %c0_i32, %c0_i32_0 : i32, i32
  }
  func.func @transform_8(%arg0: i32) -> (i32, i32) {
    %c0_i32 = arith.constant 0 : i32
    %c0_i32_0 = arith.constant 0 : i32
    %c0_i32_1 = arith.constant 0 : i32
    return %c0_i32, %c0_i32_0 : i32, i32
  }
  func.func @transform_9(%arg0: i32) -> (i32, i32) {
    %c0_i32 = arith.constant 0 : i32
    %c0_i32_0 = arith.constant 0 : i32
    %c0_i32_1 = arith.constant 0 : i32
    return %c0_i32, %c0_i32_0 : i32, i32
  }
  func.func @transform_10(%arg0: i32) -> (i32, i32) {
    %c0_i32 = arith.constant 0 : i32
    %c0_i32_0 = arith.constant 0 : i32
    %c0_i32_1 = arith.constant 0 : i32
    return %c0_i32, %c0_i32_0 : i32, i32
  }
  func.func @transform_11(%arg0: i32) -> (i32, i32) {
    %c0_i32 = arith.constant 0 : i32
    %c0_i32_0 = arith.constant 0 : i32
    %c0_i32_1 = arith.constant 0 : i32
    return %c0_i32, %c0_i32_0 : i32, i32
  }
  func.func @transform_12(%arg0: i32) -> (i32, i32) {
    %c0_i32 = arith.constant 0 : i32
    %c0_i32_0 = arith.constant 0 : i32
    %c0_i32_1 = arith.constant 0 : i32
    return %c0_i32, %c0_i32_0 : i32, i32
  }
  func.func @transform_13(%arg0: i32) -> (i32, i32) {
    %c0_i32 = arith.constant 0 : i32
    %c0_i32_0 = arith.constant 0 : i32
    %c0_i32_1 = arith.constant 0 : i32
    return %c0_i32, %c0_i32_0 : i32, i32
  }
  func.func @transform_14(%arg0: i32) -> (i32, i32) {
    %c0_i32 = arith.constant 0 : i32
    %c0_i32_0 = arith.constant 0 : i32
    %c0_i32_1 = arith.constant 0 : i32
    return %c0_i32, %c0_i32_0 : i32, i32
  }
  func.func @transform_15(%arg0: i32) -> (i32, i32) {
    %c0_i32 = arith.constant 0 : i32
    %c0_i32_0 = arith.constant 0 : i32
    %c0_i32_1 = arith.constant 0 : i32
    return %c0_i32, %c0_i32_0 : i32, i32
  }
  func.func @transform_16(%arg0: i32) -> (i32, i32) {
    %c0_i32 = arith.constant 0 : i32
    %c0_i32_0 = arith.constant 0 : i32
    %c0_i32_1 = arith.constant 0 : i32
    return %c0_i32, %c0_i32_0 : i32, i32
  }
  func.func @transform_17(%arg0: i32) -> (i32, i32) {
    %c0_i32 = arith.constant 0 : i32
    %c0_i32_0 = arith.constant 0 : i32
    %c0_i32_1 = arith.constant 0 : i32
    return %c0_i32, %c0_i32_0 : i32, i32
  }
  func.func @transform_18(%arg0: i32) -> (i32, i32) {
    %c0_i32 = arith.constant 0 : i32
    %c0_i32_0 = arith.constant 0 : i32
    return %arg0, %c0_i32 : i32, i32
  }
  func.func @transform_19(%arg0: i32) -> (i32, i32) {
    %c0_i32 = arith.constant 0 : i32
    %c0_i32_0 = arith.constant 0 : i32
    return %arg0, %c0_i32 : i32, i32
  }
  func.func @transform_20(%arg0: i32) -> (i32, i32) {
    %c0_i32 = arith.constant 0 : i32
    %c0_i32_0 = arith.constant 0 : i32
    return %arg0, %c0_i32 : i32, i32
  }
  func.func @transform_21(%arg0: i32) -> (i32, i32) {
    %c0_i32 = arith.constant 0 : i32
    %c0_i32_0 = arith.constant 0 : i32
    return %arg0, %c0_i32 : i32, i32
  }
  func.func @transform_22(%arg0: i32) -> (i32, i32) {
    %c0_i32 = arith.constant 0 : i32
    %c0_i32_0 = arith.constant 0 : i32
    return %arg0, %c0_i32 : i32, i32
  }
  func.func @transform_23(%arg0: i32) -> (i32, i32) {
    %c0_i32 = arith.constant 0 : i32
    %c0_i32_0 = arith.constant 0 : i32
    return %arg0, %c0_i32 : i32, i32
  }
  func.func @transform_24(%arg0: i32) -> (i32, i32) {
    %c0_i32 = arith.constant 0 : i32
    %c0_i32_0 = arith.constant 0 : i32
    return %arg0, %c0_i32 : i32, i32
  }
  func.func @transform_25(%arg0: i32) -> (i32, i32) {
    %c0_i32 = arith.constant 0 : i32
    %c0_i32_0 = arith.constant 0 : i32
    return %arg0, %c0_i32 : i32, i32
  }
  func.func @transform_26(%arg0: i32) -> (i32, i32) {
    %c0_i32 = arith.constant 0 : i32
    %c0_i32_0 = arith.constant 0 : i32
    return %arg0, %c0_i32 : i32, i32
  }
}

module attributes {stable_mosaic.version = 14 : i64} {
  func.func @_post_body(%arg0: i32, %arg1: memref<256x256xf32, #tpu.memory_space<vmem>>, %arg2: memref<256x256xf32, #tpu.memory_space<vmem>>, %arg3: memref<256x256xf32, #tpu.memory_space<vmem>>, %arg4: memref<1x256xf32, #tpu.memory_space<vmem>>, %arg5: memref<1x256xf32, #tpu.memory_space<vmem>>, %arg6: memref<1x256xf32, #tpu.memory_space<vmem>>, %arg7: memref<256x1024xf32, #tpu.memory_space<vmem>>, %arg8: memref<1x1024xf32, #tpu.memory_space<vmem>>, %arg9: memref<1024x256xf32, #tpu.memory_space<vmem>>, %arg10: memref<1x256xf32, #tpu.memory_space<vmem>>, %arg11: memref<1x256xf32, #tpu.memory_space<vmem>>, %arg12: memref<1x256xf32, #tpu.memory_space<vmem>>, %arg13: memref<256x256xf32, #tpu.memory_space<vmem>>) attributes {dimension_semantics = [#tpu.dimension_semantics<arbitrary>], iteration_bounds = array<i64: 85>, scalar_prefetch = 0 : i64, scratch_operands = 0 : i64, tpu.core_type = #tpu.core_type<tc>, window_params = [{transform_indices = @transform_0, window_bounds = array<i64: 256, 256>}, {transform_indices = @transform_1, window_bounds = array<i64: 256, 256>}, {pipeline_mode = #tpu.pipeline_mode<synchronous>, transform_indices = @transform_2, window_bounds = array<i64: 256, 256>}, {pipeline_mode = #tpu.pipeline_mode<synchronous>, transform_indices = @transform_3, window_bounds = array<i64: 1, 256>}, {pipeline_mode = #tpu.pipeline_mode<synchronous>, transform_indices = @transform_4, window_bounds = array<i64: 1, 256>}, {pipeline_mode = #tpu.pipeline_mode<synchronous>, transform_indices = @transform_5, window_bounds = array<i64: 1, 256>}, {pipeline_mode = #tpu.pipeline_mode<synchronous>, transform_indices = @transform_6, window_bounds = array<i64: 256, 1024>}, {pipeline_mode = #tpu.pipeline_mode<synchronous>, transform_indices = @transform_7, window_bounds = array<i64: 1, 1024>}, {pipeline_mode = #tpu.pipeline_mode<synchronous>, transform_indices = @transform_8, window_bounds = array<i64: 1024, 256>}, {pipeline_mode = #tpu.pipeline_mode<synchronous>, transform_indices = @transform_9, window_bounds = array<i64: 1, 256>}, {pipeline_mode = #tpu.pipeline_mode<synchronous>, transform_indices = @transform_10, window_bounds = array<i64: 1, 256>}, {pipeline_mode = #tpu.pipeline_mode<synchronous>, transform_indices = @transform_11, window_bounds = array<i64: 1, 256>}, {transform_indices = @transform_12, window_bounds = array<i64: 256, 256>}]} {
    %get3A = arith.constant 0 : index
    %get3A_0 = arith.constant 0 : index
    %get3A_1 = vector.load %arg1[%get3A, %get3A_0] : memref<256x256xf32, #tpu.memory_space<vmem>>, vector<256x256xf32>
    %get3A_2 = arith.constant 0 : index
    %get3A_3 = arith.constant 0 : index
    %get3A_4 = vector.load %arg3[%get3A_2, %get3A_3] : memref<256x256xf32, #tpu.memory_space<vmem>>, vector<256x256xf32>
    %dot_general3A = arith.constant dense<0.000000e+00> : vector<256x256xf32>
    %dot_general3A_5 = tpu.matmul %get3A_1, %get3A_4, %dot_general3A {dimension_numbers = #tpu.dot_dimension_numbers<[1], [0], [0], [1], [0, 0, 1, 1], [], []>, transpose_lhs_hint = false} : vector<256x256xf32>, vector<256x256xf32>, vector<256x256xf32> -> vector<256x256xf32>
    %get3A_6 = arith.constant 0 : index
    %get3A_7 = arith.constant 0 : index
    %get3A_8 = vector.load %arg4[%get3A_6, %get3A_7] : memref<1x256xf32, #tpu.memory_space<vmem>>, vector<1x256xf32>
    %add3A = vector.broadcast %get3A_8 : vector<1x256xf32> to vector<256x256xf32>
    %add3A_9 = arith.addf %dot_general3A_5, %add3A : vector<256x256xf32>
    %get3A_10 = arith.constant 0 : index
    %get3A_11 = arith.constant 0 : index
    %get3A_12 = vector.load %arg2[%get3A_10, %get3A_11] : memref<256x256xf32, #tpu.memory_space<vmem>>, vector<256x256xf32>
    %add3A_13 = arith.addf %get3A_12, %add3A_9 : vector<256x256xf32>
    %get3A_14 = arith.constant 0 : index
    %get3A_15 = arith.constant 0 : index
    %get3A_16 = vector.load %arg5[%get3A_14, %get3A_15] : memref<1x256xf32, #tpu.memory_space<vmem>>, vector<1x256xf32>
    %get3A_17 = arith.constant 0 : index
    %get3A_18 = arith.constant 0 : index
    %get3A_19 = vector.load %arg6[%get3A_17, %get3A_18] : memref<1x256xf32, #tpu.memory_space<vmem>>, vector<1x256xf32>
    %reduce_sum3A = arith.constant dense<0.000000e+00> : vector<256xf32>
    %reduce_sum3A_20 = vector.multi_reduction <add>, %add3A_13, %reduce_sum3A [1] : vector<256x256xf32> to vector<256xf32>
    %broadcast_in_dim3A = vector.shape_cast %reduce_sum3A_20 : vector<256xf32> to vector<256x1xf32>
    %div3A = arith.constant 2.560000e+02 : f32
    %div3A_21 = vector.broadcast %div3A : f32 to vector<256x1xf32>
    %div3A_22 = arith.divf %broadcast_in_dim3A, %div3A_21 : vector<256x1xf32>
    %sub3A = vector.broadcast %div3A_22 : vector<256x1xf32> to vector<256x256xf32>
    %sub3A_23 = arith.subf %add3A_13, %sub3A : vector<256x256xf32>
    %integer_pow3A = arith.mulf %sub3A_23, %sub3A_23 : vector<256x256xf32>
    %reduce_sum3A_24 = arith.constant dense<0.000000e+00> : vector<256xf32>
    %reduce_sum3A_25 = vector.multi_reduction <add>, %integer_pow3A, %reduce_sum3A_24 [1] : vector<256x256xf32> to vector<256xf32>
    %broadcast_in_dim3A_26 = vector.shape_cast %reduce_sum3A_25 : vector<256xf32> to vector<256x1xf32>
    %div3A_27 = arith.constant 2.560000e+02 : f32
    %div3A_28 = vector.broadcast %div3A_27 : f32 to vector<256x1xf32>
    %div3A_29 = arith.divf %broadcast_in_dim3A_26, %div3A_28 : vector<256x1xf32>
    %sub3A_30 = vector.broadcast %div3A_22 : vector<256x1xf32> to vector<256x256xf32>
    %sub3A_31 = arith.subf %add3A_13, %sub3A_30 : vector<256x256xf32>
    %add3A_32 = arith.constant 9.99999974E-6 : f32
    %add3A_33 = vector.broadcast %add3A_32 : f32 to vector<256x1xf32>
    %add3A_34 = arith.addf %div3A_29, %add3A_33 : vector<256x1xf32>
    %rsqrt3A = math.rsqrt %add3A_34 : vector<256x1xf32>
    %mul3A = vector.broadcast %rsqrt3A : vector<256x1xf32> to vector<256x256xf32>
    %mul3A_35 = arith.mulf %sub3A_31, %mul3A : vector<256x256xf32>
    %mul3A_36 = vector.broadcast %get3A_16 : vector<1x256xf32> to vector<256x256xf32>
    %mul3A_37 = arith.mulf %mul3A_35, %mul3A_36 : vector<256x256xf32>
    %add3A_38 = vector.broadcast %get3A_19 : vector<1x256xf32> to vector<256x256xf32>
    %add3A_39 = arith.addf %mul3A_37, %add3A_38 : vector<256x256xf32>
    %get3A_40 = arith.constant 0 : index
    %get3A_41 = arith.constant 0 : index
    %get3A_42 = vector.load %arg7[%get3A_40, %get3A_41] : memref<256x1024xf32, #tpu.memory_space<vmem>>, vector<256x1024xf32>
    %dot_general3A_43 = arith.constant dense<0.000000e+00> : vector<256x1024xf32>
    %dot_general3A_44 = tpu.matmul %add3A_39, %get3A_42, %dot_general3A_43 {dimension_numbers = #tpu.dot_dimension_numbers<[1], [0], [0], [1], [0, 0, 1, 1], [], []>, transpose_lhs_hint = false} : vector<256x256xf32>, vector<256x1024xf32>, vector<256x1024xf32> -> vector<256x1024xf32>
    %get3A_45 = arith.constant 0 : index
    %get3A_46 = arith.constant 0 : index
    %get3A_47 = vector.load %arg8[%get3A_45, %get3A_46] : memref<1x1024xf32, #tpu.memory_space<vmem>>, vector<1x1024xf32>
    %add3A_48 = vector.broadcast %get3A_47 : vector<1x1024xf32> to vector<256x1024xf32>
    %add3A_49 = arith.addf %dot_general3A_44, %add3A_48 : vector<256x1024xf32>
    %max3A = arith.constant 0.000000e+00 : f32
    %max3A_50 = vector.broadcast %max3A : f32 to vector<256x1024xf32>
    %max3A_51 = arith.maximumf %add3A_49, %max3A_50 : vector<256x1024xf32>
    %get3A_52 = arith.constant 0 : index
    %get3A_53 = arith.constant 0 : index
    %get3A_54 = vector.load %arg9[%get3A_52, %get3A_53] : memref<1024x256xf32, #tpu.memory_space<vmem>>, vector<1024x256xf32>
    %dot_general3A_55 = arith.constant dense<0.000000e+00> : vector<256x256xf32>
    %dot_general3A_56 = tpu.matmul %max3A_51, %get3A_54, %dot_general3A_55 {dimension_numbers = #tpu.dot_dimension_numbers<[1], [0], [0], [1], [0, 0, 1, 1], [], []>, transpose_lhs_hint = false} : vector<256x1024xf32>, vector<1024x256xf32>, vector<256x256xf32> -> vector<256x256xf32>
    %get3A_57 = arith.constant 0 : index
    %get3A_58 = arith.constant 0 : index
    %get3A_59 = vector.load %arg10[%get3A_57, %get3A_58] : memref<1x256xf32, #tpu.memory_space<vmem>>, vector<1x256xf32>
    %add3A_60 = vector.broadcast %get3A_59 : vector<1x256xf32> to vector<256x256xf32>
    %add3A_61 = arith.addf %dot_general3A_56, %add3A_60 : vector<256x256xf32>
    %add3A_62 = arith.addf %add3A_39, %add3A_61 : vector<256x256xf32>
    %get3A_63 = arith.constant 0 : index
    %get3A_64 = arith.constant 0 : index
    %get3A_65 = vector.load %arg11[%get3A_63, %get3A_64] : memref<1x256xf32, #tpu.memory_space<vmem>>, vector<1x256xf32>
    %get3A_66 = arith.constant 0 : index
    %get3A_67 = arith.constant 0 : index
    %get3A_68 = vector.load %arg12[%get3A_66, %get3A_67] : memref<1x256xf32, #tpu.memory_space<vmem>>, vector<1x256xf32>
    %reduce_sum3A_69 = arith.constant dense<0.000000e+00> : vector<256xf32>
    %reduce_sum3A_70 = vector.multi_reduction <add>, %add3A_62, %reduce_sum3A_69 [1] : vector<256x256xf32> to vector<256xf32>
    %broadcast_in_dim3A_71 = vector.shape_cast %reduce_sum3A_70 : vector<256xf32> to vector<256x1xf32>
    %div3A_72 = arith.constant 2.560000e+02 : f32
    %div3A_73 = vector.broadcast %div3A_72 : f32 to vector<256x1xf32>
    %div3A_74 = arith.divf %broadcast_in_dim3A_71, %div3A_73 : vector<256x1xf32>
    %sub3A_75 = vector.broadcast %div3A_74 : vector<256x1xf32> to vector<256x256xf32>
    %sub3A_76 = arith.subf %add3A_62, %sub3A_75 : vector<256x256xf32>
    %integer_pow3A_77 = arith.mulf %sub3A_76, %sub3A_76 : vector<256x256xf32>
    %reduce_sum3A_78 = arith.constant dense<0.000000e+00> : vector<256xf32>
    %reduce_sum3A_79 = vector.multi_reduction <add>, %integer_pow3A_77, %reduce_sum3A_78 [1] : vector<256x256xf32> to vector<256xf32>
    %broadcast_in_dim3A_80 = vector.shape_cast %reduce_sum3A_79 : vector<256xf32> to vector<256x1xf32>
    %div3A_81 = arith.constant 2.560000e+02 : f32
    %div3A_82 = vector.broadcast %div3A_81 : f32 to vector<256x1xf32>
    %div3A_83 = arith.divf %broadcast_in_dim3A_80, %div3A_82 : vector<256x1xf32>
    %sub3A_84 = vector.broadcast %div3A_74 : vector<256x1xf32> to vector<256x256xf32>
    %sub3A_85 = arith.subf %add3A_62, %sub3A_84 : vector<256x256xf32>
    %add3A_86 = arith.constant 9.99999974E-6 : f32
    %add3A_87 = vector.broadcast %add3A_86 : f32 to vector<256x1xf32>
    %add3A_88 = arith.addf %div3A_83, %add3A_87 : vector<256x1xf32>
    %rsqrt3A_89 = math.rsqrt %add3A_88 : vector<256x1xf32>
    %mul3A_90 = vector.broadcast %rsqrt3A_89 : vector<256x1xf32> to vector<256x256xf32>
    %mul3A_91 = arith.mulf %sub3A_85, %mul3A_90 : vector<256x256xf32>
    %mul3A_92 = vector.broadcast %get3A_65 : vector<1x256xf32> to vector<256x256xf32>
    %mul3A_93 = arith.mulf %mul3A_91, %mul3A_92 : vector<256x256xf32>
    %add3A_94 = vector.broadcast %get3A_68 : vector<1x256xf32> to vector<256x256xf32>
    %add3A_95 = arith.addf %mul3A_93, %add3A_94 : vector<256x256xf32>
    %swap3A = arith.constant 0 : index
    %swap3A_96 = arith.constant 0 : index
    %swap3A_97 = vector.load %arg13[%swap3A, %swap3A_96] : memref<256x256xf32, #tpu.memory_space<vmem>>, vector<256x256xf32>
    tpu.vector_store %arg13[%swap3A, %swap3A_96], %add3A_95 {strides = array<i32>} : memref<256x256xf32, #tpu.memory_space<vmem>>, vector<256x256xf32>,
    return
  }
  func.func @transform_0(%arg0: i32) -> (i32, i32) {
    %c0_i32 = arith.constant 0 : i32
    %c0_i32_0 = arith.constant 0 : i32
    return %arg0, %c0_i32 : i32, i32
  }
  func.func @transform_1(%arg0: i32) -> (i32, i32) {
    %c0_i32 = arith.constant 0 : i32
    %c0_i32_0 = arith.constant 0 : i32
    return %arg0, %c0_i32 : i32, i32
  }
  func.func @transform_2(%arg0: i32) -> (i32, i32) {
    %c0_i32 = arith.constant 0 : i32
    %c0_i32_0 = arith.constant 0 : i32
    %c0_i32_1 = arith.constant 0 : i32
    return %c0_i32, %c0_i32_0 : i32, i32
  }
  func.func @transform_3(%arg0: i32) -> (i32, i32) {
    %c0_i32 = arith.constant 0 : i32
    %c0_i32_0 = arith.constant 0 : i32
    %c0_i32_1 = arith.constant 0 : i32
    return %c0_i32, %c0_i32_0 : i32, i32
  }
  func.func @transform_4(%arg0: i32) -> (i32, i32) {
    %c0_i32 = arith.constant 0 : i32
    %c0_i32_0 = arith.constant 0 : i32
    %c0_i32_1 = arith.constant 0 : i32
    return %c0_i32, %c0_i32_0 : i32, i32
  }
  func.func @transform_5(%arg0: i32) -> (i32, i32) {
    %c0_i32 = arith.constant 0 : i32
    %c0_i32_0 = arith.constant 0 : i32
    %c0_i32_1 = arith.constant 0 : i32
    return %c0_i32, %c0_i32_0 : i32, i32
  }
  func.func @transform_6(%arg0: i32) -> (i32, i32) {
    %c0_i32 = arith.constant 0 : i32
    %c0_i32_0 = arith.constant 0 : i32
    %c0_i32_1 = arith.constant 0 : i32
    return %c0_i32, %c0_i32_0 : i32, i32
  }
  func.func @transform_7(%arg0: i32) -> (i32, i32) {
    %c0_i32 = arith.constant 0 : i32
    %c0_i32_0 = arith.constant 0 : i32
    %c0_i32_1 = arith.constant 0 : i32
    return %c0_i32, %c0_i32_0 : i32, i32
  }
  func.func @transform_8(%arg0: i32) -> (i32, i32) {
    %c0_i32 = arith.constant 0 : i32
    %c0_i32_0 = arith.constant 0 : i32
    %c0_i32_1 = arith.constant 0 : i32
    return %c0_i32, %c0_i32_0 : i32, i32
  }
  func.func @transform_9(%arg0: i32) -> (i32, i32) {
    %c0_i32 = arith.constant 0 : i32
    %c0_i32_0 = arith.constant 0 : i32
    %c0_i32_1 = arith.constant 0 : i32
    return %c0_i32, %c0_i32_0 : i32, i32
  }
  func.func @transform_10(%arg0: i32) -> (i32, i32) {
    %c0_i32 = arith.constant 0 : i32
    %c0_i32_0 = arith.constant 0 : i32
    %c0_i32_1 = arith.constant 0 : i32
    return %c0_i32, %c0_i32_0 : i32, i32
  }
  func.func @transform_11(%arg0: i32) -> (i32, i32) {
    %c0_i32 = arith.constant 0 : i32
    %c0_i32_0 = arith.constant 0 : i32
    %c0_i32_1 = arith.constant 0 : i32
    return %c0_i32, %c0_i32_0 : i32, i32
  }
  func.func @transform_12(%arg0: i32) -> (i32, i32) {
    %c0_i32 = arith.constant 0 : i32
    %c0_i32_0 = arith.constant 0 : i32
    return %arg0, %c0_i32 : i32, i32
  }
}

</mosaic_0001>

<sc_bundles>
// kernel: gather_offload_async_start.1
scs
__scs_entry_jumppad:
0x0: {  	(pc) =	sbr.rel $0x88, $3  }
0x1: {  	(tag) =	ssettag $0x0;
	lr =	simm.s32 $0x1  }
0x2: {  	[smem:$0x3F85] =	sst lr;
	_ =	strace $0xD0000000  }
0x3: {  	_ = 	snop  }
0x4: {  	_ = 	snop  }
0x5: {  	_ = 	snop  }
0x6: {  	_ = 	snop  }
0x7: {  	_ = 	snop  }
__scs_overlays_trampoline_lowered:
0x8: {  	[smem:$0x3F94] =	sst s0  }
0x9: {  	[smem:$0x3F95] =	sst s1  }
0xa: {  	[smem:$0x3F96] =	sst s2  }
0xb: {  	[smem:$0x3F97] =	sst s3  }
0xc: {  	[smem:$0x3F98] =	sst s4  }
0xd: {  	[smem:$0x3F99] =	sst s5  }
0xe: {  	[smem:$0x3F9A] =	sst s6  }
0xf: {  	[smem:$0x3F9B] =	sst s7  }
0x10: {  	[smem:$0x3F9C] =	sst s8  }
0x11: {  	[smem:$0x3F9D] =	sst s9;
	s0 =	simm.s32 @!p0 $0x0  }
0x12: {  	s1 =	sld [smem:$0x3F83];
	s0 =	simm.s32 @p0 $0x1  }
0x13: {  	[smem:$0x3F9E] =	sst s0;
	s0 =	simm.s32 @!p1 $0x0  }
0x14: {  	s2 =	sld [smem:$0x3F82];
	s0 =	simm.s32 @p1 $0x1  }
0x15: {  	[smem:$0x3F9F] =	sst s0;
	s0 =	simm.s32 @!p2 $0x0  }
0x16: {  	s3 =	sld [smem:$0x3FDB];
	s0 =	simm.s32 @p2 $0x1  }
0x17: {  	s4 =	simm.s32 $0x1BF5;
	[smem:$0x3FA1] =	sst s0  }
0x18: {  	s0 =	sld [smem:$0x3F84];
	_ =	swait.ge [sflag:s4], $0x0  }
0x19: {  	s7 =	sld [smem:$0x3F85]  }
0x1a: {  	s8 =	sadd.s32 $0xFFFFE003, lr  }
0x1b: {  	s9 =	sadd.s32 $0xFFFFFEF7, lr;
	s5 =	simm.s32 $0xFFFFFFFF;
	p2 =	slt.u32 s8, $0xFFFFF086  }
0x1c: {  	p1 =	slt.u32 s9, $0xF7A;
	s5 =	simm.s32 @!p2 $0x0  }
0x1d: {  	s5 =	simm.s32 @p1 $0x1;
	p0 =	seq.s32 s7, s2  }
0x1e: {  	s7 =	smul.u32 @!p0 $0xF7A, s2;
	p2 =	seq.s32 @!p0 s5, $0x0  }
0x1f: {  	s9 =	smul.u32 $0xF7A, s1;
	s8 =	simm.s32 @!p0 $0x1BF5;
	p2 =	por !p2, p0  }
0x20: {  	[sflag:s8] =	ssyncset.s32 @!p0 $0xFFFFF086;
	s6 =	sadd.s32 @!p0 s3, s7;
	s7 =	simm.s32 @!p0 $0x108  }
0x21: {  	s3 =	sadd.s32 s3, s9;
	s6 =	sadd.s32 @!p0 $0x88, s6;
	s7 =	simm.s32 @p2 $0x1082  }
0x22: {  	[simem:s7], [sflag:s8] =	dma.local @!p0 [hbm:s6], $0xF7A  }
0x23: {  	s9 =	sor.u32 $0xD0000000, s2;
	s6 =	simm.s32 $0x108;
	_ =	swait.ge @!p0 [sflag:s8], $0x0  }
0x24: {  	s3 =	sadd.s32 $0x88, s3;
	s6 =	simm.s32 @!p1 $0x1082;
	[sflag:s4] =	ssyncset.s32 $0xFFFFF086  }
0x25: {  	[simem:s6], [sflag:s4] =	dma.local [hbm:s3], $0xF7A  }
0x26: {  	[smem:$0x3F85] =	sst s1;
	(tag) =	ssettag s2;
	_ =	strace s9  }
0x27: {  	s1 =	sld [smem:$0x3F95]  }
0x28: {  	s2 =	sld [smem:$0x3F96]  }
0x29: {  	s4 =	sld [smem:$0x3F98]  }
0x2a: {  	p0 =	seq.s32 s5, $0x0;
	s5 =	sld [smem:$0x3F99]  }
0x2b: {  	s6 =	sld [smem:$0x3F9A]  }
0x2c: {  	s7 =	sld [smem:$0x3F9B]  }
0x2d: {  	s3 =	simm.s32 $0x108;
	s8 =	sld [smem:$0x3F9C]  }
0x2e: {  	s3 =	simm.s32 @!p0 $0x1082;
	s9 =	sld [smem:$0x3F9D]  }
0x2f: {  	lr =	sadd.s32 s0, s3;
	s0 =	sld [smem:$0x3F94]  }
0x30: {  	s3 =	sld [smem:$0x3F97]  }
0x31: {  	[smem:$0x3FA0] =	sst s10  }
0x32: {  	s10 =	sld [smem:$0x3F9E];
	_ =	sdelay $0x3  }
0x33: {  	p0 =	seq.s32 s10, $0x1;
	s10 =	sld [smem:$0x3FA0];
	_ =	sdelay $0x3  }
0x34: {  	[smem:$0x3FA0] =	sst s10  }
0x35: {  	s10 =	sld [smem:$0x3F9F];
	_ =	sdelay $0x3  }
0x36: {  	p1 =	seq.s32 s10, $0x1;
	s10 =	sld [smem:$0x3FA0];
	_ =	sdelay $0x3  }
0x37: {  	[smem:$0x3FA0] =	sst s10  }
0x38: {  	s10 =	sld [smem:$0x3FA1]  }
0x39: {  	_ = 	snop;
	(pc) =	sbr.ind lr, $3  }
0x3a: {  	_ = 	snop  }
0x3b: {  	_ = 	snop  }
0x3c: {  	p2 =	seq.s32 s10, $0x1;
	s10 =	sld [smem:$0x3FA0]  }
0x3d: {  	_ =	shalt  }
0x3e: {  	_ =	shalt  }
0x3f: {  	_ =	shalt  }
0x40: {  	_ =	shalt  }
0x41: {  	_ =	shalt  }
0x42: {  	_ =	shalt  }
0x43: {  	_ =	shalt  }
0x44: {  	_ =	shalt  }
0x45: {  	_ =	shalt  }
0x46: {  	_ =	shalt  }
0x47: {  	_ =	shalt  }
0x48: {  	_ =	shalt  }
0x49: {  	_ =	shalt  }
0x4a: {  	_ =	shalt  }
0x4b: {  	_ =	shalt  }
0x4c: {  	_ =	shalt  }
0x4d: {  	_ =	shalt  }
0x4e: {  	_ =	shalt  }
0x4f: {  	_ =	shalt  }
0x50: {  	_ =	shalt  }
0x51: {  	_ =	shalt  }
0x52: {  	_ =	shalt  }
0x53: {  	_ =	shalt  }
0x54: {  	_ =	shalt  }
0x55: {  	_ =	shalt  }
0x56: {  	_ =	shalt  }
0x57: {  	_ =	shalt  }
0x58: {  	_ =	shalt  }
0x59: {  	_ =	shalt  }
0x5a: {  	_ =	shalt  }
0x5b: {  	_ =	shalt  }
0x5c: {  	_ =	shalt  }
0x5d: {  	_ =	shalt  }
0x5e: {  	_ =	shalt  }
0x5f: {  	_ =	shalt  }
0x60: {  	_ =	shalt  }
0x61: {  	_ =	shalt  }
0x62: {  	_ =	shalt  }
0x63: {  	_ =	shalt  }
0x64: {  	_ =	shalt  }
0x65: {  	_ =	shalt  }
0x66: {  	_ =	shalt  }
0x67: {  	_ =	shalt  }
0x68: {  	_ =	shalt  }
0x69: {  	_ =	shalt  }
0x6a: {  	_ =	shalt  }
0x6b: {  	_ =	shalt  }
0x6c: {  	_ =	shalt  }
0x6d: {  	_ =	shalt  }
0x6e: {  	_ =	shalt  }
0x6f: {  	_ =	shalt  }
0x70: {  	_ =	shalt  }
0x71: {  	_ =	shalt  }
0x72: {  	_ =	shalt  }
0x73: {  	_ =	shalt  }
0x74: {  	_ =	shalt  }
0x75: {  	_ =	shalt  }
0x76: {  	_ =	shalt  }
0x77: {  	_ =	shalt  }
0x78: {  	_ =	shalt  }
0x79: {  	_ =	shalt  }
0x7a: {  	_ =	shalt  }
0x7b: {  	_ =	shalt  }
0x7c: {  	_ =	shalt  }
0x7d: {  	_ =	shalt  }
0x7e: {  	_ =	shalt  }
0x7f: {  	_ =	shalt  }
0x80: {  	_ =	shalt  }
0x81: {  	_ =	shalt  }
0x82: {  	_ =	shalt  }
0x83: {  	_ =	shalt  }
0x84: {  	_ =	shalt  }
0x85: {  	_ =	shalt  }
0x86: {  	_ =	shalt  }
0x87: {  	_ =	shalt  }
.Lfunc_end0:
.L_simem_size_0:
called_computation.1_lowered:
.L_overlay_start_0:
0x88: {  	s2 =	sld [smem:$0x3FD9]  }
0x89: {  	s3 =	sld [smem:$0x3FFE];
	_ =	sdelay $0x1  }
0x8a: {  	s1 =	srdreg.scid  }
0x8b: {  	s0 =	sand.u32 $0x1, s1  }
0x8c: {  	s17 =	sshll.u32 s0, $0xA;
	s2 =	sadd.s32 s3, s2  }
0x8d: {  	s2 =	sadd.s32 s2, s17  }
0x8e: {  	[smem:$0x3FAC] =	sst s2  }
0x8f: {  	_ = 	snop  }
0x90: {  	s18 =	sld [smem:$0x3FC8];
	(tm) =	ssettm $0x1  }
0x91: {  	s19 =	sld [smem:$0x3FFB];
	_ =	sdelay $0x3  }
0x92: {  	_ =	strace s19  }
0x93: {  	s2 =	sld [smem:$0x3FFC];
	_ =	sdelay $0x3  }
0x94: {  	_ =	strace s2  }
0x95: {  	s2 =	sld [smem:$0x3FFD];
	_ =	sdelay $0x3  }
0x96: {  	_ =	strace s2  }
0x97: {  	_ =	strace $0x8FFFFFFF  }
0x98: {  	s20 =	sld [smem:$0x3FDB];
	_ =	sdelay $0x1  }
0x99: {  	s4 =	simm.s32 $_scs_section_size  }
0x9a: {  	s5 =	simm.s32 $_size__tile_overlayer_lowered;
	s6 =	simm.s32 $_tile_overlayer_lowered  }
0x9b: {  	s7 =	simm.s32 $0x1BFF;
	s21 =	sshll.u32 s6, $0x1;
	s4 =	sadd.s32 s4, s20  }
0x9c: {  	s22 =	simm.s32 $0x0;
	s5 =	sshll.u32 s5, $0x1;
	s6 =	sadd.s32 s21, s4  }
0x9d: {  	[timem:s22], [sflag:s7] =	dma.local [hbm:s6], s5  }
0x9e: {  	_ =	swait.ge [sflag:s7], s5  }
0x9f: {  	s5 =	ssub.s32 $0x0, s5;
	[sflag:s7] =	ssyncset.done $0x0  }
0xa0: {  	[sflag:s7] =	ssyncadd.s32 s5;
	_ =	sdelay $0x1  }
0xa1: {  	s23 =	simm.s32 $0x1B8B  }
0xa2: {  	_ =	swait.ge [sflag:s23], $0x1  }
0xa3: {  	[sflag:s23] =	ssyncset.done $0x0  }
0xa4: {  	[sflag:s23] =	ssyncadd.s32 $0xFFFFFFFF  }
0xa5: {  	s5 =	sld [smem:$0x0]  }
0xa6: {  	s6 =	sand.u32 $0xFFFFFFFE, s1  }
0xa7: {  	p0 =	sne.s32 s1, s6  }
0xa8: {  	s6 =	sshll.u32 @p0 s6, $0xE  }
0xa9: {  	s6 =	sadd.s32 @p0 $0x11B8D, s6;
	s7 =	sshll.u32 @p0 s5, $0x11  }
0xaa: {  	s6 =	sor.u32 @p0 s7, s6  }
0xab: {  	[sflag:s6] =	ssyncadd.remote.s32 @p0 $0x1;
	_ =	sdelay $0x1  }
0xac: {  	s6 =	simm.s32 @p0 $0x1B8D  }
0xad: {  	_ =	swait.eq @p0 [sflag:s6], $0x1  }
0xae: {  	[sflag:s6] =	ssyncadd.s32 @p0 $0xFFFFFFFF  }
0xaf: {  	s7 =	sshll.u32 @!p0 s1, $0xE  }
0xb0: {  	s7 =	sor.u32 @!p0 $0x4000, s7;
	s6 =	simm.s32 @!p0 $0x1B8D  }
0xb1: {  	s5 =	sshll.u32 @!p0 s5, $0x11;
	s7 =	sadd.s32 @!p0 $0x11B8D, s7;
	_ =	swait.eq @!p0 [sflag:s6], $0x1  }
0xb2: {  	s5 =	sor.u32 @!p0 s5, s7;
	[sflag:s6] =	ssyncadd.s32 @!p0 $0xFFFFFFFF  }
0xb3: {  	s25 =	simm.s32 $0x1B8E;
	s24 =	sld [smem:$0x3FFE];
	[sflag:s5] =	ssyncadd.remote.s32 @!p0 $0x1  }
0xb4: {  	s26 =	simm.s32 $execute0_lowered;
	[smem:$0x3FD2] =	sst s25  }
0xb5: {  	s6 =	sshll.u32 s26, $0x1;
	_ =	strace $0x80000049;
	[dreg:$0x1] =	wrdreg $0xFFFFFFFF  }
0xb6: {  	s28 =	simm.s32 $_size_execute0_lowered;
	s4 =	sadd.s32 s4, s6;
	[dreg:$0x0] =	wrdreg $0x0  }
0xb7: {  	s6 =	sshll.u32 s28, $0x1;
	[dreg:$0x2] =	wrdreg s4  }
0xb8: {  	[dreg:$0x3] =	wrdreg s6  }
0xb9: {  	[dreg:$0x4] =	wrdreg $0xC0  }
0xba: {  	_ =	task [dreg:s22], $0x5FFFF  }
0xbb: {  	[dreg:$0x1] =	wrdreg $0xFFFFFFFF  }
0xbc: {  	[dreg:$0x0] =	wrdreg $0x60  }
0xbd: {  	[dreg:$0x2] =	wrdreg s18  }
0xbe: {  	[dreg:$0x3] =	wrdreg s24  }
0xbf: {  	[dreg:$0x4] =	wrdreg $0xA  }
0xc0: {  	_ =	task.clear_ibuf [dreg:s22], $0x5FFFF;
	_ =	strace $0x90000049  }
0xc1: {  	s29 =	simm.s32 $0xA;
	_ =	strace $0x8000004B  }
0xc2: {  	_ =	swait.ge [sflag:s29], $0x1  }
0xc3: {  	[sflag:s29] =	ssyncadd.s32 $0xFFFFFFFF  }
0xc4: {  	_ =	strace $0x9000004B  }
0xc5: {  	_ =	sfence  }
0xc6: {  	s30 =	sld [smem:$0x0];
	_ =	sdelay $0x2  }
0xc7: {  	s31 =	sshll.u32 s1, $0xD;
	s1 =	sshrl.u32 s1, $0x2  }
0xc8: {  	s4 =	sand.u32 $0x4000, s31;
	s1 =	sadd.s32 s1, s30  }
0xc9: {  	s0 =	sor.u32 s4, s0;
	s1 =	sshll.u32 s1, $0x11  }
0xca: {  	s0 =	sor.u32 s1, s0  }
0xcb: {  	s0 =	sadd.s32 $0x8F2B, s0  }
0xcc: {  	[sflag:s0] =	ssyncadd.remote.s32 $0x1  }
0xcd: {  	_ =	sfence.sel $0xFFFF  }
0xce: {  	[dreg:$0x0] =	wrdreg $0xFFFFFFFF;
	(pc) =	sbr.abs _section_cstart, $3  }
0xcf: {  	[dreg:$0x1] =	wrdreg $0xFFFFFFFF  }
0xd0: {  	_ =	task.clear_ibuf [dreg:s22], $0x2FFFF;
	_ =	strace $0x9FFFFFFF  }
0xd1: {  	(tm) =	ssettm $0x7FFFFFFF  }
tec
execute0_lowered:
.L_overlay_start_1:
0x0: {  	(tag) =	ssettag $0x1  }
0x1: {  	s2 =	rddreg [dreg:$0x0]  }
0x2: {  	s8 =	rddreg [dreg:$0x1]  }
0x3: {  	s0 =	rddreg [dreg:$0x2];
	s1 =	stileid.u32  }
0x4: {  	s3 =	srdreg.scid;
	_ =	strace $0x8000004A;
	s4 =	simm.s32 $0x1  }
0x5: {  	s7 =	simm.s32 $0x1;
	s9 =	simm.s32 $0x1;
	s10 =	simm.s32 $0x3  }
0x6: {  	s13 =	simm.s32 $0x0;
	s5 =	sand.u32 $0x1, s3;
	s6 =	sshll.u32 s1, $0x1  }
0x7: {  	s12 =	simm.s32 $0x0;
	s3 =	sadd.s32 $0x5E00, s8;
	s5 =	sor.u32 s6, s5  }
.Ltmp0:
0x8: {  	[sflag:s4] =	ssyncpa.u1 $0x0;
	p0 =	slt.u32 s5, $0x9;
	(pc) =	sbr.rel .LBB2_1-.Ltmp0, $4  }
0x9: {  	s6 =	simm.s32 $0x2;
	s7 =	simm.s32 @!p0 $0x0;
	p0 =	sne.s32 s5, $0x8  }
0xa: {  	[sflag:s6] =	ssyncpa.u1 $0x0;
	s5 =	smul.u32 $0x780, s5;
	s9 =	simm.s32 @!p0 $0x0  }
0xb: {  	s8 =	sadd.s32 $0xC2000, s8;
	[sflag:s10] =	ssyncpa.u1 $0x0;
	s7 =	sadd.s32 s9, s7  }
0xc: {  	vm0 =	vmmov $0xffff;
	s10 =	simm.s32 $0x0;
	s11 =	smov.u32 s5;
	s9 =	sadd.s32 $0x1, s7  }
.LBB2_4:
0xd: {  	vm1 =	veq.s32 v0, $0x80000000;
	v63 =	vand.u32 $0xFF, v0;
	v2 =	vand.u32 $0x7FFF, v2  }
0xe: {  	v0 =	vsel vm1, $0xFFFFFFFF, v63;
	v2 =	vsel vm1, $0xFFFFFFFF, v2  }
0xf: {  	v3 =	vshll.u32 v2, $0x8;
	v4 =	vshll.u32 v0, $0x3  }
0x10: {  	v2 =	vshll.u32 v2, $0x7;
	v3 =	vand.u32 $0xFFFFF800, v3;
	v4 =	vand.u32 $0xFFFFFC00, v4  }
0x11: {  	v2 =	vand.u32 $0x380, v2;
	v3 =	vadd.s32 v4, v3  }
0x12: {  	v0 =	vand.u32 $0x7F, v0;
	v2 =	vor.u32 v2, v3  }
0x13: {  	v0 =	vor.u32 v0, v2;
	_ =	sdelay $0x1  }
0x14: {  	(ifvalue) =	ssetifvalue $0x7FFFFFFF;
	s15 =	sadd.s32 $0x10, s15  }
0x15: {  	[tilespmem:s15], [sflag:$0x1] =	stream.indirect_vreg.gather [hbm4b:s2+s10], $0x1, v1, vm0, $0x4038;
	[tilespmem:$0x1E00] =	vst v63  }
0x16: {  	(ifvalue) =	ssetifvalue $0x7FFFFFFF;
	s15 =	sadd.s32 $0x10, s15  }
0x17: {  	[tilespmem:s15], [sflag:$0x1] =	stream.indirect_vreg.gather [hbm4b:s2+s10], $0x1, v0, vm0, $0x4038;
	[tilespmem:$0x1E00] =	vst v63  }
0x18: {  	_ =	swait.ge [sflag:s4], $0x780  }
0x19: {  	s30 =	sshrl.u32 s13, $0x3;
	[sflag:s4] =	ssyncset.done $0x0  }
0x1a: {  	s31 =	sand.u32 $0x7, s13;
	s15 =	sadd.s32 s8, s30;
	[sflag:s4] =	ssyncadd.s32 $0xFFFFF880  }
0x1b: {  	[hbm4b:s15+s31] =	stream.linear.scatter [tilespmem:s14], [sflag:$0x3], $0x780, $0x38;
	[tilespmem:$0x1E00] =	vst v63  }
.LBB2_5:
0x1c: {  	s15 =	sadd.s32 $0xF000, s11  }
0x1d: {  	p1 =	sgt.s32 s15, $0x12BFF  }
0x1e: {  	s15 =	smov.u32 @p1 s5;
	p1 =	sne.s32 s12, s9  }
.Ltmp1:
0x1f: {  	p0 =	slt.u32 s12, $0x2;
	(pc) =	sbr.rel @!p1 .LBB2_6-.Ltmp1, $4  }
0x20: {  	s14 =	simm.s32 @!p0 $0x3  }
0x21: {  	_ =	swait.ge @!p0 [sflag:s14], $0x780  }
0x22: {  	s16 =	sadd.s32 $0x1, s12;
	s13 =	smov.u32 s11;
	[sflag:s14] =	ssyncset.done @!p0 $0x0  }
0x23: {  	s12 =	smov.u32 s16;
	s11 =	smov.u32 s15;
	[sflag:s14] =	ssyncadd.s32 @!p0 $0xFFFFF880  }
.LBB2_1:
0x24: {  	p0 =	sge.u32 s12, s7  }
0x25: {  	s14 =	sxor.u32 @!p0 $0x1, s12  }
0x26: {  	s14 =	smul.u32 @!p0 $0x1E00, s14  }
0x27: {  	s31 =	sadd.s32 $0xFFFFFFFF, s12;
	s15 =	sshrl.u32 @!p0 s11, $0x3  }
0x28: {  	s16 =	sand.u32 @!p0 $0x7, s11;
	s15 =	sadd.s32 @!p0 s3, s15;
	s14 =	sshra.s32 @!p0 s14, $0x2  }
0x29: {  	[tilespmem:s14], [sflag:$0x2] =	stream.linear.gather @!p0 [hbm4b:s15+s16], $0x780, $0x38;
	[tilespmem:$0x1E00] =	vst v63  }
0x2a: {  	p0 =	sge.u32 s31, s7  }
.Ltmp2:
0x2b: {  	_ = 	snop;
	(pc) =	sbr.rel @p0 .LBB2_5-.Ltmp2, $1  }
0x2c: {  	_ =	sdelay $0x3  }
0x2d: {  	s14 =	sand.u32 $0x1, s12  }
0x2e: {  	_ =	swait.ge [sflag:s6], $0x780;
	p0 =	seq.s32 s14, $0x1;
	s14 =	simm.s32 $0x780  }
0x2f: {  	[sflag:s6] =	ssyncset.done $0x0;
	s14 =	simm.s32 @!p0 $0x0  }
0x30: {  	[sflag:s6] =	ssyncadd.s32 $0xFFFFF880;
	(ifvalue) =	ssetifvalue $0x7FFFFFFF;
	v0 =	vld.msk [tilespmem:s14+$0x0 ss:$0x1], $0xffff;
	_ =	sdelay $0x4  }
0x31: {  	s15 =	sadd.s32 $0x10, s14;
	v1 =	vshrl.u32 v0, $0x8  }
0x32: {  	v2 =	vld.msk [tilespmem:s15+$0x0 ss:$0x1], $0xffff;
	vm1 =	veq.s32 v0, $0x80000000;
	v0 =	vand.u32 $0xFF, v0;
	v1 =	vand.u32 $0x7FFF, v1  }
0x33: {  	v0 =	vsel vm1, $0xFFFFFFFF, v0;
	v1 =	vsel vm1, $0xFFFFFFFF, v1  }
0x34: {  	v4 =	vshll.u32 v0, $0x3;
	v3 =	vshll.u32 v1, $0x8  }
0x35: {  	v4 =	vand.u32 $0xFFFFFC00, v4;
	v1 =	vshll.u32 v1, $0x7;
	v3 =	vand.u32 $0xFFFFF800, v3  }
0x36: {  	v0 =	vand.u32 $0x7F, v0;
	v1 =	vand.u32 $0x380, v1;
	v3 =	vadd.s32 v4, v3  }
0x37: {  	vm1 =	veq.s32 v2, $0x80000000;
	v1 =	vor.u32 v1, v3;
	v3 =	vshrl.u32 v2, $0x8  }
0x38: {  	s15 =	sadd.s32 $0x10, s15;
	v2 =	vand.u32 $0xFF, v2;
	v1 =	vor.u32 v0, v1;
	v3 =	vand.u32 $0x7FFF, v3  }
0x39: {  	v0 =	vld.msk [tilespmem:s15+$0x0 ss:$0x1], $0xffff;
	v2 =	vsel vm1, $0xFFFFFFFF, v2;
	v3 =	vsel vm1, $0xFFFFFFFF, v3  }
0x3a: {  	v5 =	vshll.u32 v2, $0x3;
	v63 =	vshll.u32 v3, $0x8  }
0x3b: {  	v5 =	vand.u32 $0xFFFFFC00, v5;
	v3 =	vshll.u32 v3, $0x7;
	v4 =	vand.u32 $0xFFFFF800, v63  }
0x3c: {  	s14 =	sadd.s32 $0xF00, s14;
	(ifvalue) =	ssetifvalue $0x7FFFFFFF;
	v3 =	vand.u32 $0x380, v3;
	v4 =	vadd.s32 v5, v4  }
0x3d: {  	[tilespmem:s14], [sflag:$0x1] =	stream.indirect_vreg.gather [hbm4b:s2+s10], $0x1, v1, vm0, $0x4038;
	v1 =	vand.u32 $0x7F, v2;
	v3 =	vor.u32 v3, v4;
	[tilespmem:$0x1E00] =	vst v63  }
0x3e: {  	s16 =	simm.s32 $0x20;
	s17 =	sadd.s32 $0x10, s15;
	s15 =	smov.u32 s14;
	v2 =	vshrl.u32 v0, $0x8;
	v1 =	vor.u32 v1, v3  }
.LBB2_3:
0x3f: {  	s16 =	sadd.s32 $0x10, s16;
	vm1 =	veq.s32 v0, $0x80000000;
	v3 =	vand.u32 $0xFF, v0;
	v0 =	vld.msk [tilespmem:s17+$0x0 ss:$0x1], $0xffff;
	v2 =	vand.u32 $0x7FFF, v2  }
0x40: {  	p0 =	slt.u32 s16, $0x770;
	v3 =	vsel vm1, $0xFFFFFFFF, v3;
	v2 =	vsel vm1, $0xFFFFFFFF, v2  }
.Ltmp3:
0x41: {  	v4 =	vshll.u32 v2, $0x8;
	v5 =	vshll.u32 v3, $0x3;
	(pc) =	sbr.rel @p0 .LBB2_3-.Ltmp3, $4  }
0x42: {  	s15 =	sadd.s32 $0x10, s15;
	v2 =	vshll.u32 v2, $0x7;
	v4 =	vand.u32 $0xFFFFF800, v4;
	v5 =	vand.u32 $0xFFFFFC00, v5;
	(ifvalue) =	ssetifvalue $0x7FFFFFFF  }
0x43: {  	v2 =	vand.u32 $0x380, v2;
	v4 =	vadd.s32 v5, v4;
	[tilespmem:s15], [sflag:$0x1] =	stream.indirect_vreg.gather [hbm4b:s2+s10], $0x1, v1, vm0, $0x4038;
	[tilespmem:$0x1E00] =	vst v63  }
0x44: {  	v1 =	vand.u32 $0x7F, v3;
	v3 =	vor.u32 v2, v4  }
0x45: {  	s17 =	sadd.s32 $0x10, s17;
	v2 =	vshrl.u32 v0, $0x8;
	v1 =	vor.u32 v1, v3  }
.Ltmp4:
0x46: {  	_ = 	snop;
	(pc) =	sbr.rel .LBB2_4-.Ltmp4, $1  }
0x47: {  	_ =	sdelay $0x3  }
.LBB2_6:
0x48: {  	_ =	sfence.sel $0x180000  }
0x49: {  	s2 =	simm.s32 $0x2;
	[bflag:$0x0] =	sbarrier.arrive $0xFFFF  }
0x4a: {  	s30 =	simm.s32 $0x3;
	[sflag:s2] =	ssyncpa.u1 $0x1  }
0x4b: {  	s31 =	simm.s32 $0x1;
	[sflag:s30] =	ssyncpa.u1 $0x1  }
0x4c: {  	[sflag:s31] =	ssyncpa.u1 $0x1  }
0x4d: {  	p0 =	sne.s32 s1, $0x0;
	_ =	strace $0x9000004A  }
0x4e: {  	s0 =	sadd.s32 @!p0 $0x100000, s0;
	[bflag:$0x2] =	sbarrier.arrive $0xFFFF  }
0x4f: {  	[sflag:s0] =	ssyncadd.tile.s32 @!p0 $0x1;
	_ =	shalt  }
.Lfunc_end2:
_tile_overlayer_lowered:
.L_overlay_start_2:
0x50: {  	(tag) =	ssettag $0x2  }
0x51: {  	s0 =	rddreg [dreg:$0x0];
	s2 =	stileid.u32  }
0x52: {  	s1 =	rddreg [dreg:$0x1];
	p0 =	sne.s32 s2, $0x0  }
0x53: {  	s3 =	rddreg [dreg:$0x2];
	[bflag:$0x3] =	sbarrier.arrive $0xFFFF;
	s2 =	simm.s32 @!p0 $0x1C01  }
0x54: {  	[timem:s3], [sflag:s2] =	dma.local @!p0 [hbm:s0], s1  }
0x55: {  	s0 =	simm.s32 @!p0 $0x1  }
0x56: {  	_ =	swait.ge @!p0 [sflag:s0], s1  }
0x57: {  	s1 =	ssub.s32 @!p0 $0x0, s1;
	[sflag:s0] =	ssyncset.done @!p0 $0x0  }
0x58: {  	[sflag:s0] =	ssyncadd.s32 @!p0 s1  }
0x59: {  	[bflag:$0x3] =	sbarrier.arrive $0xFFFF  }
0x5a: {  	_ =	shalt  }

// kernel: gather_offload_async_start
scs
__scs_entry_jumppad:
0x0: {  	(pc) =	sbr.rel $0x88, $3  }
0x1: {  	(tag) =	ssettag $0x0;
	lr =	simm.s32 $0x1  }
0x2: {  	[smem:$0x3F85] =	sst lr;
	_ =	strace $0xD0000000  }
0x3: {  	_ = 	snop  }
0x4: {  	_ = 	snop  }
0x5: {  	_ = 	snop  }
0x6: {  	_ = 	snop  }
0x7: {  	_ = 	snop  }
__scs_overlays_trampoline_lowered:
0x8: {  	[smem:$0x3F94] =	sst s0  }
0x9: {  	[smem:$0x3F95] =	sst s1  }
0xa: {  	[smem:$0x3F96] =	sst s2  }
0xb: {  	[smem:$0x3F97] =	sst s3  }
0xc: {  	[smem:$0x3F98] =	sst s4  }
0xd: {  	[smem:$0x3F99] =	sst s5  }
0xe: {  	[smem:$0x3F9A] =	sst s6  }
0xf: {  	[smem:$0x3F9B] =	sst s7  }
0x10: {  	[smem:$0x3F9C] =	sst s8  }
0x11: {  	[smem:$0x3F9D] =	sst s9;
	s0 =	simm.s32 @!p0 $0x0  }
0x12: {  	s1 =	sld [smem:$0x3F83];
	s0 =	simm.s32 @p0 $0x1  }
0x13: {  	[smem:$0x3F9E] =	sst s0;
	s0 =	simm.s32 @!p1 $0x0  }
0x14: {  	s2 =	sld [smem:$0x3F82];
	s0 =	simm.s32 @p1 $0x1  }
0x15: {  	[smem:$0x3F9F] =	sst s0;
	s0 =	simm.s32 @!p2 $0x0  }
0x16: {  	s3 =	sld [smem:$0x3FDB];
	s0 =	simm.s32 @p2 $0x1  }
0x17: {  	s4 =	simm.s32 $0x1BF5;
	[smem:$0x3FA1] =	sst s0  }
0x18: {  	s0 =	sld [smem:$0x3F84];
	_ =	swait.ge [sflag:s4], $0x0  }
0x19: {  	s7 =	sld [smem:$0x3F85]  }
0x1a: {  	s8 =	sadd.s32 $0xFFFFE003, lr  }
0x1b: {  	s9 =	sadd.s32 $0xFFFFFEF7, lr;
	s5 =	simm.s32 $0xFFFFFFFF;
	p2 =	slt.u32 s8, $0xFFFFF086  }
0x1c: {  	p1 =	slt.u32 s9, $0xF7A;
	s5 =	simm.s32 @!p2 $0x0  }
0x1d: {  	s5 =	simm.s32 @p1 $0x1;
	p0 =	seq.s32 s7, s2  }
0x1e: {  	s7 =	smul.u32 @!p0 $0xF7A, s2;
	p2 =	seq.s32 @!p0 s5, $0x0  }
0x1f: {  	s9 =	smul.u32 $0xF7A, s1;
	s8 =	simm.s32 @!p0 $0x1BF5;
	p2 =	por !p2, p0  }
0x20: {  	[sflag:s8] =	ssyncset.s32 @!p0 $0xFFFFF086;
	s6 =	sadd.s32 @!p0 s3, s7;
	s7 =	simm.s32 @!p0 $0x108  }
0x21: {  	s3 =	sadd.s32 s3, s9;
	s6 =	sadd.s32 @!p0 $0x88, s6;
	s7 =	simm.s32 @p2 $0x1082  }
0x22: {  	[simem:s7], [sflag:s8] =	dma.local @!p0 [hbm:s6], $0xF7A  }
0x23: {  	s9 =	sor.u32 $0xD0000000, s2;
	s6 =	simm.s32 $0x108;
	_ =	swait.ge @!p0 [sflag:s8], $0x0  }
0x24: {  	s3 =	sadd.s32 $0x88, s3;
	s6 =	simm.s32 @!p1 $0x1082;
	[sflag:s4] =	ssyncset.s32 $0xFFFFF086  }
0x25: {  	[simem:s6], [sflag:s4] =	dma.local [hbm:s3], $0xF7A  }
0x26: {  	[smem:$0x3F85] =	sst s1;
	(tag) =	ssettag s2;
	_ =	strace s9  }
0x27: {  	s1 =	sld [smem:$0x3F95]  }
0x28: {  	s2 =	sld [smem:$0x3F96]  }
0x29: {  	s4 =	sld [smem:$0x3F98]  }
0x2a: {  	p0 =	seq.s32 s5, $0x0;
	s5 =	sld [smem:$0x3F99]  }
0x2b: {  	s6 =	sld [smem:$0x3F9A]  }
0x2c: {  	s7 =	sld [smem:$0x3F9B]  }
0x2d: {  	s3 =	simm.s32 $0x108;
	s8 =	sld [smem:$0x3F9C]  }
0x2e: {  	s3 =	simm.s32 @!p0 $0x1082;
	s9 =	sld [smem:$0x3F9D]  }
0x2f: {  	lr =	sadd.s32 s0, s3;
	s0 =	sld [smem:$0x3F94]  }
0x30: {  	s3 =	sld [smem:$0x3F97]  }
0x31: {  	[smem:$0x3FA0] =	sst s10  }
0x32: {  	s10 =	sld [smem:$0x3F9E];
	_ =	sdelay $0x3  }
0x33: {  	p0 =	seq.s32 s10, $0x1;
	s10 =	sld [smem:$0x3FA0];
	_ =	sdelay $0x3  }
0x34: {  	[smem:$0x3FA0] =	sst s10  }
0x35: {  	s10 =	sld [smem:$0x3F9F];
	_ =	sdelay $0x3  }
0x36: {  	p1 =	seq.s32 s10, $0x1;
	s10 =	sld [smem:$0x3FA0];
	_ =	sdelay $0x3  }
0x37: {  	[smem:$0x3FA0] =	sst s10  }
0x38: {  	s10 =	sld [smem:$0x3FA1]  }
0x39: {  	_ = 	snop;
	(pc) =	sbr.ind lr, $3  }
0x3a: {  	_ = 	snop  }
0x3b: {  	_ = 	snop  }
0x3c: {  	p2 =	seq.s32 s10, $0x1;
	s10 =	sld [smem:$0x3FA0]  }
0x3d: {  	_ =	shalt  }
0x3e: {  	_ =	shalt  }
0x3f: {  	_ =	shalt  }
0x40: {  	_ =	shalt  }
0x41: {  	_ =	shalt  }
0x42: {  	_ =	shalt  }
0x43: {  	_ =	shalt  }
0x44: {  	_ =	shalt  }
0x45: {  	_ =	shalt  }
0x46: {  	_ =	shalt  }
0x47: {  	_ =	shalt  }
0x48: {  	_ =	shalt  }
0x49: {  	_ =	shalt  }
0x4a: {  	_ =	shalt  }
0x4b: {  	_ =	shalt  }
0x4c: {  	_ =	shalt  }
0x4d: {  	_ =	shalt  }
0x4e: {  	_ =	shalt  }
0x4f: {  	_ =	shalt  }
0x50: {  	_ =	shalt  }
0x51: {  	_ =	shalt  }
0x52: {  	_ =	shalt  }
0x53: {  	_ =	shalt  }
0x54: {  	_ =	shalt  }
0x55: {  	_ =	shalt  }
0x56: {  	_ =	shalt  }
0x57: {  	_ =	shalt  }
0x58: {  	_ =	shalt  }
0x59: {  	_ =	shalt  }
0x5a: {  	_ =	shalt  }
0x5b: {  	_ =	shalt  }
0x5c: {  	_ =	shalt  }
0x5d: {  	_ =	shalt  }
0x5e: {  	_ =	shalt  }
0x5f: {  	_ =	shalt  }
0x60: {  	_ =	shalt  }
0x61: {  	_ =	shalt  }
0x62: {  	_ =	shalt  }
0x63: {  	_ =	shalt  }
0x64: {  	_ =	shalt  }
0x65: {  	_ =	shalt  }
0x66: {  	_ =	shalt  }
0x67: {  	_ =	shalt  }
0x68: {  	_ =	shalt  }
0x69: {  	_ =	shalt  }
0x6a: {  	_ =	shalt  }
0x6b: {  	_ =	shalt  }
0x6c: {  	_ =	shalt  }
0x6d: {  	_ =	shalt  }
0x6e: {  	_ =	shalt  }
0x6f: {  	_ =	shalt  }
0x70: {  	_ =	shalt  }
0x71: {  	_ =	shalt  }
0x72: {  	_ =	shalt  }
0x73: {  	_ =	shalt  }
0x74: {  	_ =	shalt  }
0x75: {  	_ =	shalt  }
0x76: {  	_ =	shalt  }
0x77: {  	_ =	shalt  }
0x78: {  	_ =	shalt  }
0x79: {  	_ =	shalt  }
0x7a: {  	_ =	shalt  }
0x7b: {  	_ =	shalt  }
0x7c: {  	_ =	shalt  }
0x7d: {  	_ =	shalt  }
0x7e: {  	_ =	shalt  }
0x7f: {  	_ =	shalt  }
0x80: {  	_ =	shalt  }
0x81: {  	_ =	shalt  }
0x82: {  	_ =	shalt  }
0x83: {  	_ =	shalt  }
0x84: {  	_ =	shalt  }
0x85: {  	_ =	shalt  }
0x86: {  	_ =	shalt  }
0x87: {  	_ =	shalt  }
.Lfunc_end0:
.L_simem_size_0:
called_computation_lowered:
.L_overlay_start_0:
0x88: {  	s2 =	sld [smem:$0x3FD9]  }
0x89: {  	s3 =	sld [smem:$0x3FFE];
	_ =	sdelay $0x1  }
0x8a: {  	s1 =	srdreg.scid  }
0x8b: {  	s0 =	sand.u32 $0x1, s1  }
0x8c: {  	s17 =	sshll.u32 s0, $0xA;
	s2 =	sadd.s32 s3, s2  }
0x8d: {  	s2 =	sadd.s32 s2, s17  }
0x8e: {  	[smem:$0x3FAC] =	sst s2  }
0x8f: {  	_ = 	snop  }
0x90: {  	s2 =	sld [smem:$0x3FD0];
	(tm) =	ssettm $0x1  }
0x91: {  	s18 =	sld [smem:$0x3FFB];
	_ =	sdelay $0x3  }
0x92: {  	_ =	strace s18  }
0x93: {  	s3 =	sld [smem:$0x3FFC];
	_ =	sdelay $0x3  }
0x94: {  	_ =	strace s3  }
0x95: {  	s3 =	sld [smem:$0x3FFD];
	_ =	sdelay $0x3  }
0x96: {  	_ =	strace s3  }
0x97: {  	_ =	strace $0x8FFFFFFF  }
0x98: {  	s19 =	sld [smem:$0x3FDB];
	_ =	sdelay $0x1  }
0x99: {  	s4 =	simm.s32 $_scs_section_size  }
0x9a: {  	s5 =	simm.s32 $_size__tile_overlayer_lowered;
	s6 =	simm.s32 $_tile_overlayer_lowered  }
0x9b: {  	s22 =	simm.s32 $0x1BFF;
	s21 =	sshll.u32 s6, $0x1;
	s3 =	sadd.s32 s4, s19  }
0x9c: {  	s7 =	simm.s32 $0x0;
	s20 =	sshll.u32 s5, $0x1;
	s5 =	sadd.s32 s21, s3  }
0x9d: {  	[timem:s7], [sflag:s22] =	dma.local [hbm:s5], s20  }
0x9e: {  	_ =	swait.ge [sflag:s22], s20  }
0x9f: {  	s4 =	ssub.s32 $0x0, s20;
	[sflag:s22] =	ssyncset.done $0x0  }
0xa0: {  	[sflag:s22] =	ssyncadd.s32 s4;
	_ =	sdelay $0x1  }
0xa1: {  	s23 =	simm.s32 $0x1B8B  }
0xa2: {  	_ =	swait.ge [sflag:s23], $0x1  }
0xa3: {  	[sflag:s23] =	ssyncset.done $0x0  }
0xa4: {  	s25 =	simm.s32 $0x1B8E;
	s24 =	sld [smem:$0x3FFE];
	[sflag:s23] =	ssyncadd.s32 $0xFFFFFFFF  }
0xa5: {  	s26 =	simm.s32 $execute0_lowered;
	[smem:$0x3FD2] =	sst s25  }
0xa6: {  	s5 =	sshll.u32 s26, $0x1;
	_ =	strace $0x80000046;
	[dreg:$0x1] =	wrdreg $0xFFFFFFFF  }
0xa7: {  	s28 =	simm.s32 $_size_execute0_lowered;
	s3 =	sadd.s32 s3, s5;
	[dreg:$0x0] =	wrdreg $0x0  }
0xa8: {  	s5 =	sshll.u32 s28, $0x1;
	[dreg:$0x2] =	wrdreg s3  }
0xa9: {  	[dreg:$0x3] =	wrdreg s5  }
0xaa: {  	[dreg:$0x4] =	wrdreg $0xC0  }
0xab: {  	_ =	task [dreg:s7], $0x5FFFF  }
0xac: {  	[dreg:$0x1] =	wrdreg $0xFFFFFFFF  }
0xad: {  	[dreg:$0x0] =	wrdreg $0x60  }
0xae: {  	[dreg:$0x2] =	wrdreg s2  }
0xaf: {  	[dreg:$0x3] =	wrdreg s24  }
0xb0: {  	[dreg:$0x4] =	wrdreg $0x9  }
0xb1: {  	_ =	task.clear_ibuf [dreg:s7], $0x5FFFF;
	_ =	strace $0x90000046  }
0xb2: {  	s29 =	simm.s32 $0x9;
	_ =	strace $0x80000048  }
0xb3: {  	_ =	swait.ge [sflag:s29], $0x1  }
0xb4: {  	[sflag:s29] =	ssyncadd.s32 $0xFFFFFFFF  }
0xb5: {  	_ =	strace $0x90000048  }
0xb6: {  	_ =	sfence  }
0xb7: {  	s30 =	sld [smem:$0x0];
	_ =	sdelay $0x2  }
0xb8: {  	s31 =	sshll.u32 s1, $0xD;
	s1 =	sshrl.u32 s1, $0x2  }
0xb9: {  	s3 =	sand.u32 $0x4000, s31;
	s1 =	sadd.s32 s1, s30  }
0xba: {  	s0 =	sor.u32 s3, s0;
	s1 =	sshll.u32 s1, $0x11  }
0xbb: {  	s0 =	sor.u32 s1, s0  }
0xbc: {  	s0 =	sadd.s32 $0x8F2B, s0  }
0xbd: {  	[sflag:s0] =	ssyncadd.remote.s32 $0x1  }
0xbe: {  	_ =	sfence.sel $0xFFFF  }
0xbf: {  	[dreg:$0x0] =	wrdreg $0xFFFFFFFF;
	(pc) =	sbr.abs _section_cstart, $3  }
0xc0: {  	[dreg:$0x1] =	wrdreg $0xFFFFFFFF  }
0xc1: {  	_ =	task.clear_ibuf [dreg:s7], $0x2FFFF;
	_ =	strace $0x9FFFFFFF  }
0xc2: {  	(tm) =	ssettm $0x7FFFFFFF  }
0xc3: {  	_ =	shalt  }
tec
execute0_lowered:
.L_overlay_start_1:
0x0: {  	(tag) =	ssettag $0x1  }
0x1: {  	s2 =	rddreg [dreg:$0x0]  }
0x2: {  	s8 =	rddreg [dreg:$0x1]  }
0x3: {  	s0 =	rddreg [dreg:$0x2];
	s1 =	stileid.u32  }
0x4: {  	s3 =	srdreg.scid;
	_ =	strace $0x80000047;
	s4 =	simm.s32 $0x1  }
0x5: {  	s7 =	simm.s32 $0x1;
	s9 =	simm.s32 $0x1;
	s10 =	simm.s32 $0x3  }
0x6: {  	s13 =	simm.s32 $0x0;
	s5 =	sand.u32 $0x1, s3;
	s6 =	sshll.u32 s1, $0x1  }
0x7: {  	s12 =	simm.s32 $0x0;
	s3 =	sadd.s32 $0x5E00, s8;
	s5 =	sor.u32 s6, s5  }
.Ltmp0:
0x8: {  	[sflag:s4] =	ssyncpa.u1 $0x0;
	p0 =	slt.u32 s5, $0x9;
	(pc) =	sbr.rel .LBB2_1-.Ltmp0, $4  }
0x9: {  	s6 =	simm.s32 $0x2;
	s7 =	simm.s32 @!p0 $0x0;
	p0 =	sne.s32 s5, $0x8  }
0xa: {  	[sflag:s6] =	ssyncpa.u1 $0x0;
	s5 =	smul.u32 $0x780, s5;
	s9 =	simm.s32 @!p0 $0x0  }
0xb: {  	s8 =	sadd.s32 $0xBFA00, s8;
	[sflag:s10] =	ssyncpa.u1 $0x0;
	s7 =	sadd.s32 s9, s7  }
0xc: {  	vm0 =	vmmov $0xffff;
	s10 =	simm.s32 $0x0;
	s11 =	smov.u32 s5;
	s9 =	sadd.s32 $0x1, s7  }
.LBB2_4:
0xd: {  	vm1 =	veq.s32 v0, $0x80000000;
	v63 =	vand.u32 $0xFF, v0;
	v2 =	vand.u32 $0x7FFF, v2  }
0xe: {  	v0 =	vsel vm1, $0xFFFFFFFF, v63;
	v2 =	vsel vm1, $0xFFFFFFFF, v2  }
0xf: {  	v3 =	vshll.u32 v2, $0x8;
	v4 =	vshll.u32 v0, $0x3  }
0x10: {  	v2 =	vshll.u32 v2, $0x7;
	v3 =	vand.u32 $0xFFFFF800, v3;
	v4 =	vand.u32 $0xFFFFFC00, v4  }
0x11: {  	v2 =	vand.u32 $0x380, v2;
	v3 =	vadd.s32 v4, v3  }
0x12: {  	v0 =	vand.u32 $0x7F, v0;
	v2 =	vor.u32 v2, v3  }
0x13: {  	v0 =	vor.u32 v0, v2;
	_ =	sdelay $0x1  }
0x14: {  	(ifvalue) =	ssetifvalue $0x7FFFFFFF;
	s15 =	sadd.s32 $0x10, s15  }
0x15: {  	[tilespmem:s15], [sflag:$0x1] =	stream.indirect_vreg.gather [hbm4b:s2+s10], $0x1, v1, vm0, $0x4038;
	[tilespmem:$0x1E00] =	vst v63  }
0x16: {  	(ifvalue) =	ssetifvalue $0x7FFFFFFF;
	s15 =	sadd.s32 $0x10, s15  }
0x17: {  	[tilespmem:s15], [sflag:$0x1] =	stream.indirect_vreg.gather [hbm4b:s2+s10], $0x1, v0, vm0, $0x4038;
	[tilespmem:$0x1E00] =	vst v63  }
0x18: {  	_ =	swait.ge [sflag:s4], $0x780  }
0x19: {  	s30 =	sshrl.u32 s13, $0x3;
	[sflag:s4] =	ssyncset.done $0x0  }
0x1a: {  	s31 =	sand.u32 $0x7, s13;
	s15 =	sadd.s32 s8, s30;
	[sflag:s4] =	ssyncadd.s32 $0xFFFFF880  }
0x1b: {  	[hbm4b:s15+s31] =	stream.linear.scatter [tilespmem:s14], [sflag:$0x3], $0x780, $0x38;
	[tilespmem:$0x1E00] =	vst v63  }
.LBB2_5:
0x1c: {  	s15 =	sadd.s32 $0xF000, s11  }
0x1d: {  	p1 =	sgt.s32 s15, $0x12BFF  }
0x1e: {  	s15 =	smov.u32 @p1 s5;
	p1 =	sne.s32 s12, s9  }
.Ltmp1:
0x1f: {  	p0 =	slt.u32 s12, $0x2;
	(pc) =	sbr.rel @!p1 .LBB2_6-.Ltmp1, $4  }
0x20: {  	s14 =	simm.s32 @!p0 $0x3  }
0x21: {  	_ =	swait.ge @!p0 [sflag:s14], $0x780  }
0x22: {  	s16 =	sadd.s32 $0x1, s12;
	s13 =	smov.u32 s11;
	[sflag:s14] =	ssyncset.done @!p0 $0x0  }
0x23: {  	s12 =	smov.u32 s16;
	s11 =	smov.u32 s15;
	[sflag:s14] =	ssyncadd.s32 @!p0 $0xFFFFF880  }
.LBB2_1:
0x24: {  	p0 =	sge.u32 s12, s7  }
0x25: {  	s14 =	sxor.u32 @!p0 $0x1, s12  }
0x26: {  	s14 =	smul.u32 @!p0 $0x1E00, s14  }
0x27: {  	s31 =	sadd.s32 $0xFFFFFFFF, s12;
	s15 =	sshrl.u32 @!p0 s11, $0x3  }
0x28: {  	s16 =	sand.u32 @!p0 $0x7, s11;
	s15 =	sadd.s32 @!p0 s3, s15;
	s14 =	sshra.s32 @!p0 s14, $0x2  }
0x29: {  	[tilespmem:s14], [sflag:$0x2] =	stream.linear.gather @!p0 [hbm4b:s15+s16], $0x780, $0x38;
	[tilespmem:$0x1E00] =	vst v63  }
0x2a: {  	p0 =	sge.u32 s31, s7  }
.Ltmp2:
0x2b: {  	_ = 	snop;
	(pc) =	sbr.rel @p0 .LBB2_5-.Ltmp2, $1  }
0x2c: {  	_ =	sdelay $0x3  }
0x2d: {  	s14 =	sand.u32 $0x1, s12  }
0x2e: {  	_ =	swait.ge [sflag:s6], $0x780;
	p0 =	seq.s32 s14, $0x1;
	s14 =	simm.s32 $0x780  }
0x2f: {  	[sflag:s6] =	ssyncset.done $0x0;
	s14 =	simm.s32 @!p0 $0x0  }
0x30: {  	[sflag:s6] =	ssyncadd.s32 $0xFFFFF880;
	(ifvalue) =	ssetifvalue $0x7FFFFFFF;
	v0 =	vld.msk [tilespmem:s14+$0x0 ss:$0x1], $0xffff;
	_ =	sdelay $0x4  }
0x31: {  	s15 =	sadd.s32 $0x10, s14;
	v1 =	vshrl.u32 v0, $0x8  }
0x32: {  	v2 =	vld.msk [tilespmem:s15+$0x0 ss:$0x1], $0xffff;
	vm1 =	veq.s32 v0, $0x80000000;
	v0 =	vand.u32 $0xFF, v0;
	v1 =	vand.u32 $0x7FFF, v1  }
0x33: {  	v0 =	vsel vm1, $0xFFFFFFFF, v0;
	v1 =	vsel vm1, $0xFFFFFFFF, v1  }
0x34: {  	v4 =	vshll.u32 v0, $0x3;
	v3 =	vshll.u32 v1, $0x8  }
0x35: {  	v4 =	vand.u32 $0xFFFFFC00, v4;
	v1 =	vshll.u32 v1, $0x7;
	v3 =	vand.u32 $0xFFFFF800, v3  }
0x36: {  	v0 =	vand.u32 $0x7F, v0;
	v1 =	vand.u32 $0x380, v1;
	v3 =	vadd.s32 v4, v3  }
0x37: {  	vm1 =	veq.s32 v2, $0x80000000;
	v1 =	vor.u32 v1, v3;
	v3 =	vshrl.u32 v2, $0x8  }
0x38: {  	s15 =	sadd.s32 $0x10, s15;
	v2 =	vand.u32 $0xFF, v2;
	v1 =	vor.u32 v0, v1;
	v3 =	vand.u32 $0x7FFF, v3  }
0x39: {  	v0 =	vld.msk [tilespmem:s15+$0x0 ss:$0x1], $0xffff;
	v2 =	vsel vm1, $0xFFFFFFFF, v2;
	v3 =	vsel vm1, $0xFFFFFFFF, v3  }
0x3a: {  	v5 =	vshll.u32 v2, $0x3;
	v63 =	vshll.u32 v3, $0x8  }
0x3b: {  	v5 =	vand.u32 $0xFFFFFC00, v5;
	v3 =	vshll.u32 v3, $0x7;
	v4 =	vand.u32 $0xFFFFF800, v63  }
0x3c: {  	s14 =	sadd.s32 $0xF00, s14;
	(ifvalue) =	ssetifvalue $0x7FFFFFFF;
	v3 =	vand.u32 $0x380, v3;
	v4 =	vadd.s32 v5, v4  }
0x3d: {  	[tilespmem:s14], [sflag:$0x1] =	stream.indirect_vreg.gather [hbm4b:s2+s10], $0x1, v1, vm0, $0x4038;
	v1 =	vand.u32 $0x7F, v2;
	v3 =	vor.u32 v3, v4;
	[tilespmem:$0x1E00] =	vst v63  }
0x3e: {  	s16 =	simm.s32 $0x20;
	s17 =	sadd.s32 $0x10, s15;
	s15 =	smov.u32 s14;
	v2 =	vshrl.u32 v0, $0x8;
	v1 =	vor.u32 v1, v3  }
.LBB2_3:
0x3f: {  	s16 =	sadd.s32 $0x10, s16;
	vm1 =	veq.s32 v0, $0x80000000;
	v3 =	vand.u32 $0xFF, v0;
	v0 =	vld.msk [tilespmem:s17+$0x0 ss:$0x1], $0xffff;
	v2 =	vand.u32 $0x7FFF, v2  }
0x40: {  	p0 =	slt.u32 s16, $0x770;
	v3 =	vsel vm1, $0xFFFFFFFF, v3;
	v2 =	vsel vm1, $0xFFFFFFFF, v2  }
.Ltmp3:
0x41: {  	v4 =	vshll.u32 v2, $0x8;
	v5 =	vshll.u32 v3, $0x3;
	(pc) =	sbr.rel @p0 .LBB2_3-.Ltmp3, $4  }
0x42: {  	s15 =	sadd.s32 $0x10, s15;
	v2 =	vshll.u32 v2, $0x7;
	v4 =	vand.u32 $0xFFFFF800, v4;
	v5 =	vand.u32 $0xFFFFFC00, v5;
	(ifvalue) =	ssetifvalue $0x7FFFFFFF  }
0x43: {  	v2 =	vand.u32 $0x380, v2;
	v4 =	vadd.s32 v5, v4;
	[tilespmem:s15], [sflag:$0x1] =	stream.indirect_vreg.gather [hbm4b:s2+s10], $0x1, v1, vm0, $0x4038;
	[tilespmem:$0x1E00] =	vst v63  }
0x44: {  	v1 =	vand.u32 $0x7F, v3;
	v3 =	vor.u32 v2, v4  }
0x45: {  	s17 =	sadd.s32 $0x10, s17;
	v2 =	vshrl.u32 v0, $0x8;
	v1 =	vor.u32 v1, v3  }
.Ltmp4:
0x46: {  	_ = 	snop;
	(pc) =	sbr.rel .LBB2_4-.Ltmp4, $1  }
0x47: {  	_ =	sdelay $0x3  }
.LBB2_6:
0x48: {  	_ =	sfence.sel $0x180000  }
0x49: {  	s2 =	simm.s32 $0x2;
	[bflag:$0x0] =	sbarrier.arrive $0xFFFF  }
0x4a: {  	s30 =	simm.s32 $0x3;
	[sflag:s2] =	ssyncpa.u1 $0x1  }
0x4b: {  	s31 =	simm.s32 $0x1;
	[sflag:s30] =	ssyncpa.u1 $0x1  }
0x4c: {  	[sflag:s31] =	ssyncpa.u1 $0x1  }
0x4d: {  	p0 =	sne.s32 s1, $0x0;
	_ =	strace $0x90000047  }
0x4e: {  	s0 =	sadd.s32 @!p0 $0x100000, s0;
	[bflag:$0x2] =	sbarrier.arrive $0xFFFF  }
0x4f: {  	[sflag:s0] =	ssyncadd.tile.s32 @!p0 $0x1;
	_ =	shalt  }
.Lfunc_end2:
_tile_overlayer_lowered:
.L_overlay_start_2:
0x50: {  	(tag) =	ssettag $0x2  }
0x51: {  	s0 =	rddreg [dreg:$0x0];
	s2 =	stileid.u32  }
0x52: {  	s1 =	rddreg [dreg:$0x1];
	p0 =	sne.s32 s2, $0x0  }
0x53: {  	s3 =	rddreg [dreg:$0x2];
	[bflag:$0x3] =	sbarrier.arrive $0xFFFF;
	s2 =	simm.s32 @!p0 $0x1C01  }
0x54: {  	[timem:s3], [sflag:s2] =	dma.local @!p0 [hbm:s0], s1  }
0x55: {  	s0 =	simm.s32 @!p0 $0x1  }
0x56: {  	_ =	swait.ge @!p0 [sflag:s0], s1  }
0x57: {  	s1 =	ssub.s32 @!p0 $0x0, s1;
	[sflag:s0] =	ssyncset.done @!p0 $0x0  }
0x58: {  	[sflag:s0] =	ssyncadd.s32 @!p0 s1  }
0x59: {  	[bflag:$0x3] =	sbarrier.arrive $0xFFFF  }
0x5a: {  	_ =	shalt  }

// kernel: kernel.6.cloned.1.call-start
scs
__scs_entry_jumppad:
0x0: {  	(pc) =	sbr.rel $0x88, $3  }
0x1: {  	(tag) =	ssettag $0x0;
	lr =	simm.s32 $0x1  }
0x2: {  	[smem:$0x3F85] =	sst lr;
	_ =	strace $0xD0000000  }
0x3: {  	_ = 	snop  }
0x4: {  	_ = 	snop  }
0x5: {  	_ = 	snop  }
0x6: {  	_ = 	snop  }
0x7: {  	_ = 	snop  }
__scs_overlays_trampoline_lowered:
0x8: {  	[smem:$0x3F94] =	sst s0  }
0x9: {  	[smem:$0x3F95] =	sst s1  }
0xa: {  	[smem:$0x3F96] =	sst s2  }
0xb: {  	[smem:$0x3F97] =	sst s3  }
0xc: {  	[smem:$0x3F98] =	sst s4  }
0xd: {  	[smem:$0x3F99] =	sst s5  }
0xe: {  	[smem:$0x3F9A] =	sst s6  }
0xf: {  	[smem:$0x3F9B] =	sst s7  }
0x10: {  	[smem:$0x3F9C] =	sst s8  }
0x11: {  	[smem:$0x3F9D] =	sst s9;
	s0 =	simm.s32 @!p0 $0x0  }
0x12: {  	s1 =	sld [smem:$0x3F83];
	s0 =	simm.s32 @p0 $0x1  }
0x13: {  	[smem:$0x3F9E] =	sst s0;
	s0 =	simm.s32 @!p1 $0x0  }
0x14: {  	s2 =	sld [smem:$0x3F82];
	s0 =	simm.s32 @p1 $0x1  }
0x15: {  	[smem:$0x3F9F] =	sst s0;
	s0 =	simm.s32 @!p2 $0x0  }
0x16: {  	s3 =	sld [smem:$0x3FDB];
	s0 =	simm.s32 @p2 $0x1  }
0x17: {  	s4 =	simm.s32 $0x1BF5;
	[smem:$0x3FA1] =	sst s0  }
0x18: {  	s0 =	sld [smem:$0x3F84];
	_ =	swait.ge [sflag:s4], $0x0  }
0x19: {  	s7 =	sld [smem:$0x3F85]  }
0x1a: {  	s8 =	sadd.s32 $0xFFFFE003, lr  }
0x1b: {  	s9 =	sadd.s32 $0xFFFFFEF7, lr;
	s5 =	simm.s32 $0xFFFFFFFF;
	p2 =	slt.u32 s8, $0xFFFFF086  }
0x1c: {  	p1 =	slt.u32 s9, $0xF7A;
	s5 =	simm.s32 @!p2 $0x0  }
0x1d: {  	s5 =	simm.s32 @p1 $0x1;
	p0 =	seq.s32 s7, s2  }
0x1e: {  	s7 =	smul.u32 @!p0 $0xF7A, s2;
	p2 =	seq.s32 @!p0 s5, $0x0  }
0x1f: {  	s9 =	smul.u32 $0xF7A, s1;
	s8 =	simm.s32 @!p0 $0x1BF5;
	p2 =	por !p2, p0  }
0x20: {  	[sflag:s8] =	ssyncset.s32 @!p0 $0xFFFFF086;
	s6 =	sadd.s32 @!p0 s3, s7;
	s7 =	simm.s32 @!p0 $0x108  }
0x21: {  	s3 =	sadd.s32 s3, s9;
	s6 =	sadd.s32 @!p0 $0x88, s6;
	s7 =	simm.s32 @p2 $0x1082  }
0x22: {  	[simem:s7], [sflag:s8] =	dma.local @!p0 [hbm:s6], $0xF7A  }
0x23: {  	s9 =	sor.u32 $0xD0000000, s2;
	s6 =	simm.s32 $0x108;
	_ =	swait.ge @!p0 [sflag:s8], $0x0  }
0x24: {  	s3 =	sadd.s32 $0x88, s3;
	s6 =	simm.s32 @!p1 $0x1082;
	[sflag:s4] =	ssyncset.s32 $0xFFFFF086  }
0x25: {  	[simem:s6], [sflag:s4] =	dma.local [hbm:s3], $0xF7A  }
0x26: {  	[smem:$0x3F85] =	sst s1;
	(tag) =	ssettag s2;
	_ =	strace s9  }
0x27: {  	s1 =	sld [smem:$0x3F95]  }
0x28: {  	s2 =	sld [smem:$0x3F96]  }
0x29: {  	s4 =	sld [smem:$0x3F98]  }
0x2a: {  	p0 =	seq.s32 s5, $0x0;
	s5 =	sld [smem:$0x3F99]  }
0x2b: {  	s6 =	sld [smem:$0x3F9A]  }
0x2c: {  	s7 =	sld [smem:$0x3F9B]  }
0x2d: {  	s3 =	simm.s32 $0x108;
	s8 =	sld [smem:$0x3F9C]  }
0x2e: {  	s3 =	simm.s32 @!p0 $0x1082;
	s9 =	sld [smem:$0x3F9D]  }
0x2f: {  	lr =	sadd.s32 s0, s3;
	s0 =	sld [smem:$0x3F94]  }
0x30: {  	s3 =	sld [smem:$0x3F97]  }
0x31: {  	[smem:$0x3FA0] =	sst s10  }
0x32: {  	s10 =	sld [smem:$0x3F9E];
	_ =	sdelay $0x3  }
0x33: {  	p0 =	seq.s32 s10, $0x1;
	s10 =	sld [smem:$0x3FA0];
	_ =	sdelay $0x3  }
0x34: {  	[smem:$0x3FA0] =	sst s10  }
0x35: {  	s10 =	sld [smem:$0x3F9F];
	_ =	sdelay $0x3  }
0x36: {  	p1 =	seq.s32 s10, $0x1;
	s10 =	sld [smem:$0x3FA0];
	_ =	sdelay $0x3  }
0x37: {  	[smem:$0x3FA0] =	sst s10  }
0x38: {  	s10 =	sld [smem:$0x3FA1]  }
0x39: {  	_ = 	snop;
	(pc) =	sbr.ind lr, $3  }
0x3a: {  	_ = 	snop  }
0x3b: {  	_ = 	snop  }
0x3c: {  	p2 =	seq.s32 s10, $0x1;
	s10 =	sld [smem:$0x3FA0]  }
0x3d: {  	_ =	shalt  }
0x3e: {  	_ =	shalt  }
0x3f: {  	_ =	shalt  }
0x40: {  	_ =	shalt  }
0x41: {  	_ =	shalt  }
0x42: {  	_ =	shalt  }
0x43: {  	_ =	shalt  }
0x44: {  	_ =	shalt  }
0x45: {  	_ =	shalt  }
0x46: {  	_ =	shalt  }
0x47: {  	_ =	shalt  }
0x48: {  	_ =	shalt  }
0x49: {  	_ =	shalt  }
0x4a: {  	_ =	shalt  }
0x4b: {  	_ =	shalt  }
0x4c: {  	_ =	shalt  }
0x4d: {  	_ =	shalt  }
0x4e: {  	_ =	shalt  }
0x4f: {  	_ =	shalt  }
0x50: {  	_ =	shalt  }
0x51: {  	_ =	shalt  }
0x52: {  	_ =	shalt  }
0x53: {  	_ =	shalt  }
0x54: {  	_ =	shalt  }
0x55: {  	_ =	shalt  }
0x56: {  	_ =	shalt  }
0x57: {  	_ =	shalt  }
0x58: {  	_ =	shalt  }
0x59: {  	_ =	shalt  }
0x5a: {  	_ =	shalt  }
0x5b: {  	_ =	shalt  }
0x5c: {  	_ =	shalt  }
0x5d: {  	_ =	shalt  }
0x5e: {  	_ =	shalt  }
0x5f: {  	_ =	shalt  }
0x60: {  	_ =	shalt  }
0x61: {  	_ =	shalt  }
0x62: {  	_ =	shalt  }
0x63: {  	_ =	shalt  }
0x64: {  	_ =	shalt  }
0x65: {  	_ =	shalt  }
0x66: {  	_ =	shalt  }
0x67: {  	_ =	shalt  }
0x68: {  	_ =	shalt  }
0x69: {  	_ =	shalt  }
0x6a: {  	_ =	shalt  }
0x6b: {  	_ =	shalt  }
0x6c: {  	_ =	shalt  }
0x6d: {  	_ =	shalt  }
0x6e: {  	_ =	shalt  }
0x6f: {  	_ =	shalt  }
0x70: {  	_ =	shalt  }
0x71: {  	_ =	shalt  }
0x72: {  	_ =	shalt  }
0x73: {  	_ =	shalt  }
0x74: {  	_ =	shalt  }
0x75: {  	_ =	shalt  }
0x76: {  	_ =	shalt  }
0x77: {  	_ =	shalt  }
0x78: {  	_ =	shalt  }
0x79: {  	_ =	shalt  }
0x7a: {  	_ =	shalt  }
0x7b: {  	_ =	shalt  }
0x7c: {  	_ =	shalt  }
0x7d: {  	_ =	shalt  }
0x7e: {  	_ =	shalt  }
0x7f: {  	_ =	shalt  }
0x80: {  	_ =	shalt  }
0x81: {  	_ =	shalt  }
0x82: {  	_ =	shalt  }
0x83: {  	_ =	shalt  }
0x84: {  	_ =	shalt  }
0x85: {  	_ =	shalt  }
0x86: {  	_ =	shalt  }
0x87: {  	_ =	shalt  }
.Lfunc_end0:
.L_simem_size_0:
called_computation.2_lowered:
.L_overlay_start_0:
0x88: {  	s2 =	sld [smem:$0x3FD9]  }
0x89: {  	s3 =	sld [smem:$0x3FFE];
	_ =	sdelay $0x1  }
0x8a: {  	s1 =	srdreg.scid  }
0x8b: {  	s0 =	sand.u32 $0x1, s1  }
0x8c: {  	s17 =	sshll.u32 s0, $0xA;
	s2 =	sadd.s32 s3, s2  }
0x8d: {  	s2 =	sadd.s32 s2, s17  }
0x8e: {  	[smem:$0x3FAC] =	sst s2  }
0x8f: {  	_ = 	snop  }
0x90: {  	s2 =	sld [smem:$0x3FD0];
	(tm) =	ssettm $0x1  }
0x91: {  	s18 =	sld [smem:$0x3FFB];
	_ =	sdelay $0x3  }
0x92: {  	_ =	strace s18  }
0x93: {  	s3 =	sld [smem:$0x3FFC];
	_ =	sdelay $0x3  }
0x94: {  	_ =	strace s3  }
0x95: {  	s3 =	sld [smem:$0x3FFD];
	_ =	sdelay $0x3  }
0x96: {  	_ =	strace s3  }
0x97: {  	_ =	strace $0x8FFFFFFF  }
0x98: {  	s19 =	sld [smem:$0x3FDB];
	_ =	sdelay $0x1  }
0x99: {  	s4 =	simm.s32 $_scs_section_size  }
0x9a: {  	s5 =	simm.s32 $_size__tile_overlayer_lowered;
	s6 =	simm.s32 $_tile_overlayer_lowered  }
0x9b: {  	s22 =	simm.s32 $0x1BFF;
	s21 =	sshll.u32 s6, $0x1;
	s3 =	sadd.s32 s4, s19  }
0x9c: {  	s7 =	simm.s32 $0x0;
	s20 =	sshll.u32 s5, $0x1;
	s5 =	sadd.s32 s21, s3  }
0x9d: {  	[timem:s7], [sflag:s22] =	dma.local [hbm:s5], s20  }
0x9e: {  	_ =	swait.ge [sflag:s22], s20  }
0x9f: {  	s4 =	ssub.s32 $0x0, s20;
	[sflag:s22] =	ssyncset.done $0x0  }
0xa0: {  	[sflag:s22] =	ssyncadd.s32 s4;
	_ =	sdelay $0x1  }
0xa1: {  	s23 =	simm.s32 $0x1B8B  }
0xa2: {  	_ =	swait.ge [sflag:s23], $0x1  }
0xa3: {  	[sflag:s23] =	ssyncset.done $0x0  }
0xa4: {  	s25 =	simm.s32 $0x1B8E;
	s24 =	sld [smem:$0x3FFE];
	[sflag:s23] =	ssyncadd.s32 $0xFFFFFFFF  }
0xa5: {  	s26 =	simm.s32 $execute0_lowered;
	[smem:$0x3FD2] =	sst s25  }
0xa6: {  	s5 =	sshll.u32 s26, $0x1;
	_ =	strace $0x8000004C;
	[dreg:$0x1] =	wrdreg $0xFFFFFFFF  }
0xa7: {  	s28 =	simm.s32 $_size_execute0_lowered;
	s3 =	sadd.s32 s3, s5;
	[dreg:$0x0] =	wrdreg $0x0  }
0xa8: {  	s5 =	sshll.u32 s28, $0x1;
	[dreg:$0x2] =	wrdreg s3  }
0xa9: {  	[dreg:$0x3] =	wrdreg s5  }
0xaa: {  	[dreg:$0x4] =	wrdreg $0xC0  }
0xab: {  	_ =	task [dreg:s7], $0x5FFFF  }
0xac: {  	[dreg:$0x1] =	wrdreg $0xFFFFFFFF  }
0xad: {  	[dreg:$0x0] =	wrdreg $0x60  }
0xae: {  	[dreg:$0x2] =	wrdreg s24  }
0xaf: {  	[dreg:$0x3] =	wrdreg s2  }
0xb0: {  	[dreg:$0x4] =	wrdreg $0x9  }
0xb1: {  	_ =	task.clear_ibuf [dreg:s7], $0x5FFFF;
	_ =	strace $0x9000004C  }
0xb2: {  	s29 =	simm.s32 $0x9;
	_ =	strace $0x8000004E  }
0xb3: {  	_ =	swait.ge [sflag:s29], $0x1  }
0xb4: {  	[sflag:s29] =	ssyncadd.s32 $0xFFFFFFFF  }
0xb5: {  	_ =	strace $0x9000004E  }
0xb6: {  	_ =	sfence  }
0xb7: {  	s30 =	sld [smem:$0x0];
	_ =	sdelay $0x2  }
0xb8: {  	s31 =	sshll.u32 s1, $0xD;
	s1 =	sshrl.u32 s1, $0x2  }
0xb9: {  	s3 =	sand.u32 $0x4000, s31;
	s1 =	sadd.s32 s1, s30  }
0xba: {  	s0 =	sor.u32 s3, s0;
	s1 =	sshll.u32 s1, $0x11  }
0xbb: {  	s0 =	sor.u32 s1, s0  }
0xbc: {  	s0 =	sadd.s32 $0x8F2B, s0  }
0xbd: {  	[sflag:s0] =	ssyncadd.remote.s32 $0x1  }
0xbe: {  	_ =	sfence.sel $0xFFFF  }
0xbf: {  	[dreg:$0x0] =	wrdreg $0xFFFFFFFF;
	(pc) =	sbr.abs _section_cstart, $3  }
0xc0: {  	[dreg:$0x1] =	wrdreg $0xFFFFFFFF  }
0xc1: {  	_ =	task.clear_ibuf [dreg:s7], $0x2FFFF;
	_ =	strace $0x9FFFFFFF  }
0xc2: {  	(tm) =	ssettm $0x7FFFFFFF  }
0xc3: {  	_ =	shalt  }
tec
execute0_lowered:
.L_overlay_start_1:
0x0: {  	(tag) =	ssettag $0x1  }
0x1: {  	s0 =	rddreg [dreg:$0x0]  }
0x2: {  	s1 =	srdreg.scid;
	s3 =	stileid.u32  }
0x3: {  	s2 =	simm.s32 $0x0;
	s1 =	sand.u32 $0x1, s1;
	s3 =	sshll.u32 s3, $0x1  }
0x4: {  	[smem:$0x7FF] =	sst s2;
	s4 =	sadd.s32 $0x3BCA00, s0;
	s3 =	sor.u32 s1, s3  }
0x5: {  	s5 =	sadd.s32 $0x5200, s0;
	s6 =	sadd.s32 $0x169A00, s0;
	s13 =	smul.u32 $0x2A80, s3  }
0x6: {  	s28 =	simm.s32 $0x100;
	s7 =	sadd.s32 $0x1BEA00, s0;
	s8 =	sadd.s32 $0x213A00, s0  }
0x7: {  	s9 =	sadd.s32 $0x268A00, s0;
	s10 =	sadd.s32 $0x2BDA00, s0;
	s21 =	sadd.s32 s5, s13  }
0x8: {  	_ =	strace $0x8000004D;
	s22 =	sadd.s32 s9, s13;
	[dreg:$0x3] =	wrdreg s21  }
0x9: {  	s11 =	sadd.s32 $0x312A00, s0;
	s23 =	sadd.s32 s6, s13;
	[dreg:$0x4] =	wrdreg s22  }
0xa: {  	s12 =	sadd.s32 $0x367A00, s0;
	s24 =	sadd.s32 s10, s13;
	[dreg:$0x5] =	wrdreg s23  }
0xb: {  	s1 =	ssub.s32 $0x2, s1;
	s25 =	sadd.s32 s7, s13;
	[dreg:$0x6] =	wrdreg s24  }
0xc: {  	s14 =	sshrl.u32 s1, $0x1;
	s26 =	sadd.s32 s11, s13;
	[dreg:$0x7] =	wrdreg s25  }
0xd: {  	s30 =	smul.u32 $0x15400, s3;
	s31 =	sadd.s32 s8, s13;
	[dreg:$0x8] =	wrdreg s26  }
0xe: {  	v0 =	vimm.s32 $0x0;
	s20 =	ssub.s32 s1, s14;
	s13 =	sadd.s32 s12, s13;
	[dreg:$0x9] =	wrdreg s31  }
0xf: {  	v1 =	vimm.s32 $0x1;
	v2 =	vimm.s32 $0x2;
	v3 =	vimm.s32 $0x3;
	s14 =	simm.s32 $0x8B00;
	s1 =	sor.u32 $0x200, s30;
	[dreg:$0xa] =	wrdreg s13  }
0x10: {  	v4 =	vimm.s32 $0x4;
	v5 =	vimm.s32 $0x5;
	v6 =	vimm.s32 $0x6;
	s29 =	smov.u32 s30;
	s0 =	smax.u32 s20, $0x1;
	[dreg:$0xb] =	wrdreg s1  }
0x11: {  	v7 =	vimm.s32 $0x7;
	v8 =	vimm.s32 $0x8;
	v9 =	vimm.s32 $0x9;
	s22 =	smul.u32 $0x2A800, s3;
	[dreg:$0xc] =	wrdreg s0;
	s25 =	simm.s32 $0x3  }
0x12: {  	v10 =	vimm.s32 $0xA;
	v11 =	vimm.s32 $0xB;
	v12 =	vimm.s32 $0xC;
	s26 =	simm.s32 $0x1;
	s3 =	simm.s32 $0x8900;
	s0 =	simm.s32 $0x8A00  }
0x13: {  	v13 =	vimm.s32 $0xD;
	v14 =	vimm.s32 $0xE;
	v15 =	vimm.s32 $0xF;
	s21 =	simm.s32 $0x11000;
	s24 =	simm.s32 $0x2;
	s13 =	simm.s32 $0x0  }
.LBB2_1:
0x14: {  	[dreg:$0xd] =	wrdreg s13  }
0x15: {  	s1 =	rddreg [dreg:$0x3]  }
0x16: {  	[tilespmem:s2], [sflag:$0x3] =	stream.linear.gather [hbm4b:s1+s2], $0x100, $0x38;
	[tilespmem:$0x11200] =	vst v63  }
0x17: {  	_ =	swait.ge [sflag:s25], $0x100  }
0x18: {  	[sflag:s25] =	ssyncset.done $0x0  }
0x19: {  	s17 =	simm.s32 $0x400;
	s16 =	rddreg [dreg:$0x4];
	[sflag:s25] =	ssyncadd.s32 $0xFFFFFF00  }
0x1a: {  	[tilespmem:s17], [sflag:$0x3] =	stream.linear.gather [hbm4b:s16+s2], $0x100, $0x38;
	[tilespmem:$0x11200] =	vst v63  }
0x1b: {  	_ =	swait.ge [sflag:s25], $0x100  }
0x1c: {  	[sflag:s25] =	ssyncset.done $0x0  }
0x1d: {  	s18 =	rddreg [dreg:$0x5];
	[sflag:s25] =	ssyncadd.s32 $0xFFFFFF00  }
0x1e: {  	[tilespmem:s28], [sflag:$0x3] =	stream.linear.gather [hbm4b:s18+s2], $0x100, $0x38;
	[tilespmem:$0x11200] =	vst v63  }
0x1f: {  	_ =	swait.ge [sflag:s25], $0x100  }
0x20: {  	[sflag:s25] =	ssyncset.done $0x0  }
0x21: {  	s20 =	simm.s32 $0x500;
	s19 =	rddreg [dreg:$0x6];
	[sflag:s25] =	ssyncadd.s32 $0xFFFFFF00  }
0x22: {  	[tilespmem:s20], [sflag:$0x3] =	stream.linear.gather [hbm4b:s19+s2], $0x100, $0x38;
	[tilespmem:$0x11200] =	vst v63  }
0x23: {  	_ =	swait.ge [sflag:s25], $0x100  }
0x24: {  	[sflag:s25] =	ssyncset.done $0x0  }
0x25: {  	s13 =	simm.s32 $0x200;
	s23 =	rddreg [dreg:$0x7];
	[sflag:s25] =	ssyncadd.s32 $0xFFFFFF00  }
0x26: {  	[tilespmem:s13], [sflag:$0x3] =	stream.linear.gather [hbm4b:s23+s2], $0x100, $0x38;
	[tilespmem:$0x11200] =	vst v63  }
0x27: {  	_ =	swait.ge [sflag:s25], $0x100  }
0x28: {  	[sflag:s25] =	ssyncset.done $0x0  }
0x29: {  	s15 =	simm.s32 $0x600;
	s30 =	rddreg [dreg:$0x8];
	[sflag:s25] =	ssyncadd.s32 $0xFFFFFF00  }
0x2a: {  	[tilespmem:s15], [sflag:$0x3] =	stream.linear.gather [hbm4b:s30+s2], $0x100, $0x38;
	[tilespmem:$0x11200] =	vst v63  }
0x2b: {  	_ =	swait.ge [sflag:s25], $0x100  }
0x2c: {  	[sflag:s25] =	ssyncset.done $0x0  }
0x2d: {  	s17 =	simm.s32 $0x300;
	s16 =	rddreg [dreg:$0x9];
	[sflag:s25] =	ssyncadd.s32 $0xFFFFFF00  }
0x2e: {  	[tilespmem:s17], [sflag:$0x3] =	stream.linear.gather [hbm4b:s16+s2], $0x100, $0x38;
	[tilespmem:$0x11200] =	vst v63  }
0x2f: {  	_ =	swait.ge [sflag:s25], $0x100  }
0x30: {  	[sflag:s25] =	ssyncset.done $0x0  }
0x31: {  	s16 =	simm.s32 $0x700;
	s18 =	rddreg [dreg:$0xa];
	[sflag:s25] =	ssyncadd.s32 $0xFFFFFF00  }
0x32: {  	[tilespmem:s16], [sflag:$0x3] =	stream.linear.gather [hbm4b:s18+s2], $0x100, $0x38;
	[tilespmem:$0x11200] =	vst v63  }
0x33: {  	_ =	swait.ge [sflag:s25], $0x100  }
0x34: {  	[sflag:s25] =	ssyncset.done $0x0  }
0x35: {  	s19 =	simm.s32 $0x800;
	[sflag:s25] =	ssyncadd.s32 $0xFFFFFF00  }
0x36: {  	[tilespmem:s19], [sflag:$0x1] =	stream.indirect.gather [hbm4b:s4+s28], $0x20, s2, s28, $0xb8;
	[tilespmem:$0x11200] =	vst v63  }
0x37: {  	s20 =	simm.s32 $0x2800  }
0x38: {  	[tilespmem:s20], [sflag:$0x1] =	stream.indirect.gather [hbm4b:s4+s28], $0x20, s28, s28, $0xb8;
	[tilespmem:$0x11200] =	vst v63  }
0x39: {  	s23 =	simm.s32 $0x4800  }
0x3a: {  	[tilespmem:s23], [sflag:$0x1] =	stream.indirect.gather [hbm4b:s4+s28], $0x20, s13, s28, $0xb8;
	[tilespmem:$0x11200] =	vst v63  }
0x3b: {  	s31 =	simm.s32 $0x0;
	s30 =	simm.s32 $0x6800  }
0x3c: {  	[tilespmem:s30], [sflag:$0x1] =	stream.indirect.gather [hbm4b:s4+s28], $0x20, s17, s28, $0xb8;
	[tilespmem:$0x11200] =	vst v63  }
.LBB2_2:
0x3d: {  	_ =	swait.ge [sflag:s26], $0x2000  }
0x3e: {  	[sflag:s26] =	ssyncset.done $0x0  }
0x3f: {  	[sflag:s26] =	ssyncadd.s32 $0xFFFFE000  }
0x40: {  	_ =	swait.ge [sflag:s26], $0x2000  }
0x41: {  	[sflag:s26] =	ssyncset.done $0x0  }
0x42: {  	[sflag:s26] =	ssyncadd.s32 $0xFFFFE000  }
0x43: {  	_ =	swait.ge [sflag:s26], $0x2000  }
0x44: {  	s30 =	sshllo.u32 s31, $0x1;
	[sflag:s26] =	ssyncset.done $0x0  }
0x45: {  	s1 =	sshll.u32 s30, $0x8;
	[sflag:s26] =	ssyncadd.s32 $0xFFFFE000  }
0x46: {  	s1 =	sadd.s32 s29, s1;
	_ =	swait.ge [sflag:s26], $0x2000  }
0x47: {  	s15 =	simm.s32 $0x0;
	s1 =	sshrl.u32 s1, $0x3;
	[sflag:s26] =	ssyncset.done $0x0  }
0x48: {  	s16 =	simm.s32 $0x8800;
	s13 =	sadd.s32 s5, s1;
	[sflag:s26] =	ssyncadd.s32 $0xFFFFE000  }
0x49: {  	[tilespmem:s16], [sflag:$0x3] =	stream.linear.gather [hbm4b:s13+s15], $0x100, $0x38;
	[tilespmem:$0x11200] =	vst v63  }
0x4a: {  	_ =	swait.ge [sflag:s25], $0x100  }
0x4b: {  	[sflag:s25] =	ssyncset.done $0x0  }
0x4c: {  	s17 =	simm.s32 $0x8C00;
	s23 =	sadd.s32 s9, s1;
	[sflag:s25] =	ssyncadd.s32 $0xFFFFFF00  }
0x4d: {  	[tilespmem:s17], [sflag:$0x3] =	stream.linear.gather [hbm4b:s23+s15], $0x100, $0x38;
	[tilespmem:$0x11200] =	vst v63  }
0x4e: {  	_ =	swait.ge [sflag:s25], $0x100  }
0x4f: {  	[sflag:s25] =	ssyncset.done $0x0  }
0x50: {  	s18 =	sadd.s32 s6, s1;
	[sflag:s25] =	ssyncadd.s32 $0xFFFFFF00  }
0x51: {  	[tilespmem:s3], [sflag:$0x3] =	stream.linear.gather [hbm4b:s18+s15], $0x100, $0x38;
	[tilespmem:$0x11200] =	vst v63  }
0x52: {  	_ =	swait.ge [sflag:s25], $0x100  }
0x53: {  	[sflag:s25] =	ssyncset.done $0x0  }
0x54: {  	s20 =	simm.s32 $0x8D00;
	s19 =	sadd.s32 s10, s1;
	[sflag:s25] =	ssyncadd.s32 $0xFFFFFF00  }
0x55: {  	[tilespmem:s20], [sflag:$0x3] =	stream.linear.gather [hbm4b:s19+s15], $0x100, $0x38;
	[tilespmem:$0x11200] =	vst v63  }
0x56: {  	_ =	swait.ge [sflag:s25], $0x100  }
0x57: {  	[sflag:s25] =	ssyncset.done $0x0  }
0x58: {  	s23 =	sadd.s32 s7, s1;
	[sflag:s25] =	ssyncadd.s32 $0xFFFFFF00  }
0x59: {  	[tilespmem:s0], [sflag:$0x3] =	stream.linear.gather [hbm4b:s23+s15], $0x100, $0x38;
	[tilespmem:$0x11200] =	vst v63  }
0x5a: {  	_ =	swait.ge [sflag:s25], $0x100  }
0x5b: {  	[sflag:s25] =	ssyncset.done $0x0  }
0x5c: {  	s17 =	sadd.s32 s11, s1;
	s18 =	simm.s32 $0x8E00;
	[sflag:s25] =	ssyncadd.s32 $0xFFFFFF00  }
0x5d: {  	[tilespmem:s18], [sflag:$0x3] =	stream.linear.gather [hbm4b:s17+s15], $0x100, $0x38;
	[tilespmem:$0x11200] =	vst v63  }
0x5e: {  	_ =	swait.ge [sflag:s25], $0x100  }
0x5f: {  	[sflag:s25] =	ssyncset.done $0x0  }
0x60: {  	s19 =	sadd.s32 s8, s1;
	[sflag:s25] =	ssyncadd.s32 $0xFFFFFF00  }
0x61: {  	[tilespmem:s14], [sflag:$0x3] =	stream.linear.gather [hbm4b:s19+s15], $0x100, $0x38;
	[tilespmem:$0x11200] =	vst v63  }
0x62: {  	_ =	swait.ge [sflag:s25], $0x100  }
0x63: {  	[sflag:s25] =	ssyncset.done $0x0  }
0x64: {  	s1 =	sadd.s32 s12, s1;
	s20 =	simm.s32 $0x8F00;
	[sflag:s25] =	ssyncadd.s32 $0xFFFFFF00  }
0x65: {  	[tilespmem:s20], [sflag:$0x3] =	stream.linear.gather [hbm4b:s1+s15], $0x100, $0x38;
	[tilespmem:$0x11200] =	vst v63  }
0x66: {  	_ =	swait.ge [sflag:s25], $0x100  }
0x67: {  	[sflag:s25] =	ssyncset.done $0x0  }
0x68: {  	s23 =	simm.s32 $0x9000;
	[sflag:s25] =	ssyncadd.s32 $0xFFFFFF00  }
0x69: {  	[tilespmem:s23], [sflag:$0x2] =	stream.indirect.gather [hbm4b:s4+s28], $0x20, s16, s28, $0xb8;
	[tilespmem:$0x11200] =	vst v63  }
0x6a: {  	s13 =	simm.s32 $0xB000  }
0x6b: {  	[tilespmem:s13], [sflag:$0x2] =	stream.indirect.gather [hbm4b:s4+s28], $0x20, s3, s28, $0xb8;
	[tilespmem:$0x11200] =	vst v63  }
0x6c: {  	s15 =	simm.s32 $0xD000  }
0x6d: {  	[tilespmem:s15], [sflag:$0x2] =	stream.indirect.gather [hbm4b:s4+s28], $0x20, s0, s28, $0xb8;
	[tilespmem:$0x11200] =	vst v63  }
0x6e: {  	s17 =	simm.s32 $0x700;
	s16 =	simm.s32 $0xF000  }
0x6f: {  	[tilespmem:s16], [sflag:$0x2] =	stream.indirect.gather [hbm4b:s4+s28], $0x20, s14, s28, $0xb8;
	[tilespmem:$0x11200] =	vst v63  }
0x70: {  	s18 =	simm.s32 $0x600;
	v16 =	vld [tilespmem:s17+$0x0]  }
0x71: {  	s19 =	simm.s32 $0x500;
	v17 =	vld [tilespmem:s18+$0x0]  }
0x72: {  	s20 =	simm.s32 $0x400;
	v18 =	vld [tilespmem:s19+$0x0]  }
0x73: {  	s23 =	simm.s32 $0x0;
	v19 =	vld [tilespmem:s20+$0x0]  }
0x74: {  	v20 =	vld [tilespmem:s23+$0x800]  }
0x75: {  	v21 =	vld [tilespmem:s23+$0x810]  }
0x76: {  	v22 =	vld [tilespmem:s23+$0x830]  }
0x77: {  	v23 =	vld [tilespmem:s23+$0x820]  }
0x78: {  	v25 =	vld [tilespmem:s23+$0x850];
	v24 =	vperm.xlane v19, v0  }
0x79: {  	v27 =	vld [tilespmem:s23+$0x840];
	v26 =	vperm.xlane v19, v1  }
0x7a: {  	v33 =	vld [tilespmem:s23+$0x870];
	v20 =	vmul.f32 v20, v24;
	v21 =	vmul.f32 v21, v24  }
0x7b: {  	v29 =	vld [tilespmem:s23+$0x860];
	v28 =	vperm.xlane v19, v2;
	v22 =	vmul.f32 v22, v26  }
0x7c: {  	v34 =	vld [tilespmem:s23+$0x890];
	v23 =	vmul.f32 v23, v26;
	v20 =	vadd.f32 $0.0e+00, v20;
	v21 =	vadd.f32 $0.0e+00, v21  }
0x7d: {  	v31 =	vld [tilespmem:s23+$0x880];
	v30 =	vperm.xlane v19, v3;
	v25 =	vmul.f32 v25, v28  }
0x7e: {  	v38 =	vld [tilespmem:s23+$0x8A0];
	v35 =	vmul.f32 v27, v28;
	v20 =	vadd.f32 v23, v20;
	v21 =	vadd.f32 v22, v21  }
0x7f: {  	v36 =	vld [tilespmem:s23+$0x8B0];
	v37 =	vperm.xlane v19, v4;
	v24 =	vmul.f32 v33, v30  }
0x80: {  	v42 =	vld [tilespmem:s23+$0x8C0];
	v39 =	vmul.f32 v29, v30;
	v20 =	vadd.f32 v35, v20;
	v21 =	vadd.f32 v25, v21  }
0x81: {  	v40 =	vld [tilespmem:s23+$0x8D0];
	v41 =	vperm.xlane v19, v5;
	v26 =	vmul.f32 v34, v37  }
0x82: {  	v46 =	vld [tilespmem:s23+$0x8E0];
	v43 =	vmul.f32 v31, v37;
	v20 =	vadd.f32 v39, v20;
	v21 =	vadd.f32 v24, v21  }
0x83: {  	v44 =	vld [tilespmem:s23+$0x8F0];
	v45 =	vperm.xlane v19, v6;
	v47 =	vmul.f32 v38, v41  }
0x84: {  	v50 =	vld [tilespmem:s23+$0x900];
	v23 =	vmul.f32 v36, v41;
	v20 =	vadd.f32 v43, v20;
	v21 =	vadd.f32 v26, v21  }
0x85: {  	v48 =	vld [tilespmem:s23+$0x910];
	v49 =	vperm.xlane v19, v7;
	v51 =	vmul.f32 v42, v45  }
0x86: {  	v54 =	vld [tilespmem:s23+$0x920];
	v25 =	vmul.f32 v40, v45;
	v20 =	vadd.f32 v47, v20;
	v21 =	vadd.f32 v23, v21  }
0x87: {  	v52 =	vld [tilespmem:s23+$0x930];
	v53 =	vperm.xlane v19, v8;
	v55 =	vmul.f32 v46, v49  }
0x88: {  	v58 =	vld [tilespmem:s23+$0x940];
	v24 =	vmul.f32 v44, v49;
	v20 =	vadd.f32 v51, v20;
	v21 =	vadd.f32 v25, v21  }
0x89: {  	v56 =	vld [tilespmem:s23+$0x950];
	v57 =	vperm.xlane v19, v9;
	v59 =	vmul.f32 v50, v53  }
0x8a: {  	v62 =	vld [tilespmem:s23+$0x960];
	v26 =	vmul.f32 v48, v53;
	v20 =	vadd.f32 v55, v20;
	v21 =	vadd.f32 v24, v21  }
0x8b: {  	v60 =	vld [tilespmem:s23+$0x970];
	v61 =	vperm.xlane v19, v10;
	v63 =	vmul.f32 v54, v57  }
0x8c: {  	v35 =	vld [tilespmem:s23+$0x980];
	v23 =	vmul.f32 v52, v57;
	v20 =	vadd.f32 v59, v20;
	v21 =	vadd.f32 v26, v21  }
0x8d: {  	v33 =	vld [tilespmem:s23+$0x990];
	v34 =	vperm.xlane v19, v11;
	v36 =	vmul.f32 v58, v61  }
0x8e: {  	v39 =	vld [tilespmem:s23+$0x9A0];
	v25 =	vmul.f32 v56, v61;
	v20 =	vadd.f32 v63, v20;
	v21 =	vadd.f32 v23, v21  }
0x8f: {  	v37 =	vld [tilespmem:s23+$0x9B0];
	v38 =	vperm.xlane v19, v12;
	v40 =	vmul.f32 v62, v34  }
0x90: {  	v43 =	vld [tilespmem:s23+$0x9C0];
	v24 =	vmul.f32 v60, v34;
	v20 =	vadd.f32 v36, v20;
	v21 =	vadd.f32 v25, v21  }
0x91: {  	v42 =	vperm.xlane v19, v13;
	v41 =	vld [tilespmem:s23+$0x9D0];
	v44 =	vmul.f32 v35, v38  }
0x92: {  	v45 =	vld [tilespmem:s23+$0x9F0];
	v26 =	vmul.f32 v33, v38;
	v20 =	vadd.f32 v40, v20;
	v21 =	vadd.f32 v24, v21  }
0x93: {  	v46 =	vperm.xlane v19, v14;
	v47 =	vld [tilespmem:s23+$0x9E0];
	v48 =	vmul.f32 v39, v42  }
0x94: {  	v49 =	vld [tilespmem:s23+$0x2810];
	v23 =	vmul.f32 v37, v42;
	v20 =	vadd.f32 v44, v20;
	v21 =	vadd.f32 v26, v21  }
0x95: {  	v19 =	vperm.xlane v19, v15;
	v50 =	vld [tilespmem:s23+$0x2800];
	v51 =	vmul.f32 v43, v46  }
0x96: {  	v54 =	vld [tilespmem:s23+$0x2820];
	v25 =	vmul.f32 v41, v46;
	v20 =	vadd.f32 v48, v20;
	v21 =	vadd.f32 v23, v21  }
0x97: {  	v53 =	vperm.xlane v18, v0;
	v52 =	vld [tilespmem:s23+$0x2830];
	v24 =	vmul.f32 v45, v19  }
0x98: {  	v55 =	vld [tilespmem:s23+$0x2850];
	v19 =	vmul.f32 v47, v19;
	v20 =	vadd.f32 v51, v20;
	v21 =	vadd.f32 v25, v21  }
0x99: {  	v58 =	vld [tilespmem:s23+$0x2840];
	v57 =	vperm.xlane v18, v1;
	v56 =	vmul.f32 v49, v53  }
0x9a: {  	v60 =	vmul.f32 v50, v53;
	v63 =	vld [tilespmem:s23+$0x2860];
	v19 =	vadd.f32 v19, v20;
	v59 =	vadd.f32 v24, v21  }
0x9b: {  	v62 =	vperm.xlane v18, v2;
	v61 =	vld [tilespmem:s23+$0x2870];
	v32 =	vmul.f32 v54, v57  }
0x9c: {  	v35 =	vld [tilespmem:s23+$0x2880];
	v23 =	vmul.f32 v52, v57;
	v19 =	vadd.f32 v60, v19;
	v20 =	vadd.f32 v56, v59  }
0x9d: {  	v34 =	vperm.xlane v18, v3;
	v33 =	vld [tilespmem:s23+$0x2890];
	v22 =	vmul.f32 v55, v62  }
0x9e: {  	v39 =	vld [tilespmem:s23+$0x28A0];
	v36 =	vmul.f32 v58, v62;
	v19 =	vadd.f32 v32, v19;
	v20 =	vadd.f32 v23, v20  }
0x9f: {  	v38 =	vperm.xlane v18, v4;
	v37 =	vld [tilespmem:s23+$0x28B0];
	v40 =	vmul.f32 v63, v34  }
0xa0: {  	v43 =	vld [tilespmem:s23+$0x28C0];
	v24 =	vmul.f32 v61, v34;
	v19 =	vadd.f32 v36, v19;
	v20 =	vadd.f32 v22, v20  }
0xa1: {  	v42 =	vperm.xlane v18, v5;
	v41 =	vld [tilespmem:s23+$0x28D0];
	v44 =	vmul.f32 v35, v38  }
0xa2: {  	v47 =	vld [tilespmem:s23+$0x28E0];
	v25 =	vmul.f32 v33, v38;
	v19 =	vadd.f32 v40, v19;
	v20 =	vadd.f32 v24, v20  }
0xa3: {  	v46 =	vperm.xlane v18, v6;
	v45 =	vld [tilespmem:s23+$0x28F0];
	v48 =	vmul.f32 v39, v42  }
0xa4: {  	v51 =	vld [tilespmem:s23+$0x2900];
	v23 =	vmul.f32 v37, v42;
	v19 =	vadd.f32 v44, v19;
	v20 =	vadd.f32 v25, v20  }
0xa5: {  	v49 =	vld [tilespmem:s23+$0x2910];
	v50 =	vperm.xlane v18, v7;
	v52 =	vmul.f32 v43, v46  }
0xa6: {  	v55 =	vld [tilespmem:s23+$0x2920];
	v22 =	vmul.f32 v41, v46;
	v19 =	vadd.f32 v48, v19;
	v20 =	vadd.f32 v23, v20  }
0xa7: {  	v54 =	vperm.xlane v18, v8;
	v53 =	vld [tilespmem:s23+$0x2930];
	v56 =	vmul.f32 v47, v50  }
0xa8: {  	v59 =	vld [tilespmem:s23+$0x2940];
	v24 =	vmul.f32 v45, v50;
	v19 =	vadd.f32 v52, v19;
	v20 =	vadd.f32 v22, v20  }
0xa9: {  	v58 =	vperm.xlane v18, v9;
	v57 =	vld [tilespmem:s23+$0x2950];
	v60 =	vmul.f32 v51, v54  }
0xaa: {  	v63 =	vld [tilespmem:s23+$0x2960];
	v25 =	vmul.f32 v49, v54;
	v19 =	vadd.f32 v56, v19;
	v20 =	vadd.f32 v24, v20  }
0xab: {  	v62 =	vperm.xlane v18, v10;
	v33 =	vmul.f32 v55, v58;
	v61 =	vld [tilespmem:s23+$0x2970]  }
0xac: {  	v36 =	vld [tilespmem:s23+$0x2980];
	v23 =	vmul.f32 v53, v58;
	v19 =	vadd.f32 v60, v19;
	v20 =	vadd.f32 v25, v20  }
0xad: {  	v35 =	vperm.xlane v18, v11;
	v34 =	vld [tilespmem:s23+$0x2990];
	v37 =	vmul.f32 v59, v62  }
0xae: {  	v40 =	vld [tilespmem:s23+$0x29A0];
	v22 =	vmul.f32 v57, v62;
	v19 =	vadd.f32 v33, v19;
	v20 =	vadd.f32 v23, v20  }
0xaf: {  	v39 =	vperm.xlane v18, v12;
	v38 =	vld [tilespmem:s23+$0x29B0];
	v41 =	vmul.f32 v63, v35  }
0xb0: {  	v44 =	vld [tilespmem:s23+$0x29C0];
	v24 =	vmul.f32 v61, v35;
	v19 =	vadd.f32 v37, v19;
	v20 =	vadd.f32 v22, v20  }
0xb1: {  	v43 =	vperm.xlane v18, v13;
	v42 =	vld [tilespmem:s23+$0x29D0];
	v45 =	vmul.f32 v36, v39  }
0xb2: {  	v46 =	vld [tilespmem:s23+$0x29F0];
	v25 =	vmul.f32 v34, v39;
	v19 =	vadd.f32 v41, v19;
	v20 =	vadd.f32 v24, v20  }
0xb3: {  	v47 =	vperm.xlane v18, v14;
	v48 =	vld [tilespmem:s23+$0x29E0];
	v49 =	vmul.f32 v40, v43  }
0xb4: {  	v50 =	vld [tilespmem:s23+$0x4810];
	v23 =	vmul.f32 v38, v43;
	v19 =	vadd.f32 v45, v19;
	v20 =	vadd.f32 v25, v20  }
0xb5: {  	v18 =	vperm.xlane v18, v15;
	v51 =	vld [tilespmem:s23+$0x4800];
	v52 =	vmul.f32 v44, v47  }
0xb6: {  	v55 =	vld [tilespmem:s23+$0x4820];
	v22 =	vmul.f32 v42, v47;
	v19 =	vadd.f32 v49, v19;
	v20 =	vadd.f32 v23, v20  }
0xb7: {  	v54 =	vperm.xlane v17, v0;
	v53 =	vld [tilespmem:s23+$0x4830];
	v24 =	vmul.f32 v46, v18  }
0xb8: {  	v59 =	vld [tilespmem:s23+$0x4840];
	v18 =	vmul.f32 v48, v18;
	v19 =	vadd.f32 v52, v19;
	v20 =	vadd.f32 v22, v20  }
0xb9: {  	v58 =	vperm.xlane v17, v1;
	v57 =	vmul.f32 v50, v54;
	v56 =	vld [tilespmem:s23+$0x4850]  }
0xba: {  	v63 =	vld [tilespmem:s23+$0x4860];
	v60 =	vmul.f32 v51, v54;
	v18 =	vadd.f32 v18, v19;
	v19 =	vadd.f32 v24, v20  }
0xbb: {  	v62 =	vperm.xlane v17, v2;
	v32 =	vmul.f32 v55, v58;
	v61 =	vld [tilespmem:s23+$0x4870]  }
0xbc: {  	v35 =	vld [tilespmem:s23+$0x4880];
	v23 =	vmul.f32 v53, v58;
	v18 =	vadd.f32 v60, v18;
	v19 =	vadd.f32 v57, v19  }
0xbd: {  	v36 =	vmul.f32 v59, v62;
	v34 =	vperm.xlane v17, v3;
	v33 =	vld [tilespmem:s23+$0x4890]  }
0xbe: {  	v39 =	vld [tilespmem:s23+$0x48A0];
	v21 =	vmul.f32 v56, v62;
	v18 =	vadd.f32 v32, v18;
	v19 =	vadd.f32 v23, v19  }
0xbf: {  	v38 =	vperm.xlane v17, v4;
	v40 =	vmul.f32 v63, v34;
	v37 =	vld [tilespmem:s23+$0x48B0]  }
0xc0: {  	v43 =	vld [tilespmem:s23+$0x48C0];
	v24 =	vmul.f32 v61, v34;
	v18 =	vadd.f32 v36, v18;
	v19 =	vadd.f32 v21, v19  }
0xc1: {  	v42 =	vperm.xlane v17, v5;
	v44 =	vmul.f32 v35, v38;
	v41 =	vld [tilespmem:s23+$0x48D0]  }
0xc2: {  	v47 =	vld [tilespmem:s23+$0x48E0];
	v22 =	vmul.f32 v33, v38;
	v18 =	vadd.f32 v40, v18;
	v19 =	vadd.f32 v24, v19  }
0xc3: {  	v46 =	vperm.xlane v17, v6;
	v48 =	vmul.f32 v39, v42;
	v45 =	vld [tilespmem:s23+$0x48F0]  }
0xc4: {  	v51 =	vld [tilespmem:s23+$0x4900];
	v23 =	vmul.f32 v37, v42;
	v18 =	vadd.f32 v44, v18;
	v19 =	vadd.f32 v22, v19  }
0xc5: {  	v50 =	vperm.xlane v17, v7;
	v49 =	vld [tilespmem:s23+$0x4910];
	v52 =	vmul.f32 v43, v46  }
0xc6: {  	v55 =	vld [tilespmem:s23+$0x4920];
	v21 =	vmul.f32 v41, v46;
	v18 =	vadd.f32 v48, v18;
	v19 =	vadd.f32 v23, v19  }
0xc7: {  	v54 =	vperm.xlane v17, v8;
	v56 =	vmul.f32 v47, v50;
	v53 =	vld [tilespmem:s23+$0x4930]  }
0xc8: {  	v59 =	vld [tilespmem:s23+$0x4940];
	v24 =	vmul.f32 v45, v50;
	v18 =	vadd.f32 v52, v18;
	v19 =	vadd.f32 v21, v19  }
0xc9: {  	v58 =	vperm.xlane v17, v9;
	v57 =	vld [tilespmem:s23+$0x4950];
	v60 =	vmul.f32 v51, v54  }
0xca: {  	v63 =	vld [tilespmem:s23+$0x4960];
	v22 =	vmul.f32 v49, v54;
	v18 =	vadd.f32 v56, v18;
	v19 =	vadd.f32 v24, v19  }
0xcb: {  	v62 =	vperm.xlane v17, v10;
	v31 =	vmul.f32 v55, v58;
	v61 =	vld [tilespmem:s23+$0x4970]  }
0xcc: {  	v34 =	vld [tilespmem:s23+$0x4980];
	v23 =	vmul.f32 v53, v58;
	v18 =	vadd.f32 v60, v18;
	v19 =	vadd.f32 v22, v19  }
0xcd: {  	v35 =	vmul.f32 v59, v62;
	v33 =	vperm.xlane v17, v11;
	v32 =	vld [tilespmem:s23+$0x4990]  }
0xce: {  	v38 =	vld [tilespmem:s23+$0x49A0];
	v21 =	vmul.f32 v57, v62;
	v18 =	vadd.f32 v31, v18;
	v19 =	vadd.f32 v23, v19  }
0xcf: {  	v39 =	vmul.f32 v63, v33;
	v37 =	vperm.xlane v17, v12;
	v36 =	vld [tilespmem:s23+$0x49B0]  }
0xd0: {  	v42 =	vld [tilespmem:s23+$0x49C0];
	v24 =	vmul.f32 v61, v33;
	v18 =	vadd.f32 v35, v18;
	v19 =	vadd.f32 v21, v19  }
0xd1: {  	v41 =	vperm.xlane v17, v13;
	v43 =	vmul.f32 v34, v37;
	v40 =	vld [tilespmem:s23+$0x49D0]  }
0xd2: {  	v44 =	vld [tilespmem:s23+$0x49F0];
	v22 =	vmul.f32 v32, v37;
	v18 =	vadd.f32 v39, v18;
	v19 =	vadd.f32 v24, v19  }
0xd3: {  	v46 =	vld [tilespmem:s23+$0x49E0];
	v45 =	vperm.xlane v17, v14;
	v47 =	vmul.f32 v38, v41  }
0xd4: {  	v48 =	vld [tilespmem:s23+$0x6810];
	v23 =	vmul.f32 v36, v41;
	v18 =	vadd.f32 v43, v18;
	v19 =	vadd.f32 v22, v19  }
0xd5: {  	v17 =	vperm.xlane v17, v15;
	v49 =	vld [tilespmem:s23+$0x6800];
	v50 =	vmul.f32 v42, v45  }
0xd6: {  	v51 =	vld [tilespmem:s23+$0x6830];
	v21 =	vmul.f32 v40, v45;
	v18 =	vadd.f32 v47, v18;
	v19 =	vadd.f32 v23, v19  }
0xd7: {  	v53 =	vld [tilespmem:s23+$0x6820];
	v52 =	vperm.xlane v16, v0;
	v24 =	vmul.f32 v44, v17  }
0xd8: {  	v54 =	vld [tilespmem:s23+$0x6850];
	v17 =	vmul.f32 v46, v17;
	v18 =	vadd.f32 v50, v18;
	v19 =	vadd.f32 v21, v19  }
0xd9: {  	v57 =	vld [tilespmem:s23+$0x6840];
	v56 =	vperm.xlane v16, v1;
	v55 =	vmul.f32 v48, v52  }
0xda: {  	v58 =	vld [tilespmem:s23+$0x6870];
	v17 =	vadd.f32 v17, v18;
	v18 =	vadd.f32 v24, v19;
	v19 =	vmul.f32 v49, v52  }
0xdb: {  	v59 =	vperm.xlane v16, v2;
	v60 =	vld [tilespmem:s23+$0x6860];
	v23 =	vmul.f32 v51, v56  }
0xdc: {  	v61 =	vld [tilespmem:s23+$0x6890];
	v17 =	vadd.f32 v19, v17;
	v18 =	vadd.f32 v55, v18;
	v19 =	vmul.f32 v53, v56  }
0xdd: {  	v63 =	vld [tilespmem:s23+$0x6880];
	v62 =	vperm.xlane v16, v3;
	v20 =	vmul.f32 v54, v59  }
0xde: {  	v30 =	vld [tilespmem:s23+$0x68B0];
	v17 =	vadd.f32 v19, v17;
	v18 =	vadd.f32 v23, v18;
	v19 =	vmul.f32 v57, v59  }
0xdf: {  	v32 =	vld [tilespmem:s23+$0x68A0];
	v31 =	vperm.xlane v16, v4;
	v24 =	vmul.f32 v58, v62  }
0xe0: {  	v33 =	vld [tilespmem:s23+$0x68D0];
	v17 =	vadd.f32 v19, v17;
	v18 =	vadd.f32 v20, v18;
	v19 =	vmul.f32 v60, v62  }
0xe1: {  	v34 =	vperm.xlane v16, v5;
	v35 =	vld [tilespmem:s23+$0x68C0];
	v21 =	vmul.f32 v61, v31  }
0xe2: {  	v36 =	vld [tilespmem:s23+$0x68F0];
	v17 =	vadd.f32 v19, v17;
	v18 =	vadd.f32 v24, v18;
	v19 =	vmul.f32 v63, v31  }
0xe3: {  	v38 =	vld [tilespmem:s23+$0x68E0];
	v37 =	vperm.xlane v16, v6;
	v23 =	vmul.f32 v30, v34  }
0xe4: {  	v39 =	vld [tilespmem:s23+$0x6910];
	v17 =	vadd.f32 v19, v17;
	v18 =	vadd.f32 v21, v18;
	v19 =	vmul.f32 v32, v34  }
0xe5: {  	v41 =	vld [tilespmem:s23+$0x6900];
	v40 =	vperm.xlane v16, v7;
	v20 =	vmul.f32 v33, v37  }
0xe6: {  	v42 =	vld [tilespmem:s23+$0x6930];
	v17 =	vadd.f32 v19, v17;
	v18 =	vadd.f32 v23, v18;
	v19 =	vmul.f32 v35, v37  }
0xe7: {  	v44 =	vld [tilespmem:s23+$0x6920];
	v43 =	vperm.xlane v16, v8;
	v24 =	vmul.f32 v36, v40  }
0xe8: {  	v45 =	vld [tilespmem:s23+$0x6950];
	v17 =	vadd.f32 v19, v17;
	v18 =	vadd.f32 v20, v18;
	v19 =	vmul.f32 v38, v40  }
0xe9: {  	v46 =	vperm.xlane v16, v9;
	v47 =	vld [tilespmem:s23+$0x6940];
	v21 =	vmul.f32 v39, v43  }
0xea: {  	v48 =	vld [tilespmem:s23+$0x6970];
	v17 =	vadd.f32 v19, v17;
	v18 =	vadd.f32 v24, v18;
	v19 =	vmul.f32 v41, v43  }
0xeb: {  	v50 =	vld [tilespmem:s23+$0x6960];
	v49 =	vperm.xlane v16, v10;
	v23 =	vmul.f32 v42, v46  }
0xec: {  	v51 =	vld [tilespmem:s23+$0x6990];
	v17 =	vadd.f32 v19, v17;
	v18 =	vadd.f32 v21, v18;
	v19 =	vmul.f32 v44, v46  }
0xed: {  	v52 =	vperm.xlane v16, v11;
	v53 =	vld [tilespmem:s23+$0x6980];
	v20 =	vmul.f32 v45, v49  }
0xee: {  	v54 =	vld [tilespmem:s23+$0x69B0];
	v17 =	vadd.f32 v19, v17;
	v18 =	vadd.f32 v23, v18;
	v19 =	vmul.f32 v47, v49  }
0xef: {  	v55 =	vperm.xlane v16, v12;
	v56 =	vld [tilespmem:s23+$0x69A0];
	v24 =	vmul.f32 v48, v52  }
0xf0: {  	v57 =	vld [tilespmem:s23+$0x69D0];
	v17 =	vadd.f32 v19, v17;
	v18 =	vadd.f32 v20, v18;
	v19 =	vmul.f32 v50, v52  }
0xf1: {  	v58 =	vperm.xlane v16, v13;
	v59 =	vld [tilespmem:s23+$0x69C0];
	v21 =	vmul.f32 v51, v55  }
0xf2: {  	v60 =	vld [tilespmem:s23+$0x69F0];
	v17 =	vadd.f32 v19, v17;
	v18 =	vadd.f32 v24, v18;
	v19 =	vmul.f32 v53, v55  }
0xf3: {  	v61 =	vperm.xlane v16, v14;
	v62 =	vld [tilespmem:s23+$0x69E0];
	v23 =	vmul.f32 v54, v58  }
0xf4: {  	v17 =	vadd.f32 v19, v17;
	v18 =	vadd.f32 v21, v18;
	v19 =	vmul.f32 v56, v58  }
0xf5: {  	v16 =	vperm.xlane v16, v15;
	v20 =	vmul.f32 v57, v61  }
0xf6: {  	v17 =	vadd.f32 v19, v17;
	v18 =	vadd.f32 v23, v18;
	v19 =	vmul.f32 v59, v61  }
0xf7: {  	v63 =	vmul.f32 v60, v16  }
0xf8: {  	s1 =	simm.s32 $0x800;
	v16 =	vmul.f32 v62, v16;
	v17 =	vadd.f32 v19, v17;
	v18 =	vadd.f32 v20, v18  }
0xf9: {  	s13 =	simm.s32 $0x11010;
	s15 =	simm.s32 $0x410;
	s16 =	simm.s32 $0x710  }
0xfa: {  	s17 =	simm.s32 $0x610;
	s18 =	simm.s32 $0x510;
	s20 =	simm.s32 $0x11010;
	v16 =	vadd.f32 v16, v17;
	v17 =	vadd.f32 v63, v18  }
.LBB2_3:
0xfb: {  	s23 =	smov.u32 s1  }
0xfc: {  	s19 =	sshra.s32 s1, $0x2;
	[tilespmem:s13+$0x0] =	vst v17;
	s20 =	sadd.s32 $0x20, s20;
	s23 =	sadd.s32 $0x800, s1  }
0xfd: {  	p0 =	sne.s32 s1, $0x7800;
	[tilespmem:s13+$0xFFFFFFF0] =	vst v16;
	s13 =	smov.u32 s20  }
0xfe: {  	v16 =	vld [tilespmem:s16+$0x0]  }
0xff: {  	v17 =	vld [tilespmem:s17+$0x0]  }
0x100: {  	v18 =	vld [tilespmem:s18+$0x0]  }
0x101: {  	v19 =	vld [tilespmem:s15+$0x0]  }
0x102: {  	v20 =	vld [tilespmem:s19+$0x800]  }
0x103: {  	v21 =	vld [tilespmem:s19+$0x810]  }
0x104: {  	v22 =	vld [tilespmem:s19+$0x830]  }
0x105: {  	v23 =	vld [tilespmem:s19+$0x820]  }
0x106: {  	v24 =	vperm.xlane v19, v0;
	v25 =	vperm.xlane v19, v1;
	v26 =	vld [tilespmem:s19+$0x850]  }
0x107: {  	v27 =	vperm.xlane v19, v2;
	v28 =	vld [tilespmem:s19+$0x840]  }
0x108: {  	v20 =	vmul.f32 v20, v24;
	v21 =	vmul.f32 v21, v24;
	v24 =	vld [tilespmem:s19+$0x870]  }
0x109: {  	v22 =	vmul.f32 v22, v25;
	v29 =	vld [tilespmem:s19+$0x860]  }
0x10a: {  	v20 =	vadd.f32 $0.0e+00, v20;
	v21 =	vadd.f32 $0.0e+00, v21;
	v23 =	vmul.f32 v23, v25;
	v25 =	vld [tilespmem:s19+$0x890]  }
0x10b: {  	v30 =	vperm.xlane v19, v3;
	v26 =	vmul.f32 v26, v27;
	v31 =	vld [tilespmem:s19+$0x880]  }
0x10c: {  	v20 =	vadd.f32 v23, v20;
	v21 =	vadd.f32 v22, v21;
	v22 =	vmul.f32 v28, v27;
	v23 =	vld [tilespmem:s19+$0x8B0]  }
0x10d: {  	v27 =	vperm.xlane v19, v4;
	v24 =	vmul.f32 v24, v30;
	v28 =	vld [tilespmem:s19+$0x8A0]  }
0x10e: {  	v20 =	vadd.f32 v22, v20;
	v21 =	vadd.f32 v26, v21;
	v22 =	vmul.f32 v29, v30;
	v26 =	vld [tilespmem:s19+$0x8D0]  }
0x10f: {  	v29 =	vperm.xlane v19, v5;
	v25 =	vmul.f32 v25, v27;
	v30 =	vld [tilespmem:s19+$0x8C0]  }
0x110: {  	v20 =	vadd.f32 v22, v20;
	v21 =	vadd.f32 v24, v21;
	v22 =	vmul.f32 v31, v27;
	v24 =	vld [tilespmem:s19+$0x8F0]  }
0x111: {  	v27 =	vperm.xlane v19, v6;
	v23 =	vmul.f32 v23, v29;
	v31 =	vld [tilespmem:s19+$0x8E0]  }
0x112: {  	v20 =	vadd.f32 v22, v20;
	v21 =	vadd.f32 v25, v21;
	v22 =	vmul.f32 v28, v29;
	v25 =	vld [tilespmem:s19+$0x910]  }
0x113: {  	v28 =	vperm.xlane v19, v7;
	v26 =	vmul.f32 v26, v27;
	v29 =	vld [tilespmem:s19+$0x900]  }
0x114: {  	v20 =	vadd.f32 v22, v20;
	v21 =	vadd.f32 v23, v21;
	v22 =	vmul.f32 v30, v27;
	v23 =	vld [tilespmem:s19+$0x930]  }
0x115: {  	v27 =	vperm.xlane v19, v8;
	v24 =	vmul.f32 v24, v28;
	v30 =	vld [tilespmem:s19+$0x920]  }
0x116: {  	v20 =	vadd.f32 v22, v20;
	v21 =	vadd.f32 v26, v21;
	v22 =	vmul.f32 v31, v28;
	v26 =	vld [tilespmem:s19+$0x950]  }
0x117: {  	v28 =	vperm.xlane v19, v9;
	v25 =	vmul.f32 v25, v27;
	v31 =	vld [tilespmem:s19+$0x940]  }
0x118: {  	v20 =	vadd.f32 v22, v20;
	v21 =	vadd.f32 v24, v21;
	v22 =	vmul.f32 v29, v27;
	v24 =	vld [tilespmem:s19+$0x970]  }
0x119: {  	v27 =	vperm.xlane v19, v10;
	v23 =	vmul.f32 v23, v28;
	v29 =	vld [tilespmem:s19+$0x960]  }
0x11a: {  	v20 =	vadd.f32 v22, v20;
	v21 =	vadd.f32 v25, v21;
	v22 =	vmul.f32 v30, v28;
	v25 =	vld [tilespmem:s19+$0x990]  }
0x11b: {  	v28 =	vperm.xlane v19, v11;
	v26 =	vmul.f32 v26, v27;
	v30 =	vld [tilespmem:s19+$0x980]  }
0x11c: {  	v20 =	vadd.f32 v22, v20;
	v21 =	vadd.f32 v23, v21;
	v22 =	vmul.f32 v31, v27;
	v23 =	vld [tilespmem:s19+$0x9B0]  }
0x11d: {  	v27 =	vperm.xlane v19, v12;
	v24 =	vmul.f32 v24, v28;
	v31 =	vld [tilespmem:s19+$0x9A0]  }
0x11e: {  	v20 =	vadd.f32 v22, v20;
	v21 =	vadd.f32 v26, v21;
	v22 =	vmul.f32 v29, v28;
	v26 =	vld [tilespmem:s19+$0x9D0]  }
0x11f: {  	v28 =	vperm.xlane v19, v13;
	v25 =	vmul.f32 v25, v27;
	v29 =	vld [tilespmem:s19+$0x9C0]  }
0x120: {  	v20 =	vadd.f32 v22, v20;
	v21 =	vadd.f32 v24, v21;
	v22 =	vmul.f32 v30, v27;
	v24 =	vld [tilespmem:s19+$0x9F0]  }
0x121: {  	v27 =	vperm.xlane v19, v14;
	v23 =	vmul.f32 v23, v28;
	v30 =	vld [tilespmem:s19+$0x9E0]  }
0x122: {  	v20 =	vadd.f32 v22, v20;
	v21 =	vadd.f32 v25, v21;
	v22 =	vmul.f32 v31, v28;
	v25 =	vld [tilespmem:s19+$0x2810]  }
0x123: {  	v19 =	vperm.xlane v19, v15;
	v26 =	vmul.f32 v26, v27;
	v28 =	vld [tilespmem:s19+$0x2800]  }
0x124: {  	v20 =	vadd.f32 v22, v20;
	v21 =	vadd.f32 v23, v21;
	v22 =	vmul.f32 v29, v27;
	v23 =	vld [tilespmem:s19+$0x2830]  }
0x125: {  	v27 =	vperm.xlane v18, v0;
	v24 =	vmul.f32 v24, v19;
	v29 =	vld [tilespmem:s19+$0x2820]  }
0x126: {  	v20 =	vadd.f32 v22, v20;
	v21 =	vadd.f32 v26, v21;
	v19 =	vmul.f32 v30, v19;
	v22 =	vld [tilespmem:s19+$0x2850]  }
0x127: {  	v26 =	vperm.xlane v18, v1;
	v25 =	vmul.f32 v25, v27;
	v30 =	vld [tilespmem:s19+$0x2840]  }
0x128: {  	v19 =	vadd.f32 v19, v20;
	v20 =	vadd.f32 v24, v21;
	v21 =	vmul.f32 v28, v27;
	v24 =	vld [tilespmem:s19+$0x2870]  }
0x129: {  	v27 =	vperm.xlane v18, v2;
	v23 =	vmul.f32 v23, v26;
	v28 =	vld [tilespmem:s19+$0x2860]  }
0x12a: {  	v19 =	vadd.f32 v21, v19;
	v20 =	vadd.f32 v25, v20;
	v21 =	vmul.f32 v29, v26;
	v25 =	vld [tilespmem:s19+$0x2890]  }
0x12b: {  	v26 =	vperm.xlane v18, v3;
	v22 =	vmul.f32 v22, v27;
	v29 =	vld [tilespmem:s19+$0x2880]  }
0x12c: {  	v19 =	vadd.f32 v21, v19;
	v20 =	vadd.f32 v23, v20;
	v21 =	vmul.f32 v30, v27;
	v23 =	vld [tilespmem:s19+$0x28B0]  }
0x12d: {  	v27 =	vperm.xlane v18, v4;
	v24 =	vmul.f32 v24, v26;
	v30 =	vld [tilespmem:s19+$0x28A0]  }
0x12e: {  	v19 =	vadd.f32 v21, v19;
	v20 =	vadd.f32 v22, v20;
	v21 =	vmul.f32 v28, v26;
	v22 =	vld [tilespmem:s19+$0x28D0]  }
0x12f: {  	v26 =	vperm.xlane v18, v5;
	v25 =	vmul.f32 v25, v27;
	v28 =	vld [tilespmem:s19+$0x28C0]  }
0x130: {  	v19 =	vadd.f32 v21, v19;
	v20 =	vadd.f32 v24, v20;
	v21 =	vmul.f32 v29, v27;
	v24 =	vld [tilespmem:s19+$0x28F0]  }
0x131: {  	v27 =	vperm.xlane v18, v6;
	v23 =	vmul.f32 v23, v26;
	v29 =	vld [tilespmem:s19+$0x28E0]  }
0x132: {  	v19 =	vadd.f32 v21, v19;
	v20 =	vadd.f32 v25, v20;
	v21 =	vmul.f32 v30, v26;
	v25 =	vld [tilespmem:s19+$0x2910]  }
0x133: {  	v26 =	vperm.xlane v18, v7;
	v22 =	vmul.f32 v22, v27;
	v30 =	vld [tilespmem:s19+$0x2900]  }
0x134: {  	v19 =	vadd.f32 v21, v19;
	v20 =	vadd.f32 v23, v20;
	v21 =	vmul.f32 v28, v27;
	v23 =	vld [tilespmem:s19+$0x2930]  }
0x135: {  	v27 =	vperm.xlane v18, v8;
	v24 =	vmul.f32 v24, v26;
	v28 =	vld [tilespmem:s19+$0x2920]  }
0x136: {  	v19 =	vadd.f32 v21, v19;
	v20 =	vadd.f32 v22, v20;
	v21 =	vmul.f32 v29, v26;
	v22 =	vld [tilespmem:s19+$0x2950]  }
0x137: {  	v26 =	vperm.xlane v18, v9;
	v25 =	vmul.f32 v25, v27;
	v29 =	vld [tilespmem:s19+$0x2940]  }
0x138: {  	v19 =	vadd.f32 v21, v19;
	v20 =	vadd.f32 v24, v20;
	v21 =	vmul.f32 v30, v27;
	v24 =	vld [tilespmem:s19+$0x2970]  }
0x139: {  	v27 =	vperm.xlane v18, v10;
	v23 =	vmul.f32 v23, v26;
	v30 =	vld [tilespmem:s19+$0x2960]  }
0x13a: {  	v19 =	vadd.f32 v21, v19;
	v20 =	vadd.f32 v25, v20;
	v21 =	vmul.f32 v28, v26;
	v25 =	vld [tilespmem:s19+$0x2990]  }
0x13b: {  	v26 =	vperm.xlane v18, v11;
	v22 =	vmul.f32 v22, v27;
	v28 =	vld [tilespmem:s19+$0x2980]  }
0x13c: {  	v19 =	vadd.f32 v21, v19;
	v20 =	vadd.f32 v23, v20;
	v21 =	vmul.f32 v29, v27;
	v23 =	vld [tilespmem:s19+$0x29B0]  }
0x13d: {  	v27 =	vperm.xlane v18, v12;
	v24 =	vmul.f32 v24, v26;
	v29 =	vld [tilespmem:s19+$0x29A0]  }
0x13e: {  	v19 =	vadd.f32 v21, v19;
	v20 =	vadd.f32 v22, v20;
	v21 =	vmul.f32 v30, v26;
	v22 =	vld [tilespmem:s19+$0x29D0]  }
0x13f: {  	v26 =	vperm.xlane v18, v13;
	v25 =	vmul.f32 v25, v27;
	v30 =	vld [tilespmem:s19+$0x29C0]  }
0x140: {  	v19 =	vadd.f32 v21, v19;
	v20 =	vadd.f32 v24, v20;
	v21 =	vmul.f32 v28, v27;
	v24 =	vld [tilespmem:s19+$0x29F0]  }
0x141: {  	v27 =	vperm.xlane v18, v14;
	v23 =	vmul.f32 v23, v26;
	v28 =	vld [tilespmem:s19+$0x29E0]  }
0x142: {  	v19 =	vadd.f32 v21, v19;
	v20 =	vadd.f32 v25, v20;
	v21 =	vmul.f32 v29, v26;
	v25 =	vld [tilespmem:s19+$0x4810]  }
0x143: {  	v18 =	vperm.xlane v18, v15;
	v22 =	vmul.f32 v22, v27;
	v26 =	vld [tilespmem:s19+$0x4800]  }
0x144: {  	v19 =	vadd.f32 v21, v19;
	v20 =	vadd.f32 v23, v20;
	v21 =	vmul.f32 v30, v27;
	v23 =	vld [tilespmem:s19+$0x4830]  }
0x145: {  	v27 =	vperm.xlane v17, v0;
	v24 =	vmul.f32 v24, v18;
	v29 =	vld [tilespmem:s19+$0x4820]  }
0x146: {  	v19 =	vadd.f32 v21, v19;
	v20 =	vadd.f32 v22, v20;
	v18 =	vmul.f32 v28, v18;
	v21 =	vld [tilespmem:s19+$0x4850]  }
0x147: {  	v22 =	vmul.f32 v25, v27;
	v25 =	vperm.xlane v17, v1;
	v28 =	vld [tilespmem:s19+$0x4840]  }
0x148: {  	v18 =	vadd.f32 v18, v19;
	v19 =	vadd.f32 v24, v20;
	v20 =	vmul.f32 v26, v27;
	v24 =	vld [tilespmem:s19+$0x4870]  }
0x149: {  	v26 =	vperm.xlane v17, v2;
	v23 =	vmul.f32 v23, v25;
	v27 =	vld [tilespmem:s19+$0x4860]  }
0x14a: {  	v18 =	vadd.f32 v20, v18;
	v19 =	vadd.f32 v22, v19;
	v20 =	vmul.f32 v29, v25;
	v22 =	vld [tilespmem:s19+$0x4890]  }
0x14b: {  	v25 =	vperm.xlane v17, v3;
	v21 =	vmul.f32 v21, v26;
	v29 =	vld [tilespmem:s19+$0x4880]  }
0x14c: {  	v18 =	vadd.f32 v20, v18;
	v19 =	vadd.f32 v23, v19;
	v20 =	vmul.f32 v28, v26;
	v23 =	vld [tilespmem:s19+$0x48B0]  }
0x14d: {  	v26 =	vperm.xlane v17, v4;
	v24 =	vmul.f32 v24, v25;
	v28 =	vld [tilespmem:s19+$0x48A0]  }
0x14e: {  	v18 =	vadd.f32 v20, v18;
	v19 =	vadd.f32 v21, v19;
	v20 =	vmul.f32 v27, v25;
	v21 =	vld [tilespmem:s19+$0x48D0]  }
0x14f: {  	v25 =	vperm.xlane v17, v5;
	v22 =	vmul.f32 v22, v26;
	v27 =	vld [tilespmem:s19+$0x48C0]  }
0x150: {  	v18 =	vadd.f32 v20, v18;
	v19 =	vadd.f32 v24, v19;
	v20 =	vmul.f32 v29, v26;
	v24 =	vld [tilespmem:s19+$0x48F0]  }
0x151: {  	v26 =	vperm.xlane v17, v6;
	v23 =	vmul.f32 v23, v25;
	v29 =	vld [tilespmem:s19+$0x48E0]  }
0x152: {  	v18 =	vadd.f32 v20, v18;
	v19 =	vadd.f32 v22, v19;
	v20 =	vmul.f32 v28, v25;
	v22 =	vld [tilespmem:s19+$0x4910]  }
0x153: {  	v25 =	vperm.xlane v17, v7;
	v21 =	vmul.f32 v21, v26;
	v28 =	vld [tilespmem:s19+$0x4900]  }
0x154: {  	v18 =	vadd.f32 v20, v18;
	v19 =	vadd.f32 v23, v19;
	v20 =	vmul.f32 v27, v26;
	v23 =	vld [tilespmem:s19+$0x4930]  }
0x155: {  	v26 =	vperm.xlane v17, v8;
	v24 =	vmul.f32 v24, v25;
	v27 =	vld [tilespmem:s19+$0x4920]  }
0x156: {  	v18 =	vadd.f32 v20, v18;
	v19 =	vadd.f32 v21, v19;
	v20 =	vmul.f32 v29, v25;
	v21 =	vld [tilespmem:s19+$0x4950]  }
0x157: {  	v25 =	vperm.xlane v17, v9;
	v22 =	vmul.f32 v22, v26;
	v29 =	vld [tilespmem:s19+$0x4940]  }
0x158: {  	v18 =	vadd.f32 v20, v18;
	v19 =	vadd.f32 v24, v19;
	v20 =	vmul.f32 v28, v26;
	v24 =	vld [tilespmem:s19+$0x4970]  }
0x159: {  	v26 =	vperm.xlane v17, v10;
	v23 =	vmul.f32 v23, v25;
	v28 =	vld [tilespmem:s19+$0x4960]  }
0x15a: {  	v18 =	vadd.f32 v20, v18;
	v19 =	vadd.f32 v22, v19;
	v20 =	vmul.f32 v27, v25;
	v22 =	vld [tilespmem:s19+$0x4990]  }
0x15b: {  	v25 =	vperm.xlane v17, v11;
	v21 =	vmul.f32 v21, v26;
	v27 =	vld [tilespmem:s19+$0x4980]  }
0x15c: {  	v18 =	vadd.f32 v20, v18;
	v19 =	vadd.f32 v23, v19;
	v20 =	vmul.f32 v29, v26;
	v23 =	vld [tilespmem:s19+$0x49B0]  }
0x15d: {  	v26 =	vperm.xlane v17, v12;
	v24 =	vmul.f32 v24, v25;
	v29 =	vld [tilespmem:s19+$0x49A0]  }
0x15e: {  	v18 =	vadd.f32 v20, v18;
	v19 =	vadd.f32 v21, v19;
	v20 =	vmul.f32 v28, v25;
	v21 =	vld [tilespmem:s19+$0x49D0]  }
0x15f: {  	v25 =	vperm.xlane v17, v13;
	v22 =	vmul.f32 v22, v26;
	v28 =	vld [tilespmem:s19+$0x49C0]  }
0x160: {  	v18 =	vadd.f32 v20, v18;
	v19 =	vadd.f32 v24, v19;
	v20 =	vmul.f32 v27, v26;
	v24 =	vld [tilespmem:s19+$0x49F0]  }
0x161: {  	v26 =	vperm.xlane v17, v14;
	v23 =	vmul.f32 v23, v25;
	v27 =	vld [tilespmem:s19+$0x49E0]  }
0x162: {  	v18 =	vadd.f32 v20, v18;
	v19 =	vadd.f32 v22, v19;
	v20 =	vmul.f32 v29, v25;
	v22 =	vld [tilespmem:s19+$0x6810]  }
0x163: {  	v17 =	vperm.xlane v17, v15;
	v21 =	vmul.f32 v21, v26;
	v25 =	vld [tilespmem:s19+$0x6800]  }
0x164: {  	v18 =	vadd.f32 v20, v18;
	v19 =	vadd.f32 v23, v19;
	v20 =	vmul.f32 v28, v26;
	v23 =	vld [tilespmem:s19+$0x6830]  }
0x165: {  	v26 =	vperm.xlane v16, v0;
	v24 =	vmul.f32 v24, v17;
	v28 =	vld [tilespmem:s19+$0x6820]  }
0x166: {  	v18 =	vadd.f32 v20, v18;
	v19 =	vadd.f32 v21, v19;
	v17 =	vmul.f32 v27, v17;
	v20 =	vld [tilespmem:s19+$0x6850]  }
0x167: {  	v21 =	vmul.f32 v22, v26;
	v22 =	vperm.xlane v16, v1;
	v27 =	vld [tilespmem:s19+$0x6840]  }
0x168: {  	v17 =	vadd.f32 v17, v18;
	v18 =	vadd.f32 v24, v19;
	v19 =	vmul.f32 v25, v26;
	v24 =	vld [tilespmem:s19+$0x6870]  }
0x169: {  	v25 =	vperm.xlane v16, v2;
	v23 =	vmul.f32 v23, v22;
	v26 =	vld [tilespmem:s19+$0x6860]  }
0x16a: {  	v17 =	vadd.f32 v19, v17;
	v18 =	vadd.f32 v21, v18;
	v19 =	vmul.f32 v28, v22;
	v21 =	vld [tilespmem:s19+$0x6890]  }
0x16b: {  	v22 =	vperm.xlane v16, v3;
	v20 =	vmul.f32 v20, v25;
	v28 =	vld [tilespmem:s19+$0x6880]  }
0x16c: {  	v17 =	vadd.f32 v19, v17;
	v18 =	vadd.f32 v23, v18;
	v19 =	vmul.f32 v27, v25;
	v23 =	vld [tilespmem:s19+$0x68B0]  }
0x16d: {  	v25 =	vperm.xlane v16, v4;
	v24 =	vmul.f32 v24, v22;
	v27 =	vld [tilespmem:s19+$0x68A0]  }
0x16e: {  	v17 =	vadd.f32 v19, v17;
	v18 =	vadd.f32 v20, v18;
	v19 =	vmul.f32 v26, v22;
	v20 =	vld [tilespmem:s19+$0x68D0]  }
0x16f: {  	v22 =	vperm.xlane v16, v5;
	v21 =	vmul.f32 v21, v25;
	v26 =	vld [tilespmem:s19+$0x68C0]  }
0x170: {  	v17 =	vadd.f32 v19, v17;
	v18 =	vadd.f32 v24, v18;
	v19 =	vmul.f32 v28, v25;
	v24 =	vld [tilespmem:s19+$0x68F0]  }
0x171: {  	v25 =	vperm.xlane v16, v6;
	v23 =	vmul.f32 v23, v22;
	v28 =	vld [tilespmem:s19+$0x68E0]  }
0x172: {  	v17 =	vadd.f32 v19, v17;
	v18 =	vadd.f32 v21, v18;
	v19 =	vmul.f32 v27, v22;
	v21 =	vld [tilespmem:s19+$0x6910]  }
0x173: {  	v22 =	vperm.xlane v16, v7;
	v20 =	vmul.f32 v20, v25;
	v27 =	vld [tilespmem:s19+$0x6900]  }
0x174: {  	v17 =	vadd.f32 v19, v17;
	v18 =	vadd.f32 v23, v18;
	v19 =	vmul.f32 v26, v25;
	v23 =	vld [tilespmem:s19+$0x6930]  }
0x175: {  	v25 =	vperm.xlane v16, v8;
	v24 =	vmul.f32 v24, v22;
	v26 =	vld [tilespmem:s19+$0x6920]  }
0x176: {  	v17 =	vadd.f32 v19, v17;
	v18 =	vadd.f32 v20, v18;
	v19 =	vmul.f32 v28, v22;
	v20 =	vld [tilespmem:s19+$0x6950]  }
0x177: {  	v22 =	vperm.xlane v16, v9;
	v21 =	vmul.f32 v21, v25;
	v28 =	vld [tilespmem:s19+$0x6940]  }
0x178: {  	v17 =	vadd.f32 v19, v17;
	v18 =	vadd.f32 v24, v18;
	v19 =	vmul.f32 v27, v25;
	v24 =	vld [tilespmem:s19+$0x6970]  }
0x179: {  	v25 =	vperm.xlane v16, v10;
	v23 =	vmul.f32 v23, v22;
	v27 =	vld [tilespmem:s19+$0x6960]  }
0x17a: {  	v17 =	vadd.f32 v19, v17;
	v18 =	vadd.f32 v21, v18;
	v19 =	vmul.f32 v26, v22;
	v21 =	vld [tilespmem:s19+$0x6990]  }
0x17b: {  	v22 =	vperm.xlane v16, v11;
	v20 =	vmul.f32 v20, v25;
	v26 =	vld [tilespmem:s19+$0x6980]  }
0x17c: {  	v17 =	vadd.f32 v19, v17;
	v18 =	vadd.f32 v23, v18;
	v19 =	vmul.f32 v28, v25;
	v23 =	vld [tilespmem:s19+$0x69B0]  }
0x17d: {  	v25 =	vperm.xlane v16, v12;
	v24 =	vmul.f32 v24, v22;
	v28 =	vld [tilespmem:s19+$0x69A0]  }
0x17e: {  	v17 =	vadd.f32 v19, v17;
	v18 =	vadd.f32 v20, v18;
	v19 =	vmul.f32 v27, v22;
	v20 =	vld [tilespmem:s19+$0x69D0]  }
0x17f: {  	v22 =	vperm.xlane v16, v13;
	v21 =	vmul.f32 v21, v25;
	v27 =	vld [tilespmem:s19+$0x69C0]  }
0x180: {  	v17 =	vadd.f32 v19, v17;
	v18 =	vadd.f32 v24, v18;
	v19 =	vmul.f32 v26, v25;
	v24 =	vld [tilespmem:s19+$0x69F0]  }
0x181: {  	v25 =	vperm.xlane v16, v14;
	v23 =	vmul.f32 v23, v22;
	v26 =	vld [tilespmem:s19+$0x69E0]  }
0x182: {  	v17 =	vadd.f32 v19, v17;
	v18 =	vadd.f32 v21, v18;
	v19 =	vmul.f32 v28, v22  }
0x183: {  	v16 =	vperm.xlane v16, v15;
	v20 =	vmul.f32 v20, v25  }
0x184: {  	v17 =	vadd.f32 v19, v17;
	v18 =	vadd.f32 v23, v18;
	v19 =	vmul.f32 v27, v25  }
.Ltmp0:
0x185: {  	v21 =	vmul.f32 v24, v16;
	(pc) =	sbr.rel @p0 .LBB2_3-.Ltmp0, $3  }
0x186: {  	v17 =	vadd.f32 v19, v17;
	v18 =	vadd.f32 v20, v18;
	v16 =	vmul.f32 v26, v16;
	_ =	sdelay $0x1  }
0x187: {  	s1 =	smov.u32 s23;
	s15 =	sadd.s32 $0x10, s15;
	v16 =	vadd.f32 v16, v17;
	v17 =	vadd.f32 v21, v18  }
0x188: {  	s16 =	sadd.s32 $0x10, s16;
	s17 =	sadd.s32 $0x10, s17;
	s18 =	sadd.s32 $0x10, s18  }
0x189: {  	s1 =	sshll.u32 s31, $0xA  }
0x18a: {  	s1 =	sadd.s32 s22, s1  }
0x18b: {  	[tilespmem:s13+$0x0] =	vst v17;
	s16 =	rddreg [dreg:$0x1];
	s1 =	sshrl.u32 s1, $0x3  }
0x18c: {  	[tilespmem:s13+$0xFFFFFFF0] =	vst v16;
	s1 =	sadd.s32 s16, s1  }
0x18d: {  	[hbm4b:s1+s2] =	stream.linear.scatter [tilespmem:s21], [sflag:$0x3], $0x200, $0x38;
	[tilespmem:$0x11200] =	vst v63  }
0x18e: {  	_ =	swait.ge [sflag:s25], $0x200  }
0x18f: {  	[sflag:s25] =	ssyncset.done $0x0  }
0x190: {  	[sflag:s25] =	ssyncadd.s32 $0xFFFFFE00  }
0x191: {  	_ =	swait.ge [sflag:s24], $0x2000  }
0x192: {  	[sflag:s24] =	ssyncset.done $0x0  }
0x193: {  	[sflag:s24] =	ssyncadd.s32 $0xFFFFE000  }
0x194: {  	_ =	swait.ge [sflag:s24], $0x2000  }
0x195: {  	[sflag:s24] =	ssyncset.done $0x0  }
0x196: {  	[sflag:s24] =	ssyncadd.s32 $0xFFFFE000  }
0x197: {  	_ =	swait.ge [sflag:s24], $0x2000  }
0x198: {  	[sflag:s24] =	ssyncset.done $0x0  }
0x199: {  	[sflag:s24] =	ssyncadd.s32 $0xFFFFE000  }
0x19a: {  	p0 =	seq.s32 s31, $0xA9;
	_ =	swait.ge [sflag:s24], $0x2000  }
0x19b: {  	s1 =	sshll.u32 @!p0 s31, $0x9;
	s13 =	rddreg [dreg:$0xb]  }
0x19c: {  	s1 =	sadd.s32 @!p0 s1, s13  }
0x19d: {  	[sflag:s24] =	ssyncset.done $0x0;
	s1 =	sshrl.u32 @!p0 s1, $0x3  }
0x19e: {  	s15 =	simm.s32 @!p0 $0x0;
	[sflag:s24] =	ssyncadd.s32 $0xFFFFE000;
	s13 =	sadd.s32 @!p0 s5, s1  }
0x19f: {  	[tilespmem:s15], [sflag:$0x3] =	stream.linear.gather @!p0 [hbm4b:s13+s15], $0x100, $0x38;
	[tilespmem:$0x11200] =	vst v63  }
0x1a0: {  	s13 =	simm.s32 @!p0 $0x3  }
0x1a1: {  	_ =	swait.ge @!p0 [sflag:s13], $0x100  }
0x1a2: {  	[sflag:s13] =	ssyncset.done @!p0 $0x0  }
0x1a3: {  	s17 =	simm.s32 @!p0 $0x400;
	s16 =	sadd.s32 @!p0 s9, s1;
	[sflag:s13] =	ssyncadd.s32 @!p0 $0xFFFFFF00  }
0x1a4: {  	[tilespmem:s17], [sflag:$0x3] =	stream.linear.gather @!p0 [hbm4b:s16+s15], $0x100, $0x38;
	[tilespmem:$0x11200] =	vst v63  }
0x1a5: {  	_ =	swait.ge @!p0 [sflag:s13], $0x100  }
0x1a6: {  	[sflag:s13] =	ssyncset.done @!p0 $0x0  }
0x1a7: {  	s16 =	sadd.s32 @!p0 s6, s1;
	s17 =	simm.s32 @!p0 $0x100;
	[sflag:s13] =	ssyncadd.s32 @!p0 $0xFFFFFF00  }
0x1a8: {  	[tilespmem:s17], [sflag:$0x3] =	stream.linear.gather @!p0 [hbm4b:s16+s15], $0x100, $0x38;
	[tilespmem:$0x11200] =	vst v63  }
0x1a9: {  	_ =	swait.ge @!p0 [sflag:s13], $0x100  }
0x1aa: {  	[sflag:s13] =	ssyncset.done @!p0 $0x0  }
0x1ab: {  	s18 =	simm.s32 @!p0 $0x500;
	s16 =	sadd.s32 @!p0 s10, s1;
	[sflag:s13] =	ssyncadd.s32 @!p0 $0xFFFFFF00  }
0x1ac: {  	[tilespmem:s18], [sflag:$0x3] =	stream.linear.gather @!p0 [hbm4b:s16+s15], $0x100, $0x38;
	[tilespmem:$0x11200] =	vst v63  }
0x1ad: {  	_ =	swait.ge @!p0 [sflag:s13], $0x100  }
0x1ae: {  	[sflag:s13] =	ssyncset.done @!p0 $0x0  }
0x1af: {  	s16 =	sadd.s32 @!p0 s7, s1;
	s18 =	simm.s32 @!p0 $0x200;
	[sflag:s13] =	ssyncadd.s32 @!p0 $0xFFFFFF00  }
0x1b0: {  	[tilespmem:s18], [sflag:$0x3] =	stream.linear.gather @!p0 [hbm4b:s16+s15], $0x100, $0x38;
	[tilespmem:$0x11200] =	vst v63  }
0x1b1: {  	_ =	swait.ge @!p0 [sflag:s13], $0x100  }
0x1b2: {  	[sflag:s13] =	ssyncset.done @!p0 $0x0  }
0x1b3: {  	s19 =	simm.s32 @!p0 $0x600;
	s16 =	sadd.s32 @!p0 s11, s1;
	[sflag:s13] =	ssyncadd.s32 @!p0 $0xFFFFFF00  }
0x1b4: {  	[tilespmem:s19], [sflag:$0x3] =	stream.linear.gather @!p0 [hbm4b:s16+s15], $0x100, $0x38;
	[tilespmem:$0x11200] =	vst v63  }
0x1b5: {  	_ =	swait.ge @!p0 [sflag:s13], $0x100  }
0x1b6: {  	[sflag:s13] =	ssyncset.done @!p0 $0x0  }
0x1b7: {  	s16 =	sadd.s32 @!p0 s8, s1;
	s19 =	simm.s32 @!p0 $0x300;
	[sflag:s13] =	ssyncadd.s32 @!p0 $0xFFFFFF00  }
0x1b8: {  	[tilespmem:s19], [sflag:$0x3] =	stream.linear.gather @!p0 [hbm4b:s16+s15], $0x100, $0x38;
	[tilespmem:$0x11200] =	vst v63  }
0x1b9: {  	_ =	swait.ge @!p0 [sflag:s13], $0x100  }
0x1ba: {  	[sflag:s13] =	ssyncset.done @!p0 $0x0  }
0x1bb: {  	s1 =	sadd.s32 @!p0 s12, s1;
	s16 =	simm.s32 @!p0 $0x700;
	[sflag:s13] =	ssyncadd.s32 @!p0 $0xFFFFFF00  }
0x1bc: {  	[tilespmem:s16], [sflag:$0x3] =	stream.linear.gather @!p0 [hbm4b:s1+s15], $0x100, $0x38;
	[tilespmem:$0x11200] =	vst v63  }
0x1bd: {  	_ =	swait.ge @!p0 [sflag:s13], $0x100  }
0x1be: {  	[sflag:s13] =	ssyncset.done @!p0 $0x0  }
0x1bf: {  	s1 =	simm.s32 @!p0 $0x800;
	[sflag:s13] =	ssyncadd.s32 @!p0 $0xFFFFFF00  }
0x1c0: {  	[tilespmem:s1], [sflag:$0x1] =	stream.indirect.gather @!p0 [hbm4b:s4+s17], $0x20, s15, s17, $0xb8;
	[tilespmem:$0x11200] =	vst v63  }
0x1c1: {  	s1 =	simm.s32 @!p0 $0x2800  }
0x1c2: {  	[tilespmem:s1], [sflag:$0x1] =	stream.indirect.gather @!p0 [hbm4b:s4+s17], $0x20, s17, s17, $0xb8;
	[tilespmem:$0x11200] =	vst v63  }
0x1c3: {  	s1 =	simm.s32 @!p0 $0x4800  }
0x1c4: {  	[tilespmem:s1], [sflag:$0x1] =	stream.indirect.gather @!p0 [hbm4b:s4+s17], $0x20, s18, s17, $0xb8;
	[tilespmem:$0x11200] =	vst v63  }
0x1c5: {  	s1 =	simm.s32 @!p0 $0x6800  }
0x1c6: {  	[tilespmem:s1], [sflag:$0x1] =	stream.indirect.gather @!p0 [hbm4b:s4+s17], $0x20, s19, s17, $0xb8;
	[tilespmem:$0x11200] =	vst v63  }
0x1c7: {  	s17 =	simm.s32 $0x8F00  }
0x1c8: {  	s18 =	simm.s32 $0x8E00;
	v16 =	vld [tilespmem:s17+$0x0]  }
0x1c9: {  	s19 =	simm.s32 $0x8D00;
	v17 =	vld [tilespmem:s18+$0x0]  }
0x1ca: {  	s20 =	simm.s32 $0x8C00;
	v18 =	vld [tilespmem:s19+$0x0]  }
0x1cb: {  	s23 =	simm.s32 $0x0;
	v19 =	vld [tilespmem:s20+$0x0]  }
0x1cc: {  	v20 =	vld [tilespmem:s23+$0x9000]  }
0x1cd: {  	v21 =	vld [tilespmem:s23+$0x9010]  }
0x1ce: {  	v22 =	vld [tilespmem:s23+$0x9030]  }
0x1cf: {  	v23 =	vld [tilespmem:s23+$0x9020]  }
0x1d0: {  	v25 =	vld [tilespmem:s23+$0x9050];
	v24 =	vperm.xlane v19, v0  }
0x1d1: {  	v27 =	vld [tilespmem:s23+$0x9040];
	v26 =	vperm.xlane v19, v1  }
0x1d2: {  	v33 =	vld [tilespmem:s23+$0x9070];
	v20 =	vmul.f32 v20, v24;
	v21 =	vmul.f32 v21, v24  }
0x1d3: {  	v29 =	vld [tilespmem:s23+$0x9060];
	v28 =	vperm.xlane v19, v2;
	v22 =	vmul.f32 v22, v26  }
0x1d4: {  	v34 =	vld [tilespmem:s23+$0x9090];
	v23 =	vmul.f32 v23, v26;
	v20 =	vadd.f32 $0.0e+00, v20;
	v21 =	vadd.f32 $0.0e+00, v21  }
0x1d5: {  	v31 =	vld [tilespmem:s23+$0x9080];
	v30 =	vperm.xlane v19, v3;
	v25 =	vmul.f32 v25, v28  }
0x1d6: {  	v38 =	vld [tilespmem:s23+$0x90A0];
	v35 =	vmul.f32 v27, v28;
	v20 =	vadd.f32 v23, v20;
	v21 =	vadd.f32 v22, v21  }
0x1d7: {  	v36 =	vld [tilespmem:s23+$0x90B0];
	v37 =	vperm.xlane v19, v4;
	v24 =	vmul.f32 v33, v30  }
0x1d8: {  	v42 =	vld [tilespmem:s23+$0x90C0];
	v39 =	vmul.f32 v29, v30;
	v20 =	vadd.f32 v35, v20;
	v21 =	vadd.f32 v25, v21  }
0x1d9: {  	v40 =	vld [tilespmem:s23+$0x90D0];
	v41 =	vperm.xlane v19, v5;
	v26 =	vmul.f32 v34, v37  }
0x1da: {  	v46 =	vld [tilespmem:s23+$0x90E0];
	v43 =	vmul.f32 v31, v37;
	v20 =	vadd.f32 v39, v20;
	v21 =	vadd.f32 v24, v21  }
0x1db: {  	v44 =	vld [tilespmem:s23+$0x90F0];
	v45 =	vperm.xlane v19, v6;
	v47 =	vmul.f32 v38, v41  }
0x1dc: {  	v50 =	vld [tilespmem:s23+$0x9100];
	v23 =	vmul.f32 v36, v41;
	v20 =	vadd.f32 v43, v20;
	v21 =	vadd.f32 v26, v21  }
0x1dd: {  	v48 =	vld [tilespmem:s23+$0x9110];
	v49 =	vperm.xlane v19, v7;
	v51 =	vmul.f32 v42, v45  }
0x1de: {  	v54 =	vld [tilespmem:s23+$0x9120];
	v25 =	vmul.f32 v40, v45;
	v20 =	vadd.f32 v47, v20;
	v21 =	vadd.f32 v23, v21  }
0x1df: {  	v52 =	vld [tilespmem:s23+$0x9130];
	v53 =	vperm.xlane v19, v8;
	v55 =	vmul.f32 v46, v49  }
0x1e0: {  	v58 =	vld [tilespmem:s23+$0x9140];
	v24 =	vmul.f32 v44, v49;
	v20 =	vadd.f32 v51, v20;
	v21 =	vadd.f32 v25, v21  }
0x1e1: {  	v56 =	vld [tilespmem:s23+$0x9150];
	v57 =	vperm.xlane v19, v9;
	v59 =	vmul.f32 v50, v53  }
0x1e2: {  	v62 =	vld [tilespmem:s23+$0x9160];
	v26 =	vmul.f32 v48, v53;
	v20 =	vadd.f32 v55, v20;
	v21 =	vadd.f32 v24, v21  }
0x1e3: {  	v60 =	vld [tilespmem:s23+$0x9170];
	v61 =	vperm.xlane v19, v10;
	v63 =	vmul.f32 v54, v57  }
0x1e4: {  	v35 =	vld [tilespmem:s23+$0x9180];
	v23 =	vmul.f32 v52, v57;
	v20 =	vadd.f32 v59, v20;
	v21 =	vadd.f32 v26, v21  }
0x1e5: {  	v33 =	vld [tilespmem:s23+$0x9190];
	v34 =	vperm.xlane v19, v11;
	v36 =	vmul.f32 v58, v61  }
0x1e6: {  	v39 =	vld [tilespmem:s23+$0x91A0];
	v25 =	vmul.f32 v56, v61;
	v20 =	vadd.f32 v63, v20;
	v21 =	vadd.f32 v23, v21  }
0x1e7: {  	v37 =	vld [tilespmem:s23+$0x91B0];
	v38 =	vperm.xlane v19, v12;
	v40 =	vmul.f32 v62, v34  }
0x1e8: {  	v43 =	vld [tilespmem:s23+$0x91C0];
	v24 =	vmul.f32 v60, v34;
	v20 =	vadd.f32 v36, v20;
	v21 =	vadd.f32 v25, v21  }
0x1e9: {  	v42 =	vperm.xlane v19, v13;
	v41 =	vld [tilespmem:s23+$0x91D0];
	v44 =	vmul.f32 v35, v38  }
0x1ea: {  	v45 =	vld [tilespmem:s23+$0x91F0];
	v26 =	vmul.f32 v33, v38;
	v20 =	vadd.f32 v40, v20;
	v21 =	vadd.f32 v24, v21  }
0x1eb: {  	v46 =	vperm.xlane v19, v14;
	v47 =	vld [tilespmem:s23+$0x91E0];
	v48 =	vmul.f32 v39, v42  }
0x1ec: {  	v49 =	vld [tilespmem:s23+$0xB010];
	v23 =	vmul.f32 v37, v42;
	v20 =	vadd.f32 v44, v20;
	v21 =	vadd.f32 v26, v21  }
0x1ed: {  	v19 =	vperm.xlane v19, v15;
	v50 =	vld [tilespmem:s23+$0xB000];
	v51 =	vmul.f32 v43, v46  }
0x1ee: {  	v54 =	vld [tilespmem:s23+$0xB020];
	v25 =	vmul.f32 v41, v46;
	v20 =	vadd.f32 v48, v20;
	v21 =	vadd.f32 v23, v21  }
0x1ef: {  	v53 =	vperm.xlane v18, v0;
	v52 =	vld [tilespmem:s23+$0xB030];
	v24 =	vmul.f32 v45, v19  }
0x1f0: {  	v55 =	vld [tilespmem:s23+$0xB050];
	v19 =	vmul.f32 v47, v19;
	v20 =	vadd.f32 v51, v20;
	v21 =	vadd.f32 v25, v21  }
0x1f1: {  	v58 =	vld [tilespmem:s23+$0xB040];
	v57 =	vperm.xlane v18, v1;
	v56 =	vmul.f32 v49, v53  }
0x1f2: {  	v60 =	vmul.f32 v50, v53;
	v63 =	vld [tilespmem:s23+$0xB060];
	v19 =	vadd.f32 v19, v20;
	v59 =	vadd.f32 v24, v21  }
0x1f3: {  	v62 =	vperm.xlane v18, v2;
	v61 =	vld [tilespmem:s23+$0xB070];
	v32 =	vmul.f32 v54, v57  }
0x1f4: {  	v35 =	vld [tilespmem:s23+$0xB080];
	v23 =	vmul.f32 v52, v57;
	v19 =	vadd.f32 v60, v19;
	v20 =	vadd.f32 v56, v59  }
0x1f5: {  	v34 =	vperm.xlane v18, v3;
	v33 =	vld [tilespmem:s23+$0xB090];
	v22 =	vmul.f32 v55, v62  }
0x1f6: {  	v39 =	vld [tilespmem:s23+$0xB0A0];
	v36 =	vmul.f32 v58, v62;
	v19 =	vadd.f32 v32, v19;
	v20 =	vadd.f32 v23, v20  }
0x1f7: {  	v38 =	vperm.xlane v18, v4;
	v37 =	vld [tilespmem:s23+$0xB0B0];
	v40 =	vmul.f32 v63, v34  }
0x1f8: {  	v43 =	vld [tilespmem:s23+$0xB0C0];
	v24 =	vmul.f32 v61, v34;
	v19 =	vadd.f32 v36, v19;
	v20 =	vadd.f32 v22, v20  }
0x1f9: {  	v42 =	vperm.xlane v18, v5;
	v41 =	vld [tilespmem:s23+$0xB0D0];
	v44 =	vmul.f32 v35, v38  }
0x1fa: {  	v47 =	vld [tilespmem:s23+$0xB0E0];
	v25 =	vmul.f32 v33, v38;
	v19 =	vadd.f32 v40, v19;
	v20 =	vadd.f32 v24, v20  }
0x1fb: {  	v46 =	vperm.xlane v18, v6;
	v45 =	vld [tilespmem:s23+$0xB0F0];
	v48 =	vmul.f32 v39, v42  }
0x1fc: {  	v51 =	vld [tilespmem:s23+$0xB100];
	v23 =	vmul.f32 v37, v42;
	v19 =	vadd.f32 v44, v19;
	v20 =	vadd.f32 v25, v20  }
0x1fd: {  	v49 =	vld [tilespmem:s23+$0xB110];
	v50 =	vperm.xlane v18, v7;
	v52 =	vmul.f32 v43, v46  }
0x1fe: {  	v55 =	vld [tilespmem:s23+$0xB120];
	v22 =	vmul.f32 v41, v46;
	v19 =	vadd.f32 v48, v19;
	v20 =	vadd.f32 v23, v20  }
0x1ff: {  	v54 =	vperm.xlane v18, v8;
	v53 =	vld [tilespmem:s23+$0xB130];
	v56 =	vmul.f32 v47, v50  }
0x200: {  	v59 =	vld [tilespmem:s23+$0xB140];
	v24 =	vmul.f32 v45, v50;
	v19 =	vadd.f32 v52, v19;
	v20 =	vadd.f32 v22, v20  }
0x201: {  	v58 =	vperm.xlane v18, v9;
	v57 =	vld [tilespmem:s23+$0xB150];
	v60 =	vmul.f32 v51, v54  }
0x202: {  	v63 =	vld [tilespmem:s23+$0xB160];
	v25 =	vmul.f32 v49, v54;
	v19 =	vadd.f32 v56, v19;
	v20 =	vadd.f32 v24, v20  }
0x203: {  	v62 =	vperm.xlane v18, v10;
	v33 =	vmul.f32 v55, v58;
	v61 =	vld [tilespmem:s23+$0xB170]  }
0x204: {  	v36 =	vld [tilespmem:s23+$0xB180];
	v23 =	vmul.f32 v53, v58;
	v19 =	vadd.f32 v60, v19;
	v20 =	vadd.f32 v25, v20  }
0x205: {  	v35 =	vperm.xlane v18, v11;
	v34 =	vld [tilespmem:s23+$0xB190];
	v37 =	vmul.f32 v59, v62  }
0x206: {  	v40 =	vld [tilespmem:s23+$0xB1A0];
	v22 =	vmul.f32 v57, v62;
	v19 =	vadd.f32 v33, v19;
	v20 =	vadd.f32 v23, v20  }
0x207: {  	v39 =	vperm.xlane v18, v12;
	v38 =	vld [tilespmem:s23+$0xB1B0];
	v41 =	vmul.f32 v63, v35  }
0x208: {  	v44 =	vld [tilespmem:s23+$0xB1C0];
	v24 =	vmul.f32 v61, v35;
	v19 =	vadd.f32 v37, v19;
	v20 =	vadd.f32 v22, v20  }
0x209: {  	v43 =	vperm.xlane v18, v13;
	v42 =	vld [tilespmem:s23+$0xB1D0];
	v45 =	vmul.f32 v36, v39  }
0x20a: {  	v46 =	vld [tilespmem:s23+$0xB1F0];
	v25 =	vmul.f32 v34, v39;
	v19 =	vadd.f32 v41, v19;
	v20 =	vadd.f32 v24, v20  }
0x20b: {  	v47 =	vperm.xlane v18, v14;
	v48 =	vld [tilespmem:s23+$0xB1E0];
	v49 =	vmul.f32 v40, v43  }
0x20c: {  	v50 =	vld [tilespmem:s23+$0xD010];
	v23 =	vmul.f32 v38, v43;
	v19 =	vadd.f32 v45, v19;
	v20 =	vadd.f32 v25, v20  }
0x20d: {  	v18 =	vperm.xlane v18, v15;
	v51 =	vld [tilespmem:s23+$0xD000];
	v52 =	vmul.f32 v44, v47  }
0x20e: {  	v55 =	vld [tilespmem:s23+$0xD020];
	v22 =	vmul.f32 v42, v47;
	v19 =	vadd.f32 v49, v19;
	v20 =	vadd.f32 v23, v20  }
0x20f: {  	v54 =	vperm.xlane v17, v0;
	v53 =	vld [tilespmem:s23+$0xD030];
	v24 =	vmul.f32 v46, v18  }
0x210: {  	v59 =	vld [tilespmem:s23+$0xD040];
	v18 =	vmul.f32 v48, v18;
	v19 =	vadd.f32 v52, v19;
	v20 =	vadd.f32 v22, v20  }
0x211: {  	v58 =	vperm.xlane v17, v1;
	v57 =	vmul.f32 v50, v54;
	v56 =	vld [tilespmem:s23+$0xD050]  }
0x212: {  	v63 =	vld [tilespmem:s23+$0xD060];
	v60 =	vmul.f32 v51, v54;
	v18 =	vadd.f32 v18, v19;
	v19 =	vadd.f32 v24, v20  }
0x213: {  	v62 =	vperm.xlane v17, v2;
	v32 =	vmul.f32 v55, v58;
	v61 =	vld [tilespmem:s23+$0xD070]  }
0x214: {  	v35 =	vld [tilespmem:s23+$0xD080];
	v23 =	vmul.f32 v53, v58;
	v18 =	vadd.f32 v60, v18;
	v19 =	vadd.f32 v57, v19  }
0x215: {  	v36 =	vmul.f32 v59, v62;
	v34 =	vperm.xlane v17, v3;
	v33 =	vld [tilespmem:s23+$0xD090]  }
0x216: {  	v39 =	vld [tilespmem:s23+$0xD0A0];
	v21 =	vmul.f32 v56, v62;
	v18 =	vadd.f32 v32, v18;
	v19 =	vadd.f32 v23, v19  }
0x217: {  	v38 =	vperm.xlane v17, v4;
	v40 =	vmul.f32 v63, v34;
	v37 =	vld [tilespmem:s23+$0xD0B0]  }
0x218: {  	v43 =	vld [tilespmem:s23+$0xD0C0];
	v24 =	vmul.f32 v61, v34;
	v18 =	vadd.f32 v36, v18;
	v19 =	vadd.f32 v21, v19  }
0x219: {  	v42 =	vperm.xlane v17, v5;
	v44 =	vmul.f32 v35, v38;
	v41 =	vld [tilespmem:s23+$0xD0D0]  }
0x21a: {  	v47 =	vld [tilespmem:s23+$0xD0E0];
	v22 =	vmul.f32 v33, v38;
	v18 =	vadd.f32 v40, v18;
	v19 =	vadd.f32 v24, v19  }
0x21b: {  	v46 =	vperm.xlane v17, v6;
	v48 =	vmul.f32 v39, v42;
	v45 =	vld [tilespmem:s23+$0xD0F0]  }
0x21c: {  	v51 =	vld [tilespmem:s23+$0xD100];
	v23 =	vmul.f32 v37, v42;
	v18 =	vadd.f32 v44, v18;
	v19 =	vadd.f32 v22, v19  }
0x21d: {  	v50 =	vperm.xlane v17, v7;
	v49 =	vld [tilespmem:s23+$0xD110];
	v52 =	vmul.f32 v43, v46  }
0x21e: {  	v55 =	vld [tilespmem:s23+$0xD120];
	v21 =	vmul.f32 v41, v46;
	v18 =	vadd.f32 v48, v18;
	v19 =	vadd.f32 v23, v19  }
0x21f: {  	v54 =	vperm.xlane v17, v8;
	v56 =	vmul.f32 v47, v50;
	v53 =	vld [tilespmem:s23+$0xD130]  }
0x220: {  	v59 =	vld [tilespmem:s23+$0xD140];
	v24 =	vmul.f32 v45, v50;
	v18 =	vadd.f32 v52, v18;
	v19 =	vadd.f32 v21, v19  }
0x221: {  	v58 =	vperm.xlane v17, v9;
	v57 =	vld [tilespmem:s23+$0xD150];
	v60 =	vmul.f32 v51, v54  }
0x222: {  	v63 =	vld [tilespmem:s23+$0xD160];
	v22 =	vmul.f32 v49, v54;
	v18 =	vadd.f32 v56, v18;
	v19 =	vadd.f32 v24, v19  }
0x223: {  	v62 =	vperm.xlane v17, v10;
	v31 =	vmul.f32 v55, v58;
	v61 =	vld [tilespmem:s23+$0xD170]  }
0x224: {  	v34 =	vld [tilespmem:s23+$0xD180];
	v23 =	vmul.f32 v53, v58;
	v18 =	vadd.f32 v60, v18;
	v19 =	vadd.f32 v22, v19  }
0x225: {  	v35 =	vmul.f32 v59, v62;
	v33 =	vperm.xlane v17, v11;
	v32 =	vld [tilespmem:s23+$0xD190]  }
0x226: {  	v38 =	vld [tilespmem:s23+$0xD1A0];
	v21 =	vmul.f32 v57, v62;
	v18 =	vadd.f32 v31, v18;
	v19 =	vadd.f32 v23, v19  }
0x227: {  	v39 =	vmul.f32 v63, v33;
	v37 =	vperm.xlane v17, v12;
	v36 =	vld [tilespmem:s23+$0xD1B0]  }
0x228: {  	v42 =	vld [tilespmem:s23+$0xD1C0];
	v24 =	vmul.f32 v61, v33;
	v18 =	vadd.f32 v35, v18;
	v19 =	vadd.f32 v21, v19  }
0x229: {  	v41 =	vperm.xlane v17, v13;
	v43 =	vmul.f32 v34, v37;
	v40 =	vld [tilespmem:s23+$0xD1D0]  }
0x22a: {  	v44 =	vld [tilespmem:s23+$0xD1F0];
	v22 =	vmul.f32 v32, v37;
	v18 =	vadd.f32 v39, v18;
	v19 =	vadd.f32 v24, v19  }
0x22b: {  	v46 =	vld [tilespmem:s23+$0xD1E0];
	v45 =	vperm.xlane v17, v14;
	v47 =	vmul.f32 v38, v41  }
0x22c: {  	v48 =	vld [tilespmem:s23+$0xF010];
	v23 =	vmul.f32 v36, v41;
	v18 =	vadd.f32 v43, v18;
	v19 =	vadd.f32 v22, v19  }
0x22d: {  	v17 =	vperm.xlane v17, v15;
	v49 =	vld [tilespmem:s23+$0xF000];
	v50 =	vmul.f32 v42, v45  }
0x22e: {  	v51 =	vld [tilespmem:s23+$0xF030];
	v21 =	vmul.f32 v40, v45;
	v18 =	vadd.f32 v47, v18;
	v19 =	vadd.f32 v23, v19  }
0x22f: {  	v53 =	vld [tilespmem:s23+$0xF020];
	v52 =	vperm.xlane v16, v0;
	v24 =	vmul.f32 v44, v17  }
0x230: {  	v54 =	vld [tilespmem:s23+$0xF050];
	v17 =	vmul.f32 v46, v17;
	v18 =	vadd.f32 v50, v18;
	v19 =	vadd.f32 v21, v19  }
0x231: {  	v57 =	vld [tilespmem:s23+$0xF040];
	v56 =	vperm.xlane v16, v1;
	v55 =	vmul.f32 v48, v52  }
0x232: {  	v58 =	vld [tilespmem:s23+$0xF070];
	v17 =	vadd.f32 v17, v18;
	v18 =	vadd.f32 v24, v19;
	v19 =	vmul.f32 v49, v52  }
0x233: {  	v59 =	vperm.xlane v16, v2;
	v60 =	vld [tilespmem:s23+$0xF060];
	v23 =	vmul.f32 v51, v56  }
0x234: {  	v61 =	vld [tilespmem:s23+$0xF090];
	v17 =	vadd.f32 v19, v17;
	v18 =	vadd.f32 v55, v18;
	v19 =	vmul.f32 v53, v56  }
0x235: {  	v63 =	vld [tilespmem:s23+$0xF080];
	v62 =	vperm.xlane v16, v3;
	v20 =	vmul.f32 v54, v59  }
0x236: {  	v30 =	vld [tilespmem:s23+$0xF0B0];
	v17 =	vadd.f32 v19, v17;
	v18 =	vadd.f32 v23, v18;
	v19 =	vmul.f32 v57, v59  }
0x237: {  	v32 =	vld [tilespmem:s23+$0xF0A0];
	v31 =	vperm.xlane v16, v4;
	v24 =	vmul.f32 v58, v62  }
0x238: {  	v33 =	vld [tilespmem:s23+$0xF0D0];
	v17 =	vadd.f32 v19, v17;
	v18 =	vadd.f32 v20, v18;
	v19 =	vmul.f32 v60, v62  }
0x239: {  	v34 =	vperm.xlane v16, v5;
	v35 =	vld [tilespmem:s23+$0xF0C0];
	v21 =	vmul.f32 v61, v31  }
0x23a: {  	v36 =	vld [tilespmem:s23+$0xF0F0];
	v17 =	vadd.f32 v19, v17;
	v18 =	vadd.f32 v24, v18;
	v19 =	vmul.f32 v63, v31  }
0x23b: {  	v38 =	vld [tilespmem:s23+$0xF0E0];
	v37 =	vperm.xlane v16, v6;
	v23 =	vmul.f32 v30, v34  }
0x23c: {  	v39 =	vld [tilespmem:s23+$0xF110];
	v17 =	vadd.f32 v19, v17;
	v18 =	vadd.f32 v21, v18;
	v19 =	vmul.f32 v32, v34  }
0x23d: {  	v41 =	vld [tilespmem:s23+$0xF100];
	v40 =	vperm.xlane v16, v7;
	v20 =	vmul.f32 v33, v37  }
0x23e: {  	v42 =	vld [tilespmem:s23+$0xF130];
	v17 =	vadd.f32 v19, v17;
	v18 =	vadd.f32 v23, v18;
	v19 =	vmul.f32 v35, v37  }
0x23f: {  	v44 =	vld [tilespmem:s23+$0xF120];
	v43 =	vperm.xlane v16, v8;
	v24 =	vmul.f32 v36, v40  }
0x240: {  	v45 =	vld [tilespmem:s23+$0xF150];
	v17 =	vadd.f32 v19, v17;
	v18 =	vadd.f32 v20, v18;
	v19 =	vmul.f32 v38, v40  }
0x241: {  	v46 =	vperm.xlane v16, v9;
	v47 =	vld [tilespmem:s23+$0xF140];
	v21 =	vmul.f32 v39, v43  }
0x242: {  	v48 =	vld [tilespmem:s23+$0xF170];
	v17 =	vadd.f32 v19, v17;
	v18 =	vadd.f32 v24, v18;
	v19 =	vmul.f32 v41, v43  }
0x243: {  	v50 =	vld [tilespmem:s23+$0xF160];
	v49 =	vperm.xlane v16, v10;
	v23 =	vmul.f32 v42, v46  }
0x244: {  	v51 =	vld [tilespmem:s23+$0xF190];
	v17 =	vadd.f32 v19, v17;
	v18 =	vadd.f32 v21, v18;
	v19 =	vmul.f32 v44, v46  }
0x245: {  	v52 =	vperm.xlane v16, v11;
	v53 =	vld [tilespmem:s23+$0xF180];
	v20 =	vmul.f32 v45, v49  }
0x246: {  	v54 =	vld [tilespmem:s23+$0xF1B0];
	v17 =	vadd.f32 v19, v17;
	v18 =	vadd.f32 v23, v18;
	v19 =	vmul.f32 v47, v49  }
0x247: {  	v55 =	vperm.xlane v16, v12;
	v56 =	vld [tilespmem:s23+$0xF1A0];
	v24 =	vmul.f32 v48, v52  }
0x248: {  	v57 =	vld [tilespmem:s23+$0xF1D0];
	v17 =	vadd.f32 v19, v17;
	v18 =	vadd.f32 v20, v18;
	v19 =	vmul.f32 v50, v52  }
0x249: {  	v58 =	vperm.xlane v16, v13;
	v59 =	vld [tilespmem:s23+$0xF1C0];
	v21 =	vmul.f32 v51, v55  }
0x24a: {  	v60 =	vld [tilespmem:s23+$0xF1F0];
	v17 =	vadd.f32 v19, v17;
	v18 =	vadd.f32 v24, v18;
	v19 =	vmul.f32 v53, v55  }
0x24b: {  	v61 =	vperm.xlane v16, v14;
	v62 =	vld [tilespmem:s23+$0xF1E0];
	v23 =	vmul.f32 v54, v58  }
0x24c: {  	v17 =	vadd.f32 v19, v17;
	v18 =	vadd.f32 v21, v18;
	v19 =	vmul.f32 v56, v58  }
0x24d: {  	v16 =	vperm.xlane v16, v15;
	v20 =	vmul.f32 v57, v61  }
0x24e: {  	v17 =	vadd.f32 v19, v17;
	v18 =	vadd.f32 v23, v18;
	v19 =	vmul.f32 v59, v61  }
0x24f: {  	v63 =	vmul.f32 v60, v16  }
0x250: {  	s16 =	simm.s32 $0x8F10;
	v16 =	vmul.f32 v62, v16;
	v17 =	vadd.f32 v19, v17;
	v18 =	vadd.f32 v20, v18  }
0x251: {  	s13 =	simm.s32 $0x11010;
	s15 =	simm.s32 $0x8C10;
	s17 =	simm.s32 $0x8E10  }
0x252: {  	s18 =	simm.s32 $0x8D10;
	s20 =	simm.s32 $0x11010;
	s23 =	simm.s32 $0x800;
	v16 =	vadd.f32 v16, v17;
	v17 =	vadd.f32 v63, v18  }
.LBB2_5:
0x253: {  	s1 =	smov.u32 s23  }
0x254: {  	s19 =	sshra.s32 s23, $0x2;
	[tilespmem:s13+$0x0] =	vst v17;
	s20 =	sadd.s32 $0x20, s20;
	s1 =	sadd.s32 $0x800, s23  }
0x255: {  	p0 =	sne.s32 s23, $0x7800;
	[tilespmem:s13+$0xFFFFFFF0] =	vst v16;
	s13 =	smov.u32 s20  }
0x256: {  	v16 =	vld [tilespmem:s16+$0x0]  }
0x257: {  	v17 =	vld [tilespmem:s17+$0x0]  }
0x258: {  	v18 =	vld [tilespmem:s18+$0x0]  }
0x259: {  	v19 =	vld [tilespmem:s15+$0x0]  }
0x25a: {  	v20 =	vld [tilespmem:s19+$0x9000]  }
0x25b: {  	v21 =	vld [tilespmem:s19+$0x9010]  }
0x25c: {  	v22 =	vld [tilespmem:s19+$0x9030]  }
0x25d: {  	v23 =	vld [tilespmem:s19+$0x9020]  }
0x25e: {  	v24 =	vperm.xlane v19, v0;
	v25 =	vperm.xlane v19, v1;
	v26 =	vld [tilespmem:s19+$0x9050]  }
0x25f: {  	v27 =	vperm.xlane v19, v2;
	v28 =	vld [tilespmem:s19+$0x9040]  }
0x260: {  	v20 =	vmul.f32 v20, v24;
	v21 =	vmul.f32 v21, v24;
	v24 =	vld [tilespmem:s19+$0x9070]  }
0x261: {  	v22 =	vmul.f32 v22, v25;
	v29 =	vld [tilespmem:s19+$0x9060]  }
0x262: {  	v20 =	vadd.f32 $0.0e+00, v20;
	v21 =	vadd.f32 $0.0e+00, v21;
	v23 =	vmul.f32 v23, v25;
	v25 =	vld [tilespmem:s19+$0x9090]  }
0x263: {  	v30 =	vperm.xlane v19, v3;
	v26 =	vmul.f32 v26, v27;
	v31 =	vld [tilespmem:s19+$0x9080]  }
0x264: {  	v20 =	vadd.f32 v23, v20;
	v21 =	vadd.f32 v22, v21;
	v22 =	vmul.f32 v28, v27;
	v23 =	vld [tilespmem:s19+$0x90B0]  }
0x265: {  	v27 =	vperm.xlane v19, v4;
	v24 =	vmul.f32 v24, v30;
	v28 =	vld [tilespmem:s19+$0x90A0]  }
0x266: {  	v20 =	vadd.f32 v22, v20;
	v21 =	vadd.f32 v26, v21;
	v22 =	vmul.f32 v29, v30;
	v26 =	vld [tilespmem:s19+$0x90D0]  }
0x267: {  	v29 =	vperm.xlane v19, v5;
	v25 =	vmul.f32 v25, v27;
	v30 =	vld [tilespmem:s19+$0x90C0]  }
0x268: {  	v20 =	vadd.f32 v22, v20;
	v21 =	vadd.f32 v24, v21;
	v22 =	vmul.f32 v31, v27;
	v24 =	vld [tilespmem:s19+$0x90F0]  }
0x269: {  	v27 =	vperm.xlane v19, v6;
	v23 =	vmul.f32 v23, v29;
	v31 =	vld [tilespmem:s19+$0x90E0]  }
0x26a: {  	v20 =	vadd.f32 v22, v20;
	v21 =	vadd.f32 v25, v21;
	v22 =	vmul.f32 v28, v29;
	v25 =	vld [tilespmem:s19+$0x9110]  }
0x26b: {  	v28 =	vperm.xlane v19, v7;
	v26 =	vmul.f32 v26, v27;
	v29 =	vld [tilespmem:s19+$0x9100]  }
0x26c: {  	v20 =	vadd.f32 v22, v20;
	v21 =	vadd.f32 v23, v21;
	v22 =	vmul.f32 v30, v27;
	v23 =	vld [tilespmem:s19+$0x9130]  }
0x26d: {  	v27 =	vperm.xlane v19, v8;
	v24 =	vmul.f32 v24, v28;
	v30 =	vld [tilespmem:s19+$0x9120]  }
0x26e: {  	v20 =	vadd.f32 v22, v20;
	v21 =	vadd.f32 v26, v21;
	v22 =	vmul.f32 v31, v28;
	v26 =	vld [tilespmem:s19+$0x9150]  }
0x26f: {  	v28 =	vperm.xlane v19, v9;
	v25 =	vmul.f32 v25, v27;
	v31 =	vld [tilespmem:s19+$0x9140]  }
0x270: {  	v20 =	vadd.f32 v22, v20;
	v21 =	vadd.f32 v24, v21;
	v22 =	vmul.f32 v29, v27;
	v24 =	vld [tilespmem:s19+$0x9170]  }
0x271: {  	v27 =	vperm.xlane v19, v10;
	v23 =	vmul.f32 v23, v28;
	v29 =	vld [tilespmem:s19+$0x9160]  }
0x272: {  	v20 =	vadd.f32 v22, v20;
	v21 =	vadd.f32 v25, v21;
	v22 =	vmul.f32 v30, v28;
	v25 =	vld [tilespmem:s19+$0x9190]  }
0x273: {  	v28 =	vperm.xlane v19, v11;
	v26 =	vmul.f32 v26, v27;
	v30 =	vld [tilespmem:s19+$0x9180]  }
0x274: {  	v20 =	vadd.f32 v22, v20;
	v21 =	vadd.f32 v23, v21;
	v22 =	vmul.f32 v31, v27;
	v23 =	vld [tilespmem:s19+$0x91B0]  }
0x275: {  	v27 =	vperm.xlane v19, v12;
	v24 =	vmul.f32 v24, v28;
	v31 =	vld [tilespmem:s19+$0x91A0]  }
0x276: {  	v20 =	vadd.f32 v22, v20;
	v21 =	vadd.f32 v26, v21;
	v22 =	vmul.f32 v29, v28;
	v26 =	vld [tilespmem:s19+$0x91D0]  }
0x277: {  	v28 =	vperm.xlane v19, v13;
	v25 =	vmul.f32 v25, v27;
	v29 =	vld [tilespmem:s19+$0x91C0]  }
0x278: {  	v20 =	vadd.f32 v22, v20;
	v21 =	vadd.f32 v24, v21;
	v22 =	vmul.f32 v30, v27;
	v24 =	vld [tilespmem:s19+$0x91F0]  }
0x279: {  	v27 =	vperm.xlane v19, v14;
	v23 =	vmul.f32 v23, v28;
	v30 =	vld [tilespmem:s19+$0x91E0]  }
0x27a: {  	v20 =	vadd.f32 v22, v20;
	v21 =	vadd.f32 v25, v21;
	v22 =	vmul.f32 v31, v28;
	v25 =	vld [tilespmem:s19+$0xB010]  }
0x27b: {  	v19 =	vperm.xlane v19, v15;
	v26 =	vmul.f32 v26, v27;
	v28 =	vld [tilespmem:s19+$0xB000]  }
0x27c: {  	v20 =	vadd.f32 v22, v20;
	v21 =	vadd.f32 v23, v21;
	v22 =	vmul.f32 v29, v27;
	v23 =	vld [tilespmem:s19+$0xB030]  }
0x27d: {  	v27 =	vperm.xlane v18, v0;
	v24 =	vmul.f32 v24, v19;
	v29 =	vld [tilespmem:s19+$0xB020]  }
0x27e: {  	v20 =	vadd.f32 v22, v20;
	v21 =	vadd.f32 v26, v21;
	v19 =	vmul.f32 v30, v19;
	v22 =	vld [tilespmem:s19+$0xB050]  }
0x27f: {  	v26 =	vperm.xlane v18, v1;
	v25 =	vmul.f32 v25, v27;
	v30 =	vld [tilespmem:s19+$0xB040]  }
0x280: {  	v19 =	vadd.f32 v19, v20;
	v20 =	vadd.f32 v24, v21;
	v21 =	vmul.f32 v28, v27;
	v24 =	vld [tilespmem:s19+$0xB070]  }
0x281: {  	v27 =	vperm.xlane v18, v2;
	v23 =	vmul.f32 v23, v26;
	v28 =	vld [tilespmem:s19+$0xB060]  }
0x282: {  	v19 =	vadd.f32 v21, v19;
	v20 =	vadd.f32 v25, v20;
	v21 =	vmul.f32 v29, v26;
	v25 =	vld [tilespmem:s19+$0xB090]  }
0x283: {  	v26 =	vperm.xlane v18, v3;
	v22 =	vmul.f32 v22, v27;
	v29 =	vld [tilespmem:s19+$0xB080]  }
0x284: {  	v19 =	vadd.f32 v21, v19;
	v20 =	vadd.f32 v23, v20;
	v21 =	vmul.f32 v30, v27;
	v23 =	vld [tilespmem:s19+$0xB0B0]  }
0x285: {  	v27 =	vperm.xlane v18, v4;
	v24 =	vmul.f32 v24, v26;
	v30 =	vld [tilespmem:s19+$0xB0A0]  }
0x286: {  	v19 =	vadd.f32 v21, v19;
	v20 =	vadd.f32 v22, v20;
	v21 =	vmul.f32 v28, v26;
	v22 =	vld [tilespmem:s19+$0xB0D0]  }
0x287: {  	v26 =	vperm.xlane v18, v5;
	v25 =	vmul.f32 v25, v27;
	v28 =	vld [tilespmem:s19+$0xB0C0]  }
0x288: {  	v19 =	vadd.f32 v21, v19;
	v20 =	vadd.f32 v24, v20;
	v21 =	vmul.f32 v29, v27;
	v24 =	vld [tilespmem:s19+$0xB0F0]  }
0x289: {  	v27 =	vperm.xlane v18, v6;
	v23 =	vmul.f32 v23, v26;
	v29 =	vld [tilespmem:s19+$0xB0E0]  }
0x28a: {  	v19 =	vadd.f32 v21, v19;
	v20 =	vadd.f32 v25, v20;
	v21 =	vmul.f32 v30, v26;
	v25 =	vld [tilespmem:s19+$0xB110]  }
0x28b: {  	v26 =	vperm.xlane v18, v7;
	v22 =	vmul.f32 v22, v27;
	v30 =	vld [tilespmem:s19+$0xB100]  }
0x28c: {  	v19 =	vadd.f32 v21, v19;
	v20 =	vadd.f32 v23, v20;
	v21 =	vmul.f32 v28, v27;
	v23 =	vld [tilespmem:s19+$0xB130]  }
0x28d: {  	v27 =	vperm.xlane v18, v8;
	v24 =	vmul.f32 v24, v26;
	v28 =	vld [tilespmem:s19+$0xB120]  }
0x28e: {  	v19 =	vadd.f32 v21, v19;
	v20 =	vadd.f32 v22, v20;
	v21 =	vmul.f32 v29, v26;
	v22 =	vld [tilespmem:s19+$0xB150]  }
0x28f: {  	v26 =	vperm.xlane v18, v9;
	v25 =	vmul.f32 v25, v27;
	v29 =	vld [tilespmem:s19+$0xB140]  }
0x290: {  	v19 =	vadd.f32 v21, v19;
	v20 =	vadd.f32 v24, v20;
	v21 =	vmul.f32 v30, v27;
	v24 =	vld [tilespmem:s19+$0xB170]  }
0x291: {  	v27 =	vperm.xlane v18, v10;
	v23 =	vmul.f32 v23, v26;
	v30 =	vld [tilespmem:s19+$0xB160]  }
0x292: {  	v19 =	vadd.f32 v21, v19;
	v20 =	vadd.f32 v25, v20;
	v21 =	vmul.f32 v28, v26;
	v25 =	vld [tilespmem:s19+$0xB190]  }
0x293: {  	v26 =	vperm.xlane v18, v11;
	v22 =	vmul.f32 v22, v27;
	v28 =	vld [tilespmem:s19+$0xB180]  }
0x294: {  	v19 =	vadd.f32 v21, v19;
	v20 =	vadd.f32 v23, v20;
	v21 =	vmul.f32 v29, v27;
	v23 =	vld [tilespmem:s19+$0xB1B0]  }
0x295: {  	v27 =	vperm.xlane v18, v12;
	v24 =	vmul.f32 v24, v26;
	v29 =	vld [tilespmem:s19+$0xB1A0]  }
0x296: {  	v19 =	vadd.f32 v21, v19;
	v20 =	vadd.f32 v22, v20;
	v21 =	vmul.f32 v30, v26;
	v22 =	vld [tilespmem:s19+$0xB1D0]  }
0x297: {  	v26 =	vperm.xlane v18, v13;
	v25 =	vmul.f32 v25, v27;
	v30 =	vld [tilespmem:s19+$0xB1C0]  }
0x298: {  	v19 =	vadd.f32 v21, v19;
	v20 =	vadd.f32 v24, v20;
	v21 =	vmul.f32 v28, v27;
	v24 =	vld [tilespmem:s19+$0xB1F0]  }
0x299: {  	v27 =	vperm.xlane v18, v14;
	v23 =	vmul.f32 v23, v26;
	v28 =	vld [tilespmem:s19+$0xB1E0]  }
0x29a: {  	v19 =	vadd.f32 v21, v19;
	v20 =	vadd.f32 v25, v20;
	v21 =	vmul.f32 v29, v26;
	v25 =	vld [tilespmem:s19+$0xD010]  }
0x29b: {  	v18 =	vperm.xlane v18, v15;
	v22 =	vmul.f32 v22, v27;
	v26 =	vld [tilespmem:s19+$0xD000]  }
0x29c: {  	v19 =	vadd.f32 v21, v19;
	v20 =	vadd.f32 v23, v20;
	v21 =	vmul.f32 v30, v27;
	v23 =	vld [tilespmem:s19+$0xD030]  }
0x29d: {  	v27 =	vperm.xlane v17, v0;
	v24 =	vmul.f32 v24, v18;
	v29 =	vld [tilespmem:s19+$0xD020]  }
0x29e: {  	v19 =	vadd.f32 v21, v19;
	v20 =	vadd.f32 v22, v20;
	v18 =	vmul.f32 v28, v18;
	v21 =	vld [tilespmem:s19+$0xD050]  }
0x29f: {  	v22 =	vmul.f32 v25, v27;
	v25 =	vperm.xlane v17, v1;
	v28 =	vld [tilespmem:s19+$0xD040]  }
0x2a0: {  	v18 =	vadd.f32 v18, v19;
	v19 =	vadd.f32 v24, v20;
	v20 =	vmul.f32 v26, v27;
	v24 =	vld [tilespmem:s19+$0xD070]  }
0x2a1: {  	v26 =	vperm.xlane v17, v2;
	v23 =	vmul.f32 v23, v25;
	v27 =	vld [tilespmem:s19+$0xD060]  }
0x2a2: {  	v18 =	vadd.f32 v20, v18;
	v19 =	vadd.f32 v22, v19;
	v20 =	vmul.f32 v29, v25;
	v22 =	vld [tilespmem:s19+$0xD090]  }
0x2a3: {  	v25 =	vperm.xlane v17, v3;
	v21 =	vmul.f32 v21, v26;
	v29 =	vld [tilespmem:s19+$0xD080]  }
0x2a4: {  	v18 =	vadd.f32 v20, v18;
	v19 =	vadd.f32 v23, v19;
	v20 =	vmul.f32 v28, v26;
	v23 =	vld [tilespmem:s19+$0xD0B0]  }
0x2a5: {  	v26 =	vperm.xlane v17, v4;
	v24 =	vmul.f32 v24, v25;
	v28 =	vld [tilespmem:s19+$0xD0A0]  }
0x2a6: {  	v18 =	vadd.f32 v20, v18;
	v19 =	vadd.f32 v21, v19;
	v20 =	vmul.f32 v27, v25;
	v21 =	vld [tilespmem:s19+$0xD0D0]  }
0x2a7: {  	v25 =	vperm.xlane v17, v5;
	v22 =	vmul.f32 v22, v26;
	v27 =	vld [tilespmem:s19+$0xD0C0]  }
0x2a8: {  	v18 =	vadd.f32 v20, v18;
	v19 =	vadd.f32 v24, v19;
	v20 =	vmul.f32 v29, v26;
	v24 =	vld [tilespmem:s19+$0xD0F0]  }
0x2a9: {  	v26 =	vperm.xlane v17, v6;
	v23 =	vmul.f32 v23, v25;
	v29 =	vld [tilespmem:s19+$0xD0E0]  }
0x2aa: {  	v18 =	vadd.f32 v20, v18;
	v19 =	vadd.f32 v22, v19;
	v20 =	vmul.f32 v28, v25;
	v22 =	vld [tilespmem:s19+$0xD110]  }
0x2ab: {  	v25 =	vperm.xlane v17, v7;
	v21 =	vmul.f32 v21, v26;
	v28 =	vld [tilespmem:s19+$0xD100]  }
0x2ac: {  	v18 =	vadd.f32 v20, v18;
	v19 =	vadd.f32 v23, v19;
	v20 =	vmul.f32 v27, v26;
	v23 =	vld [tilespmem:s19+$0xD130]  }
0x2ad: {  	v26 =	vperm.xlane v17, v8;
	v24 =	vmul.f32 v24, v25;
	v27 =	vld [tilespmem:s19+$0xD120]  }
0x2ae: {  	v18 =	vadd.f32 v20, v18;
	v19 =	vadd.f32 v21, v19;
	v20 =	vmul.f32 v29, v25;
	v21 =	vld [tilespmem:s19+$0xD150]  }
0x2af: {  	v25 =	vperm.xlane v17, v9;
	v22 =	vmul.f32 v22, v26;
	v29 =	vld [tilespmem:s19+$0xD140]  }
0x2b0: {  	v18 =	vadd.f32 v20, v18;
	v19 =	vadd.f32 v24, v19;
	v20 =	vmul.f32 v28, v26;
	v24 =	vld [tilespmem:s19+$0xD170]  }
0x2b1: {  	v26 =	vperm.xlane v17, v10;
	v23 =	vmul.f32 v23, v25;
	v28 =	vld [tilespmem:s19+$0xD160]  }
0x2b2: {  	v18 =	vadd.f32 v20, v18;
	v19 =	vadd.f32 v22, v19;
	v20 =	vmul.f32 v27, v25;
	v22 =	vld [tilespmem:s19+$0xD190]  }
0x2b3: {  	v25 =	vperm.xlane v17, v11;
	v21 =	vmul.f32 v21, v26;
	v27 =	vld [tilespmem:s19+$0xD180]  }
0x2b4: {  	v18 =	vadd.f32 v20, v18;
	v19 =	vadd.f32 v23, v19;
	v20 =	vmul.f32 v29, v26;
	v23 =	vld [tilespmem:s19+$0xD1B0]  }
0x2b5: {  	v26 =	vperm.xlane v17, v12;
	v24 =	vmul.f32 v24, v25;
	v29 =	vld [tilespmem:s19+$0xD1A0]  }
0x2b6: {  	v18 =	vadd.f32 v20, v18;
	v19 =	vadd.f32 v21, v19;
	v20 =	vmul.f32 v28, v25;
	v21 =	vld [tilespmem:s19+$0xD1D0]  }
0x2b7: {  	v25 =	vperm.xlane v17, v13;
	v22 =	vmul.f32 v22, v26;
	v28 =	vld [tilespmem:s19+$0xD1C0]  }
0x2b8: {  	v18 =	vadd.f32 v20, v18;
	v19 =	vadd.f32 v24, v19;
	v20 =	vmul.f32 v27, v26;
	v24 =	vld [tilespmem:s19+$0xD1F0]  }
0x2b9: {  	v26 =	vperm.xlane v17, v14;
	v23 =	vmul.f32 v23, v25;
	v27 =	vld [tilespmem:s19+$0xD1E0]  }
0x2ba: {  	v18 =	vadd.f32 v20, v18;
	v19 =	vadd.f32 v22, v19;
	v20 =	vmul.f32 v29, v25;
	v22 =	vld [tilespmem:s19+$0xF010]  }
0x2bb: {  	v17 =	vperm.xlane v17, v15;
	v21 =	vmul.f32 v21, v26;
	v25 =	vld [tilespmem:s19+$0xF000]  }
0x2bc: {  	v18 =	vadd.f32 v20, v18;
	v19 =	vadd.f32 v23, v19;
	v20 =	vmul.f32 v28, v26;
	v23 =	vld [tilespmem:s19+$0xF030]  }
0x2bd: {  	v26 =	vperm.xlane v16, v0;
	v24 =	vmul.f32 v24, v17;
	v28 =	vld [tilespmem:s19+$0xF020]  }
0x2be: {  	v18 =	vadd.f32 v20, v18;
	v19 =	vadd.f32 v21, v19;
	v17 =	vmul.f32 v27, v17;
	v20 =	vld [tilespmem:s19+$0xF050]  }
0x2bf: {  	v21 =	vmul.f32 v22, v26;
	v22 =	vperm.xlane v16, v1;
	v27 =	vld [tilespmem:s19+$0xF040]  }
0x2c0: {  	v17 =	vadd.f32 v17, v18;
	v18 =	vadd.f32 v24, v19;
	v19 =	vmul.f32 v25, v26;
	v24 =	vld [tilespmem:s19+$0xF070]  }
0x2c1: {  	v25 =	vperm.xlane v16, v2;
	v23 =	vmul.f32 v23, v22;
	v26 =	vld [tilespmem:s19+$0xF060]  }
0x2c2: {  	v17 =	vadd.f32 v19, v17;
	v18 =	vadd.f32 v21, v18;
	v19 =	vmul.f32 v28, v22;
	v21 =	vld [tilespmem:s19+$0xF090]  }
0x2c3: {  	v22 =	vperm.xlane v16, v3;
	v20 =	vmul.f32 v20, v25;
	v28 =	vld [tilespmem:s19+$0xF080]  }
0x2c4: {  	v17 =	vadd.f32 v19, v17;
	v18 =	vadd.f32 v23, v18;
	v19 =	vmul.f32 v27, v25;
	v23 =	vld [tilespmem:s19+$0xF0B0]  }
0x2c5: {  	v25 =	vperm.xlane v16, v4;
	v24 =	vmul.f32 v24, v22;
	v27 =	vld [tilespmem:s19+$0xF0A0]  }
0x2c6: {  	v17 =	vadd.f32 v19, v17;
	v18 =	vadd.f32 v20, v18;
	v19 =	vmul.f32 v26, v22;
	v20 =	vld [tilespmem:s19+$0xF0D0]  }
0x2c7: {  	v22 =	vperm.xlane v16, v5;
	v21 =	vmul.f32 v21, v25;
	v26 =	vld [tilespmem:s19+$0xF0C0]  }
0x2c8: {  	v17 =	vadd.f32 v19, v17;
	v18 =	vadd.f32 v24, v18;
	v19 =	vmul.f32 v28, v25;
	v24 =	vld [tilespmem:s19+$0xF0F0]  }
0x2c9: {  	v25 =	vperm.xlane v16, v6;
	v23 =	vmul.f32 v23, v22;
	v28 =	vld [tilespmem:s19+$0xF0E0]  }
0x2ca: {  	v17 =	vadd.f32 v19, v17;
	v18 =	vadd.f32 v21, v18;
	v19 =	vmul.f32 v27, v22;
	v21 =	vld [tilespmem:s19+$0xF110]  }
0x2cb: {  	v22 =	vperm.xlane v16, v7;
	v20 =	vmul.f32 v20, v25;
	v27 =	vld [tilespmem:s19+$0xF100]  }
0x2cc: {  	v17 =	vadd.f32 v19, v17;
	v18 =	vadd.f32 v23, v18;
	v19 =	vmul.f32 v26, v25;
	v23 =	vld [tilespmem:s19+$0xF130]  }
0x2cd: {  	v25 =	vperm.xlane v16, v8;
	v24 =	vmul.f32 v24, v22;
	v26 =	vld [tilespmem:s19+$0xF120]  }
0x2ce: {  	v17 =	vadd.f32 v19, v17;
	v18 =	vadd.f32 v20, v18;
	v19 =	vmul.f32 v28, v22;
	v20 =	vld [tilespmem:s19+$0xF150]  }
0x2cf: {  	v22 =	vperm.xlane v16, v9;
	v21 =	vmul.f32 v21, v25;
	v28 =	vld [tilespmem:s19+$0xF140]  }
0x2d0: {  	v17 =	vadd.f32 v19, v17;
	v18 =	vadd.f32 v24, v18;
	v19 =	vmul.f32 v27, v25;
	v24 =	vld [tilespmem:s19+$0xF170]  }
0x2d1: {  	v25 =	vperm.xlane v16, v10;
	v23 =	vmul.f32 v23, v22;
	v27 =	vld [tilespmem:s19+$0xF160]  }
0x2d2: {  	v17 =	vadd.f32 v19, v17;
	v18 =	vadd.f32 v21, v18;
	v19 =	vmul.f32 v26, v22;
	v21 =	vld [tilespmem:s19+$0xF190]  }
0x2d3: {  	v22 =	vperm.xlane v16, v11;
	v20 =	vmul.f32 v20, v25;
	v26 =	vld [tilespmem:s19+$0xF180]  }
0x2d4: {  	v17 =	vadd.f32 v19, v17;
	v18 =	vadd.f32 v23, v18;
	v19 =	vmul.f32 v28, v25;
	v23 =	vld [tilespmem:s19+$0xF1B0]  }
0x2d5: {  	v25 =	vperm.xlane v16, v12;
	v24 =	vmul.f32 v24, v22;
	v28 =	vld [tilespmem:s19+$0xF1A0]  }
0x2d6: {  	v17 =	vadd.f32 v19, v17;
	v18 =	vadd.f32 v20, v18;
	v19 =	vmul.f32 v27, v22;
	v20 =	vld [tilespmem:s19+$0xF1D0]  }
0x2d7: {  	v22 =	vperm.xlane v16, v13;
	v21 =	vmul.f32 v21, v25;
	v27 =	vld [tilespmem:s19+$0xF1C0]  }
0x2d8: {  	v17 =	vadd.f32 v19, v17;
	v18 =	vadd.f32 v24, v18;
	v19 =	vmul.f32 v26, v25;
	v24 =	vld [tilespmem:s19+$0xF1F0]  }
0x2d9: {  	v25 =	vperm.xlane v16, v14;
	v23 =	vmul.f32 v23, v22;
	v26 =	vld [tilespmem:s19+$0xF1E0]  }
0x2da: {  	v17 =	vadd.f32 v19, v17;
	v18 =	vadd.f32 v21, v18;
	v19 =	vmul.f32 v28, v22  }
0x2db: {  	v16 =	vperm.xlane v16, v15;
	v20 =	vmul.f32 v20, v25  }
0x2dc: {  	v17 =	vadd.f32 v19, v17;
	v18 =	vadd.f32 v23, v18;
	v19 =	vmul.f32 v27, v25  }
.Ltmp1:
0x2dd: {  	v21 =	vmul.f32 v24, v16;
	(pc) =	sbr.rel @p0 .LBB2_5-.Ltmp1, $3  }
0x2de: {  	v17 =	vadd.f32 v19, v17;
	v18 =	vadd.f32 v20, v18;
	v16 =	vmul.f32 v26, v16;
	_ =	sdelay $0x1  }
0x2df: {  	s23 =	smov.u32 s1;
	s15 =	sadd.s32 $0x10, s15;
	v16 =	vadd.f32 v16, v17;
	v17 =	vadd.f32 v21, v18  }
0x2e0: {  	s16 =	sadd.s32 $0x10, s16;
	s17 =	sadd.s32 $0x10, s17;
	s18 =	sadd.s32 $0x10, s18  }
0x2e1: {  	s1 =	sshll.u32 s30, $0x9  }
0x2e2: {  	s31 =	sadd.s32 $0x1, s31;
	s1 =	sadd.s32 s22, s1  }
0x2e3: {  	[tilespmem:s13+$0x0] =	vst v17;
	s30 =	rddreg [dreg:$0x1];
	p0 =	sne.s32 s31, $0xAA;
	s1 =	sshrl.u32 s1, $0x3  }
.Ltmp2:
0x2e4: {  	[tilespmem:s13+$0xFFFFFFF0] =	vst v16;
	s1 =	sadd.s32 s30, s1;
	(pc) =	sbr.rel @p0 .LBB2_2-.Ltmp2, $4  }
0x2e5: {  	[hbm4b:s1+s2] =	stream.linear.scatter [tilespmem:s21], [sflag:$0x3], $0x200, $0x38;
	[tilespmem:$0x11200] =	vst v63  }
0x2e6: {  	_ =	swait.ge [sflag:s25], $0x200  }
0x2e7: {  	[sflag:s25] =	ssyncset.done $0x0  }
0x2e8: {  	[sflag:s25] =	ssyncadd.s32 $0xFFFFFE00  }
0x2e9: {  	s13 =	rddreg [dreg:$0xd]  }
0x2ea: {  	s1 =	rddreg [dreg:$0xc];
	s13 =	sadd.s32 $0x1, s13  }
0x2eb: {  	p0 =	sne.s32 s13, s1  }
.Ltmp3:
0x2ec: {  	_ = 	snop;
	(pc) =	sbr.rel @p0 .LBB2_1-.Ltmp3, $1  }
0x2ed: {  	_ =	sdelay $0x3  }
0x2ee: {  	_ =	sfence.sel $0x180000  }
0x2ef: {  	[bflag:$0x0] =	sbarrier.arrive $0xFFFF  }
0x2f0: {  	_ =	strace $0x9000004D  }
0x2f1: {  	s0 =	stileid.u32;
	[bflag:$0x2] =	sbarrier.arrive $0xFFFF  }
0x2f2: {  	p0 =	sne.s32 s0, $0x0;
	s0 =	rddreg [dreg:$0x2]  }
0x2f3: {  	s0 =	sadd.s32 @!p0 $0x100000, s0  }
0x2f4: {  	[sflag:s0] =	ssyncadd.tile.s32 @!p0 $0x1;
	_ =	shalt  }
.Lfunc_end2:
_tile_overlayer_lowered:
.L_overlay_start_2:
0x2f5: {  	(tag) =	ssettag $0x2  }
0x2f6: {  	s0 =	rddreg [dreg:$0x0];
	s2 =	stileid.u32  }
0x2f7: {  	s1 =	rddreg [dreg:$0x1];
	p0 =	sne.s32 s2, $0x0  }
0x2f8: {  	s3 =	rddreg [dreg:$0x2];
	[bflag:$0x3] =	sbarrier.arrive $0xFFFF;
	s2 =	simm.s32 @!p0 $0x1C03  }
0x2f9: {  	[timem:s3], [sflag:s2] =	dma.local @!p0 [hbm:s0], s1  }
0x2fa: {  	s0 =	simm.s32 @!p0 $0x3  }
0x2fb: {  	_ =	swait.ge @!p0 [sflag:s0], s1  }
0x2fc: {  	s1 =	ssub.s32 @!p0 $0x0, s1;
	[sflag:s0] =	ssyncset.done @!p0 $0x0  }
0x2fd: {  	[sflag:s0] =	ssyncadd.s32 @!p0 s1  }
0x2fe: {  	[bflag:$0x3] =	sbarrier.arrive $0xFFFF  }
0x2ff: {  	_ =	shalt  }

</sc_bundles>
